<compile_context>
chip_gen: v7x
topology: tpu7x:2x2x1
jax: 0.10.2.dev20260603
libtpu: 0.0.44.dev20260713+nightly
codegen_flags: <defaults>
</compile_context>

<pallas_src>
import functools
import jax
import jax.numpy as jnp
from jax import lax
from jax.experimental import pallas as pl
from jax.experimental.pallas import tpu as pltpu
from jax.experimental.pallas import tpu_sc as plsc

N, D = 2048, 768
E, DFF, H = 8, 1024, 12
DH = D // H
BLK = 256
NBLK = N // BLK
_EPS = 1e-5

_A = 2 * N
_TBLK = 128
_PADDED = _A + E * _TBLK
_MBLK = _PADDED // _TBLK
_BE_PAD = 48

_DNT = (((1,), (1,)), ((), ()))


def _ln(x, g, b):
    m = jnp.mean(x, axis=-1, keepdims=True)
    v = jnp.mean((x - m) ** 2, axis=-1, keepdims=True)
    return (x - m) * lax.rsqrt(v + _EPS) * g + b



def _gc_qkv_kernel(adj_ref, xfull_ref, xblk_ref, gcw_ref, gcb_ref, root_ref,
                   inw_ref, inb_ref, x1_ref, qkv_ref):
    g = jnp.dot(adj_ref[...], xfull_ref[...], preferred_element_type=jnp.float32)
    g = lax.dot_general(g, gcw_ref[...], _DNT, preferred_element_type=jnp.float32)
    g = g + gcb_ref[...] + root_ref[...]
    x1 = xblk_ref[...] + g
    x1_ref[...] = x1
    qkv = lax.dot_general(x1, inw_ref[...], _DNT, preferred_element_type=jnp.float32) + inb_ref[...]
    scale = 1.0 / (DH ** 0.5)
    qkv_ref[:, :D] = qkv[:, :D] * scale
    qkv_ref[:, D:] = qkv[:, D:]



def _attn_kernel(qkvblk_ref, qkvfull_ref, out_ref):
    for h in range(H):
        q = qkvblk_ref[:, h * DH:(h + 1) * DH]
        k = qkvfull_ref[:, D + h * DH:D + (h + 1) * DH]
        v = qkvfull_ref[:, 2 * D + h * DH:2 * D + (h + 1) * DH]
        s = lax.dot_general(q, k, _DNT, preferred_element_type=jnp.float32)
        m = jnp.max(s, axis=-1, keepdims=True)
        p = jnp.exp(s - m)
        denom = jnp.sum(p, axis=-1, keepdims=True)
        o = jnp.dot(p, v, preferred_element_type=jnp.float32)
        out_ref[:, h * DH:(h + 1) * DH] = o / denom



def _post_attn_kernel(attn_ref, x1_ref, outw_ref, outb_ref, ln1g_ref, ln1b_ref,
                      gatew_ref, x2_ref, e12_ref, w12_ref):
    a = lax.dot_general(attn_ref[...], outw_ref[...], _DNT,
                        preferred_element_type=jnp.float32) + outb_ref[...]
    pre = x1_ref[...] + a
    x2 = _ln(pre, ln1g_ref[...], ln1b_ref[...])
    x2_ref[...] = x2
    gl = lax.dot_general(x2, gatew_ref[...], _DNT, preferred_element_type=jnp.float32)
    l1 = jnp.max(gl, axis=-1, keepdims=True)
    iota = lax.broadcasted_iota(jnp.int32, gl.shape, 1)
    a1 = jnp.min(jnp.where(gl == l1, iota, E), axis=-1, keepdims=True)
    gl2 = jnp.where(iota == a1, -jnp.inf, gl)
    l2 = jnp.max(gl2, axis=-1, keepdims=True)
    a2 = jnp.min(jnp.where(gl2 == l2, iota, E), axis=-1, keepdims=True)
    w1 = 1.0 / (1.0 + jnp.exp(l2 - l1))
    e12_ref[...] = jnp.concatenate([a1, a2], axis=1)
    w12_ref[...] = jnp.concatenate([w1, 1.0 - w1], axis=1)



def _cumsum16(x):
    iota = lax.iota(jnp.int32, 16)
    y = x
    for k in (1, 2, 4, 8):
        sh = y.at[jnp.maximum(iota - k, 0)].get(mode="promise_in_bounds")
        y = y + jnp.where(iota >= k, sh, 0.0)
    return y


def _bcast_last(x):
    return x.at[jnp.zeros((16,), jnp.int32) + 15].get(mode="promise_in_bounds")


def _dispatch_kernel(e12_hbm, bexp_hbm, pos_hbm, e12_v, bexp_v, pos_v):
    wid = lax.axis_index("s") * 2 + lax.axis_index("c")

    @pl.when(wid == 0)
    def _():
        pltpu.sync_copy(e12_hbm, e12_v)

        def histbody(c, counts):
            v = e12_v[pl.ds(c * 16, 16)]
            return tuple(counts[e] + jnp.where(v == e, 1.0, 0.0)
                         for e in range(E))

        counts = lax.fori_loop(0, _A // 16, histbody,
                               tuple(jnp.zeros((16,), jnp.float32)
                                     for _ in range(E)))

        starts = []
        off = jnp.zeros((16,), jnp.int32)
        for e in range(E):
            starts.append(off)
            tot = _bcast_last(_cumsum16(counts[e])).astype(jnp.int32)
            off = off + lax.shift_left(
                lax.shift_right_logical(tot + (_TBLK - 1), 7), 7)

        for j in range(_BE_PAD // 16):
            bs = (lax.iota(jnp.int32, 16) + (16 * j)) * _TBLK
            be = jnp.zeros((16,), jnp.int32)
            for e in range(E):
                be = be + jnp.where(bs >= starts[e], 1, 0)
            bexp_v[pl.ds(j * 16, 16)] = be - 1

        def placebody(c, carry):
            v = e12_v[pl.ds(c * 16, 16)]
            pos = jnp.zeros((16,), jnp.int32)
            newc = []
            for e in range(E):
                m = v == e
                onesf = jnp.where(m, 1.0, 0.0)
                cs = _cumsum16(onesf)
                base = starts[e] + carry[e].astype(jnp.int32)
                pos = pos + jnp.where(m, cs.astype(jnp.int32) - 1 + base, 0)
                newc.append(carry[e] + _bcast_last(cs))
            pos_v[pl.ds(c * 16, 16)] = pos
            return tuple(newc)

        lax.fori_loop(0, _A // 16, placebody,
                      tuple(jnp.zeros((16,), jnp.float32) for _ in range(E)))

        pltpu.sync_copy(bexp_v, bexp_hbm)
        pltpu.sync_copy(pos_v, pos_hbm)


def _dispatch(e12_flat):
    mesh = plsc.VectorSubcoreMesh(core_axis_name="c", subcore_axis_name="s")
    return pl.kernel(
        _dispatch_kernel,
        out_type=[jax.ShapeDtypeStruct((_BE_PAD,), jnp.int32),
                  jax.ShapeDtypeStruct((_A,), jnp.int32)],
        mesh=mesh,
        scratch_types=[pltpu.VMEM((_A,), jnp.int32),
                       pltpu.VMEM((_BE_PAD,), jnp.int32),
                       pltpu.VMEM((_A,), jnp.int32)],
    )(e12_flat)



def _scatter_rows_kernel(bpw, x2_hbm, pos_hbm, xs_hbm,
                         tok1, tok2, pos1, pos2, rows1, rows2,
                         g1, g2, s1, s2):
    wid = lax.axis_index("s") * 2 + lax.axis_index("c")
    base = wid * bpw
    half = bpw // 2

    def idxbody(j, carry):
        tok1[pl.ds(j * 16, 16)] = lax.shift_right_logical(
            lax.iota(jnp.int32, 16) + (base + j * 16), 1)
        tok2[pl.ds(j * 16, 16)] = lax.shift_right_logical(
            lax.iota(jnp.int32, 16) + (base + half + j * 16), 1)
        return carry

    lax.fori_loop(0, half // 16, idxbody, jnp.int32(0))
    pltpu.sync_copy(pos_hbm.at[pl.ds(base, half)], pos1)
    pltpu.sync_copy(pos_hbm.at[pl.ds(base + half, half)], pos2)
    c1 = pltpu.async_copy(x2_hbm.at[tok1], rows1, g1)
    c2 = pltpu.async_copy(x2_hbm.at[tok2], rows2, g2)
    c1.wait()
    w1 = pltpu.async_copy(rows1, xs_hbm.at[pos1], s1)
    c2.wait()
    w2 = pltpu.async_copy(rows2, xs_hbm.at[pos2], s2)
    w1.wait()
    w2.wait()


def _scatter_rows(x2, pos):
    info = plsc.get_sparse_core_info()
    nw = info.num_cores * info.num_subcores
    bpw = _A // nw
    half = bpw // 2
    mesh = plsc.VectorSubcoreMesh(core_axis_name="c", subcore_axis_name="s")
    return pl.kernel(
        functools.partial(_scatter_rows_kernel, bpw),
        out_type=jax.ShapeDtypeStruct((_PADDED, D), jnp.float32),
        mesh=mesh,
        scratch_types=[pltpu.VMEM((half,), jnp.int32),
                       pltpu.VMEM((half,), jnp.int32),
                       pltpu.VMEM((half,), jnp.int32),
                       pltpu.VMEM((half,), jnp.int32),
                       pltpu.VMEM((half, D), jnp.float32),
                       pltpu.VMEM((half, D), jnp.float32),
                       pltpu.SemaphoreType.DMA,
                       pltpu.SemaphoreType.DMA,
                       pltpu.SemaphoreType.DMA,
                       pltpu.SemaphoreType.DMA],
    )(x2, pos)



def _gather_rows_kernel(bpw, table_hbm, idx_hbm, out_hbm, idx_v, rows_v, sem):
    wid = lax.axis_index("s") * 2 + lax.axis_index("c")
    base = wid * bpw
    pltpu.sync_copy(idx_hbm.at[pl.ds(base, bpw)], idx_v)
    pltpu.async_copy(table_hbm.at[idx_v], rows_v, sem).wait()
    pltpu.sync_copy(rows_v, out_hbm.at[pl.ds(base, bpw)])


def _gather_rows(table, idx, nrows):
    info = plsc.get_sparse_core_info()
    nw = info.num_cores * info.num_subcores
    bpw = nrows // nw
    mesh = plsc.VectorSubcoreMesh(core_axis_name="c", subcore_axis_name="s")
    return pl.kernel(
        functools.partial(_gather_rows_kernel, bpw),
        out_type=jax.ShapeDtypeStruct((nrows, D), jnp.float32),
        mesh=mesh,
        scratch_types=[pltpu.VMEM((bpw,), jnp.int32),
                       pltpu.VMEM((bpw, D), jnp.float32),
                       pltpu.SemaphoreType.DMA],
    )(table, idx)



def _moe_kernel(bexp_ref, xs_ref, w1_ref, b1_ref, w2_ref, b2_ref, ys_ref):
    h = lax.dot_general(xs_ref[...], w1_ref[0], _DNT,
                        preferred_element_type=jnp.float32) + b1_ref[0]
    h = 0.5 * h * (1.0 + lax.erf(h * (2.0 ** -0.5)))
    ys_ref[...] = lax.dot_general(h, w2_ref[0], _DNT,
                                  preferred_element_type=jnp.float32) + b2_ref[0]



def _combine_kernel(y12_ref, w12_ref, x2_ref, ln2g_ref, ln2b_ref, out_ref):
    w = w12_ref[...]
    moe = w[:, 0:1] * y12_ref[:, :D] + w[:, 1:2] * y12_ref[:, D:]
    out_ref[...] = _ln(x2_ref[...] + moe, ln2g_ref[...], ln2b_ref[...])


def kernel(x, adj, gc_W, gc_b, root_emb, in_proj_w, in_proj_b, out_proj_w,
           out_proj_b, ln1_g, ln1_b, ln2_g, ln2_b, gate_w, e_w1, e_b1, e_w2, e_b2):
    xf = x.reshape(N, D)
    adjf = adj.reshape(N, N)
    row = lambda a: a.reshape(1, -1)

    x1, qkv = pl.pallas_call(
        _gc_qkv_kernel,
        grid=(NBLK,),
        in_specs=[
            pl.BlockSpec((BLK, N), lambda i: (i, 0)),
            pl.BlockSpec((N, D), lambda i: (0, 0)),
            pl.BlockSpec((BLK, D), lambda i: (i, 0)),
            pl.BlockSpec((D, D), lambda i: (0, 0)),
            pl.BlockSpec((1, D), lambda i: (0, 0)),
            pl.BlockSpec((1, D), lambda i: (0, 0)),
            pl.BlockSpec((3 * D, D), lambda i: (0, 0)),
            pl.BlockSpec((1, 3 * D), lambda i: (0, 0)),
        ],
        out_specs=[pl.BlockSpec((BLK, D), lambda i: (i, 0)),
                   pl.BlockSpec((BLK, 3 * D), lambda i: (i, 0))],
        out_shape=[jax.ShapeDtypeStruct((N, D), jnp.float32),
                   jax.ShapeDtypeStruct((N, 3 * D), jnp.float32)],
    )(adjf, xf, xf, gc_W, row(gc_b), root_emb, in_proj_w, row(in_proj_b))

    attn = pl.pallas_call(
        _attn_kernel,
        grid=(NBLK,),
        in_specs=[
            pl.BlockSpec((BLK, 3 * D), lambda i: (i, 0)),
            pl.BlockSpec((N, 3 * D), lambda i: (0, 0)),
        ],
        out_specs=pl.BlockSpec((BLK, D), lambda i: (i, 0)),
        out_shape=jax.ShapeDtypeStruct((N, D), jnp.float32),
    )(qkv, qkv)

    x2, e12, w12 = pl.pallas_call(
        _post_attn_kernel,
        grid=(NBLK,),
        in_specs=[
            pl.BlockSpec((BLK, D), lambda i: (i, 0)),
            pl.BlockSpec((BLK, D), lambda i: (i, 0)),
            pl.BlockSpec((D, D), lambda i: (0, 0)),
            pl.BlockSpec((1, D), lambda i: (0, 0)),
            pl.BlockSpec((1, D), lambda i: (0, 0)),
            pl.BlockSpec((1, D), lambda i: (0, 0)),
            pl.BlockSpec((E, D), lambda i: (0, 0)),
        ],
        out_specs=[pl.BlockSpec((BLK, D), lambda i: (i, 0)),
                   pl.BlockSpec((BLK, 2), lambda i: (i, 0)),
                   pl.BlockSpec((BLK, 2), lambda i: (i, 0))],
        out_shape=[jax.ShapeDtypeStruct((N, D), jnp.float32),
                   jax.ShapeDtypeStruct((N, 2), jnp.int32),
                   jax.ShapeDtypeStruct((N, 2), jnp.float32)],
    )(attn, x1, out_proj_w, row(out_proj_b), row(ln1_g), row(ln1_b), gate_w)
    block_expert, pos = _dispatch(e12.reshape(_A))

    x_sorted = _scatter_rows(x2, pos)

    ys = pl.pallas_call(
        _moe_kernel,
        grid_spec=pltpu.PrefetchScalarGridSpec(
            num_scalar_prefetch=1,
            grid=(_MBLK,),
            in_specs=[
                pl.BlockSpec((_TBLK, D), lambda i, b: (i, 0)),
                pl.BlockSpec((1, DFF, D), lambda i, b: (b[i], 0, 0)),
                pl.BlockSpec((1, 1, DFF), lambda i, b: (b[i], 0, 0)),
                pl.BlockSpec((1, D, DFF), lambda i, b: (b[i], 0, 0)),
                pl.BlockSpec((1, 1, D), lambda i, b: (b[i], 0, 0)),
            ],
            out_specs=pl.BlockSpec((_TBLK, D), lambda i, b: (i, 0)),
        ),
        out_shape=jax.ShapeDtypeStruct((_PADDED, D), jnp.float32),
    )(block_expert, x_sorted, e_w1, e_b1.reshape(E, 1, DFF),
      e_w2, e_b2.reshape(E, 1, D))

    y12 = _gather_rows(ys, pos, _A).reshape(N, 2 * D)

    out = pl.pallas_call(
        _combine_kernel,
        grid=(NBLK,),
        in_specs=[
            pl.BlockSpec((BLK, 2 * D), lambda i: (i, 0)),
            pl.BlockSpec((BLK, 2), lambda i: (i, 0)),
            pl.BlockSpec((BLK, D), lambda i: (i, 0)),
            pl.BlockSpec((1, D), lambda i: (0, 0)),
            pl.BlockSpec((1, D), lambda i: (0, 0)),
        ],
        out_specs=pl.BlockSpec((BLK, D), lambda i: (i, 0)),
        out_shape=jax.ShapeDtypeStruct((N, D), jnp.float32),
    )(y12, w12, x2, row(ln2_g), row(ln2_b))

    return out.reshape(x.shape)

# --- scband reference (transcript-rebuilt; emitter-appended) ---
"""Pipeline reference for scband-graphomer-layer-12919261626675 (READ-ONLY COPY).

The authoritative reference and input builder live on the scoring server;
editing this copy changes nothing except your own understanding.
"""

import jax, jax.numpy as jnp
import numpy as np

B, N, D = 1, 2048, 768
E, DFF, H, TOPK = 8, 1024, 12, 2


def _layernorm(x, g, b, eps=1e-5):
    m = jnp.mean(x, axis=-1, keepdims=True)
    v = jnp.mean((x - m) ** 2, axis=-1, keepdims=True)
    return (x - m) / jnp.sqrt(v + eps) * g + b


def setup_inputs(seed: int = 0):
    key = jax.random.key(seed)
    ks = jax.random.split(key, 12)
    init = lambda k, s: jax.random.normal(k, s, dtype=jnp.float32) * 0.02
    return {
        "x": jax.random.normal(ks[0], (B, N, D), dtype=jnp.float32),
        "adj": jax.random.uniform(ks[1], (B, N, N), dtype=jnp.float32),
        "gc_W": init(ks[2], (D, D)),
        "gc_b": jnp.zeros((D,), jnp.float32),
        "root_emb": init(ks[3], (1, D)),
        "in_proj_w": init(ks[4], (3 * D, D)),
        "in_proj_b": jnp.zeros((3 * D,), jnp.float32),
        "out_proj_w": init(ks[5], (D, D)),
        "out_proj_b": jnp.zeros((D,), jnp.float32),
        "ln1_g": jnp.ones((D,), jnp.float32),
        "ln1_b": jnp.zeros((D,), jnp.float32),
        "ln2_g": jnp.ones((D,), jnp.float32),
        "ln2_b": jnp.zeros((D,), jnp.float32),
        "gate_w": init(ks[6], (E, D)),
        "e_w1": init(ks[7], (E, DFF, D)),
        "e_b1": jnp.zeros((E, DFF), jnp.float32),
        "e_w2": init(ks[8], (E, D, DFF)),
        "e_b2": jnp.zeros((E, D), jnp.float32),
    }


def reference(x, adj, gc_W, gc_b, root_emb, in_proj_w, in_proj_b, out_proj_w, out_proj_b,
              ln1_g, ln1_b, ln2_g, ln2_b, gate_w, e_w1, e_b1, e_w2, e_b2):
    b, n, d = x.shape
    # GraphConv: bmm(adj, x) -> linear -> add root embedding (index 0)
    g = jnp.einsum('bij,bjd->bid', adj, x)
    g = g @ gc_W.T + gc_b
    g = g + root_emb[0][None, None, :]
    x = x + g
    # MultiheadAttention (torch semantics, eval mode, no mask)
    dh = d // H
    qkv = x @ in_proj_w.T + in_proj_b
    q, k, v = jnp.split(qkv, 3, axis=-1)
    q = q.reshape(b, n, H, dh)
    k = k.reshape(b, n, H, dh)
    v = v.reshape(b, n, H, dh)
    scores = jnp.einsum('bihd,bjhd->bhij', q, k) / jnp.sqrt(jnp.float32(dh))
    p = jax.nn.softmax(scores, axis=-1)
    attn = jnp.einsum('bhij,bjhd->bihd', p, v).reshape(b, n, d)
    attn = attn @ out_proj_w.T + out_proj_b
    x = _layernorm(x + attn, ln1_g, ln1_b)
    # MoE: top-k gating with renormalized probs; dense-equivalent combine
    xf = x.reshape(-1, d)
    gate_scores = xf @ gate_w.T
    gate_probs = jax.nn.softmax(gate_scores, axis=-1)
    top_vals, top_idx = jax.lax.top_k(gate_probs, TOPK)
    top_vals = top_vals / jnp.sum(top_vals, axis=-1, keepdims=True)
    combine = jnp.sum(top_vals[..., None] * jax.nn.one_hot(top_idx, E, dtype=xf.dtype), axis=1)
    h = jnp.einsum('td,efd->tef', xf, e_w1) + e_b1[None]
    h = jax.nn.gelu(h, approximate=False)
    y = jnp.einsum('tef,edf->ted', h, e_w2) + e_b2[None]
    moe_out = jnp.einsum('te,ted->td', combine, y).reshape(b, n, d)
    x = _layernorm(x + moe_out, ln2_g, ln2_b)
    return x

if __name__ == "__main__":
    import jax
    _d = setup_inputs()
    print(jax.jit(kernel)(*tuple(_d.values())))

</pallas_src>

<mosaic_0001>
#map = affine_map<(d0, d1) -> (0, 0)>
#map1 = affine_map<(d0, d1) -> (0)>
module attributes {stable_mosaic.version = 14 : i64} {
  func.func @_scatter_rows_kernel(%arg0: i32, %arg1: i32, %arg2: memref<2048x768xf32, #tpu.memory_space<hbm>>, %arg3: memref<4096xi32, #tpu.memory_space<hbm>>, %arg4: memref<5120x768xf32, #tpu.memory_space<hbm>>, %arg5: memref<64xi32, #tpu.memory_space<vmem>>, %arg6: memref<64xi32, #tpu.memory_space<vmem>>, %arg7: memref<64xi32, #tpu.memory_space<vmem>>, %arg8: memref<64xi32, #tpu.memory_space<vmem>>, %arg9: memref<64x768xf32, #tpu.memory_space<vmem>>, %arg10: memref<64x768xf32, #tpu.memory_space<vmem>>, %arg11: memref<!tpu.dma_semaphore, #tpu.memory_space<semaphore_mem>>, %arg12: memref<!tpu.dma_semaphore, #tpu.memory_space<semaphore_mem>>, %arg13: memref<!tpu.dma_semaphore, #tpu.memory_space<semaphore_mem>>, %arg14: memref<!tpu.dma_semaphore, #tpu.memory_space<semaphore_mem>>) attributes {dimension_semantics = [#tpu.dimension_semantics<core_parallel>, #tpu.dimension_semantics<subcore_parallel>], iteration_bounds = array<i64: 2, 16>, scalar_prefetch = 0 : i64, scratch_operands = 10 : i64, tpu.core_type = #tpu.core_type<sc_vector_subcore>, window_params = [{transform_indices = #map}, {transform_indices = #map1}, {transform_indices = #map}]} {
    %mul3A = arith.constant 2 : i32
    %mul3A_0 = arith.muli %arg1, %mul3A : i32
    %add3A = arith.addi %mul3A_0, %arg0 : i32
    %mul3A_1 = arith.constant 128 : i32
    %mul3A_2 = arith.muli %add3A, %mul3A_1 : i32
    %scan3A = arith.constant 0 : i32
    %scan3A_3 = arith.constant 0 : i32
    %scan3A_4 = arith.constant 4 : i32
    %scan3A_5 = arith.addi %scan3A_3, %scan3A_4 : i32
    %scan3A_6 = arith.constant 1 : i32
    scf.for %scan3A_32 = %scan3A_3 to %scan3A_5 step %scan3A_6  : i32 {
      %iota3A = tpu.iota {dimensions = array<i32: 0>} : vector<16xi32>
      %mul3A_33 = arith.constant 16 : i32
      %mul3A_34 = arith.muli %scan3A_32, %mul3A_33 : i32
      %add3A_35 = arith.addi %mul3A_2, %mul3A_34 : i32
      %add3A_36 = vector.broadcast %add3A_35 : i32 to vector<16xi32>
      %add3A_37 = arith.addi %iota3A, %add3A_36 : vector<16xi32>
      %shift_right_logical3A = arith.constant 1 : i32
      %shift_right_logical3A_38 = vector.broadcast %shift_right_logical3A : i32 to vector<16xi32>
      %shift_right_logical3A_39 = arith.shrui %add3A_37, %shift_right_logical3A_38 : vector<16xi32>
      %mul3A_40 = arith.constant 16 : i32
      %mul3A_41 = arith.muli %scan3A_32, %mul3A_40 : i32
      %swap3A = arith.index_cast %mul3A_41 : i32 to index
      %swap3A_42 = tpu.vector_load %arg5[%swap3A] {strides = array<i32>} : memref<64xi32, #tpu.memory_space<vmem>>, vector<16xi32>,
      %swap3A_43 = vector.shape_cast %swap3A_42 : vector<16xi32> to vector<16xi32>
      %swap3A_44 = vector.shape_cast %shift_right_logical3A_39 : vector<16xi32> to vector<16xi32>
      tpu.vector_store %arg5[%swap3A], %swap3A_44 {strides = array<i32>} : memref<64xi32, #tpu.memory_space<vmem>>, vector<16xi32>,
      %iota3A_45 = tpu.iota {dimensions = array<i32: 0>} : vector<16xi32>
      %add3A_46 = arith.constant 64 : i32
      %add3A_47 = arith.addi %mul3A_2, %add3A_46 : i32
      %mul3A_48 = arith.constant 16 : i32
      %mul3A_49 = arith.muli %scan3A_32, %mul3A_48 : i32
      %add3A_50 = arith.addi %add3A_47, %mul3A_49 : i32
      %add3A_51 = vector.broadcast %add3A_50 : i32 to vector<16xi32>
      %add3A_52 = arith.addi %iota3A_45, %add3A_51 : vector<16xi32>
      %shift_right_logical3A_53 = arith.constant 1 : i32
      %shift_right_logical3A_54 = vector.broadcast %shift_right_logical3A_53 : i32 to vector<16xi32>
      %shift_right_logical3A_55 = arith.shrui %add3A_52, %shift_right_logical3A_54 : vector<16xi32>
      %mul3A_56 = arith.constant 16 : i32
      %mul3A_57 = arith.muli %scan3A_32, %mul3A_56 : i32
      %swap3A_58 = arith.index_cast %mul3A_57 : i32 to index
      %swap3A_59 = tpu.vector_load %arg6[%swap3A_58] {strides = array<i32>} : memref<64xi32, #tpu.memory_space<vmem>>, vector<16xi32>,
      %swap3A_60 = vector.shape_cast %swap3A_59 : vector<16xi32> to vector<16xi32>
      %swap3A_61 = vector.shape_cast %shift_right_logical3A_55 : vector<16xi32> to vector<16xi32>
      tpu.vector_store %arg6[%swap3A_58], %swap3A_61 {strides = array<i32>} : memref<64xi32, #tpu.memory_space<vmem>>, vector<16xi32>,
    }
    %scan3A_7 = arith.constant 4 : i32
    "tpu.region"() ({
      %run_scoped3A = tpu.sem_alloc : memref<!tpu.dma_semaphore, #tpu.memory_space<semaphore_mem>>
      %dma_start3A_32 = tpu.memref_slice %arg3[%mul3A_2] : memref<4096xi32, #tpu.memory_space<hbm>> -> memref<64xi32, #tpu.memory_space<hbm>>
      %dma_start3A_33 = tpu.memref_slice %arg3[%mul3A_2] : memref<4096xi32, #tpu.memory_space<hbm>> -> memref<64xi32, #tpu.memory_space<hbm>>
      tpu.enqueue_dma source(%dma_start3A_33 : memref<64xi32, #tpu.memory_space<hbm>>) target(%arg7 : memref<64xi32, #tpu.memory_space<vmem>>) target_semaphore(%run_scoped3A : memref<!tpu.dma_semaphore, #tpu.memory_space<semaphore_mem>>)
      %dma_wait3A_34 = tpu.memref_slice %arg3[%mul3A_2] : memref<4096xi32, #tpu.memory_space<hbm>> -> memref<64xi32, #tpu.memory_space<hbm>>
      %dma_wait3A_35 = tpu.memref_slice %arg3[%mul3A_2] : memref<4096xi32, #tpu.memory_space<hbm>> -> memref<64xi32, #tpu.memory_space<hbm>>
      tpu.wait_dma2 semaphore(%run_scoped3A : memref<!tpu.dma_semaphore, #tpu.memory_space<semaphore_mem>>) src(%dma_wait3A_35 : memref<64xi32, #tpu.memory_space<hbm>>) dst(%arg7 : memref<64xi32, #tpu.memory_space<vmem>>)
      tpu.yield
    }) : () -> ()
    %add3A_8 = arith.constant 64 : i32
    %add3A_9 = arith.addi %mul3A_2, %add3A_8 : i32
    "tpu.region"() ({
      %run_scoped3A = tpu.sem_alloc : memref<!tpu.dma_semaphore, #tpu.memory_space<semaphore_mem>>
      %dma_start3A_32 = tpu.memref_slice %arg3[%add3A_9] : memref<4096xi32, #tpu.memory_space<hbm>> -> memref<64xi32, #tpu.memory_space<hbm>>
      %dma_start3A_33 = tpu.memref_slice %arg3[%add3A_9] : memref<4096xi32, #tpu.memory_space<hbm>> -> memref<64xi32, #tpu.memory_space<hbm>>
      tpu.enqueue_dma source(%dma_start3A_33 : memref<64xi32, #tpu.memory_space<hbm>>) target(%arg8 : memref<64xi32, #tpu.memory_space<vmem>>) target_semaphore(%run_scoped3A : memref<!tpu.dma_semaphore, #tpu.memory_space<semaphore_mem>>)
      %dma_wait3A_34 = tpu.memref_slice %arg3[%add3A_9] : memref<4096xi32, #tpu.memory_space<hbm>> -> memref<64xi32, #tpu.memory_space<hbm>>
      %dma_wait3A_35 = tpu.memref_slice %arg3[%add3A_9] : memref<4096xi32, #tpu.memory_space<hbm>> -> memref<64xi32, #tpu.memory_space<hbm>>
      tpu.wait_dma2 semaphore(%run_scoped3A : memref<!tpu.dma_semaphore, #tpu.memory_space<semaphore_mem>>) src(%dma_wait3A_35 : memref<64xi32, #tpu.memory_space<hbm>>) dst(%arg8 : memref<64xi32, #tpu.memory_space<vmem>>)
      tpu.yield
    }) : () -> ()
    %dma_start3A = arith.constant 0 : i32
    %dma_start3A_10 = arith.constant 0 : i32
    %dma_start3A_11 = tpu.memref_slice %arg2[%dma_start3A, %dma_start3A_10] : memref<2048x768xf32, #tpu.memory_space<hbm>> -> memref<2048x768xf32, #tpu.memory_space<hbm>>
    tpu.enqueue_indirect_dma source(%dma_start3A_11 : memref<2048x768xf32, #tpu.memory_space<hbm>>) target(%arg9 : memref<64x768xf32, #tpu.memory_space<vmem>>) offsets(%arg5 : memref<64xi32, #tpu.memory_space<vmem>>) semaphore(%arg11 : memref<!tpu.dma_semaphore, #tpu.memory_space<semaphore_mem>>)
    %dma_start3A_12 = arith.constant 0 : i32
    %dma_start3A_13 = arith.constant 0 : i32
    %dma_start3A_14 = tpu.memref_slice %arg2[%dma_start3A_12, %dma_start3A_13] : memref<2048x768xf32, #tpu.memory_space<hbm>> -> memref<2048x768xf32, #tpu.memory_space<hbm>>
    tpu.enqueue_indirect_dma source(%dma_start3A_14 : memref<2048x768xf32, #tpu.memory_space<hbm>>) target(%arg10 : memref<64x768xf32, #tpu.memory_space<vmem>>) offsets(%arg6 : memref<64xi32, #tpu.memory_space<vmem>>) semaphore(%arg12 : memref<!tpu.dma_semaphore, #tpu.memory_space<semaphore_mem>>)
    %dma_wait3A = arith.constant 0 : i32
    %dma_wait3A_15 = arith.constant 0 : i32
    %dma_wait3A_16 = tpu.memref_slice %arg2[%dma_wait3A, %dma_wait3A_15] : memref<2048x768xf32, #tpu.memory_space<hbm>> -> memref<2048x768xf32, #tpu.memory_space<hbm>>
    tpu.wait_indirect_dma semaphore(%arg11 : memref<!tpu.dma_semaphore, #tpu.memory_space<semaphore_mem>>) src(%dma_wait3A_16 : memref<2048x768xf32, #tpu.memory_space<hbm>>) dst(%arg9 : memref<64x768xf32, #tpu.memory_space<vmem>>)
    %dma_start3A_17 = arith.constant 0 : i32
    %dma_start3A_18 = arith.constant 0 : i32
    %dma_start3A_19 = tpu.memref_slice %arg4[%dma_start3A_17, %dma_start3A_18] : memref<5120x768xf32, #tpu.memory_space<hbm>> -> memref<5120x768xf32, #tpu.memory_space<hbm>>
    tpu.enqueue_indirect_dma source(%arg9 : memref<64x768xf32, #tpu.memory_space<vmem>>) target(%dma_start3A_19 : memref<5120x768xf32, #tpu.memory_space<hbm>>) offsets(%arg7 : memref<64xi32, #tpu.memory_space<vmem>>) semaphore(%arg13 : memref<!tpu.dma_semaphore, #tpu.memory_space<semaphore_mem>>)
    %dma_wait3A_20 = arith.constant 0 : i32
    %dma_wait3A_21 = arith.constant 0 : i32
    %dma_wait3A_22 = tpu.memref_slice %arg2[%dma_wait3A_20, %dma_wait3A_21] : memref<2048x768xf32, #tpu.memory_space<hbm>> -> memref<2048x768xf32, #tpu.memory_space<hbm>>
    tpu.wait_indirect_dma semaphore(%arg12 : memref<!tpu.dma_semaphore, #tpu.memory_space<semaphore_mem>>) src(%dma_wait3A_22 : memref<2048x768xf32, #tpu.memory_space<hbm>>) dst(%arg10 : memref<64x768xf32, #tpu.memory_space<vmem>>)
    %dma_start3A_23 = arith.constant 0 : i32
    %dma_start3A_24 = arith.constant 0 : i32
    %dma_start3A_25 = tpu.memref_slice %arg4[%dma_start3A_23, %dma_start3A_24] : memref<5120x768xf32, #tpu.memory_space<hbm>> -> memref<5120x768xf32, #tpu.memory_space<hbm>>
    tpu.enqueue_indirect_dma source(%arg10 : memref<64x768xf32, #tpu.memory_space<vmem>>) target(%dma_start3A_25 : memref<5120x768xf32, #tpu.memory_space<hbm>>) offsets(%arg8 : memref<64xi32, #tpu.memory_space<vmem>>) semaphore(%arg14 : memref<!tpu.dma_semaphore, #tpu.memory_space<semaphore_mem>>)
    %dma_wait3A_26 = arith.constant 0 : i32
    %dma_wait3A_27 = arith.constant 0 : i32
    %dma_wait3A_28 = tpu.memref_slice %arg4[%dma_wait3A_26, %dma_wait3A_27] : memref<5120x768xf32, #tpu.memory_space<hbm>> -> memref<5120x768xf32, #tpu.memory_space<hbm>>
    tpu.wait_indirect_dma semaphore(%arg13 : memref<!tpu.dma_semaphore, #tpu.memory_space<semaphore_mem>>) src(%arg9 : memref<64x768xf32, #tpu.memory_space<vmem>>) dst(%dma_wait3A_28 : memref<5120x768xf32, #tpu.memory_space<hbm>>)
    %dma_wait3A_29 = arith.constant 0 : i32
    %dma_wait3A_30 = arith.constant 0 : i32
    %dma_wait3A_31 = tpu.memref_slice %arg4[%dma_wait3A_29, %dma_wait3A_30] : memref<5120x768xf32, #tpu.memory_space<hbm>> -> memref<5120x768xf32, #tpu.memory_space<hbm>>
    tpu.wait_indirect_dma semaphore(%arg14 : memref<!tpu.dma_semaphore, #tpu.memory_space<semaphore_mem>>) src(%arg10 : memref<64x768xf32, #tpu.memory_space<vmem>>) dst(%dma_wait3A_31 : memref<5120x768xf32, #tpu.memory_space<hbm>>)
    return
  }
}

#map = affine_map<(d0, d1) -> (0, 0)>
#map1 = affine_map<(d0, d1) -> (0)>
module attributes {stable_mosaic.version = 14 : i64} {
  func.func @_gather_rows_kernel(%arg0: i32, %arg1: i32, %arg2: memref<5120x768xf32, #tpu.memory_space<hbm>>, %arg3: memref<4096xi32, #tpu.memory_space<hbm>>, %arg4: memref<4096x768xf32, #tpu.memory_space<hbm>>, %arg5: memref<128xi32, #tpu.memory_space<vmem>>, %arg6: memref<128x768xf32, #tpu.memory_space<vmem>>, %arg7: memref<!tpu.dma_semaphore, #tpu.memory_space<semaphore_mem>>) attributes {dimension_semantics = [#tpu.dimension_semantics<core_parallel>, #tpu.dimension_semantics<subcore_parallel>], iteration_bounds = array<i64: 2, 16>, scalar_prefetch = 0 : i64, scratch_operands = 3 : i64, tpu.core_type = #tpu.core_type<sc_vector_subcore>, window_params = [{transform_indices = #map}, {transform_indices = #map1}, {transform_indices = #map}]} {
    %mul3A = arith.constant 2 : i32
    %mul3A_0 = arith.muli %arg1, %mul3A : i32
    %add3A = arith.addi %mul3A_0, %arg0 : i32
    %mul3A_1 = arith.constant 128 : i32
    %mul3A_2 = arith.muli %add3A, %mul3A_1 : i32
    "tpu.region"() ({
      %run_scoped3A = tpu.sem_alloc : memref<!tpu.dma_semaphore, #tpu.memory_space<semaphore_mem>>
      %dma_start3A_7 = tpu.memref_slice %arg3[%mul3A_2] : memref<4096xi32, #tpu.memory_space<hbm>> -> memref<128xi32, #tpu.memory_space<hbm>>
      %dma_start3A_8 = tpu.memref_slice %arg3[%mul3A_2] : memref<4096xi32, #tpu.memory_space<hbm>> -> memref<128xi32, #tpu.memory_space<hbm>>
      tpu.enqueue_dma source(%dma_start3A_8 : memref<128xi32, #tpu.memory_space<hbm>>) target(%arg5 : memref<128xi32, #tpu.memory_space<vmem>>) target_semaphore(%run_scoped3A : memref<!tpu.dma_semaphore, #tpu.memory_space<semaphore_mem>>)
      %dma_wait3A_9 = tpu.memref_slice %arg3[%mul3A_2] : memref<4096xi32, #tpu.memory_space<hbm>> -> memref<128xi32, #tpu.memory_space<hbm>>
      %dma_wait3A_10 = tpu.memref_slice %arg3[%mul3A_2] : memref<4096xi32, #tpu.memory_space<hbm>> -> memref<128xi32, #tpu.memory_space<hbm>>
      tpu.wait_dma2 semaphore(%run_scoped3A : memref<!tpu.dma_semaphore, #tpu.memory_space<semaphore_mem>>) src(%dma_wait3A_10 : memref<128xi32, #tpu.memory_space<hbm>>) dst(%arg5 : memref<128xi32, #tpu.memory_space<vmem>>)
      tpu.yield
    }) : () -> ()
    %dma_start3A = arith.constant 0 : i32
    %dma_start3A_3 = arith.constant 0 : i32
    %dma_start3A_4 = tpu.memref_slice %arg2[%dma_start3A, %dma_start3A_3] : memref<5120x768xf32, #tpu.memory_space<hbm>> -> memref<5120x768xf32, #tpu.memory_space<hbm>>
    tpu.enqueue_indirect_dma source(%dma_start3A_4 : memref<5120x768xf32, #tpu.memory_space<hbm>>) target(%arg6 : memref<128x768xf32, #tpu.memory_space<vmem>>) offsets(%arg5 : memref<128xi32, #tpu.memory_space<vmem>>) semaphore(%arg7 : memref<!tpu.dma_semaphore, #tpu.memory_space<semaphore_mem>>)
    %dma_wait3A = arith.constant 0 : i32
    %dma_wait3A_5 = arith.constant 0 : i32
    %dma_wait3A_6 = tpu.memref_slice %arg2[%dma_wait3A, %dma_wait3A_5] : memref<5120x768xf32, #tpu.memory_space<hbm>> -> memref<5120x768xf32, #tpu.memory_space<hbm>>
    tpu.wait_indirect_dma semaphore(%arg7 : memref<!tpu.dma_semaphore, #tpu.memory_space<semaphore_mem>>) src(%dma_wait3A_6 : memref<5120x768xf32, #tpu.memory_space<hbm>>) dst(%arg6 : memref<128x768xf32, #tpu.memory_space<vmem>>)
    "tpu.region"() ({
      %run_scoped3A = tpu.sem_alloc : memref<!tpu.dma_semaphore, #tpu.memory_space<semaphore_mem>>
      %dma_start3A_7 = arith.constant 0 : i32
      %dma_start3A_8 = tpu.memref_slice %arg4[%mul3A_2, %dma_start3A_7] : memref<4096x768xf32, #tpu.memory_space<hbm>> -> memref<128x768xf32, #tpu.memory_space<hbm>>
      %dma_start3A_9 = arith.constant 0 : i32
      %dma_start3A_10 = tpu.memref_slice %arg4[%mul3A_2, %dma_start3A_9] : memref<4096x768xf32, #tpu.memory_space<hbm>> -> memref<128x768xf32, #tpu.memory_space<hbm>>
      tpu.enqueue_dma source(%arg6 : memref<128x768xf32, #tpu.memory_space<vmem>>) target(%dma_start3A_10 : memref<128x768xf32, #tpu.memory_space<hbm>>) target_semaphore(%run_scoped3A : memref<!tpu.dma_semaphore, #tpu.memory_space<semaphore_mem>>)
      %dma_wait3A_11 = arith.constant 0 : i32
      %dma_wait3A_12 = tpu.memref_slice %arg4[%mul3A_2, %dma_wait3A_11] : memref<4096x768xf32, #tpu.memory_space<hbm>> -> memref<128x768xf32, #tpu.memory_space<hbm>>
      %dma_wait3A_13 = arith.constant 0 : i32
      %dma_wait3A_14 = tpu.memref_slice %arg4[%mul3A_2, %dma_wait3A_13] : memref<4096x768xf32, #tpu.memory_space<hbm>> -> memref<128x768xf32, #tpu.memory_space<hbm>>
      tpu.wait_dma2 semaphore(%run_scoped3A : memref<!tpu.dma_semaphore, #tpu.memory_space<semaphore_mem>>) src(%arg6 : memref<128x768xf32, #tpu.memory_space<vmem>>) dst(%dma_wait3A_14 : memref<128x768xf32, #tpu.memory_space<hbm>>)
      tpu.yield
    }) : () -> ()
    return
  }
}

#map = affine_map<(d0, d1) -> (0)>
module attributes {stable_mosaic.version = 14 : i64} {
  func.func @_dispatch_kernel(%arg0: i32, %arg1: i32, %arg2: memref<4096xi32, #tpu.memory_space<hbm>>, %arg3: memref<48xi32, #tpu.memory_space<hbm>>, %arg4: memref<4096xi32, #tpu.memory_space<hbm>>, %arg5: memref<4096xi32, #tpu.memory_space<vmem>>, %arg6: memref<48xi32, #tpu.memory_space<vmem>>, %arg7: memref<4096xi32, #tpu.memory_space<vmem>>) attributes {dimension_semantics = [#tpu.dimension_semantics<core_parallel>, #tpu.dimension_semantics<subcore_parallel>], iteration_bounds = array<i64: 2, 16>, scalar_prefetch = 0 : i64, scratch_operands = 3 : i64, tpu.core_type = #tpu.core_type<sc_vector_subcore>, window_params = [{transform_indices = #map}, {transform_indices = #map}, {transform_indices = #map}]} {
    %mul3A = arith.constant 2 : i32
    %mul3A_0 = arith.muli %arg1, %mul3A : i32
    %add3A = arith.addi %mul3A_0, %arg0 : i32
    %eq3A = arith.constant 0 : i32
    %eq3A_1 = arith.cmpi eq, %add3A, %eq3A : i32
    %convert_element_type3A = arith.extui %eq3A_1 : i1 to i32
    %cond3A = arith.constant 0 : i32
    %cond3A_2 = arith.cmpi ne, %convert_element_type3A, %cond3A : i32
    scf.if %cond3A_2 {
      "tpu.region"() ({
        %run_scoped3A = tpu.sem_alloc : memref<!tpu.dma_semaphore, #tpu.memory_space<semaphore_mem>>
        tpu.enqueue_dma source(%arg2 : memref<4096xi32, #tpu.memory_space<hbm>>) target(%arg5 : memref<4096xi32, #tpu.memory_space<vmem>>) target_semaphore(%run_scoped3A : memref<!tpu.dma_semaphore, #tpu.memory_space<semaphore_mem>>)
        tpu.wait_dma2 semaphore(%run_scoped3A : memref<!tpu.dma_semaphore, #tpu.memory_space<semaphore_mem>>) src(%arg2 : memref<4096xi32, #tpu.memory_space<hbm>>) dst(%arg5 : memref<4096xi32, #tpu.memory_space<vmem>>)
        tpu.yield
      }) : () -> ()
      %broadcast_in_dim3A = arith.constant 0.000000e+00 : f32
      %broadcast_in_dim3A_3 = vector.broadcast %broadcast_in_dim3A : f32 to vector<16xf32>
      %broadcast_in_dim3A_4 = arith.constant 0.000000e+00 : f32
      %broadcast_in_dim3A_5 = vector.broadcast %broadcast_in_dim3A_4 : f32 to vector<16xf32>
      %broadcast_in_dim3A_6 = arith.constant 0.000000e+00 : f32
      %broadcast_in_dim3A_7 = vector.broadcast %broadcast_in_dim3A_6 : f32 to vector<16xf32>
      %broadcast_in_dim3A_8 = arith.constant 0.000000e+00 : f32
      %broadcast_in_dim3A_9 = vector.broadcast %broadcast_in_dim3A_8 : f32 to vector<16xf32>
      %broadcast_in_dim3A_10 = arith.constant 0.000000e+00 : f32
      %broadcast_in_dim3A_11 = vector.broadcast %broadcast_in_dim3A_10 : f32 to vector<16xf32>
      %broadcast_in_dim3A_12 = arith.constant 0.000000e+00 : f32
      %broadcast_in_dim3A_13 = vector.broadcast %broadcast_in_dim3A_12 : f32 to vector<16xf32>
      %broadcast_in_dim3A_14 = arith.constant 0.000000e+00 : f32
      %broadcast_in_dim3A_15 = vector.broadcast %broadcast_in_dim3A_14 : f32 to vector<16xf32>
      %broadcast_in_dim3A_16 = arith.constant 0.000000e+00 : f32
      %broadcast_in_dim3A_17 = vector.broadcast %broadcast_in_dim3A_16 : f32 to vector<16xf32>
      %scan3A = arith.constant 0 : i32
      %scan3A_18 = arith.constant 256 : i32
      %scan3A_19 = arith.addi %scan3A, %scan3A_18 : i32
      %scan3A_20 = arith.constant 1 : i32
      %scan3A_21:8 = scf.for %scan3A_1204 = %scan3A to %scan3A_19 step %scan3A_20 iter_args(%scan3A_1205 = %broadcast_in_dim3A_3, %scan3A_1206 = %broadcast_in_dim3A_5, %scan3A_1207 = %broadcast_in_dim3A_7, %scan3A_1208 = %broadcast_in_dim3A_9, %scan3A_1209 = %broadcast_in_dim3A_11, %scan3A_1210 = %broadcast_in_dim3A_13, %scan3A_1211 = %broadcast_in_dim3A_15, %scan3A_1212 = %broadcast_in_dim3A_17) -> (vector<16xf32>, vector<16xf32>, vector<16xf32>, vector<16xf32>, vector<16xf32>, vector<16xf32>, vector<16xf32>, vector<16xf32>)  : i32 {
        %mul3A_1213 = arith.constant 16 : i32
        %mul3A_1214 = arith.muli %scan3A_1204, %mul3A_1213 : i32
        %get3A = arith.index_cast %mul3A_1214 : i32 to index
        %get3A_1215 = tpu.vector_load %arg5[%get3A] {strides = array<i32>} : memref<4096xi32, #tpu.memory_space<vmem>>, vector<16xi32>,
        %get3A_1216 = vector.shape_cast %get3A_1215 : vector<16xi32> to vector<16xi32>
        %eq3A_1217 = arith.constant 0 : i32
        %eq3A_1218 = vector.broadcast %eq3A_1217 : i32 to vector<16xi32>
        %eq3A_1219 = arith.cmpi eq, %get3A_1216, %eq3A_1218 : vector<16xi32>
        %jit3A_1220 = arith.constant 1.000000e+00 : f32
        %jit3A_1221 = arith.constant 0.000000e+00 : f32
        %broadcast_in_dim3A_1222 = vector.broadcast %jit3A_1220 : f32 to vector<16xf32>
        %broadcast_in_dim3A_1223 = vector.broadcast %jit3A_1221 : f32 to vector<16xf32>
        %select_n3A_1224 = arith.select %eq3A_1219, %broadcast_in_dim3A_1222, %broadcast_in_dim3A_1223 : vector<16xi1>, vector<16xf32>
        %add3A_1225 = arith.addf %scan3A_1205, %select_n3A_1224 : vector<16xf32>
        %eq3A_1226 = arith.constant 1 : i32
        %eq3A_1227 = vector.broadcast %eq3A_1226 : i32 to vector<16xi32>
        %eq3A_1228 = arith.cmpi eq, %get3A_1216, %eq3A_1227 : vector<16xi32>
        %jit3A_1229 = arith.constant 1.000000e+00 : f32
        %jit3A_1230 = arith.constant 0.000000e+00 : f32
        %broadcast_in_dim3A_1231 = vector.broadcast %jit3A_1229 : f32 to vector<16xf32>
        %broadcast_in_dim3A_1232 = vector.broadcast %jit3A_1230 : f32 to vector<16xf32>
        %select_n3A_1233 = arith.select %eq3A_1228, %broadcast_in_dim3A_1231, %broadcast_in_dim3A_1232 : vector<16xi1>, vector<16xf32>
        %add3A_1234 = arith.addf %scan3A_1206, %select_n3A_1233 : vector<16xf32>
        %eq3A_1235 = arith.constant 2 : i32
        %eq3A_1236 = vector.broadcast %eq3A_1235 : i32 to vector<16xi32>
        %eq3A_1237 = arith.cmpi eq, %get3A_1216, %eq3A_1236 : vector<16xi32>
        %jit3A_1238 = arith.constant 1.000000e+00 : f32
        %jit3A_1239 = arith.constant 0.000000e+00 : f32
        %broadcast_in_dim3A_1240 = vector.broadcast %jit3A_1238 : f32 to vector<16xf32>
        %broadcast_in_dim3A_1241 = vector.broadcast %jit3A_1239 : f32 to vector<16xf32>
        %select_n3A_1242 = arith.select %eq3A_1237, %broadcast_in_dim3A_1240, %broadcast_in_dim3A_1241 : vector<16xi1>, vector<16xf32>
        %add3A_1243 = arith.addf %scan3A_1207, %select_n3A_1242 : vector<16xf32>
        %eq3A_1244 = arith.constant 3 : i32
        %eq3A_1245 = vector.broadcast %eq3A_1244 : i32 to vector<16xi32>
        %eq3A_1246 = arith.cmpi eq, %get3A_1216, %eq3A_1245 : vector<16xi32>
        %jit3A_1247 = arith.constant 1.000000e+00 : f32
        %jit3A_1248 = arith.constant 0.000000e+00 : f32
        %broadcast_in_dim3A_1249 = vector.broadcast %jit3A_1247 : f32 to vector<16xf32>
        %broadcast_in_dim3A_1250 = vector.broadcast %jit3A_1248 : f32 to vector<16xf32>
        %select_n3A_1251 = arith.select %eq3A_1246, %broadcast_in_dim3A_1249, %broadcast_in_dim3A_1250 : vector<16xi1>, vector<16xf32>
        %add3A_1252 = arith.addf %scan3A_1208, %select_n3A_1251 : vector<16xf32>
        %eq3A_1253 = arith.constant 4 : i32
        %eq3A_1254 = vector.broadcast %eq3A_1253 : i32 to vector<16xi32>
        %eq3A_1255 = arith.cmpi eq, %get3A_1216, %eq3A_1254 : vector<16xi32>
        %jit3A_1256 = arith.constant 1.000000e+00 : f32
        %jit3A_1257 = arith.constant 0.000000e+00 : f32
        %broadcast_in_dim3A_1258 = vector.broadcast %jit3A_1256 : f32 to vector<16xf32>
        %broadcast_in_dim3A_1259 = vector.broadcast %jit3A_1257 : f32 to vector<16xf32>
        %select_n3A_1260 = arith.select %eq3A_1255, %broadcast_in_dim3A_1258, %broadcast_in_dim3A_1259 : vector<16xi1>, vector<16xf32>
        %add3A_1261 = arith.addf %scan3A_1209, %select_n3A_1260 : vector<16xf32>
        %eq3A_1262 = arith.constant 5 : i32
        %eq3A_1263 = vector.broadcast %eq3A_1262 : i32 to vector<16xi32>
        %eq3A_1264 = arith.cmpi eq, %get3A_1216, %eq3A_1263 : vector<16xi32>
        %jit3A_1265 = arith.constant 1.000000e+00 : f32
        %jit3A_1266 = arith.constant 0.000000e+00 : f32
        %broadcast_in_dim3A_1267 = vector.broadcast %jit3A_1265 : f32 to vector<16xf32>
        %broadcast_in_dim3A_1268 = vector.broadcast %jit3A_1266 : f32 to vector<16xf32>
        %select_n3A_1269 = arith.select %eq3A_1264, %broadcast_in_dim3A_1267, %broadcast_in_dim3A_1268 : vector<16xi1>, vector<16xf32>
        %add3A_1270 = arith.addf %scan3A_1210, %select_n3A_1269 : vector<16xf32>
        %eq3A_1271 = arith.constant 6 : i32
        %eq3A_1272 = vector.broadcast %eq3A_1271 : i32 to vector<16xi32>
        %eq3A_1273 = arith.cmpi eq, %get3A_1216, %eq3A_1272 : vector<16xi32>
        %jit3A_1274 = arith.constant 1.000000e+00 : f32
        %jit3A_1275 = arith.constant 0.000000e+00 : f32
        %broadcast_in_dim3A_1276 = vector.broadcast %jit3A_1274 : f32 to vector<16xf32>
        %broadcast_in_dim3A_1277 = vector.broadcast %jit3A_1275 : f32 to vector<16xf32>
        %select_n3A_1278 = arith.select %eq3A_1273, %broadcast_in_dim3A_1276, %broadcast_in_dim3A_1277 : vector<16xi1>, vector<16xf32>
        %add3A_1279 = arith.addf %scan3A_1211, %select_n3A_1278 : vector<16xf32>
        %eq3A_1280 = arith.constant 7 : i32
        %eq3A_1281 = vector.broadcast %eq3A_1280 : i32 to vector<16xi32>
        %eq3A_1282 = arith.cmpi eq, %get3A_1216, %eq3A_1281 : vector<16xi32>
        %jit3A_1283 = arith.constant 1.000000e+00 : f32
        %jit3A_1284 = arith.constant 0.000000e+00 : f32
        %broadcast_in_dim3A_1285 = vector.broadcast %jit3A_1283 : f32 to vector<16xf32>
        %broadcast_in_dim3A_1286 = vector.broadcast %jit3A_1284 : f32 to vector<16xf32>
        %select_n3A_1287 = arith.select %eq3A_1282, %broadcast_in_dim3A_1285, %broadcast_in_dim3A_1286 : vector<16xi1>, vector<16xf32>
        %add3A_1288 = arith.addf %scan3A_1212, %select_n3A_1287 : vector<16xf32>
        scf.yield %add3A_1225, %add3A_1234, %add3A_1243, %add3A_1252, %add3A_1261, %add3A_1270, %add3A_1279, %add3A_1288 : vector<16xf32>, vector<16xf32>, vector<16xf32>, vector<16xf32>, vector<16xf32>, vector<16xf32>, vector<16xf32>, vector<16xf32>
      }
      %scan3A_22 = arith.constant 256 : i32
      %broadcast_in_dim3A_23 = arith.constant 0 : i32
      %broadcast_in_dim3A_24 = vector.broadcast %broadcast_in_dim3A_23 : i32 to vector<16xi32>
      %iota3A = tpu.iota {dimensions = array<i32: 0>} : vector<16xi32>
      %sub3A = arith.constant 1 : i32
      %sub3A_25 = vector.broadcast %sub3A : i32 to vector<16xi32>
      %sub3A_26 = arith.subi %iota3A, %sub3A_25 : vector<16xi32>
      %max3A = arith.constant 0 : i32
      %max3A_27 = vector.broadcast %max3A : i32 to vector<16xi32>
      %max3A_28 = arith.maxsi %sub3A_26, %max3A_27 : vector<16xi32>
      %lt3A = arith.constant 0 : i32
      %lt3A_29 = vector.broadcast %lt3A : i32 to vector<16xi32>
      %lt3A_30 = arith.cmpi slt, %max3A_28, %lt3A_29 : vector<16xi32>
      %add3A_31 = arith.constant 16 : i32
      %add3A_32 = vector.broadcast %add3A_31 : i32 to vector<16xi32>
      %add3A_33 = arith.addi %max3A_28, %add3A_32 : vector<16xi32>
      %select_n3A = arith.select %lt3A_30, %add3A_33, %max3A_28 : vector<16xi1>, vector<16xi32>
      %broadcast_in_dim3A_34 = vector.shape_cast %select_n3A : vector<16xi32> to vector<16x1xi32>
      %gather3A = vector.shape_cast %broadcast_in_dim3A_34 : vector<16x1xi32> to vector<16xi32>
      %gather3A_35 = tpu.dynamic_gather %scan3A_21#0[%gather3A] in [0] : vector<16xf32>, vector<16xi32> -> vector<16xf32>
      %ge3A = arith.constant 1 : i32
      %ge3A_36 = vector.broadcast %ge3A : i32 to vector<16xi32>
      %ge3A_37 = arith.cmpi sge, %iota3A, %ge3A_36 : vector<16xi32>
      %jit3A = arith.constant 0.000000e+00 : f32
      %broadcast_in_dim3A_38 = vector.broadcast %jit3A : f32 to vector<16xf32>
      %select_n3A_39 = arith.select %ge3A_37, %gather3A_35, %broadcast_in_dim3A_38 : vector<16xi1>, vector<16xf32>
      %add3A_40 = arith.addf %scan3A_21#0, %select_n3A_39 : vector<16xf32>
      %sub3A_41 = arith.constant 2 : i32
      %sub3A_42 = vector.broadcast %sub3A_41 : i32 to vector<16xi32>
      %sub3A_43 = arith.subi %iota3A, %sub3A_42 : vector<16xi32>
      %max3A_44 = arith.constant 0 : i32
      %max3A_45 = vector.broadcast %max3A_44 : i32 to vector<16xi32>
      %max3A_46 = arith.maxsi %sub3A_43, %max3A_45 : vector<16xi32>
      %lt3A_47 = arith.constant 0 : i32
      %lt3A_48 = vector.broadcast %lt3A_47 : i32 to vector<16xi32>
      %lt3A_49 = arith.cmpi slt, %max3A_46, %lt3A_48 : vector<16xi32>
      %add3A_50 = arith.constant 16 : i32
      %add3A_51 = vector.broadcast %add3A_50 : i32 to vector<16xi32>
      %add3A_52 = arith.addi %max3A_46, %add3A_51 : vector<16xi32>
      %select_n3A_53 = arith.select %lt3A_49, %add3A_52, %max3A_46 : vector<16xi1>, vector<16xi32>
      %broadcast_in_dim3A_54 = vector.shape_cast %select_n3A_53 : vector<16xi32> to vector<16x1xi32>
      %gather3A_55 = vector.shape_cast %broadcast_in_dim3A_54 : vector<16x1xi32> to vector<16xi32>
      %gather3A_56 = tpu.dynamic_gather %add3A_40[%gather3A_55] in [0] : vector<16xf32>, vector<16xi32> -> vector<16xf32>
      %ge3A_57 = arith.constant 2 : i32
      %ge3A_58 = vector.broadcast %ge3A_57 : i32 to vector<16xi32>
      %ge3A_59 = arith.cmpi sge, %iota3A, %ge3A_58 : vector<16xi32>
      %jit3A_60 = arith.constant 0.000000e+00 : f32
      %broadcast_in_dim3A_61 = vector.broadcast %jit3A_60 : f32 to vector<16xf32>
      %select_n3A_62 = arith.select %ge3A_59, %gather3A_56, %broadcast_in_dim3A_61 : vector<16xi1>, vector<16xf32>
      %add3A_63 = arith.addf %add3A_40, %select_n3A_62 : vector<16xf32>
      %sub3A_64 = arith.constant 4 : i32
      %sub3A_65 = vector.broadcast %sub3A_64 : i32 to vector<16xi32>
      %sub3A_66 = arith.subi %iota3A, %sub3A_65 : vector<16xi32>
      %max3A_67 = arith.constant 0 : i32
      %max3A_68 = vector.broadcast %max3A_67 : i32 to vector<16xi32>
      %max3A_69 = arith.maxsi %sub3A_66, %max3A_68 : vector<16xi32>
      %lt3A_70 = arith.constant 0 : i32
      %lt3A_71 = vector.broadcast %lt3A_70 : i32 to vector<16xi32>
      %lt3A_72 = arith.cmpi slt, %max3A_69, %lt3A_71 : vector<16xi32>
      %add3A_73 = arith.constant 16 : i32
      %add3A_74 = vector.broadcast %add3A_73 : i32 to vector<16xi32>
      %add3A_75 = arith.addi %max3A_69, %add3A_74 : vector<16xi32>
      %select_n3A_76 = arith.select %lt3A_72, %add3A_75, %max3A_69 : vector<16xi1>, vector<16xi32>
      %broadcast_in_dim3A_77 = vector.shape_cast %select_n3A_76 : vector<16xi32> to vector<16x1xi32>
      %gather3A_78 = vector.shape_cast %broadcast_in_dim3A_77 : vector<16x1xi32> to vector<16xi32>
      %gather3A_79 = tpu.dynamic_gather %add3A_63[%gather3A_78] in [0] : vector<16xf32>, vector<16xi32> -> vector<16xf32>
      %ge3A_80 = arith.constant 4 : i32
      %ge3A_81 = vector.broadcast %ge3A_80 : i32 to vector<16xi32>
      %ge3A_82 = arith.cmpi sge, %iota3A, %ge3A_81 : vector<16xi32>
      %jit3A_83 = arith.constant 0.000000e+00 : f32
      %broadcast_in_dim3A_84 = vector.broadcast %jit3A_83 : f32 to vector<16xf32>
      %select_n3A_85 = arith.select %ge3A_82, %gather3A_79, %broadcast_in_dim3A_84 : vector<16xi1>, vector<16xf32>
      %add3A_86 = arith.addf %add3A_63, %select_n3A_85 : vector<16xf32>
      %sub3A_87 = arith.constant 8 : i32
      %sub3A_88 = vector.broadcast %sub3A_87 : i32 to vector<16xi32>
      %sub3A_89 = arith.subi %iota3A, %sub3A_88 : vector<16xi32>
      %max3A_90 = arith.constant 0 : i32
      %max3A_91 = vector.broadcast %max3A_90 : i32 to vector<16xi32>
      %max3A_92 = arith.maxsi %sub3A_89, %max3A_91 : vector<16xi32>
      %lt3A_93 = arith.constant 0 : i32
      %lt3A_94 = vector.broadcast %lt3A_93 : i32 to vector<16xi32>
      %lt3A_95 = arith.cmpi slt, %max3A_92, %lt3A_94 : vector<16xi32>
      %add3A_96 = arith.constant 16 : i32
      %add3A_97 = vector.broadcast %add3A_96 : i32 to vector<16xi32>
      %add3A_98 = arith.addi %max3A_92, %add3A_97 : vector<16xi32>
      %select_n3A_99 = arith.select %lt3A_95, %add3A_98, %max3A_92 : vector<16xi1>, vector<16xi32>
      %broadcast_in_dim3A_100 = vector.shape_cast %select_n3A_99 : vector<16xi32> to vector<16x1xi32>
      %gather3A_101 = vector.shape_cast %broadcast_in_dim3A_100 : vector<16x1xi32> to vector<16xi32>
      %gather3A_102 = tpu.dynamic_gather %add3A_86[%gather3A_101] in [0] : vector<16xf32>, vector<16xi32> -> vector<16xf32>
      %ge3A_103 = arith.constant 8 : i32
      %ge3A_104 = vector.broadcast %ge3A_103 : i32 to vector<16xi32>
      %ge3A_105 = arith.cmpi sge, %iota3A, %ge3A_104 : vector<16xi32>
      %jit3A_106 = arith.constant 0.000000e+00 : f32
      %broadcast_in_dim3A_107 = vector.broadcast %jit3A_106 : f32 to vector<16xf32>
      %select_n3A_108 = arith.select %ge3A_105, %gather3A_102, %broadcast_in_dim3A_107 : vector<16xi1>, vector<16xf32>
      %add3A_109 = arith.addf %add3A_86, %select_n3A_108 : vector<16xf32>
      %broadcast_in_dim3A_110 = arith.constant 0 : i32
      %broadcast_in_dim3A_111 = vector.broadcast %broadcast_in_dim3A_110 : i32 to vector<16xi32>
      %add3A_112 = arith.constant 15 : i32
      %add3A_113 = vector.broadcast %add3A_112 : i32 to vector<16xi32>
      %add3A_114 = arith.addi %broadcast_in_dim3A_111, %add3A_113 : vector<16xi32>
      %lt3A_115 = arith.constant 0 : i32
      %lt3A_116 = vector.broadcast %lt3A_115 : i32 to vector<16xi32>
      %lt3A_117 = arith.cmpi slt, %add3A_114, %lt3A_116 : vector<16xi32>
      %add3A_118 = arith.constant 16 : i32
      %add3A_119 = vector.broadcast %add3A_118 : i32 to vector<16xi32>
      %add3A_120 = arith.addi %add3A_114, %add3A_119 : vector<16xi32>
      %select_n3A_121 = arith.select %lt3A_117, %add3A_120, %add3A_114 : vector<16xi1>, vector<16xi32>
      %broadcast_in_dim3A_122 = vector.shape_cast %select_n3A_121 : vector<16xi32> to vector<16x1xi32>
      %gather3A_123 = vector.shape_cast %broadcast_in_dim3A_122 : vector<16x1xi32> to vector<16xi32>
      %gather3A_124 = tpu.dynamic_gather %add3A_109[%gather3A_123] in [0] : vector<16xf32>, vector<16xi32> -> vector<16xf32>
      %convert_element_type3A_125 = arith.fptosi %gather3A_124 : vector<16xf32> to vector<16xi32>
      %add3A_126 = arith.constant 127 : i32
      %add3A_127 = vector.broadcast %add3A_126 : i32 to vector<16xi32>
      %add3A_128 = arith.addi %convert_element_type3A_125, %add3A_127 : vector<16xi32>
      %shift_right_logical3A = arith.constant 7 : i32
      %shift_right_logical3A_129 = vector.broadcast %shift_right_logical3A : i32 to vector<16xi32>
      %shift_right_logical3A_130 = arith.shrui %add3A_128, %shift_right_logical3A_129 : vector<16xi32>
      %shift_left3A = arith.constant 7 : i32
      %shift_left3A_131 = vector.broadcast %shift_left3A : i32 to vector<16xi32>
      %shift_left3A_132 = arith.shli %shift_right_logical3A_130, %shift_left3A_131 : vector<16xi32>
      %add3A_133 = arith.addi %broadcast_in_dim3A_24, %shift_left3A_132 : vector<16xi32>
      %iota3A_134 = tpu.iota {dimensions = array<i32: 0>} : vector<16xi32>
      %sub3A_135 = arith.constant 1 : i32
      %sub3A_136 = vector.broadcast %sub3A_135 : i32 to vector<16xi32>
      %sub3A_137 = arith.subi %iota3A_134, %sub3A_136 : vector<16xi32>
      %max3A_138 = arith.constant 0 : i32
      %max3A_139 = vector.broadcast %max3A_138 : i32 to vector<16xi32>
      %max3A_140 = arith.maxsi %sub3A_137, %max3A_139 : vector<16xi32>
      %lt3A_141 = arith.constant 0 : i32
      %lt3A_142 = vector.broadcast %lt3A_141 : i32 to vector<16xi32>
      %lt3A_143 = arith.cmpi slt, %max3A_140, %lt3A_142 : vector<16xi32>
      %add3A_144 = arith.constant 16 : i32
      %add3A_145 = vector.broadcast %add3A_144 : i32 to vector<16xi32>
      %add3A_146 = arith.addi %max3A_140, %add3A_145 : vector<16xi32>
      %select_n3A_147 = arith.select %lt3A_143, %add3A_146, %max3A_140 : vector<16xi1>, vector<16xi32>
      %broadcast_in_dim3A_148 = vector.shape_cast %select_n3A_147 : vector<16xi32> to vector<16x1xi32>
      %gather3A_149 = vector.shape_cast %broadcast_in_dim3A_148 : vector<16x1xi32> to vector<16xi32>
      %gather3A_150 = tpu.dynamic_gather %scan3A_21#1[%gather3A_149] in [0] : vector<16xf32>, vector<16xi32> -> vector<16xf32>
      %ge3A_151 = arith.constant 1 : i32
      %ge3A_152 = vector.broadcast %ge3A_151 : i32 to vector<16xi32>
      %ge3A_153 = arith.cmpi sge, %iota3A_134, %ge3A_152 : vector<16xi32>
      %jit3A_154 = arith.constant 0.000000e+00 : f32
      %broadcast_in_dim3A_155 = vector.broadcast %jit3A_154 : f32 to vector<16xf32>
      %select_n3A_156 = arith.select %ge3A_153, %gather3A_150, %broadcast_in_dim3A_155 : vector<16xi1>, vector<16xf32>
      %add3A_157 = arith.addf %scan3A_21#1, %select_n3A_156 : vector<16xf32>
      %sub3A_158 = arith.constant 2 : i32
      %sub3A_159 = vector.broadcast %sub3A_158 : i32 to vector<16xi32>
      %sub3A_160 = arith.subi %iota3A_134, %sub3A_159 : vector<16xi32>
      %max3A_161 = arith.constant 0 : i32
      %max3A_162 = vector.broadcast %max3A_161 : i32 to vector<16xi32>
      %max3A_163 = arith.maxsi %sub3A_160, %max3A_162 : vector<16xi32>
      %lt3A_164 = arith.constant 0 : i32
      %lt3A_165 = vector.broadcast %lt3A_164 : i32 to vector<16xi32>
      %lt3A_166 = arith.cmpi slt, %max3A_163, %lt3A_165 : vector<16xi32>
      %add3A_167 = arith.constant 16 : i32
      %add3A_168 = vector.broadcast %add3A_167 : i32 to vector<16xi32>
      %add3A_169 = arith.addi %max3A_163, %add3A_168 : vector<16xi32>
      %select_n3A_170 = arith.select %lt3A_166, %add3A_169, %max3A_163 : vector<16xi1>, vector<16xi32>
      %broadcast_in_dim3A_171 = vector.shape_cast %select_n3A_170 : vector<16xi32> to vector<16x1xi32>
      %gather3A_172 = vector.shape_cast %broadcast_in_dim3A_171 : vector<16x1xi32> to vector<16xi32>
      %gather3A_173 = tpu.dynamic_gather %add3A_157[%gather3A_172] in [0] : vector<16xf32>, vector<16xi32> -> vector<16xf32>
      %ge3A_174 = arith.constant 2 : i32
      %ge3A_175 = vector.broadcast %ge3A_174 : i32 to vector<16xi32>
      %ge3A_176 = arith.cmpi sge, %iota3A_134, %ge3A_175 : vector<16xi32>
      %jit3A_177 = arith.constant 0.000000e+00 : f32
      %broadcast_in_dim3A_178 = vector.broadcast %jit3A_177 : f32 to vector<16xf32>
      %select_n3A_179 = arith.select %ge3A_176, %gather3A_173, %broadcast_in_dim3A_178 : vector<16xi1>, vector<16xf32>
      %add3A_180 = arith.addf %add3A_157, %select_n3A_179 : vector<16xf32>
      %sub3A_181 = arith.constant 4 : i32
      %sub3A_182 = vector.broadcast %sub3A_181 : i32 to vector<16xi32>
      %sub3A_183 = arith.subi %iota3A_134, %sub3A_182 : vector<16xi32>
      %max3A_184 = arith.constant 0 : i32
      %max3A_185 = vector.broadcast %max3A_184 : i32 to vector<16xi32>
      %max3A_186 = arith.maxsi %sub3A_183, %max3A_185 : vector<16xi32>
      %lt3A_187 = arith.constant 0 : i32
      %lt3A_188 = vector.broadcast %lt3A_187 : i32 to vector<16xi32>
      %lt3A_189 = arith.cmpi slt, %max3A_186, %lt3A_188 : vector<16xi32>
      %add3A_190 = arith.constant 16 : i32
      %add3A_191 = vector.broadcast %add3A_190 : i32 to vector<16xi32>
      %add3A_192 = arith.addi %max3A_186, %add3A_191 : vector<16xi32>
      %select_n3A_193 = arith.select %lt3A_189, %add3A_192, %max3A_186 : vector<16xi1>, vector<16xi32>
      %broadcast_in_dim3A_194 = vector.shape_cast %select_n3A_193 : vector<16xi32> to vector<16x1xi32>
      %gather3A_195 = vector.shape_cast %broadcast_in_dim3A_194 : vector<16x1xi32> to vector<16xi32>
      %gather3A_196 = tpu.dynamic_gather %add3A_180[%gather3A_195] in [0] : vector<16xf32>, vector<16xi32> -> vector<16xf32>
      %ge3A_197 = arith.constant 4 : i32
      %ge3A_198 = vector.broadcast %ge3A_197 : i32 to vector<16xi32>
      %ge3A_199 = arith.cmpi sge, %iota3A_134, %ge3A_198 : vector<16xi32>
      %jit3A_200 = arith.constant 0.000000e+00 : f32
      %broadcast_in_dim3A_201 = vector.broadcast %jit3A_200 : f32 to vector<16xf32>
      %select_n3A_202 = arith.select %ge3A_199, %gather3A_196, %broadcast_in_dim3A_201 : vector<16xi1>, vector<16xf32>
      %add3A_203 = arith.addf %add3A_180, %select_n3A_202 : vector<16xf32>
      %sub3A_204 = arith.constant 8 : i32
      %sub3A_205 = vector.broadcast %sub3A_204 : i32 to vector<16xi32>
      %sub3A_206 = arith.subi %iota3A_134, %sub3A_205 : vector<16xi32>
      %max3A_207 = arith.constant 0 : i32
      %max3A_208 = vector.broadcast %max3A_207 : i32 to vector<16xi32>
      %max3A_209 = arith.maxsi %sub3A_206, %max3A_208 : vector<16xi32>
      %lt3A_210 = arith.constant 0 : i32
      %lt3A_211 = vector.broadcast %lt3A_210 : i32 to vector<16xi32>
      %lt3A_212 = arith.cmpi slt, %max3A_209, %lt3A_211 : vector<16xi32>
      %add3A_213 = arith.constant 16 : i32
      %add3A_214 = vector.broadcast %add3A_213 : i32 to vector<16xi32>
      %add3A_215 = arith.addi %max3A_209, %add3A_214 : vector<16xi32>
      %select_n3A_216 = arith.select %lt3A_212, %add3A_215, %max3A_209 : vector<16xi1>, vector<16xi32>
      %broadcast_in_dim3A_217 = vector.shape_cast %select_n3A_216 : vector<16xi32> to vector<16x1xi32>
      %gather3A_218 = vector.shape_cast %broadcast_in_dim3A_217 : vector<16x1xi32> to vector<16xi32>
      %gather3A_219 = tpu.dynamic_gather %add3A_203[%gather3A_218] in [0] : vector<16xf32>, vector<16xi32> -> vector<16xf32>
      %ge3A_220 = arith.constant 8 : i32
      %ge3A_221 = vector.broadcast %ge3A_220 : i32 to vector<16xi32>
      %ge3A_222 = arith.cmpi sge, %iota3A_134, %ge3A_221 : vector<16xi32>
      %jit3A_223 = arith.constant 0.000000e+00 : f32
      %broadcast_in_dim3A_224 = vector.broadcast %jit3A_223 : f32 to vector<16xf32>
      %select_n3A_225 = arith.select %ge3A_222, %gather3A_219, %broadcast_in_dim3A_224 : vector<16xi1>, vector<16xf32>
      %add3A_226 = arith.addf %add3A_203, %select_n3A_225 : vector<16xf32>
      %broadcast_in_dim3A_227 = arith.constant 0 : i32
      %broadcast_in_dim3A_228 = vector.broadcast %broadcast_in_dim3A_227 : i32 to vector<16xi32>
      %add3A_229 = arith.constant 15 : i32
      %add3A_230 = vector.broadcast %add3A_229 : i32 to vector<16xi32>
      %add3A_231 = arith.addi %broadcast_in_dim3A_228, %add3A_230 : vector<16xi32>
      %lt3A_232 = arith.constant 0 : i32
      %lt3A_233 = vector.broadcast %lt3A_232 : i32 to vector<16xi32>
      %lt3A_234 = arith.cmpi slt, %add3A_231, %lt3A_233 : vector<16xi32>
      %add3A_235 = arith.constant 16 : i32
      %add3A_236 = vector.broadcast %add3A_235 : i32 to vector<16xi32>
      %add3A_237 = arith.addi %add3A_231, %add3A_236 : vector<16xi32>
      %select_n3A_238 = arith.select %lt3A_234, %add3A_237, %add3A_231 : vector<16xi1>, vector<16xi32>
      %broadcast_in_dim3A_239 = vector.shape_cast %select_n3A_238 : vector<16xi32> to vector<16x1xi32>
      %gather3A_240 = vector.shape_cast %broadcast_in_dim3A_239 : vector<16x1xi32> to vector<16xi32>
      %gather3A_241 = tpu.dynamic_gather %add3A_226[%gather3A_240] in [0] : vector<16xf32>, vector<16xi32> -> vector<16xf32>
      %convert_element_type3A_242 = arith.fptosi %gather3A_241 : vector<16xf32> to vector<16xi32>
      %add3A_243 = arith.constant 127 : i32
      %add3A_244 = vector.broadcast %add3A_243 : i32 to vector<16xi32>
      %add3A_245 = arith.addi %convert_element_type3A_242, %add3A_244 : vector<16xi32>
      %shift_right_logical3A_246 = arith.constant 7 : i32
      %shift_right_logical3A_247 = vector.broadcast %shift_right_logical3A_246 : i32 to vector<16xi32>
      %shift_right_logical3A_248 = arith.shrui %add3A_245, %shift_right_logical3A_247 : vector<16xi32>
      %shift_left3A_249 = arith.constant 7 : i32
      %shift_left3A_250 = vector.broadcast %shift_left3A_249 : i32 to vector<16xi32>
      %shift_left3A_251 = arith.shli %shift_right_logical3A_248, %shift_left3A_250 : vector<16xi32>
      %add3A_252 = arith.addi %add3A_133, %shift_left3A_251 : vector<16xi32>
      %iota3A_253 = tpu.iota {dimensions = array<i32: 0>} : vector<16xi32>
      %sub3A_254 = arith.constant 1 : i32
      %sub3A_255 = vector.broadcast %sub3A_254 : i32 to vector<16xi32>
      %sub3A_256 = arith.subi %iota3A_253, %sub3A_255 : vector<16xi32>
      %max3A_257 = arith.constant 0 : i32
      %max3A_258 = vector.broadcast %max3A_257 : i32 to vector<16xi32>
      %max3A_259 = arith.maxsi %sub3A_256, %max3A_258 : vector<16xi32>
      %lt3A_260 = arith.constant 0 : i32
      %lt3A_261 = vector.broadcast %lt3A_260 : i32 to vector<16xi32>
      %lt3A_262 = arith.cmpi slt, %max3A_259, %lt3A_261 : vector<16xi32>
      %add3A_263 = arith.constant 16 : i32
      %add3A_264 = vector.broadcast %add3A_263 : i32 to vector<16xi32>
      %add3A_265 = arith.addi %max3A_259, %add3A_264 : vector<16xi32>
      %select_n3A_266 = arith.select %lt3A_262, %add3A_265, %max3A_259 : vector<16xi1>, vector<16xi32>
      %broadcast_in_dim3A_267 = vector.shape_cast %select_n3A_266 : vector<16xi32> to vector<16x1xi32>
      %gather3A_268 = vector.shape_cast %broadcast_in_dim3A_267 : vector<16x1xi32> to vector<16xi32>
      %gather3A_269 = tpu.dynamic_gather %scan3A_21#2[%gather3A_268] in [0] : vector<16xf32>, vector<16xi32> -> vector<16xf32>
      %ge3A_270 = arith.constant 1 : i32
      %ge3A_271 = vector.broadcast %ge3A_270 : i32 to vector<16xi32>
      %ge3A_272 = arith.cmpi sge, %iota3A_253, %ge3A_271 : vector<16xi32>
      %jit3A_273 = arith.constant 0.000000e+00 : f32
      %broadcast_in_dim3A_274 = vector.broadcast %jit3A_273 : f32 to vector<16xf32>
      %select_n3A_275 = arith.select %ge3A_272, %gather3A_269, %broadcast_in_dim3A_274 : vector<16xi1>, vector<16xf32>
      %add3A_276 = arith.addf %scan3A_21#2, %select_n3A_275 : vector<16xf32>
      %sub3A_277 = arith.constant 2 : i32
      %sub3A_278 = vector.broadcast %sub3A_277 : i32 to vector<16xi32>
      %sub3A_279 = arith.subi %iota3A_253, %sub3A_278 : vector<16xi32>
      %max3A_280 = arith.constant 0 : i32
      %max3A_281 = vector.broadcast %max3A_280 : i32 to vector<16xi32>
      %max3A_282 = arith.maxsi %sub3A_279, %max3A_281 : vector<16xi32>
      %lt3A_283 = arith.constant 0 : i32
      %lt3A_284 = vector.broadcast %lt3A_283 : i32 to vector<16xi32>
      %lt3A_285 = arith.cmpi slt, %max3A_282, %lt3A_284 : vector<16xi32>
      %add3A_286 = arith.constant 16 : i32
      %add3A_287 = vector.broadcast %add3A_286 : i32 to vector<16xi32>
      %add3A_288 = arith.addi %max3A_282, %add3A_287 : vector<16xi32>
      %select_n3A_289 = arith.select %lt3A_285, %add3A_288, %max3A_282 : vector<16xi1>, vector<16xi32>
      %broadcast_in_dim3A_290 = vector.shape_cast %select_n3A_289 : vector<16xi32> to vector<16x1xi32>
      %gather3A_291 = vector.shape_cast %broadcast_in_dim3A_290 : vector<16x1xi32> to vector<16xi32>
      %gather3A_292 = tpu.dynamic_gather %add3A_276[%gather3A_291] in [0] : vector<16xf32>, vector<16xi32> -> vector<16xf32>
      %ge3A_293 = arith.constant 2 : i32
      %ge3A_294 = vector.broadcast %ge3A_293 : i32 to vector<16xi32>
      %ge3A_295 = arith.cmpi sge, %iota3A_253, %ge3A_294 : vector<16xi32>
      %jit3A_296 = arith.constant 0.000000e+00 : f32
      %broadcast_in_dim3A_297 = vector.broadcast %jit3A_296 : f32 to vector<16xf32>
      %select_n3A_298 = arith.select %ge3A_295, %gather3A_292, %broadcast_in_dim3A_297 : vector<16xi1>, vector<16xf32>
      %add3A_299 = arith.addf %add3A_276, %select_n3A_298 : vector<16xf32>
      %sub3A_300 = arith.constant 4 : i32
      %sub3A_301 = vector.broadcast %sub3A_300 : i32 to vector<16xi32>
      %sub3A_302 = arith.subi %iota3A_253, %sub3A_301 : vector<16xi32>
      %max3A_303 = arith.constant 0 : i32
      %max3A_304 = vector.broadcast %max3A_303 : i32 to vector<16xi32>
      %max3A_305 = arith.maxsi %sub3A_302, %max3A_304 : vector<16xi32>
      %lt3A_306 = arith.constant 0 : i32
      %lt3A_307 = vector.broadcast %lt3A_306 : i32 to vector<16xi32>
      %lt3A_308 = arith.cmpi slt, %max3A_305, %lt3A_307 : vector<16xi32>
      %add3A_309 = arith.constant 16 : i32
      %add3A_310 = vector.broadcast %add3A_309 : i32 to vector<16xi32>
      %add3A_311 = arith.addi %max3A_305, %add3A_310 : vector<16xi32>
      %select_n3A_312 = arith.select %lt3A_308, %add3A_311, %max3A_305 : vector<16xi1>, vector<16xi32>
      %broadcast_in_dim3A_313 = vector.shape_cast %select_n3A_312 : vector<16xi32> to vector<16x1xi32>
      %gather3A_314 = vector.shape_cast %broadcast_in_dim3A_313 : vector<16x1xi32> to vector<16xi32>
      %gather3A_315 = tpu.dynamic_gather %add3A_299[%gather3A_314] in [0] : vector<16xf32>, vector<16xi32> -> vector<16xf32>
      %ge3A_316 = arith.constant 4 : i32
      %ge3A_317 = vector.broadcast %ge3A_316 : i32 to vector<16xi32>
      %ge3A_318 = arith.cmpi sge, %iota3A_253, %ge3A_317 : vector<16xi32>
      %jit3A_319 = arith.constant 0.000000e+00 : f32
      %broadcast_in_dim3A_320 = vector.broadcast %jit3A_319 : f32 to vector<16xf32>
      %select_n3A_321 = arith.select %ge3A_318, %gather3A_315, %broadcast_in_dim3A_320 : vector<16xi1>, vector<16xf32>
      %add3A_322 = arith.addf %add3A_299, %select_n3A_321 : vector<16xf32>
      %sub3A_323 = arith.constant 8 : i32
      %sub3A_324 = vector.broadcast %sub3A_323 : i32 to vector<16xi32>
      %sub3A_325 = arith.subi %iota3A_253, %sub3A_324 : vector<16xi32>
      %max3A_326 = arith.constant 0 : i32
      %max3A_327 = vector.broadcast %max3A_326 : i32 to vector<16xi32>
      %max3A_328 = arith.maxsi %sub3A_325, %max3A_327 : vector<16xi32>
      %lt3A_329 = arith.constant 0 : i32
      %lt3A_330 = vector.broadcast %lt3A_329 : i32 to vector<16xi32>
      %lt3A_331 = arith.cmpi slt, %max3A_328, %lt3A_330 : vector<16xi32>
      %add3A_332 = arith.constant 16 : i32
      %add3A_333 = vector.broadcast %add3A_332 : i32 to vector<16xi32>
      %add3A_334 = arith.addi %max3A_328, %add3A_333 : vector<16xi32>
      %select_n3A_335 = arith.select %lt3A_331, %add3A_334, %max3A_328 : vector<16xi1>, vector<16xi32>
      %broadcast_in_dim3A_336 = vector.shape_cast %select_n3A_335 : vector<16xi32> to vector<16x1xi32>
      %gather3A_337 = vector.shape_cast %broadcast_in_dim3A_336 : vector<16x1xi32> to vector<16xi32>
      %gather3A_338 = tpu.dynamic_gather %add3A_322[%gather3A_337] in [0] : vector<16xf32>, vector<16xi32> -> vector<16xf32>
      %ge3A_339 = arith.constant 8 : i32
      %ge3A_340 = vector.broadcast %ge3A_339 : i32 to vector<16xi32>
      %ge3A_341 = arith.cmpi sge, %iota3A_253, %ge3A_340 : vector<16xi32>
      %jit3A_342 = arith.constant 0.000000e+00 : f32
      %broadcast_in_dim3A_343 = vector.broadcast %jit3A_342 : f32 to vector<16xf32>
      %select_n3A_344 = arith.select %ge3A_341, %gather3A_338, %broadcast_in_dim3A_343 : vector<16xi1>, vector<16xf32>
      %add3A_345 = arith.addf %add3A_322, %select_n3A_344 : vector<16xf32>
      %broadcast_in_dim3A_346 = arith.constant 0 : i32
      %broadcast_in_dim3A_347 = vector.broadcast %broadcast_in_dim3A_346 : i32 to vector<16xi32>
      %add3A_348 = arith.constant 15 : i32
      %add3A_349 = vector.broadcast %add3A_348 : i32 to vector<16xi32>
      %add3A_350 = arith.addi %broadcast_in_dim3A_347, %add3A_349 : vector<16xi32>
      %lt3A_351 = arith.constant 0 : i32
      %lt3A_352 = vector.broadcast %lt3A_351 : i32 to vector<16xi32>
      %lt3A_353 = arith.cmpi slt, %add3A_350, %lt3A_352 : vector<16xi32>
      %add3A_354 = arith.constant 16 : i32
      %add3A_355 = vector.broadcast %add3A_354 : i32 to vector<16xi32>
      %add3A_356 = arith.addi %add3A_350, %add3A_355 : vector<16xi32>
      %select_n3A_357 = arith.select %lt3A_353, %add3A_356, %add3A_350 : vector<16xi1>, vector<16xi32>
      %broadcast_in_dim3A_358 = vector.shape_cast %select_n3A_357 : vector<16xi32> to vector<16x1xi32>
      %gather3A_359 = vector.shape_cast %broadcast_in_dim3A_358 : vector<16x1xi32> to vector<16xi32>
      %gather3A_360 = tpu.dynamic_gather %add3A_345[%gather3A_359] in [0] : vector<16xf32>, vector<16xi32> -> vector<16xf32>
      %convert_element_type3A_361 = arith.fptosi %gather3A_360 : vector<16xf32> to vector<16xi32>
      %add3A_362 = arith.constant 127 : i32
      %add3A_363 = vector.broadcast %add3A_362 : i32 to vector<16xi32>
      %add3A_364 = arith.addi %convert_element_type3A_361, %add3A_363 : vector<16xi32>
      %shift_right_logical3A_365 = arith.constant 7 : i32
      %shift_right_logical3A_366 = vector.broadcast %shift_right_logical3A_365 : i32 to vector<16xi32>
      %shift_right_logical3A_367 = arith.shrui %add3A_364, %shift_right_logical3A_366 : vector<16xi32>
      %shift_left3A_368 = arith.constant 7 : i32
      %shift_left3A_369 = vector.broadcast %shift_left3A_368 : i32 to vector<16xi32>
      %shift_left3A_370 = arith.shli %shift_right_logical3A_367, %shift_left3A_369 : vector<16xi32>
      %add3A_371 = arith.addi %add3A_252, %shift_left3A_370 : vector<16xi32>
      %iota3A_372 = tpu.iota {dimensions = array<i32: 0>} : vector<16xi32>
      %sub3A_373 = arith.constant 1 : i32
      %sub3A_374 = vector.broadcast %sub3A_373 : i32 to vector<16xi32>
      %sub3A_375 = arith.subi %iota3A_372, %sub3A_374 : vector<16xi32>
      %max3A_376 = arith.constant 0 : i32
      %max3A_377 = vector.broadcast %max3A_376 : i32 to vector<16xi32>
      %max3A_378 = arith.maxsi %sub3A_375, %max3A_377 : vector<16xi32>
      %lt3A_379 = arith.constant 0 : i32
      %lt3A_380 = vector.broadcast %lt3A_379 : i32 to vector<16xi32>
      %lt3A_381 = arith.cmpi slt, %max3A_378, %lt3A_380 : vector<16xi32>
      %add3A_382 = arith.constant 16 : i32
      %add3A_383 = vector.broadcast %add3A_382 : i32 to vector<16xi32>
      %add3A_384 = arith.addi %max3A_378, %add3A_383 : vector<16xi32>
      %select_n3A_385 = arith.select %lt3A_381, %add3A_384, %max3A_378 : vector<16xi1>, vector<16xi32>
      %broadcast_in_dim3A_386 = vector.shape_cast %select_n3A_385 : vector<16xi32> to vector<16x1xi32>
      %gather3A_387 = vector.shape_cast %broadcast_in_dim3A_386 : vector<16x1xi32> to vector<16xi32>
      %gather3A_388 = tpu.dynamic_gather %scan3A_21#3[%gather3A_387] in [0] : vector<16xf32>, vector<16xi32> -> vector<16xf32>
      %ge3A_389 = arith.constant 1 : i32
      %ge3A_390 = vector.broadcast %ge3A_389 : i32 to vector<16xi32>
      %ge3A_391 = arith.cmpi sge, %iota3A_372, %ge3A_390 : vector<16xi32>
      %jit3A_392 = arith.constant 0.000000e+00 : f32
      %broadcast_in_dim3A_393 = vector.broadcast %jit3A_392 : f32 to vector<16xf32>
      %select_n3A_394 = arith.select %ge3A_391, %gather3A_388, %broadcast_in_dim3A_393 : vector<16xi1>, vector<16xf32>
      %add3A_395 = arith.addf %scan3A_21#3, %select_n3A_394 : vector<16xf32>
      %sub3A_396 = arith.constant 2 : i32
      %sub3A_397 = vector.broadcast %sub3A_396 : i32 to vector<16xi32>
      %sub3A_398 = arith.subi %iota3A_372, %sub3A_397 : vector<16xi32>
      %max3A_399 = arith.constant 0 : i32
      %max3A_400 = vector.broadcast %max3A_399 : i32 to vector<16xi32>
      %max3A_401 = arith.maxsi %sub3A_398, %max3A_400 : vector<16xi32>
      %lt3A_402 = arith.constant 0 : i32
      %lt3A_403 = vector.broadcast %lt3A_402 : i32 to vector<16xi32>
      %lt3A_404 = arith.cmpi slt, %max3A_401, %lt3A_403 : vector<16xi32>
      %add3A_405 = arith.constant 16 : i32
      %add3A_406 = vector.broadcast %add3A_405 : i32 to vector<16xi32>
      %add3A_407 = arith.addi %max3A_401, %add3A_406 : vector<16xi32>
      %select_n3A_408 = arith.select %lt3A_404, %add3A_407, %max3A_401 : vector<16xi1>, vector<16xi32>
      %broadcast_in_dim3A_409 = vector.shape_cast %select_n3A_408 : vector<16xi32> to vector<16x1xi32>
      %gather3A_410 = vector.shape_cast %broadcast_in_dim3A_409 : vector<16x1xi32> to vector<16xi32>
      %gather3A_411 = tpu.dynamic_gather %add3A_395[%gather3A_410] in [0] : vector<16xf32>, vector<16xi32> -> vector<16xf32>
      %ge3A_412 = arith.constant 2 : i32
      %ge3A_413 = vector.broadcast %ge3A_412 : i32 to vector<16xi32>
      %ge3A_414 = arith.cmpi sge, %iota3A_372, %ge3A_413 : vector<16xi32>
      %jit3A_415 = arith.constant 0.000000e+00 : f32
      %broadcast_in_dim3A_416 = vector.broadcast %jit3A_415 : f32 to vector<16xf32>
      %select_n3A_417 = arith.select %ge3A_414, %gather3A_411, %broadcast_in_dim3A_416 : vector<16xi1>, vector<16xf32>
      %add3A_418 = arith.addf %add3A_395, %select_n3A_417 : vector<16xf32>
      %sub3A_419 = arith.constant 4 : i32
      %sub3A_420 = vector.broadcast %sub3A_419 : i32 to vector<16xi32>
      %sub3A_421 = arith.subi %iota3A_372, %sub3A_420 : vector<16xi32>
      %max3A_422 = arith.constant 0 : i32
      %max3A_423 = vector.broadcast %max3A_422 : i32 to vector<16xi32>
      %max3A_424 = arith.maxsi %sub3A_421, %max3A_423 : vector<16xi32>
      %lt3A_425 = arith.constant 0 : i32
      %lt3A_426 = vector.broadcast %lt3A_425 : i32 to vector<16xi32>
      %lt3A_427 = arith.cmpi slt, %max3A_424, %lt3A_426 : vector<16xi32>
      %add3A_428 = arith.constant 16 : i32
      %add3A_429 = vector.broadcast %add3A_428 : i32 to vector<16xi32>
      %add3A_430 = arith.addi %max3A_424, %add3A_429 : vector<16xi32>
      %select_n3A_431 = arith.select %lt3A_427, %add3A_430, %max3A_424 : vector<16xi1>, vector<16xi32>
      %broadcast_in_dim3A_432 = vector.shape_cast %select_n3A_431 : vector<16xi32> to vector<16x1xi32>
      %gather3A_433 = vector.shape_cast %broadcast_in_dim3A_432 : vector<16x1xi32> to vector<16xi32>
      %gather3A_434 = tpu.dynamic_gather %add3A_418[%gather3A_433] in [0] : vector<16xf32>, vector<16xi32> -> vector<16xf32>
      %ge3A_435 = arith.constant 4 : i32
      %ge3A_436 = vector.broadcast %ge3A_435 : i32 to vector<16xi32>
      %ge3A_437 = arith.cmpi sge, %iota3A_372, %ge3A_436 : vector<16xi32>
      %jit3A_438 = arith.constant 0.000000e+00 : f32
      %broadcast_in_dim3A_439 = vector.broadcast %jit3A_438 : f32 to vector<16xf32>
      %select_n3A_440 = arith.select %ge3A_437, %gather3A_434, %broadcast_in_dim3A_439 : vector<16xi1>, vector<16xf32>
      %add3A_441 = arith.addf %add3A_418, %select_n3A_440 : vector<16xf32>
      %sub3A_442 = arith.constant 8 : i32
      %sub3A_443 = vector.broadcast %sub3A_442 : i32 to vector<16xi32>
      %sub3A_444 = arith.subi %iota3A_372, %sub3A_443 : vector<16xi32>
      %max3A_445 = arith.constant 0 : i32
      %max3A_446 = vector.broadcast %max3A_445 : i32 to vector<16xi32>
      %max3A_447 = arith.maxsi %sub3A_444, %max3A_446 : vector<16xi32>
      %lt3A_448 = arith.constant 0 : i32
      %lt3A_449 = vector.broadcast %lt3A_448 : i32 to vector<16xi32>
      %lt3A_450 = arith.cmpi slt, %max3A_447, %lt3A_449 : vector<16xi32>
      %add3A_451 = arith.constant 16 : i32
      %add3A_452 = vector.broadcast %add3A_451 : i32 to vector<16xi32>
      %add3A_453 = arith.addi %max3A_447, %add3A_452 : vector<16xi32>
      %select_n3A_454 = arith.select %lt3A_450, %add3A_453, %max3A_447 : vector<16xi1>, vector<16xi32>
      %broadcast_in_dim3A_455 = vector.shape_cast %select_n3A_454 : vector<16xi32> to vector<16x1xi32>
      %gather3A_456 = vector.shape_cast %broadcast_in_dim3A_455 : vector<16x1xi32> to vector<16xi32>
      %gather3A_457 = tpu.dynamic_gather %add3A_441[%gather3A_456] in [0] : vector<16xf32>, vector<16xi32> -> vector<16xf32>
      %ge3A_458 = arith.constant 8 : i32
      %ge3A_459 = vector.broadcast %ge3A_458 : i32 to vector<16xi32>
      %ge3A_460 = arith.cmpi sge, %iota3A_372, %ge3A_459 : vector<16xi32>
      %jit3A_461 = arith.constant 0.000000e+00 : f32
      %broadcast_in_dim3A_462 = vector.broadcast %jit3A_461 : f32 to vector<16xf32>
      %select_n3A_463 = arith.select %ge3A_460, %gather3A_457, %broadcast_in_dim3A_462 : vector<16xi1>, vector<16xf32>
      %add3A_464 = arith.addf %add3A_441, %select_n3A_463 : vector<16xf32>
      %broadcast_in_dim3A_465 = arith.constant 0 : i32
      %broadcast_in_dim3A_466 = vector.broadcast %broadcast_in_dim3A_465 : i32 to vector<16xi32>
      %add3A_467 = arith.constant 15 : i32
      %add3A_468 = vector.broadcast %add3A_467 : i32 to vector<16xi32>
      %add3A_469 = arith.addi %broadcast_in_dim3A_466, %add3A_468 : vector<16xi32>
      %lt3A_470 = arith.constant 0 : i32
      %lt3A_471 = vector.broadcast %lt3A_470 : i32 to vector<16xi32>
      %lt3A_472 = arith.cmpi slt, %add3A_469, %lt3A_471 : vector<16xi32>
      %add3A_473 = arith.constant 16 : i32
      %add3A_474 = vector.broadcast %add3A_473 : i32 to vector<16xi32>
      %add3A_475 = arith.addi %add3A_469, %add3A_474 : vector<16xi32>
      %select_n3A_476 = arith.select %lt3A_472, %add3A_475, %add3A_469 : vector<16xi1>, vector<16xi32>
      %broadcast_in_dim3A_477 = vector.shape_cast %select_n3A_476 : vector<16xi32> to vector<16x1xi32>
      %gather3A_478 = vector.shape_cast %broadcast_in_dim3A_477 : vector<16x1xi32> to vector<16xi32>
      %gather3A_479 = tpu.dynamic_gather %add3A_464[%gather3A_478] in [0] : vector<16xf32>, vector<16xi32> -> vector<16xf32>
      %convert_element_type3A_480 = arith.fptosi %gather3A_479 : vector<16xf32> to vector<16xi32>
      %add3A_481 = arith.constant 127 : i32
      %add3A_482 = vector.broadcast %add3A_481 : i32 to vector<16xi32>
      %add3A_483 = arith.addi %convert_element_type3A_480, %add3A_482 : vector<16xi32>
      %shift_right_logical3A_484 = arith.constant 7 : i32
      %shift_right_logical3A_485 = vector.broadcast %shift_right_logical3A_484 : i32 to vector<16xi32>
      %shift_right_logical3A_486 = arith.shrui %add3A_483, %shift_right_logical3A_485 : vector<16xi32>
      %shift_left3A_487 = arith.constant 7 : i32
      %shift_left3A_488 = vector.broadcast %shift_left3A_487 : i32 to vector<16xi32>
      %shift_left3A_489 = arith.shli %shift_right_logical3A_486, %shift_left3A_488 : vector<16xi32>
      %add3A_490 = arith.addi %add3A_371, %shift_left3A_489 : vector<16xi32>
      %iota3A_491 = tpu.iota {dimensions = array<i32: 0>} : vector<16xi32>
      %sub3A_492 = arith.constant 1 : i32
      %sub3A_493 = vector.broadcast %sub3A_492 : i32 to vector<16xi32>
      %sub3A_494 = arith.subi %iota3A_491, %sub3A_493 : vector<16xi32>
      %max3A_495 = arith.constant 0 : i32
      %max3A_496 = vector.broadcast %max3A_495 : i32 to vector<16xi32>
      %max3A_497 = arith.maxsi %sub3A_494, %max3A_496 : vector<16xi32>
      %lt3A_498 = arith.constant 0 : i32
      %lt3A_499 = vector.broadcast %lt3A_498 : i32 to vector<16xi32>
      %lt3A_500 = arith.cmpi slt, %max3A_497, %lt3A_499 : vector<16xi32>
      %add3A_501 = arith.constant 16 : i32
      %add3A_502 = vector.broadcast %add3A_501 : i32 to vector<16xi32>
      %add3A_503 = arith.addi %max3A_497, %add3A_502 : vector<16xi32>
      %select_n3A_504 = arith.select %lt3A_500, %add3A_503, %max3A_497 : vector<16xi1>, vector<16xi32>
      %broadcast_in_dim3A_505 = vector.shape_cast %select_n3A_504 : vector<16xi32> to vector<16x1xi32>
      %gather3A_506 = vector.shape_cast %broadcast_in_dim3A_505 : vector<16x1xi32> to vector<16xi32>
      %gather3A_507 = tpu.dynamic_gather %scan3A_21#4[%gather3A_506] in [0] : vector<16xf32>, vector<16xi32> -> vector<16xf32>
      %ge3A_508 = arith.constant 1 : i32
      %ge3A_509 = vector.broadcast %ge3A_508 : i32 to vector<16xi32>
      %ge3A_510 = arith.cmpi sge, %iota3A_491, %ge3A_509 : vector<16xi32>
      %jit3A_511 = arith.constant 0.000000e+00 : f32
      %broadcast_in_dim3A_512 = vector.broadcast %jit3A_511 : f32 to vector<16xf32>
      %select_n3A_513 = arith.select %ge3A_510, %gather3A_507, %broadcast_in_dim3A_512 : vector<16xi1>, vector<16xf32>
      %add3A_514 = arith.addf %scan3A_21#4, %select_n3A_513 : vector<16xf32>
      %sub3A_515 = arith.constant 2 : i32
      %sub3A_516 = vector.broadcast %sub3A_515 : i32 to vector<16xi32>
      %sub3A_517 = arith.subi %iota3A_491, %sub3A_516 : vector<16xi32>
      %max3A_518 = arith.constant 0 : i32
      %max3A_519 = vector.broadcast %max3A_518 : i32 to vector<16xi32>
      %max3A_520 = arith.maxsi %sub3A_517, %max3A_519 : vector<16xi32>
      %lt3A_521 = arith.constant 0 : i32
      %lt3A_522 = vector.broadcast %lt3A_521 : i32 to vector<16xi32>
      %lt3A_523 = arith.cmpi slt, %max3A_520, %lt3A_522 : vector<16xi32>
      %add3A_524 = arith.constant 16 : i32
      %add3A_525 = vector.broadcast %add3A_524 : i32 to vector<16xi32>
      %add3A_526 = arith.addi %max3A_520, %add3A_525 : vector<16xi32>
      %select_n3A_527 = arith.select %lt3A_523, %add3A_526, %max3A_520 : vector<16xi1>, vector<16xi32>
      %broadcast_in_dim3A_528 = vector.shape_cast %select_n3A_527 : vector<16xi32> to vector<16x1xi32>
      %gather3A_529 = vector.shape_cast %broadcast_in_dim3A_528 : vector<16x1xi32> to vector<16xi32>
      %gather3A_530 = tpu.dynamic_gather %add3A_514[%gather3A_529] in [0] : vector<16xf32>, vector<16xi32> -> vector<16xf32>
      %ge3A_531 = arith.constant 2 : i32
      %ge3A_532 = vector.broadcast %ge3A_531 : i32 to vector<16xi32>
      %ge3A_533 = arith.cmpi sge, %iota3A_491, %ge3A_532 : vector<16xi32>
      %jit3A_534 = arith.constant 0.000000e+00 : f32
      %broadcast_in_dim3A_535 = vector.broadcast %jit3A_534 : f32 to vector<16xf32>
      %select_n3A_536 = arith.select %ge3A_533, %gather3A_530, %broadcast_in_dim3A_535 : vector<16xi1>, vector<16xf32>
      %add3A_537 = arith.addf %add3A_514, %select_n3A_536 : vector<16xf32>
      %sub3A_538 = arith.constant 4 : i32
      %sub3A_539 = vector.broadcast %sub3A_538 : i32 to vector<16xi32>
      %sub3A_540 = arith.subi %iota3A_491, %sub3A_539 : vector<16xi32>
      %max3A_541 = arith.constant 0 : i32
      %max3A_542 = vector.broadcast %max3A_541 : i32 to vector<16xi32>
      %max3A_543 = arith.maxsi %sub3A_540, %max3A_542 : vector<16xi32>
      %lt3A_544 = arith.constant 0 : i32
      %lt3A_545 = vector.broadcast %lt3A_544 : i32 to vector<16xi32>
      %lt3A_546 = arith.cmpi slt, %max3A_543, %lt3A_545 : vector<16xi32>
      %add3A_547 = arith.constant 16 : i32
      %add3A_548 = vector.broadcast %add3A_547 : i32 to vector<16xi32>
      %add3A_549 = arith.addi %max3A_543, %add3A_548 : vector<16xi32>
      %select_n3A_550 = arith.select %lt3A_546, %add3A_549, %max3A_543 : vector<16xi1>, vector<16xi32>
      %broadcast_in_dim3A_551 = vector.shape_cast %select_n3A_550 : vector<16xi32> to vector<16x1xi32>
      %gather3A_552 = vector.shape_cast %broadcast_in_dim3A_551 : vector<16x1xi32> to vector<16xi32>
      %gather3A_553 = tpu.dynamic_gather %add3A_537[%gather3A_552] in [0] : vector<16xf32>, vector<16xi32> -> vector<16xf32>
      %ge3A_554 = arith.constant 4 : i32
      %ge3A_555 = vector.broadcast %ge3A_554 : i32 to vector<16xi32>
      %ge3A_556 = arith.cmpi sge, %iota3A_491, %ge3A_555 : vector<16xi32>
      %jit3A_557 = arith.constant 0.000000e+00 : f32
      %broadcast_in_dim3A_558 = vector.broadcast %jit3A_557 : f32 to vector<16xf32>
      %select_n3A_559 = arith.select %ge3A_556, %gather3A_553, %broadcast_in_dim3A_558 : vector<16xi1>, vector<16xf32>
      %add3A_560 = arith.addf %add3A_537, %select_n3A_559 : vector<16xf32>
      %sub3A_561 = arith.constant 8 : i32
      %sub3A_562 = vector.broadcast %sub3A_561 : i32 to vector<16xi32>
      %sub3A_563 = arith.subi %iota3A_491, %sub3A_562 : vector<16xi32>
      %max3A_564 = arith.constant 0 : i32
      %max3A_565 = vector.broadcast %max3A_564 : i32 to vector<16xi32>
      %max3A_566 = arith.maxsi %sub3A_563, %max3A_565 : vector<16xi32>
      %lt3A_567 = arith.constant 0 : i32
      %lt3A_568 = vector.broadcast %lt3A_567 : i32 to vector<16xi32>
      %lt3A_569 = arith.cmpi slt, %max3A_566, %lt3A_568 : vector<16xi32>
      %add3A_570 = arith.constant 16 : i32
      %add3A_571 = vector.broadcast %add3A_570 : i32 to vector<16xi32>
      %add3A_572 = arith.addi %max3A_566, %add3A_571 : vector<16xi32>
      %select_n3A_573 = arith.select %lt3A_569, %add3A_572, %max3A_566 : vector<16xi1>, vector<16xi32>
      %broadcast_in_dim3A_574 = vector.shape_cast %select_n3A_573 : vector<16xi32> to vector<16x1xi32>
      %gather3A_575 = vector.shape_cast %broadcast_in_dim3A_574 : vector<16x1xi32> to vector<16xi32>
      %gather3A_576 = tpu.dynamic_gather %add3A_560[%gather3A_575] in [0] : vector<16xf32>, vector<16xi32> -> vector<16xf32>
      %ge3A_577 = arith.constant 8 : i32
      %ge3A_578 = vector.broadcast %ge3A_577 : i32 to vector<16xi32>
      %ge3A_579 = arith.cmpi sge, %iota3A_491, %ge3A_578 : vector<16xi32>
      %jit3A_580 = arith.constant 0.000000e+00 : f32
      %broadcast_in_dim3A_581 = vector.broadcast %jit3A_580 : f32 to vector<16xf32>
      %select_n3A_582 = arith.select %ge3A_579, %gather3A_576, %broadcast_in_dim3A_581 : vector<16xi1>, vector<16xf32>
      %add3A_583 = arith.addf %add3A_560, %select_n3A_582 : vector<16xf32>
      %broadcast_in_dim3A_584 = arith.constant 0 : i32
      %broadcast_in_dim3A_585 = vector.broadcast %broadcast_in_dim3A_584 : i32 to vector<16xi32>
      %add3A_586 = arith.constant 15 : i32
      %add3A_587 = vector.broadcast %add3A_586 : i32 to vector<16xi32>
      %add3A_588 = arith.addi %broadcast_in_dim3A_585, %add3A_587 : vector<16xi32>
      %lt3A_589 = arith.constant 0 : i32
      %lt3A_590 = vector.broadcast %lt3A_589 : i32 to vector<16xi32>
      %lt3A_591 = arith.cmpi slt, %add3A_588, %lt3A_590 : vector<16xi32>
      %add3A_592 = arith.constant 16 : i32
      %add3A_593 = vector.broadcast %add3A_592 : i32 to vector<16xi32>
      %add3A_594 = arith.addi %add3A_588, %add3A_593 : vector<16xi32>
      %select_n3A_595 = arith.select %lt3A_591, %add3A_594, %add3A_588 : vector<16xi1>, vector<16xi32>
      %broadcast_in_dim3A_596 = vector.shape_cast %select_n3A_595 : vector<16xi32> to vector<16x1xi32>
      %gather3A_597 = vector.shape_cast %broadcast_in_dim3A_596 : vector<16x1xi32> to vector<16xi32>
      %gather3A_598 = tpu.dynamic_gather %add3A_583[%gather3A_597] in [0] : vector<16xf32>, vector<16xi32> -> vector<16xf32>
      %convert_element_type3A_599 = arith.fptosi %gather3A_598 : vector<16xf32> to vector<16xi32>
      %add3A_600 = arith.constant 127 : i32
      %add3A_601 = vector.broadcast %add3A_600 : i32 to vector<16xi32>
      %add3A_602 = arith.addi %convert_element_type3A_599, %add3A_601 : vector<16xi32>
      %shift_right_logical3A_603 = arith.constant 7 : i32
      %shift_right_logical3A_604 = vector.broadcast %shift_right_logical3A_603 : i32 to vector<16xi32>
      %shift_right_logical3A_605 = arith.shrui %add3A_602, %shift_right_logical3A_604 : vector<16xi32>
      %shift_left3A_606 = arith.constant 7 : i32
      %shift_left3A_607 = vector.broadcast %shift_left3A_606 : i32 to vector<16xi32>
      %shift_left3A_608 = arith.shli %shift_right_logical3A_605, %shift_left3A_607 : vector<16xi32>
      %add3A_609 = arith.addi %add3A_490, %shift_left3A_608 : vector<16xi32>
      %iota3A_610 = tpu.iota {dimensions = array<i32: 0>} : vector<16xi32>
      %sub3A_611 = arith.constant 1 : i32
      %sub3A_612 = vector.broadcast %sub3A_611 : i32 to vector<16xi32>
      %sub3A_613 = arith.subi %iota3A_610, %sub3A_612 : vector<16xi32>
      %max3A_614 = arith.constant 0 : i32
      %max3A_615 = vector.broadcast %max3A_614 : i32 to vector<16xi32>
      %max3A_616 = arith.maxsi %sub3A_613, %max3A_615 : vector<16xi32>
      %lt3A_617 = arith.constant 0 : i32
      %lt3A_618 = vector.broadcast %lt3A_617 : i32 to vector<16xi32>
      %lt3A_619 = arith.cmpi slt, %max3A_616, %lt3A_618 : vector<16xi32>
      %add3A_620 = arith.constant 16 : i32
      %add3A_621 = vector.broadcast %add3A_620 : i32 to vector<16xi32>
      %add3A_622 = arith.addi %max3A_616, %add3A_621 : vector<16xi32>
      %select_n3A_623 = arith.select %lt3A_619, %add3A_622, %max3A_616 : vector<16xi1>, vector<16xi32>
      %broadcast_in_dim3A_624 = vector.shape_cast %select_n3A_623 : vector<16xi32> to vector<16x1xi32>
      %gather3A_625 = vector.shape_cast %broadcast_in_dim3A_624 : vector<16x1xi32> to vector<16xi32>
      %gather3A_626 = tpu.dynamic_gather %scan3A_21#5[%gather3A_625] in [0] : vector<16xf32>, vector<16xi32> -> vector<16xf32>
      %ge3A_627 = arith.constant 1 : i32
      %ge3A_628 = vector.broadcast %ge3A_627 : i32 to vector<16xi32>
      %ge3A_629 = arith.cmpi sge, %iota3A_610, %ge3A_628 : vector<16xi32>
      %jit3A_630 = arith.constant 0.000000e+00 : f32
      %broadcast_in_dim3A_631 = vector.broadcast %jit3A_630 : f32 to vector<16xf32>
      %select_n3A_632 = arith.select %ge3A_629, %gather3A_626, %broadcast_in_dim3A_631 : vector<16xi1>, vector<16xf32>
      %add3A_633 = arith.addf %scan3A_21#5, %select_n3A_632 : vector<16xf32>
      %sub3A_634 = arith.constant 2 : i32
      %sub3A_635 = vector.broadcast %sub3A_634 : i32 to vector<16xi32>
      %sub3A_636 = arith.subi %iota3A_610, %sub3A_635 : vector<16xi32>
      %max3A_637 = arith.constant 0 : i32
      %max3A_638 = vector.broadcast %max3A_637 : i32 to vector<16xi32>
      %max3A_639 = arith.maxsi %sub3A_636, %max3A_638 : vector<16xi32>
      %lt3A_640 = arith.constant 0 : i32
      %lt3A_641 = vector.broadcast %lt3A_640 : i32 to vector<16xi32>
      %lt3A_642 = arith.cmpi slt, %max3A_639, %lt3A_641 : vector<16xi32>
      %add3A_643 = arith.constant 16 : i32
      %add3A_644 = vector.broadcast %add3A_643 : i32 to vector<16xi32>
      %add3A_645 = arith.addi %max3A_639, %add3A_644 : vector<16xi32>
      %select_n3A_646 = arith.select %lt3A_642, %add3A_645, %max3A_639 : vector<16xi1>, vector<16xi32>
      %broadcast_in_dim3A_647 = vector.shape_cast %select_n3A_646 : vector<16xi32> to vector<16x1xi32>
      %gather3A_648 = vector.shape_cast %broadcast_in_dim3A_647 : vector<16x1xi32> to vector<16xi32>
      %gather3A_649 = tpu.dynamic_gather %add3A_633[%gather3A_648] in [0] : vector<16xf32>, vector<16xi32> -> vector<16xf32>
      %ge3A_650 = arith.constant 2 : i32
      %ge3A_651 = vector.broadcast %ge3A_650 : i32 to vector<16xi32>
      %ge3A_652 = arith.cmpi sge, %iota3A_610, %ge3A_651 : vector<16xi32>
      %jit3A_653 = arith.constant 0.000000e+00 : f32
      %broadcast_in_dim3A_654 = vector.broadcast %jit3A_653 : f32 to vector<16xf32>
      %select_n3A_655 = arith.select %ge3A_652, %gather3A_649, %broadcast_in_dim3A_654 : vector<16xi1>, vector<16xf32>
      %add3A_656 = arith.addf %add3A_633, %select_n3A_655 : vector<16xf32>
      %sub3A_657 = arith.constant 4 : i32
      %sub3A_658 = vector.broadcast %sub3A_657 : i32 to vector<16xi32>
      %sub3A_659 = arith.subi %iota3A_610, %sub3A_658 : vector<16xi32>
      %max3A_660 = arith.constant 0 : i32
      %max3A_661 = vector.broadcast %max3A_660 : i32 to vector<16xi32>
      %max3A_662 = arith.maxsi %sub3A_659, %max3A_661 : vector<16xi32>
      %lt3A_663 = arith.constant 0 : i32
      %lt3A_664 = vector.broadcast %lt3A_663 : i32 to vector<16xi32>
      %lt3A_665 = arith.cmpi slt, %max3A_662, %lt3A_664 : vector<16xi32>
      %add3A_666 = arith.constant 16 : i32
      %add3A_667 = vector.broadcast %add3A_666 : i32 to vector<16xi32>
      %add3A_668 = arith.addi %max3A_662, %add3A_667 : vector<16xi32>
      %select_n3A_669 = arith.select %lt3A_665, %add3A_668, %max3A_662 : vector<16xi1>, vector<16xi32>
      %broadcast_in_dim3A_670 = vector.shape_cast %select_n3A_669 : vector<16xi32> to vector<16x1xi32>
      %gather3A_671 = vector.shape_cast %broadcast_in_dim3A_670 : vector<16x1xi32> to vector<16xi32>
      %gather3A_672 = tpu.dynamic_gather %add3A_656[%gather3A_671] in [0] : vector<16xf32>, vector<16xi32> -> vector<16xf32>
      %ge3A_673 = arith.constant 4 : i32
      %ge3A_674 = vector.broadcast %ge3A_673 : i32 to vector<16xi32>
      %ge3A_675 = arith.cmpi sge, %iota3A_610, %ge3A_674 : vector<16xi32>
      %jit3A_676 = arith.constant 0.000000e+00 : f32
      %broadcast_in_dim3A_677 = vector.broadcast %jit3A_676 : f32 to vector<16xf32>
      %select_n3A_678 = arith.select %ge3A_675, %gather3A_672, %broadcast_in_dim3A_677 : vector<16xi1>, vector<16xf32>
      %add3A_679 = arith.addf %add3A_656, %select_n3A_678 : vector<16xf32>
      %sub3A_680 = arith.constant 8 : i32
      %sub3A_681 = vector.broadcast %sub3A_680 : i32 to vector<16xi32>
      %sub3A_682 = arith.subi %iota3A_610, %sub3A_681 : vector<16xi32>
      %max3A_683 = arith.constant 0 : i32
      %max3A_684 = vector.broadcast %max3A_683 : i32 to vector<16xi32>
      %max3A_685 = arith.maxsi %sub3A_682, %max3A_684 : vector<16xi32>
      %lt3A_686 = arith.constant 0 : i32
      %lt3A_687 = vector.broadcast %lt3A_686 : i32 to vector<16xi32>
      %lt3A_688 = arith.cmpi slt, %max3A_685, %lt3A_687 : vector<16xi32>
      %add3A_689 = arith.constant 16 : i32
      %add3A_690 = vector.broadcast %add3A_689 : i32 to vector<16xi32>
      %add3A_691 = arith.addi %max3A_685, %add3A_690 : vector<16xi32>
      %select_n3A_692 = arith.select %lt3A_688, %add3A_691, %max3A_685 : vector<16xi1>, vector<16xi32>
      %broadcast_in_dim3A_693 = vector.shape_cast %select_n3A_692 : vector<16xi32> to vector<16x1xi32>
      %gather3A_694 = vector.shape_cast %broadcast_in_dim3A_693 : vector<16x1xi32> to vector<16xi32>
      %gather3A_695 = tpu.dynamic_gather %add3A_679[%gather3A_694] in [0] : vector<16xf32>, vector<16xi32> -> vector<16xf32>
      %ge3A_696 = arith.constant 8 : i32
      %ge3A_697 = vector.broadcast %ge3A_696 : i32 to vector<16xi32>
      %ge3A_698 = arith.cmpi sge, %iota3A_610, %ge3A_697 : vector<16xi32>
      %jit3A_699 = arith.constant 0.000000e+00 : f32
      %broadcast_in_dim3A_700 = vector.broadcast %jit3A_699 : f32 to vector<16xf32>
      %select_n3A_701 = arith.select %ge3A_698, %gather3A_695, %broadcast_in_dim3A_700 : vector<16xi1>, vector<16xf32>
      %add3A_702 = arith.addf %add3A_679, %select_n3A_701 : vector<16xf32>
      %broadcast_in_dim3A_703 = arith.constant 0 : i32
      %broadcast_in_dim3A_704 = vector.broadcast %broadcast_in_dim3A_703 : i32 to vector<16xi32>
      %add3A_705 = arith.constant 15 : i32
      %add3A_706 = vector.broadcast %add3A_705 : i32 to vector<16xi32>
      %add3A_707 = arith.addi %broadcast_in_dim3A_704, %add3A_706 : vector<16xi32>
      %lt3A_708 = arith.constant 0 : i32
      %lt3A_709 = vector.broadcast %lt3A_708 : i32 to vector<16xi32>
      %lt3A_710 = arith.cmpi slt, %add3A_707, %lt3A_709 : vector<16xi32>
      %add3A_711 = arith.constant 16 : i32
      %add3A_712 = vector.broadcast %add3A_711 : i32 to vector<16xi32>
      %add3A_713 = arith.addi %add3A_707, %add3A_712 : vector<16xi32>
      %select_n3A_714 = arith.select %lt3A_710, %add3A_713, %add3A_707 : vector<16xi1>, vector<16xi32>
      %broadcast_in_dim3A_715 = vector.shape_cast %select_n3A_714 : vector<16xi32> to vector<16x1xi32>
      %gather3A_716 = vector.shape_cast %broadcast_in_dim3A_715 : vector<16x1xi32> to vector<16xi32>
      %gather3A_717 = tpu.dynamic_gather %add3A_702[%gather3A_716] in [0] : vector<16xf32>, vector<16xi32> -> vector<16xf32>
      %convert_element_type3A_718 = arith.fptosi %gather3A_717 : vector<16xf32> to vector<16xi32>
      %add3A_719 = arith.constant 127 : i32
      %add3A_720 = vector.broadcast %add3A_719 : i32 to vector<16xi32>
      %add3A_721 = arith.addi %convert_element_type3A_718, %add3A_720 : vector<16xi32>
      %shift_right_logical3A_722 = arith.constant 7 : i32
      %shift_right_logical3A_723 = vector.broadcast %shift_right_logical3A_722 : i32 to vector<16xi32>
      %shift_right_logical3A_724 = arith.shrui %add3A_721, %shift_right_logical3A_723 : vector<16xi32>
      %shift_left3A_725 = arith.constant 7 : i32
      %shift_left3A_726 = vector.broadcast %shift_left3A_725 : i32 to vector<16xi32>
      %shift_left3A_727 = arith.shli %shift_right_logical3A_724, %shift_left3A_726 : vector<16xi32>
      %add3A_728 = arith.addi %add3A_609, %shift_left3A_727 : vector<16xi32>
      %iota3A_729 = tpu.iota {dimensions = array<i32: 0>} : vector<16xi32>
      %sub3A_730 = arith.constant 1 : i32
      %sub3A_731 = vector.broadcast %sub3A_730 : i32 to vector<16xi32>
      %sub3A_732 = arith.subi %iota3A_729, %sub3A_731 : vector<16xi32>
      %max3A_733 = arith.constant 0 : i32
      %max3A_734 = vector.broadcast %max3A_733 : i32 to vector<16xi32>
      %max3A_735 = arith.maxsi %sub3A_732, %max3A_734 : vector<16xi32>
      %lt3A_736 = arith.constant 0 : i32
      %lt3A_737 = vector.broadcast %lt3A_736 : i32 to vector<16xi32>
      %lt3A_738 = arith.cmpi slt, %max3A_735, %lt3A_737 : vector<16xi32>
      %add3A_739 = arith.constant 16 : i32
      %add3A_740 = vector.broadcast %add3A_739 : i32 to vector<16xi32>
      %add3A_741 = arith.addi %max3A_735, %add3A_740 : vector<16xi32>
      %select_n3A_742 = arith.select %lt3A_738, %add3A_741, %max3A_735 : vector<16xi1>, vector<16xi32>
      %broadcast_in_dim3A_743 = vector.shape_cast %select_n3A_742 : vector<16xi32> to vector<16x1xi32>
      %gather3A_744 = vector.shape_cast %broadcast_in_dim3A_743 : vector<16x1xi32> to vector<16xi32>
      %gather3A_745 = tpu.dynamic_gather %scan3A_21#6[%gather3A_744] in [0] : vector<16xf32>, vector<16xi32> -> vector<16xf32>
      %ge3A_746 = arith.constant 1 : i32
      %ge3A_747 = vector.broadcast %ge3A_746 : i32 to vector<16xi32>
      %ge3A_748 = arith.cmpi sge, %iota3A_729, %ge3A_747 : vector<16xi32>
      %jit3A_749 = arith.constant 0.000000e+00 : f32
      %broadcast_in_dim3A_750 = vector.broadcast %jit3A_749 : f32 to vector<16xf32>
      %select_n3A_751 = arith.select %ge3A_748, %gather3A_745, %broadcast_in_dim3A_750 : vector<16xi1>, vector<16xf32>
      %add3A_752 = arith.addf %scan3A_21#6, %select_n3A_751 : vector<16xf32>
      %sub3A_753 = arith.constant 2 : i32
      %sub3A_754 = vector.broadcast %sub3A_753 : i32 to vector<16xi32>
      %sub3A_755 = arith.subi %iota3A_729, %sub3A_754 : vector<16xi32>
      %max3A_756 = arith.constant 0 : i32
      %max3A_757 = vector.broadcast %max3A_756 : i32 to vector<16xi32>
      %max3A_758 = arith.maxsi %sub3A_755, %max3A_757 : vector<16xi32>
      %lt3A_759 = arith.constant 0 : i32
      %lt3A_760 = vector.broadcast %lt3A_759 : i32 to vector<16xi32>
      %lt3A_761 = arith.cmpi slt, %max3A_758, %lt3A_760 : vector<16xi32>
      %add3A_762 = arith.constant 16 : i32
      %add3A_763 = vector.broadcast %add3A_762 : i32 to vector<16xi32>
      %add3A_764 = arith.addi %max3A_758, %add3A_763 : vector<16xi32>
      %select_n3A_765 = arith.select %lt3A_761, %add3A_764, %max3A_758 : vector<16xi1>, vector<16xi32>
      %broadcast_in_dim3A_766 = vector.shape_cast %select_n3A_765 : vector<16xi32> to vector<16x1xi32>
      %gather3A_767 = vector.shape_cast %broadcast_in_dim3A_766 : vector<16x1xi32> to vector<16xi32>
      %gather3A_768 = tpu.dynamic_gather %add3A_752[%gather3A_767] in [0] : vector<16xf32>, vector<16xi32> -> vector<16xf32>
      %ge3A_769 = arith.constant 2 : i32
      %ge3A_770 = vector.broadcast %ge3A_769 : i32 to vector<16xi32>
      %ge3A_771 = arith.cmpi sge, %iota3A_729, %ge3A_770 : vector<16xi32>
      %jit3A_772 = arith.constant 0.000000e+00 : f32
      %broadcast_in_dim3A_773 = vector.broadcast %jit3A_772 : f32 to vector<16xf32>
      %select_n3A_774 = arith.select %ge3A_771, %gather3A_768, %broadcast_in_dim3A_773 : vector<16xi1>, vector<16xf32>
      %add3A_775 = arith.addf %add3A_752, %select_n3A_774 : vector<16xf32>
      %sub3A_776 = arith.constant 4 : i32
      %sub3A_777 = vector.broadcast %sub3A_776 : i32 to vector<16xi32>
      %sub3A_778 = arith.subi %iota3A_729, %sub3A_777 : vector<16xi32>
      %max3A_779 = arith.constant 0 : i32
      %max3A_780 = vector.broadcast %max3A_779 : i32 to vector<16xi32>
      %max3A_781 = arith.maxsi %sub3A_778, %max3A_780 : vector<16xi32>
      %lt3A_782 = arith.constant 0 : i32
      %lt3A_783 = vector.broadcast %lt3A_782 : i32 to vector<16xi32>
      %lt3A_784 = arith.cmpi slt, %max3A_781, %lt3A_783 : vector<16xi32>
      %add3A_785 = arith.constant 16 : i32
      %add3A_786 = vector.broadcast %add3A_785 : i32 to vector<16xi32>
      %add3A_787 = arith.addi %max3A_781, %add3A_786 : vector<16xi32>
      %select_n3A_788 = arith.select %lt3A_784, %add3A_787, %max3A_781 : vector<16xi1>, vector<16xi32>
      %broadcast_in_dim3A_789 = vector.shape_cast %select_n3A_788 : vector<16xi32> to vector<16x1xi32>
      %gather3A_790 = vector.shape_cast %broadcast_in_dim3A_789 : vector<16x1xi32> to vector<16xi32>
      %gather3A_791 = tpu.dynamic_gather %add3A_775[%gather3A_790] in [0] : vector<16xf32>, vector<16xi32> -> vector<16xf32>
      %ge3A_792 = arith.constant 4 : i32
      %ge3A_793 = vector.broadcast %ge3A_792 : i32 to vector<16xi32>
      %ge3A_794 = arith.cmpi sge, %iota3A_729, %ge3A_793 : vector<16xi32>
      %jit3A_795 = arith.constant 0.000000e+00 : f32
      %broadcast_in_dim3A_796 = vector.broadcast %jit3A_795 : f32 to vector<16xf32>
      %select_n3A_797 = arith.select %ge3A_794, %gather3A_791, %broadcast_in_dim3A_796 : vector<16xi1>, vector<16xf32>
      %add3A_798 = arith.addf %add3A_775, %select_n3A_797 : vector<16xf32>
      %sub3A_799 = arith.constant 8 : i32
      %sub3A_800 = vector.broadcast %sub3A_799 : i32 to vector<16xi32>
      %sub3A_801 = arith.subi %iota3A_729, %sub3A_800 : vector<16xi32>
      %max3A_802 = arith.constant 0 : i32
      %max3A_803 = vector.broadcast %max3A_802 : i32 to vector<16xi32>
      %max3A_804 = arith.maxsi %sub3A_801, %max3A_803 : vector<16xi32>
      %lt3A_805 = arith.constant 0 : i32
      %lt3A_806 = vector.broadcast %lt3A_805 : i32 to vector<16xi32>
      %lt3A_807 = arith.cmpi slt, %max3A_804, %lt3A_806 : vector<16xi32>
      %add3A_808 = arith.constant 16 : i32
      %add3A_809 = vector.broadcast %add3A_808 : i32 to vector<16xi32>
      %add3A_810 = arith.addi %max3A_804, %add3A_809 : vector<16xi32>
      %select_n3A_811 = arith.select %lt3A_807, %add3A_810, %max3A_804 : vector<16xi1>, vector<16xi32>
      %broadcast_in_dim3A_812 = vector.shape_cast %select_n3A_811 : vector<16xi32> to vector<16x1xi32>
      %gather3A_813 = vector.shape_cast %broadcast_in_dim3A_812 : vector<16x1xi32> to vector<16xi32>
      %gather3A_814 = tpu.dynamic_gather %add3A_798[%gather3A_813] in [0] : vector<16xf32>, vector<16xi32> -> vector<16xf32>
      %ge3A_815 = arith.constant 8 : i32
      %ge3A_816 = vector.broadcast %ge3A_815 : i32 to vector<16xi32>
      %ge3A_817 = arith.cmpi sge, %iota3A_729, %ge3A_816 : vector<16xi32>
      %jit3A_818 = arith.constant 0.000000e+00 : f32
      %broadcast_in_dim3A_819 = vector.broadcast %jit3A_818 : f32 to vector<16xf32>
      %select_n3A_820 = arith.select %ge3A_817, %gather3A_814, %broadcast_in_dim3A_819 : vector<16xi1>, vector<16xf32>
      %add3A_821 = arith.addf %add3A_798, %select_n3A_820 : vector<16xf32>
      %broadcast_in_dim3A_822 = arith.constant 0 : i32
      %broadcast_in_dim3A_823 = vector.broadcast %broadcast_in_dim3A_822 : i32 to vector<16xi32>
      %add3A_824 = arith.constant 15 : i32
      %add3A_825 = vector.broadcast %add3A_824 : i32 to vector<16xi32>
      %add3A_826 = arith.addi %broadcast_in_dim3A_823, %add3A_825 : vector<16xi32>
      %lt3A_827 = arith.constant 0 : i32
      %lt3A_828 = vector.broadcast %lt3A_827 : i32 to vector<16xi32>
      %lt3A_829 = arith.cmpi slt, %add3A_826, %lt3A_828 : vector<16xi32>
      %add3A_830 = arith.constant 16 : i32
      %add3A_831 = vector.broadcast %add3A_830 : i32 to vector<16xi32>
      %add3A_832 = arith.addi %add3A_826, %add3A_831 : vector<16xi32>
      %select_n3A_833 = arith.select %lt3A_829, %add3A_832, %add3A_826 : vector<16xi1>, vector<16xi32>
      %broadcast_in_dim3A_834 = vector.shape_cast %select_n3A_833 : vector<16xi32> to vector<16x1xi32>
      %gather3A_835 = vector.shape_cast %broadcast_in_dim3A_834 : vector<16x1xi32> to vector<16xi32>
      %gather3A_836 = tpu.dynamic_gather %add3A_821[%gather3A_835] in [0] : vector<16xf32>, vector<16xi32> -> vector<16xf32>
      %convert_element_type3A_837 = arith.fptosi %gather3A_836 : vector<16xf32> to vector<16xi32>
      %add3A_838 = arith.constant 127 : i32
      %add3A_839 = vector.broadcast %add3A_838 : i32 to vector<16xi32>
      %add3A_840 = arith.addi %convert_element_type3A_837, %add3A_839 : vector<16xi32>
      %shift_right_logical3A_841 = arith.constant 7 : i32
      %shift_right_logical3A_842 = vector.broadcast %shift_right_logical3A_841 : i32 to vector<16xi32>
      %shift_right_logical3A_843 = arith.shrui %add3A_840, %shift_right_logical3A_842 : vector<16xi32>
      %shift_left3A_844 = arith.constant 7 : i32
      %shift_left3A_845 = vector.broadcast %shift_left3A_844 : i32 to vector<16xi32>
      %shift_left3A_846 = arith.shli %shift_right_logical3A_843, %shift_left3A_845 : vector<16xi32>
      %add3A_847 = arith.addi %add3A_728, %shift_left3A_846 : vector<16xi32>
      %iota3A_848 = tpu.iota {dimensions = array<i32: 0>} : vector<16xi32>
      %sub3A_849 = arith.constant 1 : i32
      %sub3A_850 = vector.broadcast %sub3A_849 : i32 to vector<16xi32>
      %sub3A_851 = arith.subi %iota3A_848, %sub3A_850 : vector<16xi32>
      %max3A_852 = arith.constant 0 : i32
      %max3A_853 = vector.broadcast %max3A_852 : i32 to vector<16xi32>
      %max3A_854 = arith.maxsi %sub3A_851, %max3A_853 : vector<16xi32>
      %lt3A_855 = arith.constant 0 : i32
      %lt3A_856 = vector.broadcast %lt3A_855 : i32 to vector<16xi32>
      %lt3A_857 = arith.cmpi slt, %max3A_854, %lt3A_856 : vector<16xi32>
      %add3A_858 = arith.constant 16 : i32
      %add3A_859 = vector.broadcast %add3A_858 : i32 to vector<16xi32>
      %add3A_860 = arith.addi %max3A_854, %add3A_859 : vector<16xi32>
      %select_n3A_861 = arith.select %lt3A_857, %add3A_860, %max3A_854 : vector<16xi1>, vector<16xi32>
      %broadcast_in_dim3A_862 = vector.shape_cast %select_n3A_861 : vector<16xi32> to vector<16x1xi32>
      %gather3A_863 = vector.shape_cast %broadcast_in_dim3A_862 : vector<16x1xi32> to vector<16xi32>
      %gather3A_864 = tpu.dynamic_gather %scan3A_21#7[%gather3A_863] in [0] : vector<16xf32>, vector<16xi32> -> vector<16xf32>
      %ge3A_865 = arith.constant 1 : i32
      %ge3A_866 = vector.broadcast %ge3A_865 : i32 to vector<16xi32>
      %ge3A_867 = arith.cmpi sge, %iota3A_848, %ge3A_866 : vector<16xi32>
      %jit3A_868 = arith.constant 0.000000e+00 : f32
      %broadcast_in_dim3A_869 = vector.broadcast %jit3A_868 : f32 to vector<16xf32>
      %select_n3A_870 = arith.select %ge3A_867, %gather3A_864, %broadcast_in_dim3A_869 : vector<16xi1>, vector<16xf32>
      %add3A_871 = arith.addf %scan3A_21#7, %select_n3A_870 : vector<16xf32>
      %sub3A_872 = arith.constant 2 : i32
      %sub3A_873 = vector.broadcast %sub3A_872 : i32 to vector<16xi32>
      %sub3A_874 = arith.subi %iota3A_848, %sub3A_873 : vector<16xi32>
      %max3A_875 = arith.constant 0 : i32
      %max3A_876 = vector.broadcast %max3A_875 : i32 to vector<16xi32>
      %max3A_877 = arith.maxsi %sub3A_874, %max3A_876 : vector<16xi32>
      %lt3A_878 = arith.constant 0 : i32
      %lt3A_879 = vector.broadcast %lt3A_878 : i32 to vector<16xi32>
      %lt3A_880 = arith.cmpi slt, %max3A_877, %lt3A_879 : vector<16xi32>
      %add3A_881 = arith.constant 16 : i32
      %add3A_882 = vector.broadcast %add3A_881 : i32 to vector<16xi32>
      %add3A_883 = arith.addi %max3A_877, %add3A_882 : vector<16xi32>
      %select_n3A_884 = arith.select %lt3A_880, %add3A_883, %max3A_877 : vector<16xi1>, vector<16xi32>
      %broadcast_in_dim3A_885 = vector.shape_cast %select_n3A_884 : vector<16xi32> to vector<16x1xi32>
      %gather3A_886 = vector.shape_cast %broadcast_in_dim3A_885 : vector<16x1xi32> to vector<16xi32>
      %gather3A_887 = tpu.dynamic_gather %add3A_871[%gather3A_886] in [0] : vector<16xf32>, vector<16xi32> -> vector<16xf32>
      %ge3A_888 = arith.constant 2 : i32
      %ge3A_889 = vector.broadcast %ge3A_888 : i32 to vector<16xi32>
      %ge3A_890 = arith.cmpi sge, %iota3A_848, %ge3A_889 : vector<16xi32>
      %jit3A_891 = arith.constant 0.000000e+00 : f32
      %broadcast_in_dim3A_892 = vector.broadcast %jit3A_891 : f32 to vector<16xf32>
      %select_n3A_893 = arith.select %ge3A_890, %gather3A_887, %broadcast_in_dim3A_892 : vector<16xi1>, vector<16xf32>
      %add3A_894 = arith.addf %add3A_871, %select_n3A_893 : vector<16xf32>
      %sub3A_895 = arith.constant 4 : i32
      %sub3A_896 = vector.broadcast %sub3A_895 : i32 to vector<16xi32>
      %sub3A_897 = arith.subi %iota3A_848, %sub3A_896 : vector<16xi32>
      %max3A_898 = arith.constant 0 : i32
      %max3A_899 = vector.broadcast %max3A_898 : i32 to vector<16xi32>
      %max3A_900 = arith.maxsi %sub3A_897, %max3A_899 : vector<16xi32>
      %lt3A_901 = arith.constant 0 : i32
      %lt3A_902 = vector.broadcast %lt3A_901 : i32 to vector<16xi32>
      %lt3A_903 = arith.cmpi slt, %max3A_900, %lt3A_902 : vector<16xi32>
      %add3A_904 = arith.constant 16 : i32
      %add3A_905 = vector.broadcast %add3A_904 : i32 to vector<16xi32>
      %add3A_906 = arith.addi %max3A_900, %add3A_905 : vector<16xi32>
      %select_n3A_907 = arith.select %lt3A_903, %add3A_906, %max3A_900 : vector<16xi1>, vector<16xi32>
      %broadcast_in_dim3A_908 = vector.shape_cast %select_n3A_907 : vector<16xi32> to vector<16x1xi32>
      %gather3A_909 = vector.shape_cast %broadcast_in_dim3A_908 : vector<16x1xi32> to vector<16xi32>
      %gather3A_910 = tpu.dynamic_gather %add3A_894[%gather3A_909] in [0] : vector<16xf32>, vector<16xi32> -> vector<16xf32>
      %ge3A_911 = arith.constant 4 : i32
      %ge3A_912 = vector.broadcast %ge3A_911 : i32 to vector<16xi32>
      %ge3A_913 = arith.cmpi sge, %iota3A_848, %ge3A_912 : vector<16xi32>
      %jit3A_914 = arith.constant 0.000000e+00 : f32
      %broadcast_in_dim3A_915 = vector.broadcast %jit3A_914 : f32 to vector<16xf32>
      %select_n3A_916 = arith.select %ge3A_913, %gather3A_910, %broadcast_in_dim3A_915 : vector<16xi1>, vector<16xf32>
      %add3A_917 = arith.addf %add3A_894, %select_n3A_916 : vector<16xf32>
      %sub3A_918 = arith.constant 8 : i32
      %sub3A_919 = vector.broadcast %sub3A_918 : i32 to vector<16xi32>
      %sub3A_920 = arith.subi %iota3A_848, %sub3A_919 : vector<16xi32>
      %max3A_921 = arith.constant 0 : i32
      %max3A_922 = vector.broadcast %max3A_921 : i32 to vector<16xi32>
      %max3A_923 = arith.maxsi %sub3A_920, %max3A_922 : vector<16xi32>
      %lt3A_924 = arith.constant 0 : i32
      %lt3A_925 = vector.broadcast %lt3A_924 : i32 to vector<16xi32>
      %lt3A_926 = arith.cmpi slt, %max3A_923, %lt3A_925 : vector<16xi32>
      %add3A_927 = arith.constant 16 : i32
      %add3A_928 = vector.broadcast %add3A_927 : i32 to vector<16xi32>
      %add3A_929 = arith.addi %max3A_923, %add3A_928 : vector<16xi32>
      %select_n3A_930 = arith.select %lt3A_926, %add3A_929, %max3A_923 : vector<16xi1>, vector<16xi32>
      %broadcast_in_dim3A_931 = vector.shape_cast %select_n3A_930 : vector<16xi32> to vector<16x1xi32>
      %gather3A_932 = vector.shape_cast %broadcast_in_dim3A_931 : vector<16x1xi32> to vector<16xi32>
      %gather3A_933 = tpu.dynamic_gather %add3A_917[%gather3A_932] in [0] : vector<16xf32>, vector<16xi32> -> vector<16xf32>
      %ge3A_934 = arith.constant 8 : i32
      %ge3A_935 = vector.broadcast %ge3A_934 : i32 to vector<16xi32>
      %ge3A_936 = arith.cmpi sge, %iota3A_848, %ge3A_935 : vector<16xi32>
      %jit3A_937 = arith.constant 0.000000e+00 : f32
      %broadcast_in_dim3A_938 = vector.broadcast %jit3A_937 : f32 to vector<16xf32>
      %select_n3A_939 = arith.select %ge3A_936, %gather3A_933, %broadcast_in_dim3A_938 : vector<16xi1>, vector<16xf32>
      %add3A_940 = arith.addf %add3A_917, %select_n3A_939 : vector<16xf32>
      %broadcast_in_dim3A_941 = arith.constant 0 : i32
      %broadcast_in_dim3A_942 = vector.broadcast %broadcast_in_dim3A_941 : i32 to vector<16xi32>
      %add3A_943 = arith.constant 15 : i32
      %add3A_944 = vector.broadcast %add3A_943 : i32 to vector<16xi32>
      %add3A_945 = arith.addi %broadcast_in_dim3A_942, %add3A_944 : vector<16xi32>
      %lt3A_946 = arith.constant 0 : i32
      %lt3A_947 = vector.broadcast %lt3A_946 : i32 to vector<16xi32>
      %lt3A_948 = arith.cmpi slt, %add3A_945, %lt3A_947 : vector<16xi32>
      %add3A_949 = arith.constant 16 : i32
      %add3A_950 = vector.broadcast %add3A_949 : i32 to vector<16xi32>
      %add3A_951 = arith.addi %add3A_945, %add3A_950 : vector<16xi32>
      %select_n3A_952 = arith.select %lt3A_948, %add3A_951, %add3A_945 : vector<16xi1>, vector<16xi32>
      %broadcast_in_dim3A_953 = vector.shape_cast %select_n3A_952 : vector<16xi32> to vector<16x1xi32>
      %gather3A_954 = vector.shape_cast %broadcast_in_dim3A_953 : vector<16x1xi32> to vector<16xi32>
      %gather3A_955 = tpu.dynamic_gather %add3A_940[%gather3A_954] in [0] : vector<16xf32>, vector<16xi32> -> vector<16xf32>
      %convert_element_type3A_956 = arith.fptosi %gather3A_955 : vector<16xf32> to vector<16xi32>
      %add3A_957 = arith.constant 127 : i32
      %add3A_958 = vector.broadcast %add3A_957 : i32 to vector<16xi32>
      %add3A_959 = arith.addi %convert_element_type3A_956, %add3A_958 : vector<16xi32>
      %shift_right_logical3A_960 = arith.constant 7 : i32
      %shift_right_logical3A_961 = vector.broadcast %shift_right_logical3A_960 : i32 to vector<16xi32>
      %shift_right_logical3A_962 = arith.shrui %add3A_959, %shift_right_logical3A_961 : vector<16xi32>
      %shift_left3A_963 = arith.constant 7 : i32
      %shift_left3A_964 = vector.broadcast %shift_left3A_963 : i32 to vector<16xi32>
      %shift_left3A_965 = arith.shli %shift_right_logical3A_962, %shift_left3A_964 : vector<16xi32>
      %add3A_966 = arith.addi %add3A_847, %shift_left3A_965 : vector<16xi32>
      %iota3A_967 = tpu.iota {dimensions = array<i32: 0>} : vector<16xi32>
      %add3A_968 = arith.constant 0 : i32
      %add3A_969 = vector.broadcast %add3A_968 : i32 to vector<16xi32>
      %add3A_970 = arith.addi %iota3A_967, %add3A_969 : vector<16xi32>
      %mul3A_971 = arith.constant 128 : i32
      %mul3A_972 = vector.broadcast %mul3A_971 : i32 to vector<16xi32>
      %mul3A_973 = arith.muli %add3A_970, %mul3A_972 : vector<16xi32>
      %broadcast_in_dim3A_974 = arith.constant 0 : i32
      %broadcast_in_dim3A_975 = vector.broadcast %broadcast_in_dim3A_974 : i32 to vector<16xi32>
      %ge3A_976 = arith.cmpi sge, %mul3A_973, %broadcast_in_dim3A_24 : vector<16xi32>
      %jit3A_977 = arith.constant 1 : i32
      %jit3A_978 = arith.constant 0 : i32
      %broadcast_in_dim3A_979 = vector.broadcast %jit3A_977 : i32 to vector<16xi32>
      %broadcast_in_dim3A_980 = vector.broadcast %jit3A_978 : i32 to vector<16xi32>
      %select_n3A_981 = arith.select %ge3A_976, %broadcast_in_dim3A_979, %broadcast_in_dim3A_980 : vector<16xi1>, vector<16xi32>
      %add3A_982 = arith.addi %broadcast_in_dim3A_975, %select_n3A_981 : vector<16xi32>
      %ge3A_983 = arith.cmpi sge, %mul3A_973, %add3A_133 : vector<16xi32>
      %jit3A_984 = arith.constant 1 : i32
      %jit3A_985 = arith.constant 0 : i32
      %broadcast_in_dim3A_986 = vector.broadcast %jit3A_984 : i32 to vector<16xi32>
      %broadcast_in_dim3A_987 = vector.broadcast %jit3A_985 : i32 to vector<16xi32>
      %select_n3A_988 = arith.select %ge3A_983, %broadcast_in_dim3A_986, %broadcast_in_dim3A_987 : vector<16xi1>, vector<16xi32>
      %add3A_989 = arith.addi %add3A_982, %select_n3A_988 : vector<16xi32>
      %ge3A_990 = arith.cmpi sge, %mul3A_973, %add3A_252 : vector<16xi32>
      %jit3A_991 = arith.constant 1 : i32
      %jit3A_992 = arith.constant 0 : i32
      %broadcast_in_dim3A_993 = vector.broadcast %jit3A_991 : i32 to vector<16xi32>
      %broadcast_in_dim3A_994 = vector.broadcast %jit3A_992 : i32 to vector<16xi32>
      %select_n3A_995 = arith.select %ge3A_990, %broadcast_in_dim3A_993, %broadcast_in_dim3A_994 : vector<16xi1>, vector<16xi32>
      %add3A_996 = arith.addi %add3A_989, %select_n3A_995 : vector<16xi32>
      %ge3A_997 = arith.cmpi sge, %mul3A_973, %add3A_371 : vector<16xi32>
      %jit3A_998 = arith.constant 1 : i32
      %jit3A_999 = arith.constant 0 : i32
      %broadcast_in_dim3A_1000 = vector.broadcast %jit3A_998 : i32 to vector<16xi32>
      %broadcast_in_dim3A_1001 = vector.broadcast %jit3A_999 : i32 to vector<16xi32>
      %select_n3A_1002 = arith.select %ge3A_997, %broadcast_in_dim3A_1000, %broadcast_in_dim3A_1001 : vector<16xi1>, vector<16xi32>
      %add3A_1003 = arith.addi %add3A_996, %select_n3A_1002 : vector<16xi32>
      %ge3A_1004 = arith.cmpi sge, %mul3A_973, %add3A_490 : vector<16xi32>
      %jit3A_1005 = arith.constant 1 : i32
      %jit3A_1006 = arith.constant 0 : i32
      %broadcast_in_dim3A_1007 = vector.broadcast %jit3A_1005 : i32 to vector<16xi32>
      %broadcast_in_dim3A_1008 = vector.broadcast %jit3A_1006 : i32 to vector<16xi32>
      %select_n3A_1009 = arith.select %ge3A_1004, %broadcast_in_dim3A_1007, %broadcast_in_dim3A_1008 : vector<16xi1>, vector<16xi32>
      %add3A_1010 = arith.addi %add3A_1003, %select_n3A_1009 : vector<16xi32>
      %ge3A_1011 = arith.cmpi sge, %mul3A_973, %add3A_609 : vector<16xi32>
      %jit3A_1012 = arith.constant 1 : i32
      %jit3A_1013 = arith.constant 0 : i32
      %broadcast_in_dim3A_1014 = vector.broadcast %jit3A_1012 : i32 to vector<16xi32>
      %broadcast_in_dim3A_1015 = vector.broadcast %jit3A_1013 : i32 to vector<16xi32>
      %select_n3A_1016 = arith.select %ge3A_1011, %broadcast_in_dim3A_1014, %broadcast_in_dim3A_1015 : vector<16xi1>, vector<16xi32>
      %add3A_1017 = arith.addi %add3A_1010, %select_n3A_1016 : vector<16xi32>
      %ge3A_1018 = arith.cmpi sge, %mul3A_973, %add3A_728 : vector<16xi32>
      %jit3A_1019 = arith.constant 1 : i32
      %jit3A_1020 = arith.constant 0 : i32
      %broadcast_in_dim3A_1021 = vector.broadcast %jit3A_1019 : i32 to vector<16xi32>
      %broadcast_in_dim3A_1022 = vector.broadcast %jit3A_1020 : i32 to vector<16xi32>
      %select_n3A_1023 = arith.select %ge3A_1018, %broadcast_in_dim3A_1021, %broadcast_in_dim3A_1022 : vector<16xi1>, vector<16xi32>
      %add3A_1024 = arith.addi %add3A_1017, %select_n3A_1023 : vector<16xi32>
      %ge3A_1025 = arith.cmpi sge, %mul3A_973, %add3A_847 : vector<16xi32>
      %jit3A_1026 = arith.constant 1 : i32
      %jit3A_1027 = arith.constant 0 : i32
      %broadcast_in_dim3A_1028 = vector.broadcast %jit3A_1026 : i32 to vector<16xi32>
      %broadcast_in_dim3A_1029 = vector.broadcast %jit3A_1027 : i32 to vector<16xi32>
      %select_n3A_1030 = arith.select %ge3A_1025, %broadcast_in_dim3A_1028, %broadcast_in_dim3A_1029 : vector<16xi1>, vector<16xi32>
      %add3A_1031 = arith.addi %add3A_1024, %select_n3A_1030 : vector<16xi32>
      %sub3A_1032 = arith.constant 1 : i32
      %sub3A_1033 = vector.broadcast %sub3A_1032 : i32 to vector<16xi32>
      %sub3A_1034 = arith.subi %add3A_1031, %sub3A_1033 : vector<16xi32>
      %swap3A = arith.constant 0 : index
      %swap3A_1035 = tpu.vector_load %arg6[%swap3A] {strides = array<i32>} : memref<48xi32, #tpu.memory_space<vmem>>, vector<16xi32>,
      %swap3A_1036 = vector.shape_cast %swap3A_1035 : vector<16xi32> to vector<16xi32>
      %swap3A_1037 = vector.shape_cast %sub3A_1034 : vector<16xi32> to vector<16xi32>
      tpu.vector_store %arg6[%swap3A], %swap3A_1037 {strides = array<i32>} : memref<48xi32, #tpu.memory_space<vmem>>, vector<16xi32>,
      %iota3A_1038 = tpu.iota {dimensions = array<i32: 0>} : vector<16xi32>
      %add3A_1039 = arith.constant 16 : i32
      %add3A_1040 = vector.broadcast %add3A_1039 : i32 to vector<16xi32>
      %add3A_1041 = arith.addi %iota3A_1038, %add3A_1040 : vector<16xi32>
      %mul3A_1042 = arith.constant 128 : i32
      %mul3A_1043 = vector.broadcast %mul3A_1042 : i32 to vector<16xi32>
      %mul3A_1044 = arith.muli %add3A_1041, %mul3A_1043 : vector<16xi32>
      %broadcast_in_dim3A_1045 = arith.constant 0 : i32
      %broadcast_in_dim3A_1046 = vector.broadcast %broadcast_in_dim3A_1045 : i32 to vector<16xi32>
      %ge3A_1047 = arith.cmpi sge, %mul3A_1044, %broadcast_in_dim3A_24 : vector<16xi32>
      %jit3A_1048 = arith.constant 1 : i32
      %jit3A_1049 = arith.constant 0 : i32
      %broadcast_in_dim3A_1050 = vector.broadcast %jit3A_1048 : i32 to vector<16xi32>
      %broadcast_in_dim3A_1051 = vector.broadcast %jit3A_1049 : i32 to vector<16xi32>
      %select_n3A_1052 = arith.select %ge3A_1047, %broadcast_in_dim3A_1050, %broadcast_in_dim3A_1051 : vector<16xi1>, vector<16xi32>
      %add3A_1053 = arith.addi %broadcast_in_dim3A_1046, %select_n3A_1052 : vector<16xi32>
      %ge3A_1054 = arith.cmpi sge, %mul3A_1044, %add3A_133 : vector<16xi32>
      %jit3A_1055 = arith.constant 1 : i32
      %jit3A_1056 = arith.constant 0 : i32
      %broadcast_in_dim3A_1057 = vector.broadcast %jit3A_1055 : i32 to vector<16xi32>
      %broadcast_in_dim3A_1058 = vector.broadcast %jit3A_1056 : i32 to vector<16xi32>
      %select_n3A_1059 = arith.select %ge3A_1054, %broadcast_in_dim3A_1057, %broadcast_in_dim3A_1058 : vector<16xi1>, vector<16xi32>
      %add3A_1060 = arith.addi %add3A_1053, %select_n3A_1059 : vector<16xi32>
      %ge3A_1061 = arith.cmpi sge, %mul3A_1044, %add3A_252 : vector<16xi32>
      %jit3A_1062 = arith.constant 1 : i32
      %jit3A_1063 = arith.constant 0 : i32
      %broadcast_in_dim3A_1064 = vector.broadcast %jit3A_1062 : i32 to vector<16xi32>
      %broadcast_in_dim3A_1065 = vector.broadcast %jit3A_1063 : i32 to vector<16xi32>
      %select_n3A_1066 = arith.select %ge3A_1061, %broadcast_in_dim3A_1064, %broadcast_in_dim3A_1065 : vector<16xi1>, vector<16xi32>
      %add3A_1067 = arith.addi %add3A_1060, %select_n3A_1066 : vector<16xi32>
      %ge3A_1068 = arith.cmpi sge, %mul3A_1044, %add3A_371 : vector<16xi32>
      %jit3A_1069 = arith.constant 1 : i32
      %jit3A_1070 = arith.constant 0 : i32
      %broadcast_in_dim3A_1071 = vector.broadcast %jit3A_1069 : i32 to vector<16xi32>
      %broadcast_in_dim3A_1072 = vector.broadcast %jit3A_1070 : i32 to vector<16xi32>
      %select_n3A_1073 = arith.select %ge3A_1068, %broadcast_in_dim3A_1071, %broadcast_in_dim3A_1072 : vector<16xi1>, vector<16xi32>
      %add3A_1074 = arith.addi %add3A_1067, %select_n3A_1073 : vector<16xi32>
      %ge3A_1075 = arith.cmpi sge, %mul3A_1044, %add3A_490 : vector<16xi32>
      %jit3A_1076 = arith.constant 1 : i32
      %jit3A_1077 = arith.constant 0 : i32
      %broadcast_in_dim3A_1078 = vector.broadcast %jit3A_1076 : i32 to vector<16xi32>
      %broadcast_in_dim3A_1079 = vector.broadcast %jit3A_1077 : i32 to vector<16xi32>
      %select_n3A_1080 = arith.select %ge3A_1075, %broadcast_in_dim3A_1078, %broadcast_in_dim3A_1079 : vector<16xi1>, vector<16xi32>
      %add3A_1081 = arith.addi %add3A_1074, %select_n3A_1080 : vector<16xi32>
      %ge3A_1082 = arith.cmpi sge, %mul3A_1044, %add3A_609 : vector<16xi32>
      %jit3A_1083 = arith.constant 1 : i32
      %jit3A_1084 = arith.constant 0 : i32
      %broadcast_in_dim3A_1085 = vector.broadcast %jit3A_1083 : i32 to vector<16xi32>
      %broadcast_in_dim3A_1086 = vector.broadcast %jit3A_1084 : i32 to vector<16xi32>
      %select_n3A_1087 = arith.select %ge3A_1082, %broadcast_in_dim3A_1085, %broadcast_in_dim3A_1086 : vector<16xi1>, vector<16xi32>
      %add3A_1088 = arith.addi %add3A_1081, %select_n3A_1087 : vector<16xi32>
      %ge3A_1089 = arith.cmpi sge, %mul3A_1044, %add3A_728 : vector<16xi32>
      %jit3A_1090 = arith.constant 1 : i32
      %jit3A_1091 = arith.constant 0 : i32
      %broadcast_in_dim3A_1092 = vector.broadcast %jit3A_1090 : i32 to vector<16xi32>
      %broadcast_in_dim3A_1093 = vector.broadcast %jit3A_1091 : i32 to vector<16xi32>
      %select_n3A_1094 = arith.select %ge3A_1089, %broadcast_in_dim3A_1092, %broadcast_in_dim3A_1093 : vector<16xi1>, vector<16xi32>
      %add3A_1095 = arith.addi %add3A_1088, %select_n3A_1094 : vector<16xi32>
      %ge3A_1096 = arith.cmpi sge, %mul3A_1044, %add3A_847 : vector<16xi32>
      %jit3A_1097 = arith.constant 1 : i32
      %jit3A_1098 = arith.constant 0 : i32
      %broadcast_in_dim3A_1099 = vector.broadcast %jit3A_1097 : i32 to vector<16xi32>
      %broadcast_in_dim3A_1100 = vector.broadcast %jit3A_1098 : i32 to vector<16xi32>
      %select_n3A_1101 = arith.select %ge3A_1096, %broadcast_in_dim3A_1099, %broadcast_in_dim3A_1100 : vector<16xi1>, vector<16xi32>
      %add3A_1102 = arith.addi %add3A_1095, %select_n3A_1101 : vector<16xi32>
      %sub3A_1103 = arith.constant 1 : i32
      %sub3A_1104 = vector.broadcast %sub3A_1103 : i32 to vector<16xi32>
      %sub3A_1105 = arith.subi %add3A_1102, %sub3A_1104 : vector<16xi32>
      %swap3A_1106 = arith.constant 16 : index
      %swap3A_1107 = tpu.vector_load %arg6[%swap3A_1106] {strides = array<i32>} : memref<48xi32, #tpu.memory_space<vmem>>, vector<16xi32>,
      %swap3A_1108 = vector.shape_cast %swap3A_1107 : vector<16xi32> to vector<16xi32>
      %swap3A_1109 = vector.shape_cast %sub3A_1105 : vector<16xi32> to vector<16xi32>
      tpu.vector_store %arg6[%swap3A_1106], %swap3A_1109 {strides = array<i32>} : memref<48xi32, #tpu.memory_space<vmem>>, vector<16xi32>,
      %iota3A_1110 = tpu.iota {dimensions = array<i32: 0>} : vector<16xi32>
      %add3A_1111 = arith.constant 32 : i32
      %add3A_1112 = vector.broadcast %add3A_1111 : i32 to vector<16xi32>
      %add3A_1113 = arith.addi %iota3A_1110, %add3A_1112 : vector<16xi32>
      %mul3A_1114 = arith.constant 128 : i32
      %mul3A_1115 = vector.broadcast %mul3A_1114 : i32 to vector<16xi32>
      %mul3A_1116 = arith.muli %add3A_1113, %mul3A_1115 : vector<16xi32>
      %broadcast_in_dim3A_1117 = arith.constant 0 : i32
      %broadcast_in_dim3A_1118 = vector.broadcast %broadcast_in_dim3A_1117 : i32 to vector<16xi32>
      %ge3A_1119 = arith.cmpi sge, %mul3A_1116, %broadcast_in_dim3A_24 : vector<16xi32>
      %jit3A_1120 = arith.constant 1 : i32
      %jit3A_1121 = arith.constant 0 : i32
      %broadcast_in_dim3A_1122 = vector.broadcast %jit3A_1120 : i32 to vector<16xi32>
      %broadcast_in_dim3A_1123 = vector.broadcast %jit3A_1121 : i32 to vector<16xi32>
      %select_n3A_1124 = arith.select %ge3A_1119, %broadcast_in_dim3A_1122, %broadcast_in_dim3A_1123 : vector<16xi1>, vector<16xi32>
      %add3A_1125 = arith.addi %broadcast_in_dim3A_1118, %select_n3A_1124 : vector<16xi32>
      %ge3A_1126 = arith.cmpi sge, %mul3A_1116, %add3A_133 : vector<16xi32>
      %jit3A_1127 = arith.constant 1 : i32
      %jit3A_1128 = arith.constant 0 : i32
      %broadcast_in_dim3A_1129 = vector.broadcast %jit3A_1127 : i32 to vector<16xi32>
      %broadcast_in_dim3A_1130 = vector.broadcast %jit3A_1128 : i32 to vector<16xi32>
      %select_n3A_1131 = arith.select %ge3A_1126, %broadcast_in_dim3A_1129, %broadcast_in_dim3A_1130 : vector<16xi1>, vector<16xi32>
      %add3A_1132 = arith.addi %add3A_1125, %select_n3A_1131 : vector<16xi32>
      %ge3A_1133 = arith.cmpi sge, %mul3A_1116, %add3A_252 : vector<16xi32>
      %jit3A_1134 = arith.constant 1 : i32
      %jit3A_1135 = arith.constant 0 : i32
      %broadcast_in_dim3A_1136 = vector.broadcast %jit3A_1134 : i32 to vector<16xi32>
      %broadcast_in_dim3A_1137 = vector.broadcast %jit3A_1135 : i32 to vector<16xi32>
      %select_n3A_1138 = arith.select %ge3A_1133, %broadcast_in_dim3A_1136, %broadcast_in_dim3A_1137 : vector<16xi1>, vector<16xi32>
      %add3A_1139 = arith.addi %add3A_1132, %select_n3A_1138 : vector<16xi32>
      %ge3A_1140 = arith.cmpi sge, %mul3A_1116, %add3A_371 : vector<16xi32>
      %jit3A_1141 = arith.constant 1 : i32
      %jit3A_1142 = arith.constant 0 : i32
      %broadcast_in_dim3A_1143 = vector.broadcast %jit3A_1141 : i32 to vector<16xi32>
      %broadcast_in_dim3A_1144 = vector.broadcast %jit3A_1142 : i32 to vector<16xi32>
      %select_n3A_1145 = arith.select %ge3A_1140, %broadcast_in_dim3A_1143, %broadcast_in_dim3A_1144 : vector<16xi1>, vector<16xi32>
      %add3A_1146 = arith.addi %add3A_1139, %select_n3A_1145 : vector<16xi32>
      %ge3A_1147 = arith.cmpi sge, %mul3A_1116, %add3A_490 : vector<16xi32>
      %jit3A_1148 = arith.constant 1 : i32
      %jit3A_1149 = arith.constant 0 : i32
      %broadcast_in_dim3A_1150 = vector.broadcast %jit3A_1148 : i32 to vector<16xi32>
      %broadcast_in_dim3A_1151 = vector.broadcast %jit3A_1149 : i32 to vector<16xi32>
      %select_n3A_1152 = arith.select %ge3A_1147, %broadcast_in_dim3A_1150, %broadcast_in_dim3A_1151 : vector<16xi1>, vector<16xi32>
      %add3A_1153 = arith.addi %add3A_1146, %select_n3A_1152 : vector<16xi32>
      %ge3A_1154 = arith.cmpi sge, %mul3A_1116, %add3A_609 : vector<16xi32>
      %jit3A_1155 = arith.constant 1 : i32
      %jit3A_1156 = arith.constant 0 : i32
      %broadcast_in_dim3A_1157 = vector.broadcast %jit3A_1155 : i32 to vector<16xi32>
      %broadcast_in_dim3A_1158 = vector.broadcast %jit3A_1156 : i32 to vector<16xi32>
      %select_n3A_1159 = arith.select %ge3A_1154, %broadcast_in_dim3A_1157, %broadcast_in_dim3A_1158 : vector<16xi1>, vector<16xi32>
      %add3A_1160 = arith.addi %add3A_1153, %select_n3A_1159 : vector<16xi32>
      %ge3A_1161 = arith.cmpi sge, %mul3A_1116, %add3A_728 : vector<16xi32>
      %jit3A_1162 = arith.constant 1 : i32
      %jit3A_1163 = arith.constant 0 : i32
      %broadcast_in_dim3A_1164 = vector.broadcast %jit3A_1162 : i32 to vector<16xi32>
      %broadcast_in_dim3A_1165 = vector.broadcast %jit3A_1163 : i32 to vector<16xi32>
      %select_n3A_1166 = arith.select %ge3A_1161, %broadcast_in_dim3A_1164, %broadcast_in_dim3A_1165 : vector<16xi1>, vector<16xi32>
      %add3A_1167 = arith.addi %add3A_1160, %select_n3A_1166 : vector<16xi32>
      %ge3A_1168 = arith.cmpi sge, %mul3A_1116, %add3A_847 : vector<16xi32>
      %jit3A_1169 = arith.constant 1 : i32
      %jit3A_1170 = arith.constant 0 : i32
      %broadcast_in_dim3A_1171 = vector.broadcast %jit3A_1169 : i32 to vector<16xi32>
      %broadcast_in_dim3A_1172 = vector.broadcast %jit3A_1170 : i32 to vector<16xi32>
      %select_n3A_1173 = arith.select %ge3A_1168, %broadcast_in_dim3A_1171, %broadcast_in_dim3A_1172 : vector<16xi1>, vector<16xi32>
      %add3A_1174 = arith.addi %add3A_1167, %select_n3A_1173 : vector<16xi32>
      %sub3A_1175 = arith.constant 1 : i32
      %sub3A_1176 = vector.broadcast %sub3A_1175 : i32 to vector<16xi32>
      %sub3A_1177 = arith.subi %add3A_1174, %sub3A_1176 : vector<16xi32>
      %swap3A_1178 = arith.constant 32 : index
      %swap3A_1179 = tpu.vector_load %arg6[%swap3A_1178] {strides = array<i32>} : memref<48xi32, #tpu.memory_space<vmem>>, vector<16xi32>,
      %swap3A_1180 = vector.shape_cast %swap3A_1179 : vector<16xi32> to vector<16xi32>
      %swap3A_1181 = vector.shape_cast %sub3A_1177 : vector<16xi32> to vector<16xi32>
      tpu.vector_store %arg6[%swap3A_1178], %swap3A_1181 {strides = array<i32>} : memref<48xi32, #tpu.memory_space<vmem>>, vector<16xi32>,
      %broadcast_in_dim3A_1182 = arith.constant 0.000000e+00 : f32
      %broadcast_in_dim3A_1183 = vector.broadcast %broadcast_in_dim3A_1182 : f32 to vector<16xf32>
      %broadcast_in_dim3A_1184 = arith.constant 0.000000e+00 : f32
      %broadcast_in_dim3A_1185 = vector.broadcast %broadcast_in_dim3A_1184 : f32 to vector<16xf32>
      %broadcast_in_dim3A_1186 = arith.constant 0.000000e+00 : f32
      %broadcast_in_dim3A_1187 = vector.broadcast %broadcast_in_dim3A_1186 : f32 to vector<16xf32>
      %broadcast_in_dim3A_1188 = arith.constant 0.000000e+00 : f32
      %broadcast_in_dim3A_1189 = vector.broadcast %broadcast_in_dim3A_1188 : f32 to vector<16xf32>
      %broadcast_in_dim3A_1190 = arith.constant 0.000000e+00 : f32
      %broadcast_in_dim3A_1191 = vector.broadcast %broadcast_in_dim3A_1190 : f32 to vector<16xf32>
      %broadcast_in_dim3A_1192 = arith.constant 0.000000e+00 : f32
      %broadcast_in_dim3A_1193 = vector.broadcast %broadcast_in_dim3A_1192 : f32 to vector<16xf32>
      %broadcast_in_dim3A_1194 = arith.constant 0.000000e+00 : f32
      %broadcast_in_dim3A_1195 = vector.broadcast %broadcast_in_dim3A_1194 : f32 to vector<16xf32>
      %broadcast_in_dim3A_1196 = arith.constant 0.000000e+00 : f32
      %broadcast_in_dim3A_1197 = vector.broadcast %broadcast_in_dim3A_1196 : f32 to vector<16xf32>
      %scan3A_1198 = arith.constant 0 : i32
      %scan3A_1199 = arith.constant 256 : i32
      %scan3A_1200 = arith.addi %scan3A_1198, %scan3A_1199 : i32
      %scan3A_1201 = arith.constant 1 : i32
      %scan3A_1202:8 = scf.for %scan3A_1204 = %scan3A_1198 to %scan3A_1200 step %scan3A_1201 iter_args(%scan3A_1205 = %broadcast_in_dim3A_1183, %scan3A_1206 = %broadcast_in_dim3A_1185, %scan3A_1207 = %broadcast_in_dim3A_1187, %scan3A_1208 = %broadcast_in_dim3A_1189, %scan3A_1209 = %broadcast_in_dim3A_1191, %scan3A_1210 = %broadcast_in_dim3A_1193, %scan3A_1211 = %broadcast_in_dim3A_1195, %scan3A_1212 = %broadcast_in_dim3A_1197) -> (vector<16xf32>, vector<16xf32>, vector<16xf32>, vector<16xf32>, vector<16xf32>, vector<16xf32>, vector<16xf32>, vector<16xf32>)  : i32 {
        %mul3A_1213 = arith.constant 16 : i32
        %mul3A_1214 = arith.muli %scan3A_1204, %mul3A_1213 : i32
        %get3A = arith.index_cast %mul3A_1214 : i32 to index
        %get3A_1215 = tpu.vector_load %arg5[%get3A] {strides = array<i32>} : memref<4096xi32, #tpu.memory_space<vmem>>, vector<16xi32>,
        %get3A_1216 = vector.shape_cast %get3A_1215 : vector<16xi32> to vector<16xi32>
        %broadcast_in_dim3A_1217 = arith.constant 0 : i32
        %broadcast_in_dim3A_1218 = vector.broadcast %broadcast_in_dim3A_1217 : i32 to vector<16xi32>
        %eq3A_1219 = arith.constant 0 : i32
        %eq3A_1220 = vector.broadcast %eq3A_1219 : i32 to vector<16xi32>
        %eq3A_1221 = arith.cmpi eq, %get3A_1216, %eq3A_1220 : vector<16xi32>
        %jit3A_1222 = arith.constant 1.000000e+00 : f32
        %jit3A_1223 = arith.constant 0.000000e+00 : f32
        %broadcast_in_dim3A_1224 = vector.broadcast %jit3A_1222 : f32 to vector<16xf32>
        %broadcast_in_dim3A_1225 = vector.broadcast %jit3A_1223 : f32 to vector<16xf32>
        %select_n3A_1226 = arith.select %eq3A_1221, %broadcast_in_dim3A_1224, %broadcast_in_dim3A_1225 : vector<16xi1>, vector<16xf32>
        %iota3A_1227 = tpu.iota {dimensions = array<i32: 0>} : vector<16xi32>
        %sub3A_1228 = arith.constant 1 : i32
        %sub3A_1229 = vector.broadcast %sub3A_1228 : i32 to vector<16xi32>
        %sub3A_1230 = arith.subi %iota3A_1227, %sub3A_1229 : vector<16xi32>
        %max3A_1231 = arith.constant 0 : i32
        %max3A_1232 = vector.broadcast %max3A_1231 : i32 to vector<16xi32>
        %max3A_1233 = arith.maxsi %sub3A_1230, %max3A_1232 : vector<16xi32>
        %lt3A_1234 = arith.constant 0 : i32
        %lt3A_1235 = vector.broadcast %lt3A_1234 : i32 to vector<16xi32>
        %lt3A_1236 = arith.cmpi slt, %max3A_1233, %lt3A_1235 : vector<16xi32>
        %add3A_1237 = arith.constant 16 : i32
        %add3A_1238 = vector.broadcast %add3A_1237 : i32 to vector<16xi32>
        %add3A_1239 = arith.addi %max3A_1233, %add3A_1238 : vector<16xi32>
        %select_n3A_1240 = arith.select %lt3A_1236, %add3A_1239, %max3A_1233 : vector<16xi1>, vector<16xi32>
        %broadcast_in_dim3A_1241 = vector.shape_cast %select_n3A_1240 : vector<16xi32> to vector<16x1xi32>
        %gather3A_1242 = vector.shape_cast %broadcast_in_dim3A_1241 : vector<16x1xi32> to vector<16xi32>
        %gather3A_1243 = tpu.dynamic_gather %select_n3A_1226[%gather3A_1242] in [0] : vector<16xf32>, vector<16xi32> -> vector<16xf32>
        %ge3A_1244 = arith.constant 1 : i32
        %ge3A_1245 = vector.broadcast %ge3A_1244 : i32 to vector<16xi32>
        %ge3A_1246 = arith.cmpi sge, %iota3A_1227, %ge3A_1245 : vector<16xi32>
        %jit3A_1247 = arith.constant 0.000000e+00 : f32
        %broadcast_in_dim3A_1248 = vector.broadcast %jit3A_1247 : f32 to vector<16xf32>
        %select_n3A_1249 = arith.select %ge3A_1246, %gather3A_1243, %broadcast_in_dim3A_1248 : vector<16xi1>, vector<16xf32>
        %add3A_1250 = arith.addf %select_n3A_1226, %select_n3A_1249 : vector<16xf32>
        %sub3A_1251 = arith.constant 2 : i32
        %sub3A_1252 = vector.broadcast %sub3A_1251 : i32 to vector<16xi32>
        %sub3A_1253 = arith.subi %iota3A_1227, %sub3A_1252 : vector<16xi32>
        %max3A_1254 = arith.constant 0 : i32
        %max3A_1255 = vector.broadcast %max3A_1254 : i32 to vector<16xi32>
        %max3A_1256 = arith.maxsi %sub3A_1253, %max3A_1255 : vector<16xi32>
        %lt3A_1257 = arith.constant 0 : i32
        %lt3A_1258 = vector.broadcast %lt3A_1257 : i32 to vector<16xi32>
        %lt3A_1259 = arith.cmpi slt, %max3A_1256, %lt3A_1258 : vector<16xi32>
        %add3A_1260 = arith.constant 16 : i32
        %add3A_1261 = vector.broadcast %add3A_1260 : i32 to vector<16xi32>
        %add3A_1262 = arith.addi %max3A_1256, %add3A_1261 : vector<16xi32>
        %select_n3A_1263 = arith.select %lt3A_1259, %add3A_1262, %max3A_1256 : vector<16xi1>, vector<16xi32>
        %broadcast_in_dim3A_1264 = vector.shape_cast %select_n3A_1263 : vector<16xi32> to vector<16x1xi32>
        %gather3A_1265 = vector.shape_cast %broadcast_in_dim3A_1264 : vector<16x1xi32> to vector<16xi32>
        %gather3A_1266 = tpu.dynamic_gather %add3A_1250[%gather3A_1265] in [0] : vector<16xf32>, vector<16xi32> -> vector<16xf32>
        %ge3A_1267 = arith.constant 2 : i32
        %ge3A_1268 = vector.broadcast %ge3A_1267 : i32 to vector<16xi32>
        %ge3A_1269 = arith.cmpi sge, %iota3A_1227, %ge3A_1268 : vector<16xi32>
        %jit3A_1270 = arith.constant 0.000000e+00 : f32
        %broadcast_in_dim3A_1271 = vector.broadcast %jit3A_1270 : f32 to vector<16xf32>
        %select_n3A_1272 = arith.select %ge3A_1269, %gather3A_1266, %broadcast_in_dim3A_1271 : vector<16xi1>, vector<16xf32>
        %add3A_1273 = arith.addf %add3A_1250, %select_n3A_1272 : vector<16xf32>
        %sub3A_1274 = arith.constant 4 : i32
        %sub3A_1275 = vector.broadcast %sub3A_1274 : i32 to vector<16xi32>
        %sub3A_1276 = arith.subi %iota3A_1227, %sub3A_1275 : vector<16xi32>
        %max3A_1277 = arith.constant 0 : i32
        %max3A_1278 = vector.broadcast %max3A_1277 : i32 to vector<16xi32>
        %max3A_1279 = arith.maxsi %sub3A_1276, %max3A_1278 : vector<16xi32>
        %lt3A_1280 = arith.constant 0 : i32
        %lt3A_1281 = vector.broadcast %lt3A_1280 : i32 to vector<16xi32>
        %lt3A_1282 = arith.cmpi slt, %max3A_1279, %lt3A_1281 : vector<16xi32>
        %add3A_1283 = arith.constant 16 : i32
        %add3A_1284 = vector.broadcast %add3A_1283 : i32 to vector<16xi32>
        %add3A_1285 = arith.addi %max3A_1279, %add3A_1284 : vector<16xi32>
        %select_n3A_1286 = arith.select %lt3A_1282, %add3A_1285, %max3A_1279 : vector<16xi1>, vector<16xi32>
        %broadcast_in_dim3A_1287 = vector.shape_cast %select_n3A_1286 : vector<16xi32> to vector<16x1xi32>
        %gather3A_1288 = vector.shape_cast %broadcast_in_dim3A_1287 : vector<16x1xi32> to vector<16xi32>
        %gather3A_1289 = tpu.dynamic_gather %add3A_1273[%gather3A_1288] in [0] : vector<16xf32>, vector<16xi32> -> vector<16xf32>
        %ge3A_1290 = arith.constant 4 : i32
        %ge3A_1291 = vector.broadcast %ge3A_1290 : i32 to vector<16xi32>
        %ge3A_1292 = arith.cmpi sge, %iota3A_1227, %ge3A_1291 : vector<16xi32>
        %jit3A_1293 = arith.constant 0.000000e+00 : f32
        %broadcast_in_dim3A_1294 = vector.broadcast %jit3A_1293 : f32 to vector<16xf32>
        %select_n3A_1295 = arith.select %ge3A_1292, %gather3A_1289, %broadcast_in_dim3A_1294 : vector<16xi1>, vector<16xf32>
        %add3A_1296 = arith.addf %add3A_1273, %select_n3A_1295 : vector<16xf32>
        %sub3A_1297 = arith.constant 8 : i32
        %sub3A_1298 = vector.broadcast %sub3A_1297 : i32 to vector<16xi32>
        %sub3A_1299 = arith.subi %iota3A_1227, %sub3A_1298 : vector<16xi32>
        %max3A_1300 = arith.constant 0 : i32
        %max3A_1301 = vector.broadcast %max3A_1300 : i32 to vector<16xi32>
        %max3A_1302 = arith.maxsi %sub3A_1299, %max3A_1301 : vector<16xi32>
        %lt3A_1303 = arith.constant 0 : i32
        %lt3A_1304 = vector.broadcast %lt3A_1303 : i32 to vector<16xi32>
        %lt3A_1305 = arith.cmpi slt, %max3A_1302, %lt3A_1304 : vector<16xi32>
        %add3A_1306 = arith.constant 16 : i32
        %add3A_1307 = vector.broadcast %add3A_1306 : i32 to vector<16xi32>
        %add3A_1308 = arith.addi %max3A_1302, %add3A_1307 : vector<16xi32>
        %select_n3A_1309 = arith.select %lt3A_1305, %add3A_1308, %max3A_1302 : vector<16xi1>, vector<16xi32>
        %broadcast_in_dim3A_1310 = vector.shape_cast %select_n3A_1309 : vector<16xi32> to vector<16x1xi32>
        %gather3A_1311 = vector.shape_cast %broadcast_in_dim3A_1310 : vector<16x1xi32> to vector<16xi32>
        %gather3A_1312 = tpu.dynamic_gather %add3A_1296[%gather3A_1311] in [0] : vector<16xf32>, vector<16xi32> -> vector<16xf32>
        %ge3A_1313 = arith.constant 8 : i32
        %ge3A_1314 = vector.broadcast %ge3A_1313 : i32 to vector<16xi32>
        %ge3A_1315 = arith.cmpi sge, %iota3A_1227, %ge3A_1314 : vector<16xi32>
        %jit3A_1316 = arith.constant 0.000000e+00 : f32
        %broadcast_in_dim3A_1317 = vector.broadcast %jit3A_1316 : f32 to vector<16xf32>
        %select_n3A_1318 = arith.select %ge3A_1315, %gather3A_1312, %broadcast_in_dim3A_1317 : vector<16xi1>, vector<16xf32>
        %add3A_1319 = arith.addf %add3A_1296, %select_n3A_1318 : vector<16xf32>
        %convert_element_type3A_1320 = arith.fptosi %scan3A_1205 : vector<16xf32> to vector<16xi32>
        %add3A_1321 = arith.addi %broadcast_in_dim3A_24, %convert_element_type3A_1320 : vector<16xi32>
        %convert_element_type3A_1322 = arith.fptosi %add3A_1319 : vector<16xf32> to vector<16xi32>
        %sub3A_1323 = arith.constant 1 : i32
        %sub3A_1324 = vector.broadcast %sub3A_1323 : i32 to vector<16xi32>
        %sub3A_1325 = arith.subi %convert_element_type3A_1322, %sub3A_1324 : vector<16xi32>
        %add3A_1326 = arith.addi %sub3A_1325, %add3A_1321 : vector<16xi32>
        %jit3A_1327 = arith.constant 0 : i32
        %broadcast_in_dim3A_1328 = vector.broadcast %jit3A_1327 : i32 to vector<16xi32>
        %select_n3A_1329 = arith.select %eq3A_1221, %add3A_1326, %broadcast_in_dim3A_1328 : vector<16xi1>, vector<16xi32>
        %add3A_1330 = arith.addi %broadcast_in_dim3A_1218, %select_n3A_1329 : vector<16xi32>
        %broadcast_in_dim3A_1331 = arith.constant 0 : i32
        %broadcast_in_dim3A_1332 = vector.broadcast %broadcast_in_dim3A_1331 : i32 to vector<16xi32>
        %add3A_1333 = arith.constant 15 : i32
        %add3A_1334 = vector.broadcast %add3A_1333 : i32 to vector<16xi32>
        %add3A_1335 = arith.addi %broadcast_in_dim3A_1332, %add3A_1334 : vector<16xi32>
        %lt3A_1336 = arith.constant 0 : i32
        %lt3A_1337 = vector.broadcast %lt3A_1336 : i32 to vector<16xi32>
        %lt3A_1338 = arith.cmpi slt, %add3A_1335, %lt3A_1337 : vector<16xi32>
        %add3A_1339 = arith.constant 16 : i32
        %add3A_1340 = vector.broadcast %add3A_1339 : i32 to vector<16xi32>
        %add3A_1341 = arith.addi %add3A_1335, %add3A_1340 : vector<16xi32>
        %select_n3A_1342 = arith.select %lt3A_1338, %add3A_1341, %add3A_1335 : vector<16xi1>, vector<16xi32>
        %broadcast_in_dim3A_1343 = vector.shape_cast %select_n3A_1342 : vector<16xi32> to vector<16x1xi32>
        %gather3A_1344 = vector.shape_cast %broadcast_in_dim3A_1343 : vector<16x1xi32> to vector<16xi32>
        %gather3A_1345 = tpu.dynamic_gather %add3A_1319[%gather3A_1344] in [0] : vector<16xf32>, vector<16xi32> -> vector<16xf32>
        %add3A_1346 = arith.addf %scan3A_1205, %gather3A_1345 : vector<16xf32>
        %eq3A_1347 = arith.constant 1 : i32
        %eq3A_1348 = vector.broadcast %eq3A_1347 : i32 to vector<16xi32>
        %eq3A_1349 = arith.cmpi eq, %get3A_1216, %eq3A_1348 : vector<16xi32>
        %jit3A_1350 = arith.constant 1.000000e+00 : f32
        %jit3A_1351 = arith.constant 0.000000e+00 : f32
        %broadcast_in_dim3A_1352 = vector.broadcast %jit3A_1350 : f32 to vector<16xf32>
        %broadcast_in_dim3A_1353 = vector.broadcast %jit3A_1351 : f32 to vector<16xf32>
        %select_n3A_1354 = arith.select %eq3A_1349, %broadcast_in_dim3A_1352, %broadcast_in_dim3A_1353 : vector<16xi1>, vector<16xf32>
        %iota3A_1355 = tpu.iota {dimensions = array<i32: 0>} : vector<16xi32>
        %sub3A_1356 = arith.constant 1 : i32
        %sub3A_1357 = vector.broadcast %sub3A_1356 : i32 to vector<16xi32>
        %sub3A_1358 = arith.subi %iota3A_1355, %sub3A_1357 : vector<16xi32>
        %max3A_1359 = arith.constant 0 : i32
        %max3A_1360 = vector.broadcast %max3A_1359 : i32 to vector<16xi32>
        %max3A_1361 = arith.maxsi %sub3A_1358, %max3A_1360 : vector<16xi32>
        %lt3A_1362 = arith.constant 0 : i32
        %lt3A_1363 = vector.broadcast %lt3A_1362 : i32 to vector<16xi32>
        %lt3A_1364 = arith.cmpi slt, %max3A_1361, %lt3A_1363 : vector<16xi32>
        %add3A_1365 = arith.constant 16 : i32
        %add3A_1366 = vector.broadcast %add3A_1365 : i32 to vector<16xi32>
        %add3A_1367 = arith.addi %max3A_1361, %add3A_1366 : vector<16xi32>
        %select_n3A_1368 = arith.select %lt3A_1364, %add3A_1367, %max3A_1361 : vector<16xi1>, vector<16xi32>
        %broadcast_in_dim3A_1369 = vector.shape_cast %select_n3A_1368 : vector<16xi32> to vector<16x1xi32>
        %gather3A_1370 = vector.shape_cast %broadcast_in_dim3A_1369 : vector<16x1xi32> to vector<16xi32>
        %gather3A_1371 = tpu.dynamic_gather %select_n3A_1354[%gather3A_1370] in [0] : vector<16xf32>, vector<16xi32> -> vector<16xf32>
        %ge3A_1372 = arith.constant 1 : i32
        %ge3A_1373 = vector.broadcast %ge3A_1372 : i32 to vector<16xi32>
        %ge3A_1374 = arith.cmpi sge, %iota3A_1355, %ge3A_1373 : vector<16xi32>
        %jit3A_1375 = arith.constant 0.000000e+00 : f32
        %broadcast_in_dim3A_1376 = vector.broadcast %jit3A_1375 : f32 to vector<16xf32>
        %select_n3A_1377 = arith.select %ge3A_1374, %gather3A_1371, %broadcast_in_dim3A_1376 : vector<16xi1>, vector<16xf32>
        %add3A_1378 = arith.addf %select_n3A_1354, %select_n3A_1377 : vector<16xf32>
        %sub3A_1379 = arith.constant 2 : i32
        %sub3A_1380 = vector.broadcast %sub3A_1379 : i32 to vector<16xi32>
        %sub3A_1381 = arith.subi %iota3A_1355, %sub3A_1380 : vector<16xi32>
        %max3A_1382 = arith.constant 0 : i32
        %max3A_1383 = vector.broadcast %max3A_1382 : i32 to vector<16xi32>
        %max3A_1384 = arith.maxsi %sub3A_1381, %max3A_1383 : vector<16xi32>
        %lt3A_1385 = arith.constant 0 : i32
        %lt3A_1386 = vector.broadcast %lt3A_1385 : i32 to vector<16xi32>
        %lt3A_1387 = arith.cmpi slt, %max3A_1384, %lt3A_1386 : vector<16xi32>
        %add3A_1388 = arith.constant 16 : i32
        %add3A_1389 = vector.broadcast %add3A_1388 : i32 to vector<16xi32>
        %add3A_1390 = arith.addi %max3A_1384, %add3A_1389 : vector<16xi32>
        %select_n3A_1391 = arith.select %lt3A_1387, %add3A_1390, %max3A_1384 : vector<16xi1>, vector<16xi32>
        %broadcast_in_dim3A_1392 = vector.shape_cast %select_n3A_1391 : vector<16xi32> to vector<16x1xi32>
        %gather3A_1393 = vector.shape_cast %broadcast_in_dim3A_1392 : vector<16x1xi32> to vector<16xi32>
        %gather3A_1394 = tpu.dynamic_gather %add3A_1378[%gather3A_1393] in [0] : vector<16xf32>, vector<16xi32> -> vector<16xf32>
        %ge3A_1395 = arith.constant 2 : i32
        %ge3A_1396 = vector.broadcast %ge3A_1395 : i32 to vector<16xi32>
        %ge3A_1397 = arith.cmpi sge, %iota3A_1355, %ge3A_1396 : vector<16xi32>
        %jit3A_1398 = arith.constant 0.000000e+00 : f32
        %broadcast_in_dim3A_1399 = vector.broadcast %jit3A_1398 : f32 to vector<16xf32>
        %select_n3A_1400 = arith.select %ge3A_1397, %gather3A_1394, %broadcast_in_dim3A_1399 : vector<16xi1>, vector<16xf32>
        %add3A_1401 = arith.addf %add3A_1378, %select_n3A_1400 : vector<16xf32>
        %sub3A_1402 = arith.constant 4 : i32
        %sub3A_1403 = vector.broadcast %sub3A_1402 : i32 to vector<16xi32>
        %sub3A_1404 = arith.subi %iota3A_1355, %sub3A_1403 : vector<16xi32>
        %max3A_1405 = arith.constant 0 : i32
        %max3A_1406 = vector.broadcast %max3A_1405 : i32 to vector<16xi32>
        %max3A_1407 = arith.maxsi %sub3A_1404, %max3A_1406 : vector<16xi32>
        %lt3A_1408 = arith.constant 0 : i32
        %lt3A_1409 = vector.broadcast %lt3A_1408 : i32 to vector<16xi32>
        %lt3A_1410 = arith.cmpi slt, %max3A_1407, %lt3A_1409 : vector<16xi32>
        %add3A_1411 = arith.constant 16 : i32
        %add3A_1412 = vector.broadcast %add3A_1411 : i32 to vector<16xi32>
        %add3A_1413 = arith.addi %max3A_1407, %add3A_1412 : vector<16xi32>
        %select_n3A_1414 = arith.select %lt3A_1410, %add3A_1413, %max3A_1407 : vector<16xi1>, vector<16xi32>
        %broadcast_in_dim3A_1415 = vector.shape_cast %select_n3A_1414 : vector<16xi32> to vector<16x1xi32>
        %gather3A_1416 = vector.shape_cast %broadcast_in_dim3A_1415 : vector<16x1xi32> to vector<16xi32>
        %gather3A_1417 = tpu.dynamic_gather %add3A_1401[%gather3A_1416] in [0] : vector<16xf32>, vector<16xi32> -> vector<16xf32>
        %ge3A_1418 = arith.constant 4 : i32
        %ge3A_1419 = vector.broadcast %ge3A_1418 : i32 to vector<16xi32>
        %ge3A_1420 = arith.cmpi sge, %iota3A_1355, %ge3A_1419 : vector<16xi32>
        %jit3A_1421 = arith.constant 0.000000e+00 : f32
        %broadcast_in_dim3A_1422 = vector.broadcast %jit3A_1421 : f32 to vector<16xf32>
        %select_n3A_1423 = arith.select %ge3A_1420, %gather3A_1417, %broadcast_in_dim3A_1422 : vector<16xi1>, vector<16xf32>
        %add3A_1424 = arith.addf %add3A_1401, %select_n3A_1423 : vector<16xf32>
        %sub3A_1425 = arith.constant 8 : i32
        %sub3A_1426 = vector.broadcast %sub3A_1425 : i32 to vector<16xi32>
        %sub3A_1427 = arith.subi %iota3A_1355, %sub3A_1426 : vector<16xi32>
        %max3A_1428 = arith.constant 0 : i32
        %max3A_1429 = vector.broadcast %max3A_1428 : i32 to vector<16xi32>
        %max3A_1430 = arith.maxsi %sub3A_1427, %max3A_1429 : vector<16xi32>
        %lt3A_1431 = arith.constant 0 : i32
        %lt3A_1432 = vector.broadcast %lt3A_1431 : i32 to vector<16xi32>
        %lt3A_1433 = arith.cmpi slt, %max3A_1430, %lt3A_1432 : vector<16xi32>
        %add3A_1434 = arith.constant 16 : i32
        %add3A_1435 = vector.broadcast %add3A_1434 : i32 to vector<16xi32>
        %add3A_1436 = arith.addi %max3A_1430, %add3A_1435 : vector<16xi32>
        %select_n3A_1437 = arith.select %lt3A_1433, %add3A_1436, %max3A_1430 : vector<16xi1>, vector<16xi32>
        %broadcast_in_dim3A_1438 = vector.shape_cast %select_n3A_1437 : vector<16xi32> to vector<16x1xi32>
        %gather3A_1439 = vector.shape_cast %broadcast_in_dim3A_1438 : vector<16x1xi32> to vector<16xi32>
        %gather3A_1440 = tpu.dynamic_gather %add3A_1424[%gather3A_1439] in [0] : vector<16xf32>, vector<16xi32> -> vector<16xf32>
        %ge3A_1441 = arith.constant 8 : i32
        %ge3A_1442 = vector.broadcast %ge3A_1441 : i32 to vector<16xi32>
        %ge3A_1443 = arith.cmpi sge, %iota3A_1355, %ge3A_1442 : vector<16xi32>
        %jit3A_1444 = arith.constant 0.000000e+00 : f32
        %broadcast_in_dim3A_1445 = vector.broadcast %jit3A_1444 : f32 to vector<16xf32>
        %select_n3A_1446 = arith.select %ge3A_1443, %gather3A_1440, %broadcast_in_dim3A_1445 : vector<16xi1>, vector<16xf32>
        %add3A_1447 = arith.addf %add3A_1424, %select_n3A_1446 : vector<16xf32>
        %convert_element_type3A_1448 = arith.fptosi %scan3A_1206 : vector<16xf32> to vector<16xi32>
        %add3A_1449 = arith.addi %add3A_133, %convert_element_type3A_1448 : vector<16xi32>
        %convert_element_type3A_1450 = arith.fptosi %add3A_1447 : vector<16xf32> to vector<16xi32>
        %sub3A_1451 = arith.constant 1 : i32
        %sub3A_1452 = vector.broadcast %sub3A_1451 : i32 to vector<16xi32>
        %sub3A_1453 = arith.subi %convert_element_type3A_1450, %sub3A_1452 : vector<16xi32>
        %add3A_1454 = arith.addi %sub3A_1453, %add3A_1449 : vector<16xi32>
        %jit3A_1455 = arith.constant 0 : i32
        %broadcast_in_dim3A_1456 = vector.broadcast %jit3A_1455 : i32 to vector<16xi32>
        %select_n3A_1457 = arith.select %eq3A_1349, %add3A_1454, %broadcast_in_dim3A_1456 : vector<16xi1>, vector<16xi32>
        %add3A_1458 = arith.addi %add3A_1330, %select_n3A_1457 : vector<16xi32>
        %broadcast_in_dim3A_1459 = arith.constant 0 : i32
        %broadcast_in_dim3A_1460 = vector.broadcast %broadcast_in_dim3A_1459 : i32 to vector<16xi32>
        %add3A_1461 = arith.constant 15 : i32
        %add3A_1462 = vector.broadcast %add3A_1461 : i32 to vector<16xi32>
        %add3A_1463 = arith.addi %broadcast_in_dim3A_1460, %add3A_1462 : vector<16xi32>
        %lt3A_1464 = arith.constant 0 : i32
        %lt3A_1465 = vector.broadcast %lt3A_1464 : i32 to vector<16xi32>
        %lt3A_1466 = arith.cmpi slt, %add3A_1463, %lt3A_1465 : vector<16xi32>
        %add3A_1467 = arith.constant 16 : i32
        %add3A_1468 = vector.broadcast %add3A_1467 : i32 to vector<16xi32>
        %add3A_1469 = arith.addi %add3A_1463, %add3A_1468 : vector<16xi32>
        %select_n3A_1470 = arith.select %lt3A_1466, %add3A_1469, %add3A_1463 : vector<16xi1>, vector<16xi32>
        %broadcast_in_dim3A_1471 = vector.shape_cast %select_n3A_1470 : vector<16xi32> to vector<16x1xi32>
        %gather3A_1472 = vector.shape_cast %broadcast_in_dim3A_1471 : vector<16x1xi32> to vector<16xi32>
        %gather3A_1473 = tpu.dynamic_gather %add3A_1447[%gather3A_1472] in [0] : vector<16xf32>, vector<16xi32> -> vector<16xf32>
        %add3A_1474 = arith.addf %scan3A_1206, %gather3A_1473 : vector<16xf32>
        %eq3A_1475 = arith.constant 2 : i32
        %eq3A_1476 = vector.broadcast %eq3A_1475 : i32 to vector<16xi32>
        %eq3A_1477 = arith.cmpi eq, %get3A_1216, %eq3A_1476 : vector<16xi32>
        %jit3A_1478 = arith.constant 1.000000e+00 : f32
        %jit3A_1479 = arith.constant 0.000000e+00 : f32
        %broadcast_in_dim3A_1480 = vector.broadcast %jit3A_1478 : f32 to vector<16xf32>
        %broadcast_in_dim3A_1481 = vector.broadcast %jit3A_1479 : f32 to vector<16xf32>
        %select_n3A_1482 = arith.select %eq3A_1477, %broadcast_in_dim3A_1480, %broadcast_in_dim3A_1481 : vector<16xi1>, vector<16xf32>
        %iota3A_1483 = tpu.iota {dimensions = array<i32: 0>} : vector<16xi32>
        %sub3A_1484 = arith.constant 1 : i32
        %sub3A_1485 = vector.broadcast %sub3A_1484 : i32 to vector<16xi32>
        %sub3A_1486 = arith.subi %iota3A_1483, %sub3A_1485 : vector<16xi32>
        %max3A_1487 = arith.constant 0 : i32
        %max3A_1488 = vector.broadcast %max3A_1487 : i32 to vector<16xi32>
        %max3A_1489 = arith.maxsi %sub3A_1486, %max3A_1488 : vector<16xi32>
        %lt3A_1490 = arith.constant 0 : i32
        %lt3A_1491 = vector.broadcast %lt3A_1490 : i32 to vector<16xi32>
        %lt3A_1492 = arith.cmpi slt, %max3A_1489, %lt3A_1491 : vector<16xi32>
        %add3A_1493 = arith.constant 16 : i32
        %add3A_1494 = vector.broadcast %add3A_1493 : i32 to vector<16xi32>
        %add3A_1495 = arith.addi %max3A_1489, %add3A_1494 : vector<16xi32>
        %select_n3A_1496 = arith.select %lt3A_1492, %add3A_1495, %max3A_1489 : vector<16xi1>, vector<16xi32>
        %broadcast_in_dim3A_1497 = vector.shape_cast %select_n3A_1496 : vector<16xi32> to vector<16x1xi32>
        %gather3A_1498 = vector.shape_cast %broadcast_in_dim3A_1497 : vector<16x1xi32> to vector<16xi32>
        %gather3A_1499 = tpu.dynamic_gather %select_n3A_1482[%gather3A_1498] in [0] : vector<16xf32>, vector<16xi32> -> vector<16xf32>
        %ge3A_1500 = arith.constant 1 : i32
        %ge3A_1501 = vector.broadcast %ge3A_1500 : i32 to vector<16xi32>
        %ge3A_1502 = arith.cmpi sge, %iota3A_1483, %ge3A_1501 : vector<16xi32>
        %jit3A_1503 = arith.constant 0.000000e+00 : f32
        %broadcast_in_dim3A_1504 = vector.broadcast %jit3A_1503 : f32 to vector<16xf32>
        %select_n3A_1505 = arith.select %ge3A_1502, %gather3A_1499, %broadcast_in_dim3A_1504 : vector<16xi1>, vector<16xf32>
        %add3A_1506 = arith.addf %select_n3A_1482, %select_n3A_1505 : vector<16xf32>
        %sub3A_1507 = arith.constant 2 : i32
        %sub3A_1508 = vector.broadcast %sub3A_1507 : i32 to vector<16xi32>
        %sub3A_1509 = arith.subi %iota3A_1483, %sub3A_1508 : vector<16xi32>
        %max3A_1510 = arith.constant 0 : i32
        %max3A_1511 = vector.broadcast %max3A_1510 : i32 to vector<16xi32>
        %max3A_1512 = arith.maxsi %sub3A_1509, %max3A_1511 : vector<16xi32>
        %lt3A_1513 = arith.constant 0 : i32
        %lt3A_1514 = vector.broadcast %lt3A_1513 : i32 to vector<16xi32>
        %lt3A_1515 = arith.cmpi slt, %max3A_1512, %lt3A_1514 : vector<16xi32>
        %add3A_1516 = arith.constant 16 : i32
        %add3A_1517 = vector.broadcast %add3A_1516 : i32 to vector<16xi32>
        %add3A_1518 = arith.addi %max3A_1512, %add3A_1517 : vector<16xi32>
        %select_n3A_1519 = arith.select %lt3A_1515, %add3A_1518, %max3A_1512 : vector<16xi1>, vector<16xi32>
        %broadcast_in_dim3A_1520 = vector.shape_cast %select_n3A_1519 : vector<16xi32> to vector<16x1xi32>
        %gather3A_1521 = vector.shape_cast %broadcast_in_dim3A_1520 : vector<16x1xi32> to vector<16xi32>
        %gather3A_1522 = tpu.dynamic_gather %add3A_1506[%gather3A_1521] in [0] : vector<16xf32>, vector<16xi32> -> vector<16xf32>
        %ge3A_1523 = arith.constant 2 : i32
        %ge3A_1524 = vector.broadcast %ge3A_1523 : i32 to vector<16xi32>
        %ge3A_1525 = arith.cmpi sge, %iota3A_1483, %ge3A_1524 : vector<16xi32>
        %jit3A_1526 = arith.constant 0.000000e+00 : f32
        %broadcast_in_dim3A_1527 = vector.broadcast %jit3A_1526 : f32 to vector<16xf32>
        %select_n3A_1528 = arith.select %ge3A_1525, %gather3A_1522, %broadcast_in_dim3A_1527 : vector<16xi1>, vector<16xf32>
        %add3A_1529 = arith.addf %add3A_1506, %select_n3A_1528 : vector<16xf32>
        %sub3A_1530 = arith.constant 4 : i32
        %sub3A_1531 = vector.broadcast %sub3A_1530 : i32 to vector<16xi32>
        %sub3A_1532 = arith.subi %iota3A_1483, %sub3A_1531 : vector<16xi32>
        %max3A_1533 = arith.constant 0 : i32
        %max3A_1534 = vector.broadcast %max3A_1533 : i32 to vector<16xi32>
        %max3A_1535 = arith.maxsi %sub3A_1532, %max3A_1534 : vector<16xi32>
        %lt3A_1536 = arith.constant 0 : i32
        %lt3A_1537 = vector.broadcast %lt3A_1536 : i32 to vector<16xi32>
        %lt3A_1538 = arith.cmpi slt, %max3A_1535, %lt3A_1537 : vector<16xi32>
        %add3A_1539 = arith.constant 16 : i32
        %add3A_1540 = vector.broadcast %add3A_1539 : i32 to vector<16xi32>
        %add3A_1541 = arith.addi %max3A_1535, %add3A_1540 : vector<16xi32>
        %select_n3A_1542 = arith.select %lt3A_1538, %add3A_1541, %max3A_1535 : vector<16xi1>, vector<16xi32>
        %broadcast_in_dim3A_1543 = vector.shape_cast %select_n3A_1542 : vector<16xi32> to vector<16x1xi32>
        %gather3A_1544 = vector.shape_cast %broadcast_in_dim3A_1543 : vector<16x1xi32> to vector<16xi32>
        %gather3A_1545 = tpu.dynamic_gather %add3A_1529[%gather3A_1544] in [0] : vector<16xf32>, vector<16xi32> -> vector<16xf32>
        %ge3A_1546 = arith.constant 4 : i32
        %ge3A_1547 = vector.broadcast %ge3A_1546 : i32 to vector<16xi32>
        %ge3A_1548 = arith.cmpi sge, %iota3A_1483, %ge3A_1547 : vector<16xi32>
        %jit3A_1549 = arith.constant 0.000000e+00 : f32
        %broadcast_in_dim3A_1550 = vector.broadcast %jit3A_1549 : f32 to vector<16xf32>
        %select_n3A_1551 = arith.select %ge3A_1548, %gather3A_1545, %broadcast_in_dim3A_1550 : vector<16xi1>, vector<16xf32>
        %add3A_1552 = arith.addf %add3A_1529, %select_n3A_1551 : vector<16xf32>
        %sub3A_1553 = arith.constant 8 : i32
        %sub3A_1554 = vector.broadcast %sub3A_1553 : i32 to vector<16xi32>
        %sub3A_1555 = arith.subi %iota3A_1483, %sub3A_1554 : vector<16xi32>
        %max3A_1556 = arith.constant 0 : i32
        %max3A_1557 = vector.broadcast %max3A_1556 : i32 to vector<16xi32>
        %max3A_1558 = arith.maxsi %sub3A_1555, %max3A_1557 : vector<16xi32>
        %lt3A_1559 = arith.constant 0 : i32
        %lt3A_1560 = vector.broadcast %lt3A_1559 : i32 to vector<16xi32>
        %lt3A_1561 = arith.cmpi slt, %max3A_1558, %lt3A_1560 : vector<16xi32>
        %add3A_1562 = arith.constant 16 : i32
        %add3A_1563 = vector.broadcast %add3A_1562 : i32 to vector<16xi32>
        %add3A_1564 = arith.addi %max3A_1558, %add3A_1563 : vector<16xi32>
        %select_n3A_1565 = arith.select %lt3A_1561, %add3A_1564, %max3A_1558 : vector<16xi1>, vector<16xi32>
        %broadcast_in_dim3A_1566 = vector.shape_cast %select_n3A_1565 : vector<16xi32> to vector<16x1xi32>
        %gather3A_1567 = vector.shape_cast %broadcast_in_dim3A_1566 : vector<16x1xi32> to vector<16xi32>
        %gather3A_1568 = tpu.dynamic_gather %add3A_1552[%gather3A_1567] in [0] : vector<16xf32>, vector<16xi32> -> vector<16xf32>
        %ge3A_1569 = arith.constant 8 : i32
        %ge3A_1570 = vector.broadcast %ge3A_1569 : i32 to vector<16xi32>
        %ge3A_1571 = arith.cmpi sge, %iota3A_1483, %ge3A_1570 : vector<16xi32>
        %jit3A_1572 = arith.constant 0.000000e+00 : f32
        %broadcast_in_dim3A_1573 = vector.broadcast %jit3A_1572 : f32 to vector<16xf32>
        %select_n3A_1574 = arith.select %ge3A_1571, %gather3A_1568, %broadcast_in_dim3A_1573 : vector<16xi1>, vector<16xf32>
        %add3A_1575 = arith.addf %add3A_1552, %select_n3A_1574 : vector<16xf32>
        %convert_element_type3A_1576 = arith.fptosi %scan3A_1207 : vector<16xf32> to vector<16xi32>
        %add3A_1577 = arith.addi %add3A_252, %convert_element_type3A_1576 : vector<16xi32>
        %convert_element_type3A_1578 = arith.fptosi %add3A_1575 : vector<16xf32> to vector<16xi32>
        %sub3A_1579 = arith.constant 1 : i32
        %sub3A_1580 = vector.broadcast %sub3A_1579 : i32 to vector<16xi32>
        %sub3A_1581 = arith.subi %convert_element_type3A_1578, %sub3A_1580 : vector<16xi32>
        %add3A_1582 = arith.addi %sub3A_1581, %add3A_1577 : vector<16xi32>
        %jit3A_1583 = arith.constant 0 : i32
        %broadcast_in_dim3A_1584 = vector.broadcast %jit3A_1583 : i32 to vector<16xi32>
        %select_n3A_1585 = arith.select %eq3A_1477, %add3A_1582, %broadcast_in_dim3A_1584 : vector<16xi1>, vector<16xi32>
        %add3A_1586 = arith.addi %add3A_1458, %select_n3A_1585 : vector<16xi32>
        %broadcast_in_dim3A_1587 = arith.constant 0 : i32
        %broadcast_in_dim3A_1588 = vector.broadcast %broadcast_in_dim3A_1587 : i32 to vector<16xi32>
        %add3A_1589 = arith.constant 15 : i32
        %add3A_1590 = vector.broadcast %add3A_1589 : i32 to vector<16xi32>
        %add3A_1591 = arith.addi %broadcast_in_dim3A_1588, %add3A_1590 : vector<16xi32>
        %lt3A_1592 = arith.constant 0 : i32
        %lt3A_1593 = vector.broadcast %lt3A_1592 : i32 to vector<16xi32>
        %lt3A_1594 = arith.cmpi slt, %add3A_1591, %lt3A_1593 : vector<16xi32>
        %add3A_1595 = arith.constant 16 : i32
        %add3A_1596 = vector.broadcast %add3A_1595 : i32 to vector<16xi32>
        %add3A_1597 = arith.addi %add3A_1591, %add3A_1596 : vector<16xi32>
        %select_n3A_1598 = arith.select %lt3A_1594, %add3A_1597, %add3A_1591 : vector<16xi1>, vector<16xi32>
        %broadcast_in_dim3A_1599 = vector.shape_cast %select_n3A_1598 : vector<16xi32> to vector<16x1xi32>
        %gather3A_1600 = vector.shape_cast %broadcast_in_dim3A_1599 : vector<16x1xi32> to vector<16xi32>
        %gather3A_1601 = tpu.dynamic_gather %add3A_1575[%gather3A_1600] in [0] : vector<16xf32>, vector<16xi32> -> vector<16xf32>
        %add3A_1602 = arith.addf %scan3A_1207, %gather3A_1601 : vector<16xf32>
        %eq3A_1603 = arith.constant 3 : i32
        %eq3A_1604 = vector.broadcast %eq3A_1603 : i32 to vector<16xi32>
        %eq3A_1605 = arith.cmpi eq, %get3A_1216, %eq3A_1604 : vector<16xi32>
        %jit3A_1606 = arith.constant 1.000000e+00 : f32
        %jit3A_1607 = arith.constant 0.000000e+00 : f32
        %broadcast_in_dim3A_1608 = vector.broadcast %jit3A_1606 : f32 to vector<16xf32>
        %broadcast_in_dim3A_1609 = vector.broadcast %jit3A_1607 : f32 to vector<16xf32>
        %select_n3A_1610 = arith.select %eq3A_1605, %broadcast_in_dim3A_1608, %broadcast_in_dim3A_1609 : vector<16xi1>, vector<16xf32>
        %iota3A_1611 = tpu.iota {dimensions = array<i32: 0>} : vector<16xi32>
        %sub3A_1612 = arith.constant 1 : i32
        %sub3A_1613 = vector.broadcast %sub3A_1612 : i32 to vector<16xi32>
        %sub3A_1614 = arith.subi %iota3A_1611, %sub3A_1613 : vector<16xi32>
        %max3A_1615 = arith.constant 0 : i32
        %max3A_1616 = vector.broadcast %max3A_1615 : i32 to vector<16xi32>
        %max3A_1617 = arith.maxsi %sub3A_1614, %max3A_1616 : vector<16xi32>
        %lt3A_1618 = arith.constant 0 : i32
        %lt3A_1619 = vector.broadcast %lt3A_1618 : i32 to vector<16xi32>
        %lt3A_1620 = arith.cmpi slt, %max3A_1617, %lt3A_1619 : vector<16xi32>
        %add3A_1621 = arith.constant 16 : i32
        %add3A_1622 = vector.broadcast %add3A_1621 : i32 to vector<16xi32>
        %add3A_1623 = arith.addi %max3A_1617, %add3A_1622 : vector<16xi32>
        %select_n3A_1624 = arith.select %lt3A_1620, %add3A_1623, %max3A_1617 : vector<16xi1>, vector<16xi32>
        %broadcast_in_dim3A_1625 = vector.shape_cast %select_n3A_1624 : vector<16xi32> to vector<16x1xi32>
        %gather3A_1626 = vector.shape_cast %broadcast_in_dim3A_1625 : vector<16x1xi32> to vector<16xi32>
        %gather3A_1627 = tpu.dynamic_gather %select_n3A_1610[%gather3A_1626] in [0] : vector<16xf32>, vector<16xi32> -> vector<16xf32>
        %ge3A_1628 = arith.constant 1 : i32
        %ge3A_1629 = vector.broadcast %ge3A_1628 : i32 to vector<16xi32>
        %ge3A_1630 = arith.cmpi sge, %iota3A_1611, %ge3A_1629 : vector<16xi32>
        %jit3A_1631 = arith.constant 0.000000e+00 : f32
        %broadcast_in_dim3A_1632 = vector.broadcast %jit3A_1631 : f32 to vector<16xf32>
        %select_n3A_1633 = arith.select %ge3A_1630, %gather3A_1627, %broadcast_in_dim3A_1632 : vector<16xi1>, vector<16xf32>
        %add3A_1634 = arith.addf %select_n3A_1610, %select_n3A_1633 : vector<16xf32>
        %sub3A_1635 = arith.constant 2 : i32
        %sub3A_1636 = vector.broadcast %sub3A_1635 : i32 to vector<16xi32>
        %sub3A_1637 = arith.subi %iota3A_1611, %sub3A_1636 : vector<16xi32>
        %max3A_1638 = arith.constant 0 : i32
        %max3A_1639 = vector.broadcast %max3A_1638 : i32 to vector<16xi32>
        %max3A_1640 = arith.maxsi %sub3A_1637, %max3A_1639 : vector<16xi32>
        %lt3A_1641 = arith.constant 0 : i32
        %lt3A_1642 = vector.broadcast %lt3A_1641 : i32 to vector<16xi32>
        %lt3A_1643 = arith.cmpi slt, %max3A_1640, %lt3A_1642 : vector<16xi32>
        %add3A_1644 = arith.constant 16 : i32
        %add3A_1645 = vector.broadcast %add3A_1644 : i32 to vector<16xi32>
        %add3A_1646 = arith.addi %max3A_1640, %add3A_1645 : vector<16xi32>
        %select_n3A_1647 = arith.select %lt3A_1643, %add3A_1646, %max3A_1640 : vector<16xi1>, vector<16xi32>
        %broadcast_in_dim3A_1648 = vector.shape_cast %select_n3A_1647 : vector<16xi32> to vector<16x1xi32>
        %gather3A_1649 = vector.shape_cast %broadcast_in_dim3A_1648 : vector<16x1xi32> to vector<16xi32>
        %gather3A_1650 = tpu.dynamic_gather %add3A_1634[%gather3A_1649] in [0] : vector<16xf32>, vector<16xi32> -> vector<16xf32>
        %ge3A_1651 = arith.constant 2 : i32
        %ge3A_1652 = vector.broadcast %ge3A_1651 : i32 to vector<16xi32>
        %ge3A_1653 = arith.cmpi sge, %iota3A_1611, %ge3A_1652 : vector<16xi32>
        %jit3A_1654 = arith.constant 0.000000e+00 : f32
        %broadcast_in_dim3A_1655 = vector.broadcast %jit3A_1654 : f32 to vector<16xf32>
        %select_n3A_1656 = arith.select %ge3A_1653, %gather3A_1650, %broadcast_in_dim3A_1655 : vector<16xi1>, vector<16xf32>
        %add3A_1657 = arith.addf %add3A_1634, %select_n3A_1656 : vector<16xf32>
        %sub3A_1658 = arith.constant 4 : i32
        %sub3A_1659 = vector.broadcast %sub3A_1658 : i32 to vector<16xi32>
        %sub3A_1660 = arith.subi %iota3A_1611, %sub3A_1659 : vector<16xi32>
        %max3A_1661 = arith.constant 0 : i32
        %max3A_1662 = vector.broadcast %max3A_1661 : i32 to vector<16xi32>
        %max3A_1663 = arith.maxsi %sub3A_1660, %max3A_1662 : vector<16xi32>
        %lt3A_1664 = arith.constant 0 : i32
        %lt3A_1665 = vector.broadcast %lt3A_1664 : i32 to vector<16xi32>
        %lt3A_1666 = arith.cmpi slt, %max3A_1663, %lt3A_1665 : vector<16xi32>
        %add3A_1667 = arith.constant 16 : i32
        %add3A_1668 = vector.broadcast %add3A_1667 : i32 to vector<16xi32>
        %add3A_1669 = arith.addi %max3A_1663, %add3A_1668 : vector<16xi32>
        %select_n3A_1670 = arith.select %lt3A_1666, %add3A_1669, %max3A_1663 : vector<16xi1>, vector<16xi32>
        %broadcast_in_dim3A_1671 = vector.shape_cast %select_n3A_1670 : vector<16xi32> to vector<16x1xi32>
        %gather3A_1672 = vector.shape_cast %broadcast_in_dim3A_1671 : vector<16x1xi32> to vector<16xi32>
        %gather3A_1673 = tpu.dynamic_gather %add3A_1657[%gather3A_1672] in [0] : vector<16xf32>, vector<16xi32> -> vector<16xf32>
        %ge3A_1674 = arith.constant 4 : i32
        %ge3A_1675 = vector.broadcast %ge3A_1674 : i32 to vector<16xi32>
        %ge3A_1676 = arith.cmpi sge, %iota3A_1611, %ge3A_1675 : vector<16xi32>
        %jit3A_1677 = arith.constant 0.000000e+00 : f32
        %broadcast_in_dim3A_1678 = vector.broadcast %jit3A_1677 : f32 to vector<16xf32>
        %select_n3A_1679 = arith.select %ge3A_1676, %gather3A_1673, %broadcast_in_dim3A_1678 : vector<16xi1>, vector<16xf32>
        %add3A_1680 = arith.addf %add3A_1657, %select_n3A_1679 : vector<16xf32>
        %sub3A_1681 = arith.constant 8 : i32
        %sub3A_1682 = vector.broadcast %sub3A_1681 : i32 to vector<16xi32>
        %sub3A_1683 = arith.subi %iota3A_1611, %sub3A_1682 : vector<16xi32>
        %max3A_1684 = arith.constant 0 : i32
        %max3A_1685 = vector.broadcast %max3A_1684 : i32 to vector<16xi32>
        %max3A_1686 = arith.maxsi %sub3A_1683, %max3A_1685 : vector<16xi32>
        %lt3A_1687 = arith.constant 0 : i32
        %lt3A_1688 = vector.broadcast %lt3A_1687 : i32 to vector<16xi32>
        %lt3A_1689 = arith.cmpi slt, %max3A_1686, %lt3A_1688 : vector<16xi32>
        %add3A_1690 = arith.constant 16 : i32
        %add3A_1691 = vector.broadcast %add3A_1690 : i32 to vector<16xi32>
        %add3A_1692 = arith.addi %max3A_1686, %add3A_1691 : vector<16xi32>
        %select_n3A_1693 = arith.select %lt3A_1689, %add3A_1692, %max3A_1686 : vector<16xi1>, vector<16xi32>
        %broadcast_in_dim3A_1694 = vector.shape_cast %select_n3A_1693 : vector<16xi32> to vector<16x1xi32>
        %gather3A_1695 = vector.shape_cast %broadcast_in_dim3A_1694 : vector<16x1xi32> to vector<16xi32>
        %gather3A_1696 = tpu.dynamic_gather %add3A_1680[%gather3A_1695] in [0] : vector<16xf32>, vector<16xi32> -> vector<16xf32>
        %ge3A_1697 = arith.constant 8 : i32
        %ge3A_1698 = vector.broadcast %ge3A_1697 : i32 to vector<16xi32>
        %ge3A_1699 = arith.cmpi sge, %iota3A_1611, %ge3A_1698 : vector<16xi32>
        %jit3A_1700 = arith.constant 0.000000e+00 : f32
        %broadcast_in_dim3A_1701 = vector.broadcast %jit3A_1700 : f32 to vector<16xf32>
        %select_n3A_1702 = arith.select %ge3A_1699, %gather3A_1696, %broadcast_in_dim3A_1701 : vector<16xi1>, vector<16xf32>
        %add3A_1703 = arith.addf %add3A_1680, %select_n3A_1702 : vector<16xf32>
        %convert_element_type3A_1704 = arith.fptosi %scan3A_1208 : vector<16xf32> to vector<16xi32>
        %add3A_1705 = arith.addi %add3A_371, %convert_element_type3A_1704 : vector<16xi32>
        %convert_element_type3A_1706 = arith.fptosi %add3A_1703 : vector<16xf32> to vector<16xi32>
        %sub3A_1707 = arith.constant 1 : i32
        %sub3A_1708 = vector.broadcast %sub3A_1707 : i32 to vector<16xi32>
        %sub3A_1709 = arith.subi %convert_element_type3A_1706, %sub3A_1708 : vector<16xi32>
        %add3A_1710 = arith.addi %sub3A_1709, %add3A_1705 : vector<16xi32>
        %jit3A_1711 = arith.constant 0 : i32
        %broadcast_in_dim3A_1712 = vector.broadcast %jit3A_1711 : i32 to vector<16xi32>
        %select_n3A_1713 = arith.select %eq3A_1605, %add3A_1710, %broadcast_in_dim3A_1712 : vector<16xi1>, vector<16xi32>
        %add3A_1714 = arith.addi %add3A_1586, %select_n3A_1713 : vector<16xi32>
        %broadcast_in_dim3A_1715 = arith.constant 0 : i32
        %broadcast_in_dim3A_1716 = vector.broadcast %broadcast_in_dim3A_1715 : i32 to vector<16xi32>
        %add3A_1717 = arith.constant 15 : i32
        %add3A_1718 = vector.broadcast %add3A_1717 : i32 to vector<16xi32>
        %add3A_1719 = arith.addi %broadcast_in_dim3A_1716, %add3A_1718 : vector<16xi32>
        %lt3A_1720 = arith.constant 0 : i32
        %lt3A_1721 = vector.broadcast %lt3A_1720 : i32 to vector<16xi32>
        %lt3A_1722 = arith.cmpi slt, %add3A_1719, %lt3A_1721 : vector<16xi32>
        %add3A_1723 = arith.constant 16 : i32
        %add3A_1724 = vector.broadcast %add3A_1723 : i32 to vector<16xi32>
        %add3A_1725 = arith.addi %add3A_1719, %add3A_1724 : vector<16xi32>
        %select_n3A_1726 = arith.select %lt3A_1722, %add3A_1725, %add3A_1719 : vector<16xi1>, vector<16xi32>
        %broadcast_in_dim3A_1727 = vector.shape_cast %select_n3A_1726 : vector<16xi32> to vector<16x1xi32>
        %gather3A_1728 = vector.shape_cast %broadcast_in_dim3A_1727 : vector<16x1xi32> to vector<16xi32>
        %gather3A_1729 = tpu.dynamic_gather %add3A_1703[%gather3A_1728] in [0] : vector<16xf32>, vector<16xi32> -> vector<16xf32>
        %add3A_1730 = arith.addf %scan3A_1208, %gather3A_1729 : vector<16xf32>
        %eq3A_1731 = arith.constant 4 : i32
        %eq3A_1732 = vector.broadcast %eq3A_1731 : i32 to vector<16xi32>
        %eq3A_1733 = arith.cmpi eq, %get3A_1216, %eq3A_1732 : vector<16xi32>
        %jit3A_1734 = arith.constant 1.000000e+00 : f32
        %jit3A_1735 = arith.constant 0.000000e+00 : f32
        %broadcast_in_dim3A_1736 = vector.broadcast %jit3A_1734 : f32 to vector<16xf32>
        %broadcast_in_dim3A_1737 = vector.broadcast %jit3A_1735 : f32 to vector<16xf32>
        %select_n3A_1738 = arith.select %eq3A_1733, %broadcast_in_dim3A_1736, %broadcast_in_dim3A_1737 : vector<16xi1>, vector<16xf32>
        %iota3A_1739 = tpu.iota {dimensions = array<i32: 0>} : vector<16xi32>
        %sub3A_1740 = arith.constant 1 : i32
        %sub3A_1741 = vector.broadcast %sub3A_1740 : i32 to vector<16xi32>
        %sub3A_1742 = arith.subi %iota3A_1739, %sub3A_1741 : vector<16xi32>
        %max3A_1743 = arith.constant 0 : i32
        %max3A_1744 = vector.broadcast %max3A_1743 : i32 to vector<16xi32>
        %max3A_1745 = arith.maxsi %sub3A_1742, %max3A_1744 : vector<16xi32>
        %lt3A_1746 = arith.constant 0 : i32
        %lt3A_1747 = vector.broadcast %lt3A_1746 : i32 to vector<16xi32>
        %lt3A_1748 = arith.cmpi slt, %max3A_1745, %lt3A_1747 : vector<16xi32>
        %add3A_1749 = arith.constant 16 : i32
        %add3A_1750 = vector.broadcast %add3A_1749 : i32 to vector<16xi32>
        %add3A_1751 = arith.addi %max3A_1745, %add3A_1750 : vector<16xi32>
        %select_n3A_1752 = arith.select %lt3A_1748, %add3A_1751, %max3A_1745 : vector<16xi1>, vector<16xi32>
        %broadcast_in_dim3A_1753 = vector.shape_cast %select_n3A_1752 : vector<16xi32> to vector<16x1xi32>
        %gather3A_1754 = vector.shape_cast %broadcast_in_dim3A_1753 : vector<16x1xi32> to vector<16xi32>
        %gather3A_1755 = tpu.dynamic_gather %select_n3A_1738[%gather3A_1754] in [0] : vector<16xf32>, vector<16xi32> -> vector<16xf32>
        %ge3A_1756 = arith.constant 1 : i32
        %ge3A_1757 = vector.broadcast %ge3A_1756 : i32 to vector<16xi32>
        %ge3A_1758 = arith.cmpi sge, %iota3A_1739, %ge3A_1757 : vector<16xi32>
        %jit3A_1759 = arith.constant 0.000000e+00 : f32
        %broadcast_in_dim3A_1760 = vector.broadcast %jit3A_1759 : f32 to vector<16xf32>
        %select_n3A_1761 = arith.select %ge3A_1758, %gather3A_1755, %broadcast_in_dim3A_1760 : vector<16xi1>, vector<16xf32>
        %add3A_1762 = arith.addf %select_n3A_1738, %select_n3A_1761 : vector<16xf32>
        %sub3A_1763 = arith.constant 2 : i32
        %sub3A_1764 = vector.broadcast %sub3A_1763 : i32 to vector<16xi32>
        %sub3A_1765 = arith.subi %iota3A_1739, %sub3A_1764 : vector<16xi32>
        %max3A_1766 = arith.constant 0 : i32
        %max3A_1767 = vector.broadcast %max3A_1766 : i32 to vector<16xi32>
        %max3A_1768 = arith.maxsi %sub3A_1765, %max3A_1767 : vector<16xi32>
        %lt3A_1769 = arith.constant 0 : i32
        %lt3A_1770 = vector.broadcast %lt3A_1769 : i32 to vector<16xi32>
        %lt3A_1771 = arith.cmpi slt, %max3A_1768, %lt3A_1770 : vector<16xi32>
        %add3A_1772 = arith.constant 16 : i32
        %add3A_1773 = vector.broadcast %add3A_1772 : i32 to vector<16xi32>
        %add3A_1774 = arith.addi %max3A_1768, %add3A_1773 : vector<16xi32>
        %select_n3A_1775 = arith.select %lt3A_1771, %add3A_1774, %max3A_1768 : vector<16xi1>, vector<16xi32>
        %broadcast_in_dim3A_1776 = vector.shape_cast %select_n3A_1775 : vector<16xi32> to vector<16x1xi32>
        %gather3A_1777 = vector.shape_cast %broadcast_in_dim3A_1776 : vector<16x1xi32> to vector<16xi32>
        %gather3A_1778 = tpu.dynamic_gather %add3A_1762[%gather3A_1777] in [0] : vector<16xf32>, vector<16xi32> -> vector<16xf32>
        %ge3A_1779 = arith.constant 2 : i32
        %ge3A_1780 = vector.broadcast %ge3A_1779 : i32 to vector<16xi32>
        %ge3A_1781 = arith.cmpi sge, %iota3A_1739, %ge3A_1780 : vector<16xi32>
        %jit3A_1782 = arith.constant 0.000000e+00 : f32
        %broadcast_in_dim3A_1783 = vector.broadcast %jit3A_1782 : f32 to vector<16xf32>
        %select_n3A_1784 = arith.select %ge3A_1781, %gather3A_1778, %broadcast_in_dim3A_1783 : vector<16xi1>, vector<16xf32>
        %add3A_1785 = arith.addf %add3A_1762, %select_n3A_1784 : vector<16xf32>
        %sub3A_1786 = arith.constant 4 : i32
        %sub3A_1787 = vector.broadcast %sub3A_1786 : i32 to vector<16xi32>
        %sub3A_1788 = arith.subi %iota3A_1739, %sub3A_1787 : vector<16xi32>
        %max3A_1789 = arith.constant 0 : i32
        %max3A_1790 = vector.broadcast %max3A_1789 : i32 to vector<16xi32>
        %max3A_1791 = arith.maxsi %sub3A_1788, %max3A_1790 : vector<16xi32>
        %lt3A_1792 = arith.constant 0 : i32
        %lt3A_1793 = vector.broadcast %lt3A_1792 : i32 to vector<16xi32>
        %lt3A_1794 = arith.cmpi slt, %max3A_1791, %lt3A_1793 : vector<16xi32>
        %add3A_1795 = arith.constant 16 : i32
        %add3A_1796 = vector.broadcast %add3A_1795 : i32 to vector<16xi32>
        %add3A_1797 = arith.addi %max3A_1791, %add3A_1796 : vector<16xi32>
        %select_n3A_1798 = arith.select %lt3A_1794, %add3A_1797, %max3A_1791 : vector<16xi1>, vector<16xi32>
        %broadcast_in_dim3A_1799 = vector.shape_cast %select_n3A_1798 : vector<16xi32> to vector<16x1xi32>
        %gather3A_1800 = vector.shape_cast %broadcast_in_dim3A_1799 : vector<16x1xi32> to vector<16xi32>
        %gather3A_1801 = tpu.dynamic_gather %add3A_1785[%gather3A_1800] in [0] : vector<16xf32>, vector<16xi32> -> vector<16xf32>
        %ge3A_1802 = arith.constant 4 : i32
        %ge3A_1803 = vector.broadcast %ge3A_1802 : i32 to vector<16xi32>
        %ge3A_1804 = arith.cmpi sge, %iota3A_1739, %ge3A_1803 : vector<16xi32>
        %jit3A_1805 = arith.constant 0.000000e+00 : f32
        %broadcast_in_dim3A_1806 = vector.broadcast %jit3A_1805 : f32 to vector<16xf32>
        %select_n3A_1807 = arith.select %ge3A_1804, %gather3A_1801, %broadcast_in_dim3A_1806 : vector<16xi1>, vector<16xf32>
        %add3A_1808 = arith.addf %add3A_1785, %select_n3A_1807 : vector<16xf32>
        %sub3A_1809 = arith.constant 8 : i32
        %sub3A_1810 = vector.broadcast %sub3A_1809 : i32 to vector<16xi32>
        %sub3A_1811 = arith.subi %iota3A_1739, %sub3A_1810 : vector<16xi32>
        %max3A_1812 = arith.constant 0 : i32
        %max3A_1813 = vector.broadcast %max3A_1812 : i32 to vector<16xi32>
        %max3A_1814 = arith.maxsi %sub3A_1811, %max3A_1813 : vector<16xi32>
        %lt3A_1815 = arith.constant 0 : i32
        %lt3A_1816 = vector.broadcast %lt3A_1815 : i32 to vector<16xi32>
        %lt3A_1817 = arith.cmpi slt, %max3A_1814, %lt3A_1816 : vector<16xi32>
        %add3A_1818 = arith.constant 16 : i32
        %add3A_1819 = vector.broadcast %add3A_1818 : i32 to vector<16xi32>
        %add3A_1820 = arith.addi %max3A_1814, %add3A_1819 : vector<16xi32>
        %select_n3A_1821 = arith.select %lt3A_1817, %add3A_1820, %max3A_1814 : vector<16xi1>, vector<16xi32>
        %broadcast_in_dim3A_1822 = vector.shape_cast %select_n3A_1821 : vector<16xi32> to vector<16x1xi32>
        %gather3A_1823 = vector.shape_cast %broadcast_in_dim3A_1822 : vector<16x1xi32> to vector<16xi32>
        %gather3A_1824 = tpu.dynamic_gather %add3A_1808[%gather3A_1823] in [0] : vector<16xf32>, vector<16xi32> -> vector<16xf32>
        %ge3A_1825 = arith.constant 8 : i32
        %ge3A_1826 = vector.broadcast %ge3A_1825 : i32 to vector<16xi32>
        %ge3A_1827 = arith.cmpi sge, %iota3A_1739, %ge3A_1826 : vector<16xi32>
        %jit3A_1828 = arith.constant 0.000000e+00 : f32
        %broadcast_in_dim3A_1829 = vector.broadcast %jit3A_1828 : f32 to vector<16xf32>
        %select_n3A_1830 = arith.select %ge3A_1827, %gather3A_1824, %broadcast_in_dim3A_1829 : vector<16xi1>, vector<16xf32>
        %add3A_1831 = arith.addf %add3A_1808, %select_n3A_1830 : vector<16xf32>
        %convert_element_type3A_1832 = arith.fptosi %scan3A_1209 : vector<16xf32> to vector<16xi32>
        %add3A_1833 = arith.addi %add3A_490, %convert_element_type3A_1832 : vector<16xi32>
        %convert_element_type3A_1834 = arith.fptosi %add3A_1831 : vector<16xf32> to vector<16xi32>
        %sub3A_1835 = arith.constant 1 : i32
        %sub3A_1836 = vector.broadcast %sub3A_1835 : i32 to vector<16xi32>
        %sub3A_1837 = arith.subi %convert_element_type3A_1834, %sub3A_1836 : vector<16xi32>
        %add3A_1838 = arith.addi %sub3A_1837, %add3A_1833 : vector<16xi32>
        %jit3A_1839 = arith.constant 0 : i32
        %broadcast_in_dim3A_1840 = vector.broadcast %jit3A_1839 : i32 to vector<16xi32>
        %select_n3A_1841 = arith.select %eq3A_1733, %add3A_1838, %broadcast_in_dim3A_1840 : vector<16xi1>, vector<16xi32>
        %add3A_1842 = arith.addi %add3A_1714, %select_n3A_1841 : vector<16xi32>
        %broadcast_in_dim3A_1843 = arith.constant 0 : i32
        %broadcast_in_dim3A_1844 = vector.broadcast %broadcast_in_dim3A_1843 : i32 to vector<16xi32>
        %add3A_1845 = arith.constant 15 : i32
        %add3A_1846 = vector.broadcast %add3A_1845 : i32 to vector<16xi32>
        %add3A_1847 = arith.addi %broadcast_in_dim3A_1844, %add3A_1846 : vector<16xi32>
        %lt3A_1848 = arith.constant 0 : i32
        %lt3A_1849 = vector.broadcast %lt3A_1848 : i32 to vector<16xi32>
        %lt3A_1850 = arith.cmpi slt, %add3A_1847, %lt3A_1849 : vector<16xi32>
        %add3A_1851 = arith.constant 16 : i32
        %add3A_1852 = vector.broadcast %add3A_1851 : i32 to vector<16xi32>
        %add3A_1853 = arith.addi %add3A_1847, %add3A_1852 : vector<16xi32>
        %select_n3A_1854 = arith.select %lt3A_1850, %add3A_1853, %add3A_1847 : vector<16xi1>, vector<16xi32>
        %broadcast_in_dim3A_1855 = vector.shape_cast %select_n3A_1854 : vector<16xi32> to vector<16x1xi32>
        %gather3A_1856 = vector.shape_cast %broadcast_in_dim3A_1855 : vector<16x1xi32> to vector<16xi32>
        %gather3A_1857 = tpu.dynamic_gather %add3A_1831[%gather3A_1856] in [0] : vector<16xf32>, vector<16xi32> -> vector<16xf32>
        %add3A_1858 = arith.addf %scan3A_1209, %gather3A_1857 : vector<16xf32>
        %eq3A_1859 = arith.constant 5 : i32
        %eq3A_1860 = vector.broadcast %eq3A_1859 : i32 to vector<16xi32>
        %eq3A_1861 = arith.cmpi eq, %get3A_1216, %eq3A_1860 : vector<16xi32>
        %jit3A_1862 = arith.constant 1.000000e+00 : f32
        %jit3A_1863 = arith.constant 0.000000e+00 : f32
        %broadcast_in_dim3A_1864 = vector.broadcast %jit3A_1862 : f32 to vector<16xf32>
        %broadcast_in_dim3A_1865 = vector.broadcast %jit3A_1863 : f32 to vector<16xf32>
        %select_n3A_1866 = arith.select %eq3A_1861, %broadcast_in_dim3A_1864, %broadcast_in_dim3A_1865 : vector<16xi1>, vector<16xf32>
        %iota3A_1867 = tpu.iota {dimensions = array<i32: 0>} : vector<16xi32>
        %sub3A_1868 = arith.constant 1 : i32
        %sub3A_1869 = vector.broadcast %sub3A_1868 : i32 to vector<16xi32>
        %sub3A_1870 = arith.subi %iota3A_1867, %sub3A_1869 : vector<16xi32>
        %max3A_1871 = arith.constant 0 : i32
        %max3A_1872 = vector.broadcast %max3A_1871 : i32 to vector<16xi32>
        %max3A_1873 = arith.maxsi %sub3A_1870, %max3A_1872 : vector<16xi32>
        %lt3A_1874 = arith.constant 0 : i32
        %lt3A_1875 = vector.broadcast %lt3A_1874 : i32 to vector<16xi32>
        %lt3A_1876 = arith.cmpi slt, %max3A_1873, %lt3A_1875 : vector<16xi32>
        %add3A_1877 = arith.constant 16 : i32
        %add3A_1878 = vector.broadcast %add3A_1877 : i32 to vector<16xi32>
        %add3A_1879 = arith.addi %max3A_1873, %add3A_1878 : vector<16xi32>
        %select_n3A_1880 = arith.select %lt3A_1876, %add3A_1879, %max3A_1873 : vector<16xi1>, vector<16xi32>
        %broadcast_in_dim3A_1881 = vector.shape_cast %select_n3A_1880 : vector<16xi32> to vector<16x1xi32>
        %gather3A_1882 = vector.shape_cast %broadcast_in_dim3A_1881 : vector<16x1xi32> to vector<16xi32>
        %gather3A_1883 = tpu.dynamic_gather %select_n3A_1866[%gather3A_1882] in [0] : vector<16xf32>, vector<16xi32> -> vector<16xf32>
        %ge3A_1884 = arith.constant 1 : i32
        %ge3A_1885 = vector.broadcast %ge3A_1884 : i32 to vector<16xi32>
        %ge3A_1886 = arith.cmpi sge, %iota3A_1867, %ge3A_1885 : vector<16xi32>
        %jit3A_1887 = arith.constant 0.000000e+00 : f32
        %broadcast_in_dim3A_1888 = vector.broadcast %jit3A_1887 : f32 to vector<16xf32>
        %select_n3A_1889 = arith.select %ge3A_1886, %gather3A_1883, %broadcast_in_dim3A_1888 : vector<16xi1>, vector<16xf32>
        %add3A_1890 = arith.addf %select_n3A_1866, %select_n3A_1889 : vector<16xf32>
        %sub3A_1891 = arith.constant 2 : i32
        %sub3A_1892 = vector.broadcast %sub3A_1891 : i32 to vector<16xi32>
        %sub3A_1893 = arith.subi %iota3A_1867, %sub3A_1892 : vector<16xi32>
        %max3A_1894 = arith.constant 0 : i32
        %max3A_1895 = vector.broadcast %max3A_1894 : i32 to vector<16xi32>
        %max3A_1896 = arith.maxsi %sub3A_1893, %max3A_1895 : vector<16xi32>
        %lt3A_1897 = arith.constant 0 : i32
        %lt3A_1898 = vector.broadcast %lt3A_1897 : i32 to vector<16xi32>
        %lt3A_1899 = arith.cmpi slt, %max3A_1896, %lt3A_1898 : vector<16xi32>
        %add3A_1900 = arith.constant 16 : i32
        %add3A_1901 = vector.broadcast %add3A_1900 : i32 to vector<16xi32>
        %add3A_1902 = arith.addi %max3A_1896, %add3A_1901 : vector<16xi32>
        %select_n3A_1903 = arith.select %lt3A_1899, %add3A_1902, %max3A_1896 : vector<16xi1>, vector<16xi32>
        %broadcast_in_dim3A_1904 = vector.shape_cast %select_n3A_1903 : vector<16xi32> to vector<16x1xi32>
        %gather3A_1905 = vector.shape_cast %broadcast_in_dim3A_1904 : vector<16x1xi32> to vector<16xi32>
        %gather3A_1906 = tpu.dynamic_gather %add3A_1890[%gather3A_1905] in [0] : vector<16xf32>, vector<16xi32> -> vector<16xf32>
        %ge3A_1907 = arith.constant 2 : i32
        %ge3A_1908 = vector.broadcast %ge3A_1907 : i32 to vector<16xi32>
        %ge3A_1909 = arith.cmpi sge, %iota3A_1867, %ge3A_1908 : vector<16xi32>
        %jit3A_1910 = arith.constant 0.000000e+00 : f32
        %broadcast_in_dim3A_1911 = vector.broadcast %jit3A_1910 : f32 to vector<16xf32>
        %select_n3A_1912 = arith.select %ge3A_1909, %gather3A_1906, %broadcast_in_dim3A_1911 : vector<16xi1>, vector<16xf32>
        %add3A_1913 = arith.addf %add3A_1890, %select_n3A_1912 : vector<16xf32>
        %sub3A_1914 = arith.constant 4 : i32
        %sub3A_1915 = vector.broadcast %sub3A_1914 : i32 to vector<16xi32>
        %sub3A_1916 = arith.subi %iota3A_1867, %sub3A_1915 : vector<16xi32>
        %max3A_1917 = arith.constant 0 : i32
        %max3A_1918 = vector.broadcast %max3A_1917 : i32 to vector<16xi32>
        %max3A_1919 = arith.maxsi %sub3A_1916, %max3A_1918 : vector<16xi32>
        %lt3A_1920 = arith.constant 0 : i32
        %lt3A_1921 = vector.broadcast %lt3A_1920 : i32 to vector<16xi32>
        %lt3A_1922 = arith.cmpi slt, %max3A_1919, %lt3A_1921 : vector<16xi32>
        %add3A_1923 = arith.constant 16 : i32
        %add3A_1924 = vector.broadcast %add3A_1923 : i32 to vector<16xi32>
        %add3A_1925 = arith.addi %max3A_1919, %add3A_1924 : vector<16xi32>
        %select_n3A_1926 = arith.select %lt3A_1922, %add3A_1925, %max3A_1919 : vector<16xi1>, vector<16xi32>
        %broadcast_in_dim3A_1927 = vector.shape_cast %select_n3A_1926 : vector<16xi32> to vector<16x1xi32>
        %gather3A_1928 = vector.shape_cast %broadcast_in_dim3A_1927 : vector<16x1xi32> to vector<16xi32>
        %gather3A_1929 = tpu.dynamic_gather %add3A_1913[%gather3A_1928] in [0] : vector<16xf32>, vector<16xi32> -> vector<16xf32>
        %ge3A_1930 = arith.constant 4 : i32
        %ge3A_1931 = vector.broadcast %ge3A_1930 : i32 to vector<16xi32>
        %ge3A_1932 = arith.cmpi sge, %iota3A_1867, %ge3A_1931 : vector<16xi32>
        %jit3A_1933 = arith.constant 0.000000e+00 : f32
        %broadcast_in_dim3A_1934 = vector.broadcast %jit3A_1933 : f32 to vector<16xf32>
        %select_n3A_1935 = arith.select %ge3A_1932, %gather3A_1929, %broadcast_in_dim3A_1934 : vector<16xi1>, vector<16xf32>
        %add3A_1936 = arith.addf %add3A_1913, %select_n3A_1935 : vector<16xf32>
        %sub3A_1937 = arith.constant 8 : i32
        %sub3A_1938 = vector.broadcast %sub3A_1937 : i32 to vector<16xi32>
        %sub3A_1939 = arith.subi %iota3A_1867, %sub3A_1938 : vector<16xi32>
        %max3A_1940 = arith.constant 0 : i32
        %max3A_1941 = vector.broadcast %max3A_1940 : i32 to vector<16xi32>
        %max3A_1942 = arith.maxsi %sub3A_1939, %max3A_1941 : vector<16xi32>
        %lt3A_1943 = arith.constant 0 : i32
        %lt3A_1944 = vector.broadcast %lt3A_1943 : i32 to vector<16xi32>
        %lt3A_1945 = arith.cmpi slt, %max3A_1942, %lt3A_1944 : vector<16xi32>
        %add3A_1946 = arith.constant 16 : i32
        %add3A_1947 = vector.broadcast %add3A_1946 : i32 to vector<16xi32>
        %add3A_1948 = arith.addi %max3A_1942, %add3A_1947 : vector<16xi32>
        %select_n3A_1949 = arith.select %lt3A_1945, %add3A_1948, %max3A_1942 : vector<16xi1>, vector<16xi32>
        %broadcast_in_dim3A_1950 = vector.shape_cast %select_n3A_1949 : vector<16xi32> to vector<16x1xi32>
        %gather3A_1951 = vector.shape_cast %broadcast_in_dim3A_1950 : vector<16x1xi32> to vector<16xi32>
        %gather3A_1952 = tpu.dynamic_gather %add3A_1936[%gather3A_1951] in [0] : vector<16xf32>, vector<16xi32> -> vector<16xf32>
        %ge3A_1953 = arith.constant 8 : i32
        %ge3A_1954 = vector.broadcast %ge3A_1953 : i32 to vector<16xi32>
        %ge3A_1955 = arith.cmpi sge, %iota3A_1867, %ge3A_1954 : vector<16xi32>
        %jit3A_1956 = arith.constant 0.000000e+00 : f32
        %broadcast_in_dim3A_1957 = vector.broadcast %jit3A_1956 : f32 to vector<16xf32>
        %select_n3A_1958 = arith.select %ge3A_1955, %gather3A_1952, %broadcast_in_dim3A_1957 : vector<16xi1>, vector<16xf32>
        %add3A_1959 = arith.addf %add3A_1936, %select_n3A_1958 : vector<16xf32>
        %convert_element_type3A_1960 = arith.fptosi %scan3A_1210 : vector<16xf32> to vector<16xi32>
        %add3A_1961 = arith.addi %add3A_609, %convert_element_type3A_1960 : vector<16xi32>
        %convert_element_type3A_1962 = arith.fptosi %add3A_1959 : vector<16xf32> to vector<16xi32>
        %sub3A_1963 = arith.constant 1 : i32
        %sub3A_1964 = vector.broadcast %sub3A_1963 : i32 to vector<16xi32>
        %sub3A_1965 = arith.subi %convert_element_type3A_1962, %sub3A_1964 : vector<16xi32>
        %add3A_1966 = arith.addi %sub3A_1965, %add3A_1961 : vector<16xi32>
        %jit3A_1967 = arith.constant 0 : i32
        %broadcast_in_dim3A_1968 = vector.broadcast %jit3A_1967 : i32 to vector<16xi32>
        %select_n3A_1969 = arith.select %eq3A_1861, %add3A_1966, %broadcast_in_dim3A_1968 : vector<16xi1>, vector<16xi32>
        %add3A_1970 = arith.addi %add3A_1842, %select_n3A_1969 : vector<16xi32>
        %broadcast_in_dim3A_1971 = arith.constant 0 : i32
        %broadcast_in_dim3A_1972 = vector.broadcast %broadcast_in_dim3A_1971 : i32 to vector<16xi32>
        %add3A_1973 = arith.constant 15 : i32
        %add3A_1974 = vector.broadcast %add3A_1973 : i32 to vector<16xi32>
        %add3A_1975 = arith.addi %broadcast_in_dim3A_1972, %add3A_1974 : vector<16xi32>
        %lt3A_1976 = arith.constant 0 : i32
        %lt3A_1977 = vector.broadcast %lt3A_1976 : i32 to vector<16xi32>
        %lt3A_1978 = arith.cmpi slt, %add3A_1975, %lt3A_1977 : vector<16xi32>
        %add3A_1979 = arith.constant 16 : i32
        %add3A_1980 = vector.broadcast %add3A_1979 : i32 to vector<16xi32>
        %add3A_1981 = arith.addi %add3A_1975, %add3A_1980 : vector<16xi32>
        %select_n3A_1982 = arith.select %lt3A_1978, %add3A_1981, %add3A_1975 : vector<16xi1>, vector<16xi32>
        %broadcast_in_dim3A_1983 = vector.shape_cast %select_n3A_1982 : vector<16xi32> to vector<16x1xi32>
        %gather3A_1984 = vector.shape_cast %broadcast_in_dim3A_1983 : vector<16x1xi32> to vector<16xi32>
        %gather3A_1985 = tpu.dynamic_gather %add3A_1959[%gather3A_1984] in [0] : vector<16xf32>, vector<16xi32> -> vector<16xf32>
        %add3A_1986 = arith.addf %scan3A_1210, %gather3A_1985 : vector<16xf32>
        %eq3A_1987 = arith.constant 6 : i32
        %eq3A_1988 = vector.broadcast %eq3A_1987 : i32 to vector<16xi32>
        %eq3A_1989 = arith.cmpi eq, %get3A_1216, %eq3A_1988 : vector<16xi32>
        %jit3A_1990 = arith.constant 1.000000e+00 : f32
        %jit3A_1991 = arith.constant 0.000000e+00 : f32
        %broadcast_in_dim3A_1992 = vector.broadcast %jit3A_1990 : f32 to vector<16xf32>
        %broadcast_in_dim3A_1993 = vector.broadcast %jit3A_1991 : f32 to vector<16xf32>
        %select_n3A_1994 = arith.select %eq3A_1989, %broadcast_in_dim3A_1992, %broadcast_in_dim3A_1993 : vector<16xi1>, vector<16xf32>
        %iota3A_1995 = tpu.iota {dimensions = array<i32: 0>} : vector<16xi32>
        %sub3A_1996 = arith.constant 1 : i32
        %sub3A_1997 = vector.broadcast %sub3A_1996 : i32 to vector<16xi32>
        %sub3A_1998 = arith.subi %iota3A_1995, %sub3A_1997 : vector<16xi32>
        %max3A_1999 = arith.constant 0 : i32
        %max3A_2000 = vector.broadcast %max3A_1999 : i32 to vector<16xi32>
        %max3A_2001 = arith.maxsi %sub3A_1998, %max3A_2000 : vector<16xi32>
        %lt3A_2002 = arith.constant 0 : i32
        %lt3A_2003 = vector.broadcast %lt3A_2002 : i32 to vector<16xi32>
        %lt3A_2004 = arith.cmpi slt, %max3A_2001, %lt3A_2003 : vector<16xi32>
        %add3A_2005 = arith.constant 16 : i32
        %add3A_2006 = vector.broadcast %add3A_2005 : i32 to vector<16xi32>
        %add3A_2007 = arith.addi %max3A_2001, %add3A_2006 : vector<16xi32>
        %select_n3A_2008 = arith.select %lt3A_2004, %add3A_2007, %max3A_2001 : vector<16xi1>, vector<16xi32>
        %broadcast_in_dim3A_2009 = vector.shape_cast %select_n3A_2008 : vector<16xi32> to vector<16x1xi32>
        %gather3A_2010 = vector.shape_cast %broadcast_in_dim3A_2009 : vector<16x1xi32> to vector<16xi32>
        %gather3A_2011 = tpu.dynamic_gather %select_n3A_1994[%gather3A_2010] in [0] : vector<16xf32>, vector<16xi32> -> vector<16xf32>
        %ge3A_2012 = arith.constant 1 : i32
        %ge3A_2013 = vector.broadcast %ge3A_2012 : i32 to vector<16xi32>
        %ge3A_2014 = arith.cmpi sge, %iota3A_1995, %ge3A_2013 : vector<16xi32>
        %jit3A_2015 = arith.constant 0.000000e+00 : f32
        %broadcast_in_dim3A_2016 = vector.broadcast %jit3A_2015 : f32 to vector<16xf32>
        %select_n3A_2017 = arith.select %ge3A_2014, %gather3A_2011, %broadcast_in_dim3A_2016 : vector<16xi1>, vector<16xf32>
        %add3A_2018 = arith.addf %select_n3A_1994, %select_n3A_2017 : vector<16xf32>
        %sub3A_2019 = arith.constant 2 : i32
        %sub3A_2020 = vector.broadcast %sub3A_2019 : i32 to vector<16xi32>
        %sub3A_2021 = arith.subi %iota3A_1995, %sub3A_2020 : vector<16xi32>
        %max3A_2022 = arith.constant 0 : i32
        %max3A_2023 = vector.broadcast %max3A_2022 : i32 to vector<16xi32>
        %max3A_2024 = arith.maxsi %sub3A_2021, %max3A_2023 : vector<16xi32>
        %lt3A_2025 = arith.constant 0 : i32
        %lt3A_2026 = vector.broadcast %lt3A_2025 : i32 to vector<16xi32>
        %lt3A_2027 = arith.cmpi slt, %max3A_2024, %lt3A_2026 : vector<16xi32>
        %add3A_2028 = arith.constant 16 : i32
        %add3A_2029 = vector.broadcast %add3A_2028 : i32 to vector<16xi32>
        %add3A_2030 = arith.addi %max3A_2024, %add3A_2029 : vector<16xi32>
        %select_n3A_2031 = arith.select %lt3A_2027, %add3A_2030, %max3A_2024 : vector<16xi1>, vector<16xi32>
        %broadcast_in_dim3A_2032 = vector.shape_cast %select_n3A_2031 : vector<16xi32> to vector<16x1xi32>
        %gather3A_2033 = vector.shape_cast %broadcast_in_dim3A_2032 : vector<16x1xi32> to vector<16xi32>
        %gather3A_2034 = tpu.dynamic_gather %add3A_2018[%gather3A_2033] in [0] : vector<16xf32>, vector<16xi32> -> vector<16xf32>
        %ge3A_2035 = arith.constant 2 : i32
        %ge3A_2036 = vector.broadcast %ge3A_2035 : i32 to vector<16xi32>
        %ge3A_2037 = arith.cmpi sge, %iota3A_1995, %ge3A_2036 : vector<16xi32>
        %jit3A_2038 = arith.constant 0.000000e+00 : f32
        %broadcast_in_dim3A_2039 = vector.broadcast %jit3A_2038 : f32 to vector<16xf32>
        %select_n3A_2040 = arith.select %ge3A_2037, %gather3A_2034, %broadcast_in_dim3A_2039 : vector<16xi1>, vector<16xf32>
        %add3A_2041 = arith.addf %add3A_2018, %select_n3A_2040 : vector<16xf32>
        %sub3A_2042 = arith.constant 4 : i32
        %sub3A_2043 = vector.broadcast %sub3A_2042 : i32 to vector<16xi32>
        %sub3A_2044 = arith.subi %iota3A_1995, %sub3A_2043 : vector<16xi32>
        %max3A_2045 = arith.constant 0 : i32
        %max3A_2046 = vector.broadcast %max3A_2045 : i32 to vector<16xi32>
        %max3A_2047 = arith.maxsi %sub3A_2044, %max3A_2046 : vector<16xi32>
        %lt3A_2048 = arith.constant 0 : i32
        %lt3A_2049 = vector.broadcast %lt3A_2048 : i32 to vector<16xi32>
        %lt3A_2050 = arith.cmpi slt, %max3A_2047, %lt3A_2049 : vector<16xi32>
        %add3A_2051 = arith.constant 16 : i32
        %add3A_2052 = vector.broadcast %add3A_2051 : i32 to vector<16xi32>
        %add3A_2053 = arith.addi %max3A_2047, %add3A_2052 : vector<16xi32>
        %select_n3A_2054 = arith.select %lt3A_2050, %add3A_2053, %max3A_2047 : vector<16xi1>, vector<16xi32>
        %broadcast_in_dim3A_2055 = vector.shape_cast %select_n3A_2054 : vector<16xi32> to vector<16x1xi32>
        %gather3A_2056 = vector.shape_cast %broadcast_in_dim3A_2055 : vector<16x1xi32> to vector<16xi32>
        %gather3A_2057 = tpu.dynamic_gather %add3A_2041[%gather3A_2056] in [0] : vector<16xf32>, vector<16xi32> -> vector<16xf32>
        %ge3A_2058 = arith.constant 4 : i32
        %ge3A_2059 = vector.broadcast %ge3A_2058 : i32 to vector<16xi32>
        %ge3A_2060 = arith.cmpi sge, %iota3A_1995, %ge3A_2059 : vector<16xi32>
        %jit3A_2061 = arith.constant 0.000000e+00 : f32
        %broadcast_in_dim3A_2062 = vector.broadcast %jit3A_2061 : f32 to vector<16xf32>
        %select_n3A_2063 = arith.select %ge3A_2060, %gather3A_2057, %broadcast_in_dim3A_2062 : vector<16xi1>, vector<16xf32>
        %add3A_2064 = arith.addf %add3A_2041, %select_n3A_2063 : vector<16xf32>
        %sub3A_2065 = arith.constant 8 : i32
        %sub3A_2066 = vector.broadcast %sub3A_2065 : i32 to vector<16xi32>
        %sub3A_2067 = arith.subi %iota3A_1995, %sub3A_2066 : vector<16xi32>
        %max3A_2068 = arith.constant 0 : i32
        %max3A_2069 = vector.broadcast %max3A_2068 : i32 to vector<16xi32>
        %max3A_2070 = arith.maxsi %sub3A_2067, %max3A_2069 : vector<16xi32>
        %lt3A_2071 = arith.constant 0 : i32
        %lt3A_2072 = vector.broadcast %lt3A_2071 : i32 to vector<16xi32>
        %lt3A_2073 = arith.cmpi slt, %max3A_2070, %lt3A_2072 : vector<16xi32>
        %add3A_2074 = arith.constant 16 : i32
        %add3A_2075 = vector.broadcast %add3A_2074 : i32 to vector<16xi32>
        %add3A_2076 = arith.addi %max3A_2070, %add3A_2075 : vector<16xi32>
        %select_n3A_2077 = arith.select %lt3A_2073, %add3A_2076, %max3A_2070 : vector<16xi1>, vector<16xi32>
        %broadcast_in_dim3A_2078 = vector.shape_cast %select_n3A_2077 : vector<16xi32> to vector<16x1xi32>
        %gather3A_2079 = vector.shape_cast %broadcast_in_dim3A_2078 : vector<16x1xi32> to vector<16xi32>
        %gather3A_2080 = tpu.dynamic_gather %add3A_2064[%gather3A_2079] in [0] : vector<16xf32>, vector<16xi32> -> vector<16xf32>
        %ge3A_2081 = arith.constant 8 : i32
        %ge3A_2082 = vector.broadcast %ge3A_2081 : i32 to vector<16xi32>
        %ge3A_2083 = arith.cmpi sge, %iota3A_1995, %ge3A_2082 : vector<16xi32>
        %jit3A_2084 = arith.constant 0.000000e+00 : f32
        %broadcast_in_dim3A_2085 = vector.broadcast %jit3A_2084 : f32 to vector<16xf32>
        %select_n3A_2086 = arith.select %ge3A_2083, %gather3A_2080, %broadcast_in_dim3A_2085 : vector<16xi1>, vector<16xf32>
        %add3A_2087 = arith.addf %add3A_2064, %select_n3A_2086 : vector<16xf32>
        %convert_element_type3A_2088 = arith.fptosi %scan3A_1211 : vector<16xf32> to vector<16xi32>
        %add3A_2089 = arith.addi %add3A_728, %convert_element_type3A_2088 : vector<16xi32>
        %convert_element_type3A_2090 = arith.fptosi %add3A_2087 : vector<16xf32> to vector<16xi32>
        %sub3A_2091 = arith.constant 1 : i32
        %sub3A_2092 = vector.broadcast %sub3A_2091 : i32 to vector<16xi32>
        %sub3A_2093 = arith.subi %convert_element_type3A_2090, %sub3A_2092 : vector<16xi32>
        %add3A_2094 = arith.addi %sub3A_2093, %add3A_2089 : vector<16xi32>
        %jit3A_2095 = arith.constant 0 : i32
        %broadcast_in_dim3A_2096 = vector.broadcast %jit3A_2095 : i32 to vector<16xi32>
        %select_n3A_2097 = arith.select %eq3A_1989, %add3A_2094, %broadcast_in_dim3A_2096 : vector<16xi1>, vector<16xi32>
        %add3A_2098 = arith.addi %add3A_1970, %select_n3A_2097 : vector<16xi32>
        %broadcast_in_dim3A_2099 = arith.constant 0 : i32
        %broadcast_in_dim3A_2100 = vector.broadcast %broadcast_in_dim3A_2099 : i32 to vector<16xi32>
        %add3A_2101 = arith.constant 15 : i32
        %add3A_2102 = vector.broadcast %add3A_2101 : i32 to vector<16xi32>
        %add3A_2103 = arith.addi %broadcast_in_dim3A_2100, %add3A_2102 : vector<16xi32>
        %lt3A_2104 = arith.constant 0 : i32
        %lt3A_2105 = vector.broadcast %lt3A_2104 : i32 to vector<16xi32>
        %lt3A_2106 = arith.cmpi slt, %add3A_2103, %lt3A_2105 : vector<16xi32>
        %add3A_2107 = arith.constant 16 : i32
        %add3A_2108 = vector.broadcast %add3A_2107 : i32 to vector<16xi32>
        %add3A_2109 = arith.addi %add3A_2103, %add3A_2108 : vector<16xi32>
        %select_n3A_2110 = arith.select %lt3A_2106, %add3A_2109, %add3A_2103 : vector<16xi1>, vector<16xi32>
        %broadcast_in_dim3A_2111 = vector.shape_cast %select_n3A_2110 : vector<16xi32> to vector<16x1xi32>
        %gather3A_2112 = vector.shape_cast %broadcast_in_dim3A_2111 : vector<16x1xi32> to vector<16xi32>
        %gather3A_2113 = tpu.dynamic_gather %add3A_2087[%gather3A_2112] in [0] : vector<16xf32>, vector<16xi32> -> vector<16xf32>
        %add3A_2114 = arith.addf %scan3A_1211, %gather3A_2113 : vector<16xf32>
        %eq3A_2115 = arith.constant 7 : i32
        %eq3A_2116 = vector.broadcast %eq3A_2115 : i32 to vector<16xi32>
        %eq3A_2117 = arith.cmpi eq, %get3A_1216, %eq3A_2116 : vector<16xi32>
        %jit3A_2118 = arith.constant 1.000000e+00 : f32
        %jit3A_2119 = arith.constant 0.000000e+00 : f32
        %broadcast_in_dim3A_2120 = vector.broadcast %jit3A_2118 : f32 to vector<16xf32>
        %broadcast_in_dim3A_2121 = vector.broadcast %jit3A_2119 : f32 to vector<16xf32>
        %select_n3A_2122 = arith.select %eq3A_2117, %broadcast_in_dim3A_2120, %broadcast_in_dim3A_2121 : vector<16xi1>, vector<16xf32>
        %iota3A_2123 = tpu.iota {dimensions = array<i32: 0>} : vector<16xi32>
        %sub3A_2124 = arith.constant 1 : i32
        %sub3A_2125 = vector.broadcast %sub3A_2124 : i32 to vector<16xi32>
        %sub3A_2126 = arith.subi %iota3A_2123, %sub3A_2125 : vector<16xi32>
        %max3A_2127 = arith.constant 0 : i32
        %max3A_2128 = vector.broadcast %max3A_2127 : i32 to vector<16xi32>
        %max3A_2129 = arith.maxsi %sub3A_2126, %max3A_2128 : vector<16xi32>
        %lt3A_2130 = arith.constant 0 : i32
        %lt3A_2131 = vector.broadcast %lt3A_2130 : i32 to vector<16xi32>
        %lt3A_2132 = arith.cmpi slt, %max3A_2129, %lt3A_2131 : vector<16xi32>
        %add3A_2133 = arith.constant 16 : i32
        %add3A_2134 = vector.broadcast %add3A_2133 : i32 to vector<16xi32>
        %add3A_2135 = arith.addi %max3A_2129, %add3A_2134 : vector<16xi32>
        %select_n3A_2136 = arith.select %lt3A_2132, %add3A_2135, %max3A_2129 : vector<16xi1>, vector<16xi32>
        %broadcast_in_dim3A_2137 = vector.shape_cast %select_n3A_2136 : vector<16xi32> to vector<16x1xi32>
        %gather3A_2138 = vector.shape_cast %broadcast_in_dim3A_2137 : vector<16x1xi32> to vector<16xi32>
        %gather3A_2139 = tpu.dynamic_gather %select_n3A_2122[%gather3A_2138] in [0] : vector<16xf32>, vector<16xi32> -> vector<16xf32>
        %ge3A_2140 = arith.constant 1 : i32
        %ge3A_2141 = vector.broadcast %ge3A_2140 : i32 to vector<16xi32>
        %ge3A_2142 = arith.cmpi sge, %iota3A_2123, %ge3A_2141 : vector<16xi32>
        %jit3A_2143 = arith.constant 0.000000e+00 : f32
        %broadcast_in_dim3A_2144 = vector.broadcast %jit3A_2143 : f32 to vector<16xf32>
        %select_n3A_2145 = arith.select %ge3A_2142, %gather3A_2139, %broadcast_in_dim3A_2144 : vector<16xi1>, vector<16xf32>
        %add3A_2146 = arith.addf %select_n3A_2122, %select_n3A_2145 : vector<16xf32>
        %sub3A_2147 = arith.constant 2 : i32
        %sub3A_2148 = vector.broadcast %sub3A_2147 : i32 to vector<16xi32>
        %sub3A_2149 = arith.subi %iota3A_2123, %sub3A_2148 : vector<16xi32>
        %max3A_2150 = arith.constant 0 : i32
        %max3A_2151 = vector.broadcast %max3A_2150 : i32 to vector<16xi32>
        %max3A_2152 = arith.maxsi %sub3A_2149, %max3A_2151 : vector<16xi32>
        %lt3A_2153 = arith.constant 0 : i32
        %lt3A_2154 = vector.broadcast %lt3A_2153 : i32 to vector<16xi32>
        %lt3A_2155 = arith.cmpi slt, %max3A_2152, %lt3A_2154 : vector<16xi32>
        %add3A_2156 = arith.constant 16 : i32
        %add3A_2157 = vector.broadcast %add3A_2156 : i32 to vector<16xi32>
        %add3A_2158 = arith.addi %max3A_2152, %add3A_2157 : vector<16xi32>
        %select_n3A_2159 = arith.select %lt3A_2155, %add3A_2158, %max3A_2152 : vector<16xi1>, vector<16xi32>
        %broadcast_in_dim3A_2160 = vector.shape_cast %select_n3A_2159 : vector<16xi32> to vector<16x1xi32>
        %gather3A_2161 = vector.shape_cast %broadcast_in_dim3A_2160 : vector<16x1xi32> to vector<16xi32>
        %gather3A_2162 = tpu.dynamic_gather %add3A_2146[%gather3A_2161] in [0] : vector<16xf32>, vector<16xi32> -> vector<16xf32>
        %ge3A_2163 = arith.constant 2 : i32
        %ge3A_2164 = vector.broadcast %ge3A_2163 : i32 to vector<16xi32>
        %ge3A_2165 = arith.cmpi sge, %iota3A_2123, %ge3A_2164 : vector<16xi32>
        %jit3A_2166 = arith.constant 0.000000e+00 : f32
        %broadcast_in_dim3A_2167 = vector.broadcast %jit3A_2166 : f32 to vector<16xf32>
        %select_n3A_2168 = arith.select %ge3A_2165, %gather3A_2162, %broadcast_in_dim3A_2167 : vector<16xi1>, vector<16xf32>
        %add3A_2169 = arith.addf %add3A_2146, %select_n3A_2168 : vector<16xf32>
        %sub3A_2170 = arith.constant 4 : i32
        %sub3A_2171 = vector.broadcast %sub3A_2170 : i32 to vector<16xi32>
        %sub3A_2172 = arith.subi %iota3A_2123, %sub3A_2171 : vector<16xi32>
        %max3A_2173 = arith.constant 0 : i32
        %max3A_2174 = vector.broadcast %max3A_2173 : i32 to vector<16xi32>
        %max3A_2175 = arith.maxsi %sub3A_2172, %max3A_2174 : vector<16xi32>
        %lt3A_2176 = arith.constant 0 : i32
        %lt3A_2177 = vector.broadcast %lt3A_2176 : i32 to vector<16xi32>
        %lt3A_2178 = arith.cmpi slt, %max3A_2175, %lt3A_2177 : vector<16xi32>
        %add3A_2179 = arith.constant 16 : i32
        %add3A_2180 = vector.broadcast %add3A_2179 : i32 to vector<16xi32>
        %add3A_2181 = arith.addi %max3A_2175, %add3A_2180 : vector<16xi32>
        %select_n3A_2182 = arith.select %lt3A_2178, %add3A_2181, %max3A_2175 : vector<16xi1>, vector<16xi32>
        %broadcast_in_dim3A_2183 = vector.shape_cast %select_n3A_2182 : vector<16xi32> to vector<16x1xi32>
        %gather3A_2184 = vector.shape_cast %broadcast_in_dim3A_2183 : vector<16x1xi32> to vector<16xi32>
        %gather3A_2185 = tpu.dynamic_gather %add3A_2169[%gather3A_2184] in [0] : vector<16xf32>, vector<16xi32> -> vector<16xf32>
        %ge3A_2186 = arith.constant 4 : i32
        %ge3A_2187 = vector.broadcast %ge3A_2186 : i32 to vector<16xi32>
        %ge3A_2188 = arith.cmpi sge, %iota3A_2123, %ge3A_2187 : vector<16xi32>
        %jit3A_2189 = arith.constant 0.000000e+00 : f32
        %broadcast_in_dim3A_2190 = vector.broadcast %jit3A_2189 : f32 to vector<16xf32>
        %select_n3A_2191 = arith.select %ge3A_2188, %gather3A_2185, %broadcast_in_dim3A_2190 : vector<16xi1>, vector<16xf32>
        %add3A_2192 = arith.addf %add3A_2169, %select_n3A_2191 : vector<16xf32>
        %sub3A_2193 = arith.constant 8 : i32
        %sub3A_2194 = vector.broadcast %sub3A_2193 : i32 to vector<16xi32>
        %sub3A_2195 = arith.subi %iota3A_2123, %sub3A_2194 : vector<16xi32>
        %max3A_2196 = arith.constant 0 : i32
        %max3A_2197 = vector.broadcast %max3A_2196 : i32 to vector<16xi32>
        %max3A_2198 = arith.maxsi %sub3A_2195, %max3A_2197 : vector<16xi32>
        %lt3A_2199 = arith.constant 0 : i32
        %lt3A_2200 = vector.broadcast %lt3A_2199 : i32 to vector<16xi32>
        %lt3A_2201 = arith.cmpi slt, %max3A_2198, %lt3A_2200 : vector<16xi32>
        %add3A_2202 = arith.constant 16 : i32
        %add3A_2203 = vector.broadcast %add3A_2202 : i32 to vector<16xi32>
        %add3A_2204 = arith.addi %max3A_2198, %add3A_2203 : vector<16xi32>
        %select_n3A_2205 = arith.select %lt3A_2201, %add3A_2204, %max3A_2198 : vector<16xi1>, vector<16xi32>
        %broadcast_in_dim3A_2206 = vector.shape_cast %select_n3A_2205 : vector<16xi32> to vector<16x1xi32>
        %gather3A_2207 = vector.shape_cast %broadcast_in_dim3A_2206 : vector<16x1xi32> to vector<16xi32>
        %gather3A_2208 = tpu.dynamic_gather %add3A_2192[%gather3A_2207] in [0] : vector<16xf32>, vector<16xi32> -> vector<16xf32>
        %ge3A_2209 = arith.constant 8 : i32
        %ge3A_2210 = vector.broadcast %ge3A_2209 : i32 to vector<16xi32>
        %ge3A_2211 = arith.cmpi sge, %iota3A_2123, %ge3A_2210 : vector<16xi32>
        %jit3A_2212 = arith.constant 0.000000e+00 : f32
        %broadcast_in_dim3A_2213 = vector.broadcast %jit3A_2212 : f32 to vector<16xf32>
        %select_n3A_2214 = arith.select %ge3A_2211, %gather3A_2208, %broadcast_in_dim3A_2213 : vector<16xi1>, vector<16xf32>
        %add3A_2215 = arith.addf %add3A_2192, %select_n3A_2214 : vector<16xf32>
        %convert_element_type3A_2216 = arith.fptosi %scan3A_1212 : vector<16xf32> to vector<16xi32>
        %add3A_2217 = arith.addi %add3A_847, %convert_element_type3A_2216 : vector<16xi32>
        %convert_element_type3A_2218 = arith.fptosi %add3A_2215 : vector<16xf32> to vector<16xi32>
        %sub3A_2219 = arith.constant 1 : i32
        %sub3A_2220 = vector.broadcast %sub3A_2219 : i32 to vector<16xi32>
        %sub3A_2221 = arith.subi %convert_element_type3A_2218, %sub3A_2220 : vector<16xi32>
        %add3A_2222 = arith.addi %sub3A_2221, %add3A_2217 : vector<16xi32>
        %jit3A_2223 = arith.constant 0 : i32
        %broadcast_in_dim3A_2224 = vector.broadcast %jit3A_2223 : i32 to vector<16xi32>
        %select_n3A_2225 = arith.select %eq3A_2117, %add3A_2222, %broadcast_in_dim3A_2224 : vector<16xi1>, vector<16xi32>
        %add3A_2226 = arith.addi %add3A_2098, %select_n3A_2225 : vector<16xi32>
        %broadcast_in_dim3A_2227 = arith.constant 0 : i32
        %broadcast_in_dim3A_2228 = vector.broadcast %broadcast_in_dim3A_2227 : i32 to vector<16xi32>
        %add3A_2229 = arith.constant 15 : i32
        %add3A_2230 = vector.broadcast %add3A_2229 : i32 to vector<16xi32>
        %add3A_2231 = arith.addi %broadcast_in_dim3A_2228, %add3A_2230 : vector<16xi32>
        %lt3A_2232 = arith.constant 0 : i32
        %lt3A_2233 = vector.broadcast %lt3A_2232 : i32 to vector<16xi32>
        %lt3A_2234 = arith.cmpi slt, %add3A_2231, %lt3A_2233 : vector<16xi32>
        %add3A_2235 = arith.constant 16 : i32
        %add3A_2236 = vector.broadcast %add3A_2235 : i32 to vector<16xi32>
        %add3A_2237 = arith.addi %add3A_2231, %add3A_2236 : vector<16xi32>
        %select_n3A_2238 = arith.select %lt3A_2234, %add3A_2237, %add3A_2231 : vector<16xi1>, vector<16xi32>
        %broadcast_in_dim3A_2239 = vector.shape_cast %select_n3A_2238 : vector<16xi32> to vector<16x1xi32>
        %gather3A_2240 = vector.shape_cast %broadcast_in_dim3A_2239 : vector<16x1xi32> to vector<16xi32>
        %gather3A_2241 = tpu.dynamic_gather %add3A_2215[%gather3A_2240] in [0] : vector<16xf32>, vector<16xi32> -> vector<16xf32>
        %add3A_2242 = arith.addf %scan3A_1212, %gather3A_2241 : vector<16xf32>
        %mul3A_2243 = arith.constant 16 : i32
        %mul3A_2244 = arith.muli %scan3A_1204, %mul3A_2243 : i32
        %swap3A_2245 = arith.index_cast %mul3A_2244 : i32 to index
        %swap3A_2246 = tpu.vector_load %arg7[%swap3A_2245] {strides = array<i32>} : memref<4096xi32, #tpu.memory_space<vmem>>, vector<16xi32>,
        %swap3A_2247 = vector.shape_cast %swap3A_2246 : vector<16xi32> to vector<16xi32>
        %swap3A_2248 = vector.shape_cast %add3A_2226 : vector<16xi32> to vector<16xi32>
        tpu.vector_store %arg7[%swap3A_2245], %swap3A_2248 {strides = array<i32>} : memref<4096xi32, #tpu.memory_space<vmem>>, vector<16xi32>,
        scf.yield %add3A_1346, %add3A_1474, %add3A_1602, %add3A_1730, %add3A_1858, %add3A_1986, %add3A_2114, %add3A_2242 : vector<16xf32>, vector<16xf32>, vector<16xf32>, vector<16xf32>, vector<16xf32>, vector<16xf32>, vector<16xf32>, vector<16xf32>
      }
      %scan3A_1203 = arith.constant 256 : i32
      "tpu.region"() ({
        %run_scoped3A = tpu.sem_alloc : memref<!tpu.dma_semaphore, #tpu.memory_space<semaphore_mem>>
        tpu.enqueue_dma source(%arg6 : memref<48xi32, #tpu.memory_space<vmem>>) target(%arg3 : memref<48xi32, #tpu.memory_space<hbm>>) target_semaphore(%run_scoped3A : memref<!tpu.dma_semaphore, #tpu.memory_space<semaphore_mem>>)
        tpu.wait_dma2 semaphore(%run_scoped3A : memref<!tpu.dma_semaphore, #tpu.memory_space<semaphore_mem>>) src(%arg6 : memref<48xi32, #tpu.memory_space<vmem>>) dst(%arg3 : memref<48xi32, #tpu.memory_space<hbm>>)
        tpu.yield
      }) : () -> ()
      "tpu.region"() ({
        %run_scoped3A = tpu.sem_alloc : memref<!tpu.dma_semaphore, #tpu.memory_space<semaphore_mem>>
        tpu.enqueue_dma source(%arg7 : memref<4096xi32, #tpu.memory_space<vmem>>) target(%arg4 : memref<4096xi32, #tpu.memory_space<hbm>>) target_semaphore(%run_scoped3A : memref<!tpu.dma_semaphore, #tpu.memory_space<semaphore_mem>>)
        tpu.wait_dma2 semaphore(%run_scoped3A : memref<!tpu.dma_semaphore, #tpu.memory_space<semaphore_mem>>) src(%arg7 : memref<4096xi32, #tpu.memory_space<vmem>>) dst(%arg4 : memref<4096xi32, #tpu.memory_space<hbm>>)
        tpu.yield
      }) : () -> ()
    } else {
    }
    return
  }
}

module attributes {stable_mosaic.version = 14 : i64} {
  func.func @_gc_qkv_kernel(%arg0: i32, %arg1: memref<256x2048xf32, #tpu.memory_space<vmem>>, %arg2: memref<2048x768xf32, #tpu.memory_space<vmem>>, %arg3: memref<256x768xf32, #tpu.memory_space<vmem>>, %arg4: memref<768x768xf32, #tpu.memory_space<vmem>>, %arg5: memref<1x768xf32, #tpu.memory_space<vmem>>, %arg6: memref<1x768xf32, #tpu.memory_space<vmem>>, %arg7: memref<2304x768xf32, #tpu.memory_space<vmem>>, %arg8: memref<1x2304xf32, #tpu.memory_space<vmem>>, %arg9: memref<256x768xf32, #tpu.memory_space<vmem>>, %arg10: memref<256x2304xf32, #tpu.memory_space<vmem>>) attributes {dimension_semantics = [#tpu.dimension_semantics<arbitrary>], iteration_bounds = array<i64: 8>, scalar_prefetch = 0 : i64, scratch_operands = 0 : i64, tpu.core_type = #tpu.core_type<tc>, window_params = [{transform_indices = @transform_0, window_bounds = array<i64: 256, 2048>}, {pipeline_mode = #tpu.pipeline_mode<synchronous>, transform_indices = @transform_1, window_bounds = array<i64: 2048, 768>}, {transform_indices = @transform_2, window_bounds = array<i64: 256, 768>}, {pipeline_mode = #tpu.pipeline_mode<synchronous>, transform_indices = @transform_3, window_bounds = array<i64: 768, 768>}, {pipeline_mode = #tpu.pipeline_mode<synchronous>, transform_indices = @transform_4, window_bounds = array<i64: 1, 768>}, {pipeline_mode = #tpu.pipeline_mode<synchronous>, transform_indices = @transform_5, window_bounds = array<i64: 1, 768>}, {pipeline_mode = #tpu.pipeline_mode<synchronous>, transform_indices = @transform_6, window_bounds = array<i64: 2304, 768>}, {pipeline_mode = #tpu.pipeline_mode<synchronous>, transform_indices = @transform_7, window_bounds = array<i64: 1, 2304>}, {transform_indices = @transform_8, window_bounds = array<i64: 256, 768>}, {transform_indices = @transform_9, window_bounds = array<i64: 256, 2304>}]} {
    %get3A = arith.constant 0 : index
    %get3A_0 = arith.constant 0 : index
    %get3A_1 = vector.load %arg1[%get3A, %get3A_0] : memref<256x2048xf32, #tpu.memory_space<vmem>>, vector<256x2048xf32>
    %get3A_2 = arith.constant 0 : index
    %get3A_3 = arith.constant 0 : index
    %get3A_4 = vector.load %arg2[%get3A_2, %get3A_3] : memref<2048x768xf32, #tpu.memory_space<vmem>>, vector<2048x768xf32>
    %dot_general3A = arith.constant dense<0.000000e+00> : vector<256x768xf32>
    %dot_general3A_5 = tpu.matmul %get3A_1, %get3A_4, %dot_general3A {dimension_numbers = #tpu.dot_dimension_numbers<[1], [0], [0], [1], [0, 0, 1, 1], [], []>, transpose_lhs_hint = false} : vector<256x2048xf32>, vector<2048x768xf32>, vector<256x768xf32> -> vector<256x768xf32>
    %get3A_6 = arith.constant 0 : index
    %get3A_7 = arith.constant 0 : index
    %get3A_8 = vector.load %arg4[%get3A_6, %get3A_7] : memref<768x768xf32, #tpu.memory_space<vmem>>, vector<768x768xf32>
    %dot_general3A_9 = arith.constant dense<0.000000e+00> : vector<256x768xf32>
    %dot_general3A_10 = tpu.matmul %dot_general3A_5, %get3A_8, %dot_general3A_9 {dimension_numbers = #tpu.dot_dimension_numbers<[1], [1], [0], [0], [0, 0, 1, 0], [], []>, transpose_lhs_hint = false} : vector<256x768xf32>, vector<768x768xf32>, vector<256x768xf32> -> vector<256x768xf32>
    %get3A_11 = arith.constant 0 : index
    %get3A_12 = arith.constant 0 : index
    %get3A_13 = vector.load %arg5[%get3A_11, %get3A_12] : memref<1x768xf32, #tpu.memory_space<vmem>>, vector<1x768xf32>
    %add3A = vector.broadcast %get3A_13 : vector<1x768xf32> to vector<256x768xf32>
    %add3A_14 = arith.addf %dot_general3A_10, %add3A : vector<256x768xf32>
    %get3A_15 = arith.constant 0 : index
    %get3A_16 = arith.constant 0 : index
    %get3A_17 = vector.load %arg6[%get3A_15, %get3A_16] : memref<1x768xf32, #tpu.memory_space<vmem>>, vector<1x768xf32>
    %add3A_18 = vector.broadcast %get3A_17 : vector<1x768xf32> to vector<256x768xf32>
    %add3A_19 = arith.addf %add3A_14, %add3A_18 : vector<256x768xf32>
    %get3A_20 = arith.constant 0 : index
    %get3A_21 = arith.constant 0 : index
    %get3A_22 = vector.load %arg3[%get3A_20, %get3A_21] : memref<256x768xf32, #tpu.memory_space<vmem>>, vector<256x768xf32>
    %add3A_23 = arith.addf %get3A_22, %add3A_19 : vector<256x768xf32>
    %swap3A = arith.constant 0 : index
    %swap3A_24 = arith.constant 0 : index
    %swap3A_25 = vector.load %arg9[%swap3A, %swap3A_24] : memref<256x768xf32, #tpu.memory_space<vmem>>, vector<256x768xf32>
    tpu.vector_store %arg9[%swap3A, %swap3A_24], %add3A_23 {strides = array<i32>} : memref<256x768xf32, #tpu.memory_space<vmem>>, vector<256x768xf32>,
    %get3A_26 = arith.constant 0 : index
    %get3A_27 = arith.constant 0 : index
    %get3A_28 = vector.load %arg7[%get3A_26, %get3A_27] : memref<2304x768xf32, #tpu.memory_space<vmem>>, vector<2304x768xf32>
    %dot_general3A_29 = arith.constant dense<0.000000e+00> : vector<256x2304xf32>
    %dot_general3A_30 = tpu.matmul %add3A_23, %get3A_28, %dot_general3A_29 {dimension_numbers = #tpu.dot_dimension_numbers<[1], [1], [0], [0], [0, 0, 1, 0], [], []>, transpose_lhs_hint = false} : vector<256x768xf32>, vector<2304x768xf32>, vector<256x2304xf32> -> vector<256x2304xf32>
    %get3A_31 = arith.constant 0 : index
    %get3A_32 = arith.constant 0 : index
    %get3A_33 = vector.load %arg8[%get3A_31, %get3A_32] : memref<1x2304xf32, #tpu.memory_space<vmem>>, vector<1x2304xf32>
    %add3A_34 = vector.broadcast %get3A_33 : vector<1x2304xf32> to vector<256x2304xf32>
    %add3A_35 = arith.addf %dot_general3A_30, %add3A_34 : vector<256x2304xf32>
    %slice3A = vector.extract_strided_slice %add3A_35 {offsets = [0, 0], sizes = [256, 768], strides = [1, 1]} : vector<256x2304xf32> to vector<256x768xf32>
    %mul3A = arith.constant 1.250000e-01 : f32
    %mul3A_36 = vector.broadcast %mul3A : f32 to vector<256x768xf32>
    %mul3A_37 = arith.mulf %slice3A, %mul3A_36 : vector<256x768xf32>
    %swap3A_38 = arith.constant 0 : index
    %swap3A_39 = arith.constant 0 : index
    %swap3A_40 = vector.load %arg10[%swap3A_38, %swap3A_39] : memref<256x2304xf32, #tpu.memory_space<vmem>>, vector<256x768xf32>
    tpu.vector_store %arg10[%swap3A_38, %swap3A_39], %mul3A_37 {strides = array<i32>} : memref<256x2304xf32, #tpu.memory_space<vmem>>, vector<256x768xf32>,
    %slice3A_41 = vector.extract_strided_slice %add3A_35 {offsets = [0, 768], sizes = [256, 1536], strides = [1, 1]} : vector<256x2304xf32> to vector<256x1536xf32>
    %swap3A_42 = arith.constant 0 : index
    %swap3A_43 = arith.constant 768 : index
    %swap3A_44 = vector.load %arg10[%swap3A_42, %swap3A_43] : memref<256x2304xf32, #tpu.memory_space<vmem>>, vector<256x1536xf32>
    tpu.vector_store %arg10[%swap3A_42, %swap3A_43], %slice3A_41 {strides = array<i32>} : memref<256x2304xf32, #tpu.memory_space<vmem>>, vector<256x1536xf32>,
    return
  }
  func.func @transform_0(%arg0: i32) -> (i32, i32) {
    %c0_i32 = arith.constant 0 : i32
    %c0_i32_0 = arith.constant 0 : i32
    return %arg0, %c0_i32 : i32, i32
  }
  func.func @transform_1(%arg0: i32) -> (i32, i32) {
    %c0_i32 = arith.constant 0 : i32
    %c0_i32_0 = arith.constant 0 : i32
    %c0_i32_1 = arith.constant 0 : i32
    return %c0_i32, %c0_i32_0 : i32, i32
  }
  func.func @transform_2(%arg0: i32) -> (i32, i32) {
    %c0_i32 = arith.constant 0 : i32
    %c0_i32_0 = arith.constant 0 : i32
    return %arg0, %c0_i32 : i32, i32
  }
  func.func @transform_3(%arg0: i32) -> (i32, i32) {
    %c0_i32 = arith.constant 0 : i32
    %c0_i32_0 = arith.constant 0 : i32
    %c0_i32_1 = arith.constant 0 : i32
    return %c0_i32, %c0_i32_0 : i32, i32
  }
  func.func @transform_4(%arg0: i32) -> (i32, i32) {
    %c0_i32 = arith.constant 0 : i32
    %c0_i32_0 = arith.constant 0 : i32
    %c0_i32_1 = arith.constant 0 : i32
    return %c0_i32, %c0_i32_0 : i32, i32
  }
  func.func @transform_5(%arg0: i32) -> (i32, i32) {
    %c0_i32 = arith.constant 0 : i32
    %c0_i32_0 = arith.constant 0 : i32
    %c0_i32_1 = arith.constant 0 : i32
    return %c0_i32, %c0_i32_0 : i32, i32
  }
  func.func @transform_6(%arg0: i32) -> (i32, i32) {
    %c0_i32 = arith.constant 0 : i32
    %c0_i32_0 = arith.constant 0 : i32
    %c0_i32_1 = arith.constant 0 : i32
    return %c0_i32, %c0_i32_0 : i32, i32
  }
  func.func @transform_7(%arg0: i32) -> (i32, i32) {
    %c0_i32 = arith.constant 0 : i32
    %c0_i32_0 = arith.constant 0 : i32
    %c0_i32_1 = arith.constant 0 : i32
    return %c0_i32, %c0_i32_0 : i32, i32
  }
  func.func @transform_8(%arg0: i32) -> (i32, i32) {
    %c0_i32 = arith.constant 0 : i32
    %c0_i32_0 = arith.constant 0 : i32
    return %arg0, %c0_i32 : i32, i32
  }
  func.func @transform_9(%arg0: i32) -> (i32, i32) {
    %c0_i32 = arith.constant 0 : i32
    %c0_i32_0 = arith.constant 0 : i32
    return %arg0, %c0_i32 : i32, i32
  }
}

module attributes {stable_mosaic.version = 14 : i64} {
  func.func @_post_attn_kernel(%arg0: i32, %arg1: memref<256x768xf32, #tpu.memory_space<vmem>>, %arg2: memref<256x768xf32, #tpu.memory_space<vmem>>, %arg3: memref<768x768xf32, #tpu.memory_space<vmem>>, %arg4: memref<1x768xf32, #tpu.memory_space<vmem>>, %arg5: memref<1x768xf32, #tpu.memory_space<vmem>>, %arg6: memref<1x768xf32, #tpu.memory_space<vmem>>, %arg7: memref<8x768xf32, #tpu.memory_space<vmem>>, %arg8: memref<256x768xf32, #tpu.memory_space<vmem>>, %arg9: memref<256x2xi32, #tpu.memory_space<vmem>>, %arg10: memref<256x2xf32, #tpu.memory_space<vmem>>) attributes {dimension_semantics = [#tpu.dimension_semantics<arbitrary>], iteration_bounds = array<i64: 8>, scalar_prefetch = 0 : i64, scratch_operands = 0 : i64, tpu.core_type = #tpu.core_type<tc>, window_params = [{transform_indices = @transform_0, window_bounds = array<i64: 256, 768>}, {transform_indices = @transform_1, window_bounds = array<i64: 256, 768>}, {pipeline_mode = #tpu.pipeline_mode<synchronous>, transform_indices = @transform_2, window_bounds = array<i64: 768, 768>}, {pipeline_mode = #tpu.pipeline_mode<synchronous>, transform_indices = @transform_3, window_bounds = array<i64: 1, 768>}, {pipeline_mode = #tpu.pipeline_mode<synchronous>, transform_indices = @transform_4, window_bounds = array<i64: 1, 768>}, {pipeline_mode = #tpu.pipeline_mode<synchronous>, transform_indices = @transform_5, window_bounds = array<i64: 1, 768>}, {pipeline_mode = #tpu.pipeline_mode<synchronous>, transform_indices = @transform_6, window_bounds = array<i64: 8, 768>}, {transform_indices = @transform_7, window_bounds = array<i64: 256, 768>}, {transform_indices = @transform_8, window_bounds = array<i64: 256, 2>}, {transform_indices = @transform_9, window_bounds = array<i64: 256, 2>}]} {
    %get3A = arith.constant 0 : index
    %get3A_0 = arith.constant 0 : index
    %get3A_1 = vector.load %arg1[%get3A, %get3A_0] : memref<256x768xf32, #tpu.memory_space<vmem>>, vector<256x768xf32>
    %get3A_2 = arith.constant 0 : index
    %get3A_3 = arith.constant 0 : index
    %get3A_4 = vector.load %arg3[%get3A_2, %get3A_3] : memref<768x768xf32, #tpu.memory_space<vmem>>, vector<768x768xf32>
    %dot_general3A = arith.constant dense<0.000000e+00> : vector<256x768xf32>
    %dot_general3A_5 = tpu.matmul %get3A_1, %get3A_4, %dot_general3A {dimension_numbers = #tpu.dot_dimension_numbers<[1], [1], [0], [0], [0, 0, 1, 0], [], []>, transpose_lhs_hint = false} : vector<256x768xf32>, vector<768x768xf32>, vector<256x768xf32> -> vector<256x768xf32>
    %get3A_6 = arith.constant 0 : index
    %get3A_7 = arith.constant 0 : index
    %get3A_8 = vector.load %arg4[%get3A_6, %get3A_7] : memref<1x768xf32, #tpu.memory_space<vmem>>, vector<1x768xf32>
    %add3A = vector.broadcast %get3A_8 : vector<1x768xf32> to vector<256x768xf32>
    %add3A_9 = arith.addf %dot_general3A_5, %add3A : vector<256x768xf32>
    %get3A_10 = arith.constant 0 : index
    %get3A_11 = arith.constant 0 : index
    %get3A_12 = vector.load %arg2[%get3A_10, %get3A_11] : memref<256x768xf32, #tpu.memory_space<vmem>>, vector<256x768xf32>
    %add3A_13 = arith.addf %get3A_12, %add3A_9 : vector<256x768xf32>
    %get3A_14 = arith.constant 0 : index
    %get3A_15 = arith.constant 0 : index
    %get3A_16 = vector.load %arg5[%get3A_14, %get3A_15] : memref<1x768xf32, #tpu.memory_space<vmem>>, vector<1x768xf32>
    %get3A_17 = arith.constant 0 : index
    %get3A_18 = arith.constant 0 : index
    %get3A_19 = vector.load %arg6[%get3A_17, %get3A_18] : memref<1x768xf32, #tpu.memory_space<vmem>>, vector<1x768xf32>
    %reduce_sum3A = arith.constant dense<0.000000e+00> : vector<256xf32>
    %reduce_sum3A_20 = vector.multi_reduction <add>, %add3A_13, %reduce_sum3A [1] : vector<256x768xf32> to vector<256xf32>
    %broadcast_in_dim3A = vector.shape_cast %reduce_sum3A_20 : vector<256xf32> to vector<256x1xf32>
    %div3A = arith.constant 7.680000e+02 : f32
    %div3A_21 = vector.broadcast %div3A : f32 to vector<256x1xf32>
    %div3A_22 = arith.divf %broadcast_in_dim3A, %div3A_21 : vector<256x1xf32>
    %sub3A = vector.broadcast %div3A_22 : vector<256x1xf32> to vector<256x768xf32>
    %sub3A_23 = arith.subf %add3A_13, %sub3A : vector<256x768xf32>
    %integer_pow3A = arith.mulf %sub3A_23, %sub3A_23 : vector<256x768xf32>
    %reduce_sum3A_24 = arith.constant dense<0.000000e+00> : vector<256xf32>
    %reduce_sum3A_25 = vector.multi_reduction <add>, %integer_pow3A, %reduce_sum3A_24 [1] : vector<256x768xf32> to vector<256xf32>
    %broadcast_in_dim3A_26 = vector.shape_cast %reduce_sum3A_25 : vector<256xf32> to vector<256x1xf32>
    %div3A_27 = arith.constant 7.680000e+02 : f32
    %div3A_28 = vector.broadcast %div3A_27 : f32 to vector<256x1xf32>
    %div3A_29 = arith.divf %broadcast_in_dim3A_26, %div3A_28 : vector<256x1xf32>
    %sub3A_30 = vector.broadcast %div3A_22 : vector<256x1xf32> to vector<256x768xf32>
    %sub3A_31 = arith.subf %add3A_13, %sub3A_30 : vector<256x768xf32>
    %add3A_32 = arith.constant 9.99999974E-6 : f32
    %add3A_33 = vector.broadcast %add3A_32 : f32 to vector<256x1xf32>
    %add3A_34 = arith.addf %div3A_29, %add3A_33 : vector<256x1xf32>
    %rsqrt3A = math.rsqrt %add3A_34 : vector<256x1xf32>
    %mul3A = vector.broadcast %rsqrt3A : vector<256x1xf32> to vector<256x768xf32>
    %mul3A_35 = arith.mulf %sub3A_31, %mul3A : vector<256x768xf32>
    %mul3A_36 = vector.broadcast %get3A_16 : vector<1x768xf32> to vector<256x768xf32>
    %mul3A_37 = arith.mulf %mul3A_35, %mul3A_36 : vector<256x768xf32>
    %add3A_38 = vector.broadcast %get3A_19 : vector<1x768xf32> to vector<256x768xf32>
    %add3A_39 = arith.addf %mul3A_37, %add3A_38 : vector<256x768xf32>
    %swap3A = arith.constant 0 : index
    %swap3A_40 = arith.constant 0 : index
    %swap3A_41 = vector.load %arg8[%swap3A, %swap3A_40] : memref<256x768xf32, #tpu.memory_space<vmem>>, vector<256x768xf32>
    tpu.vector_store %arg8[%swap3A, %swap3A_40], %add3A_39 {strides = array<i32>} : memref<256x768xf32, #tpu.memory_space<vmem>>, vector<256x768xf32>,
    %get3A_42 = arith.constant 0 : index
    %get3A_43 = arith.constant 0 : index
    %get3A_44 = vector.load %arg7[%get3A_42, %get3A_43] : memref<8x768xf32, #tpu.memory_space<vmem>>, vector<8x768xf32>
    %dot_general3A_45 = arith.constant dense<0.000000e+00> : vector<256x8xf32>
    %dot_general3A_46 = tpu.matmul %add3A_39, %get3A_44, %dot_general3A_45 {dimension_numbers = #tpu.dot_dimension_numbers<[1], [1], [0], [0], [0, 0, 1, 0], [], []>, transpose_lhs_hint = false} : vector<256x768xf32>, vector<8x768xf32>, vector<256x8xf32> -> vector<256x8xf32>
    %reduce_max3A = arith.constant dense<0xFF800000> : vector<256xf32>
    %reduce_max3A_47 = vector.multi_reduction <maximumf>, %dot_general3A_46, %reduce_max3A [1] : vector<256x8xf32> to vector<256xf32>
    %broadcast_in_dim3A_48 = vector.shape_cast %reduce_max3A_47 : vector<256xf32> to vector<256x1xf32>
    %iota3A = tpu.iota {dimensions = array<i32: 1>} : vector<256x8xi32>
    %eq3A = vector.broadcast %broadcast_in_dim3A_48 : vector<256x1xf32> to vector<256x8xf32>
    %eq3A_49 = arith.cmpf oeq, %dot_general3A_46, %eq3A : vector<256x8xf32>
    %jit3A = arith.constant 8 : i32
    %broadcast_in_dim3A_50 = vector.broadcast %jit3A : i32 to vector<256x8xi32>
    %select_n3A = arith.select %eq3A_49, %iota3A, %broadcast_in_dim3A_50 : vector<256x8xi1>, vector<256x8xi32>
    %reduce_min3A = arith.constant dense<2147483647> : vector<256xi32>
    %reduce_min3A_51 = vector.multi_reduction <minsi>, %select_n3A, %reduce_min3A [1] : vector<256x8xi32> to vector<256xi32>
    %broadcast_in_dim3A_52 = vector.shape_cast %reduce_min3A_51 : vector<256xi32> to vector<256x1xi32>
    %eq3A_53 = vector.broadcast %broadcast_in_dim3A_52 : vector<256x1xi32> to vector<256x8xi32>
    %eq3A_54 = arith.cmpi eq, %iota3A, %eq3A_53 : vector<256x8xi32>
    %jit3A_55 = arith.constant 0xFF800000 : f32
    %broadcast_in_dim3A_56 = vector.broadcast %jit3A_55 : f32 to vector<256x8xf32>
    %select_n3A_57 = arith.select %eq3A_54, %broadcast_in_dim3A_56, %dot_general3A_46 : vector<256x8xi1>, vector<256x8xf32>
    %reduce_max3A_58 = arith.constant dense<0xFF800000> : vector<256xf32>
    %reduce_max3A_59 = vector.multi_reduction <maximumf>, %select_n3A_57, %reduce_max3A_58 [1] : vector<256x8xf32> to vector<256xf32>
    %broadcast_in_dim3A_60 = vector.shape_cast %reduce_max3A_59 : vector<256xf32> to vector<256x1xf32>
    %eq3A_61 = vector.broadcast %broadcast_in_dim3A_60 : vector<256x1xf32> to vector<256x8xf32>
    %eq3A_62 = arith.cmpf oeq, %select_n3A_57, %eq3A_61 : vector<256x8xf32>
    %jit3A_63 = arith.constant 8 : i32
    %broadcast_in_dim3A_64 = vector.broadcast %jit3A_63 : i32 to vector<256x8xi32>
    %select_n3A_65 = arith.select %eq3A_62, %iota3A, %broadcast_in_dim3A_64 : vector<256x8xi1>, vector<256x8xi32>
    %reduce_min3A_66 = arith.constant dense<2147483647> : vector<256xi32>
    %reduce_min3A_67 = vector.multi_reduction <minsi>, %select_n3A_65, %reduce_min3A_66 [1] : vector<256x8xi32> to vector<256xi32>
    %broadcast_in_dim3A_68 = vector.shape_cast %reduce_min3A_67 : vector<256xi32> to vector<256x1xi32>
    %sub3A_69 = arith.subf %broadcast_in_dim3A_60, %broadcast_in_dim3A_48 : vector<256x1xf32>
    %exp3A = math.exp %sub3A_69 : vector<256x1xf32>
    %add3A_70 = arith.constant 1.000000e+00 : f32
    %add3A_71 = vector.broadcast %add3A_70 : f32 to vector<256x1xf32>
    %add3A_72 = arith.addf %add3A_71, %exp3A : vector<256x1xf32>
    %div3A_73 = arith.constant 1.000000e+00 : f32
    %div3A_74 = vector.broadcast %div3A_73 : f32 to vector<256x1xf32>
    %div3A_75 = arith.divf %div3A_74, %add3A_72 : vector<256x1xf32>
    %concatenate3A = tpu.concatenate %broadcast_in_dim3A_52, %broadcast_in_dim3A_68 in 1 : vector<256x1xi32>, vector<256x1xi32> -> vector<256x2xi32>
    %swap3A_76 = arith.constant 0 : index
    %swap3A_77 = arith.constant 0 : index
    %swap3A_78 = vector.load %arg9[%swap3A_76, %swap3A_77] : memref<256x2xi32, #tpu.memory_space<vmem>>, vector<256x2xi32>
    tpu.vector_store %arg9[%swap3A_76, %swap3A_77], %concatenate3A {strides = array<i32>} : memref<256x2xi32, #tpu.memory_space<vmem>>, vector<256x2xi32>,
    %sub3A_79 = arith.constant 1.000000e+00 : f32
    %sub3A_80 = vector.broadcast %sub3A_79 : f32 to vector<256x1xf32>
    %sub3A_81 = arith.subf %sub3A_80, %div3A_75 : vector<256x1xf32>
    %concatenate3A_82 = tpu.concatenate %div3A_75, %sub3A_81 in 1 : vector<256x1xf32>, vector<256x1xf32> -> vector<256x2xf32>
    %swap3A_83 = arith.constant 0 : index
    %swap3A_84 = arith.constant 0 : index
    %swap3A_85 = vector.load %arg10[%swap3A_83, %swap3A_84] : memref<256x2xf32, #tpu.memory_space<vmem>>, vector<256x2xf32>
    tpu.vector_store %arg10[%swap3A_83, %swap3A_84], %concatenate3A_82 {strides = array<i32>} : memref<256x2xf32, #tpu.memory_space<vmem>>, vector<256x2xf32>,
    return
  }
  func.func @transform_0(%arg0: i32) -> (i32, i32) {
    %c0_i32 = arith.constant 0 : i32
    %c0_i32_0 = arith.constant 0 : i32
    return %arg0, %c0_i32 : i32, i32
  }
  func.func @transform_1(%arg0: i32) -> (i32, i32) {
    %c0_i32 = arith.constant 0 : i32
    %c0_i32_0 = arith.constant 0 : i32
    return %arg0, %c0_i32 : i32, i32
  }
  func.func @transform_2(%arg0: i32) -> (i32, i32) {
    %c0_i32 = arith.constant 0 : i32
    %c0_i32_0 = arith.constant 0 : i32
    %c0_i32_1 = arith.constant 0 : i32
    return %c0_i32, %c0_i32_0 : i32, i32
  }
  func.func @transform_3(%arg0: i32) -> (i32, i32) {
    %c0_i32 = arith.constant 0 : i32
    %c0_i32_0 = arith.constant 0 : i32
    %c0_i32_1 = arith.constant 0 : i32
    return %c0_i32, %c0_i32_0 : i32, i32
  }
  func.func @transform_4(%arg0: i32) -> (i32, i32) {
    %c0_i32 = arith.constant 0 : i32
    %c0_i32_0 = arith.constant 0 : i32
    %c0_i32_1 = arith.constant 0 : i32
    return %c0_i32, %c0_i32_0 : i32, i32
  }
  func.func @transform_5(%arg0: i32) -> (i32, i32) {
    %c0_i32 = arith.constant 0 : i32
    %c0_i32_0 = arith.constant 0 : i32
    %c0_i32_1 = arith.constant 0 : i32
    return %c0_i32, %c0_i32_0 : i32, i32
  }
  func.func @transform_6(%arg0: i32) -> (i32, i32) {
    %c0_i32 = arith.constant 0 : i32
    %c0_i32_0 = arith.constant 0 : i32
    %c0_i32_1 = arith.constant 0 : i32
    return %c0_i32, %c0_i32_0 : i32, i32
  }
  func.func @transform_7(%arg0: i32) -> (i32, i32) {
    %c0_i32 = arith.constant 0 : i32
    %c0_i32_0 = arith.constant 0 : i32
    return %arg0, %c0_i32 : i32, i32
  }
  func.func @transform_8(%arg0: i32) -> (i32, i32) {
    %c0_i32 = arith.constant 0 : i32
    %c0_i32_0 = arith.constant 0 : i32
    return %arg0, %c0_i32 : i32, i32
  }
  func.func @transform_9(%arg0: i32) -> (i32, i32) {
    %c0_i32 = arith.constant 0 : i32
    %c0_i32_0 = arith.constant 0 : i32
    return %arg0, %c0_i32 : i32, i32
  }
}

module attributes {stable_mosaic.version = 14 : i64} {
  func.func @_attn_kernel(%arg0: i32, %arg1: memref<256x2304xf32, #tpu.memory_space<vmem>>, %arg2: memref<2048x2304xf32, #tpu.memory_space<vmem>>, %arg3: memref<256x768xf32, #tpu.memory_space<vmem>>) attributes {dimension_semantics = [#tpu.dimension_semantics<arbitrary>], iteration_bounds = array<i64: 8>, scalar_prefetch = 0 : i64, scratch_operands = 0 : i64, tpu.core_type = #tpu.core_type<tc>, window_params = [{transform_indices = @transform_0, window_bounds = array<i64: 256, 2304>}, {pipeline_mode = #tpu.pipeline_mode<synchronous>, transform_indices = @transform_1, window_bounds = array<i64: 2048, 2304>}, {transform_indices = @transform_2, window_bounds = array<i64: 256, 768>}]} {
    %get3A = arith.constant 0 : index
    %get3A_0 = arith.constant 0 : index
    %get3A_1 = vector.load %arg1[%get3A, %get3A_0] : memref<256x2304xf32, #tpu.memory_space<vmem>>, vector<256x64xf32>
    %get3A_2 = arith.constant 0 : index
    %get3A_3 = arith.constant 768 : index
    %get3A_4 = vector.load %arg2[%get3A_2, %get3A_3] : memref<2048x2304xf32, #tpu.memory_space<vmem>>, vector<2048x64xf32>
    %get3A_5 = arith.constant 0 : index
    %get3A_6 = arith.constant 1536 : index
    %get3A_7 = vector.load %arg2[%get3A_5, %get3A_6] : memref<2048x2304xf32, #tpu.memory_space<vmem>>, vector<2048x64xf32>
    %dot_general3A = arith.constant dense<0.000000e+00> : vector<256x2048xf32>
    %dot_general3A_8 = tpu.matmul %get3A_1, %get3A_4, %dot_general3A {dimension_numbers = #tpu.dot_dimension_numbers<[1], [1], [0], [0], [0, 0, 1, 0], [], []>, transpose_lhs_hint = false} : vector<256x64xf32>, vector<2048x64xf32>, vector<256x2048xf32> -> vector<256x2048xf32>
    %reduce_max3A = arith.constant dense<0xFF800000> : vector<256xf32>
    %reduce_max3A_9 = vector.multi_reduction <maximumf>, %dot_general3A_8, %reduce_max3A [1] : vector<256x2048xf32> to vector<256xf32>
    %broadcast_in_dim3A = vector.shape_cast %reduce_max3A_9 : vector<256xf32> to vector<256x1xf32>
    %sub3A = vector.broadcast %broadcast_in_dim3A : vector<256x1xf32> to vector<256x2048xf32>
    %sub3A_10 = arith.subf %dot_general3A_8, %sub3A : vector<256x2048xf32>
    %exp3A = math.exp %sub3A_10 : vector<256x2048xf32>
    %reduce_sum3A = arith.constant dense<0.000000e+00> : vector<256xf32>
    %reduce_sum3A_11 = vector.multi_reduction <add>, %exp3A, %reduce_sum3A [1] : vector<256x2048xf32> to vector<256xf32>
    %broadcast_in_dim3A_12 = vector.shape_cast %reduce_sum3A_11 : vector<256xf32> to vector<256x1xf32>
    %dot_general3A_13 = arith.constant dense<0.000000e+00> : vector<256x64xf32>
    %dot_general3A_14 = tpu.matmul %exp3A, %get3A_7, %dot_general3A_13 {dimension_numbers = #tpu.dot_dimension_numbers<[1], [0], [0], [1], [0, 0, 1, 1], [], []>, transpose_lhs_hint = false} : vector<256x2048xf32>, vector<2048x64xf32>, vector<256x64xf32> -> vector<256x64xf32>
    %div3A = vector.broadcast %broadcast_in_dim3A_12 : vector<256x1xf32> to vector<256x64xf32>
    %div3A_15 = arith.divf %dot_general3A_14, %div3A : vector<256x64xf32>
    %swap3A = arith.constant 0 : index
    %swap3A_16 = arith.constant 0 : index
    %swap3A_17 = vector.load %arg3[%swap3A, %swap3A_16] : memref<256x768xf32, #tpu.memory_space<vmem>>, vector<256x64xf32>
    tpu.vector_store %arg3[%swap3A, %swap3A_16], %div3A_15 {strides = array<i32>} : memref<256x768xf32, #tpu.memory_space<vmem>>, vector<256x64xf32>,
    %get3A_18 = arith.constant 0 : index
    %get3A_19 = arith.constant 64 : index
    %get3A_20 = vector.load %arg1[%get3A_18, %get3A_19] : memref<256x2304xf32, #tpu.memory_space<vmem>>, vector<256x64xf32>
    %get3A_21 = arith.constant 0 : index
    %get3A_22 = arith.constant 832 : index
    %get3A_23 = vector.load %arg2[%get3A_21, %get3A_22] : memref<2048x2304xf32, #tpu.memory_space<vmem>>, vector<2048x64xf32>
    %get3A_24 = arith.constant 0 : index
    %get3A_25 = arith.constant 1600 : index
    %get3A_26 = vector.load %arg2[%get3A_24, %get3A_25] : memref<2048x2304xf32, #tpu.memory_space<vmem>>, vector<2048x64xf32>
    %dot_general3A_27 = arith.constant dense<0.000000e+00> : vector<256x2048xf32>
    %dot_general3A_28 = tpu.matmul %get3A_20, %get3A_23, %dot_general3A_27 {dimension_numbers = #tpu.dot_dimension_numbers<[1], [1], [0], [0], [0, 0, 1, 0], [], []>, transpose_lhs_hint = false} : vector<256x64xf32>, vector<2048x64xf32>, vector<256x2048xf32> -> vector<256x2048xf32>
    %reduce_max3A_29 = arith.constant dense<0xFF800000> : vector<256xf32>
    %reduce_max3A_30 = vector.multi_reduction <maximumf>, %dot_general3A_28, %reduce_max3A_29 [1] : vector<256x2048xf32> to vector<256xf32>
    %broadcast_in_dim3A_31 = vector.shape_cast %reduce_max3A_30 : vector<256xf32> to vector<256x1xf32>
    %sub3A_32 = vector.broadcast %broadcast_in_dim3A_31 : vector<256x1xf32> to vector<256x2048xf32>
    %sub3A_33 = arith.subf %dot_general3A_28, %sub3A_32 : vector<256x2048xf32>
    %exp3A_34 = math.exp %sub3A_33 : vector<256x2048xf32>
    %reduce_sum3A_35 = arith.constant dense<0.000000e+00> : vector<256xf32>
    %reduce_sum3A_36 = vector.multi_reduction <add>, %exp3A_34, %reduce_sum3A_35 [1] : vector<256x2048xf32> to vector<256xf32>
    %broadcast_in_dim3A_37 = vector.shape_cast %reduce_sum3A_36 : vector<256xf32> to vector<256x1xf32>
    %dot_general3A_38 = arith.constant dense<0.000000e+00> : vector<256x64xf32>
    %dot_general3A_39 = tpu.matmul %exp3A_34, %get3A_26, %dot_general3A_38 {dimension_numbers = #tpu.dot_dimension_numbers<[1], [0], [0], [1], [0, 0, 1, 1], [], []>, transpose_lhs_hint = false} : vector<256x2048xf32>, vector<2048x64xf32>, vector<256x64xf32> -> vector<256x64xf32>
    %div3A_40 = vector.broadcast %broadcast_in_dim3A_37 : vector<256x1xf32> to vector<256x64xf32>
    %div3A_41 = arith.divf %dot_general3A_39, %div3A_40 : vector<256x64xf32>
    %swap3A_42 = arith.constant 0 : index
    %swap3A_43 = arith.constant 64 : index
    %swap3A_44 = vector.load %arg3[%swap3A_42, %swap3A_43] : memref<256x768xf32, #tpu.memory_space<vmem>>, vector<256x64xf32>
    tpu.vector_store %arg3[%swap3A_42, %swap3A_43], %div3A_41 {strides = array<i32>} : memref<256x768xf32, #tpu.memory_space<vmem>>, vector<256x64xf32>,
    %get3A_45 = arith.constant 0 : index
    %get3A_46 = arith.constant 128 : index
    %get3A_47 = vector.load %arg1[%get3A_45, %get3A_46] : memref<256x2304xf32, #tpu.memory_space<vmem>>, vector<256x64xf32>
    %get3A_48 = arith.constant 0 : index
    %get3A_49 = arith.constant 896 : index
    %get3A_50 = vector.load %arg2[%get3A_48, %get3A_49] : memref<2048x2304xf32, #tpu.memory_space<vmem>>, vector<2048x64xf32>
    %get3A_51 = arith.constant 0 : index
    %get3A_52 = arith.constant 1664 : index
    %get3A_53 = vector.load %arg2[%get3A_51, %get3A_52] : memref<2048x2304xf32, #tpu.memory_space<vmem>>, vector<2048x64xf32>
    %dot_general3A_54 = arith.constant dense<0.000000e+00> : vector<256x2048xf32>
    %dot_general3A_55 = tpu.matmul %get3A_47, %get3A_50, %dot_general3A_54 {dimension_numbers = #tpu.dot_dimension_numbers<[1], [1], [0], [0], [0, 0, 1, 0], [], []>, transpose_lhs_hint = false} : vector<256x64xf32>, vector<2048x64xf32>, vector<256x2048xf32> -> vector<256x2048xf32>
    %reduce_max3A_56 = arith.constant dense<0xFF800000> : vector<256xf32>
    %reduce_max3A_57 = vector.multi_reduction <maximumf>, %dot_general3A_55, %reduce_max3A_56 [1] : vector<256x2048xf32> to vector<256xf32>
    %broadcast_in_dim3A_58 = vector.shape_cast %reduce_max3A_57 : vector<256xf32> to vector<256x1xf32>
    %sub3A_59 = vector.broadcast %broadcast_in_dim3A_58 : vector<256x1xf32> to vector<256x2048xf32>
    %sub3A_60 = arith.subf %dot_general3A_55, %sub3A_59 : vector<256x2048xf32>
    %exp3A_61 = math.exp %sub3A_60 : vector<256x2048xf32>
    %reduce_sum3A_62 = arith.constant dense<0.000000e+00> : vector<256xf32>
    %reduce_sum3A_63 = vector.multi_reduction <add>, %exp3A_61, %reduce_sum3A_62 [1] : vector<256x2048xf32> to vector<256xf32>
    %broadcast_in_dim3A_64 = vector.shape_cast %reduce_sum3A_63 : vector<256xf32> to vector<256x1xf32>
    %dot_general3A_65 = arith.constant dense<0.000000e+00> : vector<256x64xf32>
    %dot_general3A_66 = tpu.matmul %exp3A_61, %get3A_53, %dot_general3A_65 {dimension_numbers = #tpu.dot_dimension_numbers<[1], [0], [0], [1], [0, 0, 1, 1], [], []>, transpose_lhs_hint = false} : vector<256x2048xf32>, vector<2048x64xf32>, vector<256x64xf32> -> vector<256x64xf32>
    %div3A_67 = vector.broadcast %broadcast_in_dim3A_64 : vector<256x1xf32> to vector<256x64xf32>
    %div3A_68 = arith.divf %dot_general3A_66, %div3A_67 : vector<256x64xf32>
    %swap3A_69 = arith.constant 0 : index
    %swap3A_70 = arith.constant 128 : index
    %swap3A_71 = vector.load %arg3[%swap3A_69, %swap3A_70] : memref<256x768xf32, #tpu.memory_space<vmem>>, vector<256x64xf32>
    tpu.vector_store %arg3[%swap3A_69, %swap3A_70], %div3A_68 {strides = array<i32>} : memref<256x768xf32, #tpu.memory_space<vmem>>, vector<256x64xf32>,
    %get3A_72 = arith.constant 0 : index
    %get3A_73 = arith.constant 192 : index
    %get3A_74 = vector.load %arg1[%get3A_72, %get3A_73] : memref<256x2304xf32, #tpu.memory_space<vmem>>, vector<256x64xf32>
    %get3A_75 = arith.constant 0 : index
    %get3A_76 = arith.constant 960 : index
    %get3A_77 = vector.load %arg2[%get3A_75, %get3A_76] : memref<2048x2304xf32, #tpu.memory_space<vmem>>, vector<2048x64xf32>
    %get3A_78 = arith.constant 0 : index
    %get3A_79 = arith.constant 1728 : index
    %get3A_80 = vector.load %arg2[%get3A_78, %get3A_79] : memref<2048x2304xf32, #tpu.memory_space<vmem>>, vector<2048x64xf32>
    %dot_general3A_81 = arith.constant dense<0.000000e+00> : vector<256x2048xf32>
    %dot_general3A_82 = tpu.matmul %get3A_74, %get3A_77, %dot_general3A_81 {dimension_numbers = #tpu.dot_dimension_numbers<[1], [1], [0], [0], [0, 0, 1, 0], [], []>, transpose_lhs_hint = false} : vector<256x64xf32>, vector<2048x64xf32>, vector<256x2048xf32> -> vector<256x2048xf32>
    %reduce_max3A_83 = arith.constant dense<0xFF800000> : vector<256xf32>
    %reduce_max3A_84 = vector.multi_reduction <maximumf>, %dot_general3A_82, %reduce_max3A_83 [1] : vector<256x2048xf32> to vector<256xf32>
    %broadcast_in_dim3A_85 = vector.shape_cast %reduce_max3A_84 : vector<256xf32> to vector<256x1xf32>
    %sub3A_86 = vector.broadcast %broadcast_in_dim3A_85 : vector<256x1xf32> to vector<256x2048xf32>
    %sub3A_87 = arith.subf %dot_general3A_82, %sub3A_86 : vector<256x2048xf32>
    %exp3A_88 = math.exp %sub3A_87 : vector<256x2048xf32>
    %reduce_sum3A_89 = arith.constant dense<0.000000e+00> : vector<256xf32>
    %reduce_sum3A_90 = vector.multi_reduction <add>, %exp3A_88, %reduce_sum3A_89 [1] : vector<256x2048xf32> to vector<256xf32>
    %broadcast_in_dim3A_91 = vector.shape_cast %reduce_sum3A_90 : vector<256xf32> to vector<256x1xf32>
    %dot_general3A_92 = arith.constant dense<0.000000e+00> : vector<256x64xf32>
    %dot_general3A_93 = tpu.matmul %exp3A_88, %get3A_80, %dot_general3A_92 {dimension_numbers = #tpu.dot_dimension_numbers<[1], [0], [0], [1], [0, 0, 1, 1], [], []>, transpose_lhs_hint = false} : vector<256x2048xf32>, vector<2048x64xf32>, vector<256x64xf32> -> vector<256x64xf32>
    %div3A_94 = vector.broadcast %broadcast_in_dim3A_91 : vector<256x1xf32> to vector<256x64xf32>
    %div3A_95 = arith.divf %dot_general3A_93, %div3A_94 : vector<256x64xf32>
    %swap3A_96 = arith.constant 0 : index
    %swap3A_97 = arith.constant 192 : index
    %swap3A_98 = vector.load %arg3[%swap3A_96, %swap3A_97] : memref<256x768xf32, #tpu.memory_space<vmem>>, vector<256x64xf32>
    tpu.vector_store %arg3[%swap3A_96, %swap3A_97], %div3A_95 {strides = array<i32>} : memref<256x768xf32, #tpu.memory_space<vmem>>, vector<256x64xf32>,
    %get3A_99 = arith.constant 0 : index
    %get3A_100 = arith.constant 256 : index
    %get3A_101 = vector.load %arg1[%get3A_99, %get3A_100] : memref<256x2304xf32, #tpu.memory_space<vmem>>, vector<256x64xf32>
    %get3A_102 = arith.constant 0 : index
    %get3A_103 = arith.constant 1024 : index
    %get3A_104 = vector.load %arg2[%get3A_102, %get3A_103] : memref<2048x2304xf32, #tpu.memory_space<vmem>>, vector<2048x64xf32>
    %get3A_105 = arith.constant 0 : index
    %get3A_106 = arith.constant 1792 : index
    %get3A_107 = vector.load %arg2[%get3A_105, %get3A_106] : memref<2048x2304xf32, #tpu.memory_space<vmem>>, vector<2048x64xf32>
    %dot_general3A_108 = arith.constant dense<0.000000e+00> : vector<256x2048xf32>
    %dot_general3A_109 = tpu.matmul %get3A_101, %get3A_104, %dot_general3A_108 {dimension_numbers = #tpu.dot_dimension_numbers<[1], [1], [0], [0], [0, 0, 1, 0], [], []>, transpose_lhs_hint = false} : vector<256x64xf32>, vector<2048x64xf32>, vector<256x2048xf32> -> vector<256x2048xf32>
    %reduce_max3A_110 = arith.constant dense<0xFF800000> : vector<256xf32>
    %reduce_max3A_111 = vector.multi_reduction <maximumf>, %dot_general3A_109, %reduce_max3A_110 [1] : vector<256x2048xf32> to vector<256xf32>
    %broadcast_in_dim3A_112 = vector.shape_cast %reduce_max3A_111 : vector<256xf32> to vector<256x1xf32>
    %sub3A_113 = vector.broadcast %broadcast_in_dim3A_112 : vector<256x1xf32> to vector<256x2048xf32>
    %sub3A_114 = arith.subf %dot_general3A_109, %sub3A_113 : vector<256x2048xf32>
    %exp3A_115 = math.exp %sub3A_114 : vector<256x2048xf32>
    %reduce_sum3A_116 = arith.constant dense<0.000000e+00> : vector<256xf32>
    %reduce_sum3A_117 = vector.multi_reduction <add>, %exp3A_115, %reduce_sum3A_116 [1] : vector<256x2048xf32> to vector<256xf32>
    %broadcast_in_dim3A_118 = vector.shape_cast %reduce_sum3A_117 : vector<256xf32> to vector<256x1xf32>
    %dot_general3A_119 = arith.constant dense<0.000000e+00> : vector<256x64xf32>
    %dot_general3A_120 = tpu.matmul %exp3A_115, %get3A_107, %dot_general3A_119 {dimension_numbers = #tpu.dot_dimension_numbers<[1], [0], [0], [1], [0, 0, 1, 1], [], []>, transpose_lhs_hint = false} : vector<256x2048xf32>, vector<2048x64xf32>, vector<256x64xf32> -> vector<256x64xf32>
    %div3A_121 = vector.broadcast %broadcast_in_dim3A_118 : vector<256x1xf32> to vector<256x64xf32>
    %div3A_122 = arith.divf %dot_general3A_120, %div3A_121 : vector<256x64xf32>
    %swap3A_123 = arith.constant 0 : index
    %swap3A_124 = arith.constant 256 : index
    %swap3A_125 = vector.load %arg3[%swap3A_123, %swap3A_124] : memref<256x768xf32, #tpu.memory_space<vmem>>, vector<256x64xf32>
    tpu.vector_store %arg3[%swap3A_123, %swap3A_124], %div3A_122 {strides = array<i32>} : memref<256x768xf32, #tpu.memory_space<vmem>>, vector<256x64xf32>,
    %get3A_126 = arith.constant 0 : index
    %get3A_127 = arith.constant 320 : index
    %get3A_128 = vector.load %arg1[%get3A_126, %get3A_127] : memref<256x2304xf32, #tpu.memory_space<vmem>>, vector<256x64xf32>
    %get3A_129 = arith.constant 0 : index
    %get3A_130 = arith.constant 1088 : index
    %get3A_131 = vector.load %arg2[%get3A_129, %get3A_130] : memref<2048x2304xf32, #tpu.memory_space<vmem>>, vector<2048x64xf32>
    %get3A_132 = arith.constant 0 : index
    %get3A_133 = arith.constant 1856 : index
    %get3A_134 = vector.load %arg2[%get3A_132, %get3A_133] : memref<2048x2304xf32, #tpu.memory_space<vmem>>, vector<2048x64xf32>
    %dot_general3A_135 = arith.constant dense<0.000000e+00> : vector<256x2048xf32>
    %dot_general3A_136 = tpu.matmul %get3A_128, %get3A_131, %dot_general3A_135 {dimension_numbers = #tpu.dot_dimension_numbers<[1], [1], [0], [0], [0, 0, 1, 0], [], []>, transpose_lhs_hint = false} : vector<256x64xf32>, vector<2048x64xf32>, vector<256x2048xf32> -> vector<256x2048xf32>
    %reduce_max3A_137 = arith.constant dense<0xFF800000> : vector<256xf32>
    %reduce_max3A_138 = vector.multi_reduction <maximumf>, %dot_general3A_136, %reduce_max3A_137 [1] : vector<256x2048xf32> to vector<256xf32>
    %broadcast_in_dim3A_139 = vector.shape_cast %reduce_max3A_138 : vector<256xf32> to vector<256x1xf32>
    %sub3A_140 = vector.broadcast %broadcast_in_dim3A_139 : vector<256x1xf32> to vector<256x2048xf32>
    %sub3A_141 = arith.subf %dot_general3A_136, %sub3A_140 : vector<256x2048xf32>
    %exp3A_142 = math.exp %sub3A_141 : vector<256x2048xf32>
    %reduce_sum3A_143 = arith.constant dense<0.000000e+00> : vector<256xf32>
    %reduce_sum3A_144 = vector.multi_reduction <add>, %exp3A_142, %reduce_sum3A_143 [1] : vector<256x2048xf32> to vector<256xf32>
    %broadcast_in_dim3A_145 = vector.shape_cast %reduce_sum3A_144 : vector<256xf32> to vector<256x1xf32>
    %dot_general3A_146 = arith.constant dense<0.000000e+00> : vector<256x64xf32>
    %dot_general3A_147 = tpu.matmul %exp3A_142, %get3A_134, %dot_general3A_146 {dimension_numbers = #tpu.dot_dimension_numbers<[1], [0], [0], [1], [0, 0, 1, 1], [], []>, transpose_lhs_hint = false} : vector<256x2048xf32>, vector<2048x64xf32>, vector<256x64xf32> -> vector<256x64xf32>
    %div3A_148 = vector.broadcast %broadcast_in_dim3A_145 : vector<256x1xf32> to vector<256x64xf32>
    %div3A_149 = arith.divf %dot_general3A_147, %div3A_148 : vector<256x64xf32>
    %swap3A_150 = arith.constant 0 : index
    %swap3A_151 = arith.constant 320 : index
    %swap3A_152 = vector.load %arg3[%swap3A_150, %swap3A_151] : memref<256x768xf32, #tpu.memory_space<vmem>>, vector<256x64xf32>
    tpu.vector_store %arg3[%swap3A_150, %swap3A_151], %div3A_149 {strides = array<i32>} : memref<256x768xf32, #tpu.memory_space<vmem>>, vector<256x64xf32>,
    %get3A_153 = arith.constant 0 : index
    %get3A_154 = arith.constant 384 : index
    %get3A_155 = vector.load %arg1[%get3A_153, %get3A_154] : memref<256x2304xf32, #tpu.memory_space<vmem>>, vector<256x64xf32>
    %get3A_156 = arith.constant 0 : index
    %get3A_157 = arith.constant 1152 : index
    %get3A_158 = vector.load %arg2[%get3A_156, %get3A_157] : memref<2048x2304xf32, #tpu.memory_space<vmem>>, vector<2048x64xf32>
    %get3A_159 = arith.constant 0 : index
    %get3A_160 = arith.constant 1920 : index
    %get3A_161 = vector.load %arg2[%get3A_159, %get3A_160] : memref<2048x2304xf32, #tpu.memory_space<vmem>>, vector<2048x64xf32>
    %dot_general3A_162 = arith.constant dense<0.000000e+00> : vector<256x2048xf32>
    %dot_general3A_163 = tpu.matmul %get3A_155, %get3A_158, %dot_general3A_162 {dimension_numbers = #tpu.dot_dimension_numbers<[1], [1], [0], [0], [0, 0, 1, 0], [], []>, transpose_lhs_hint = false} : vector<256x64xf32>, vector<2048x64xf32>, vector<256x2048xf32> -> vector<256x2048xf32>
    %reduce_max3A_164 = arith.constant dense<0xFF800000> : vector<256xf32>
    %reduce_max3A_165 = vector.multi_reduction <maximumf>, %dot_general3A_163, %reduce_max3A_164 [1] : vector<256x2048xf32> to vector<256xf32>
    %broadcast_in_dim3A_166 = vector.shape_cast %reduce_max3A_165 : vector<256xf32> to vector<256x1xf32>
    %sub3A_167 = vector.broadcast %broadcast_in_dim3A_166 : vector<256x1xf32> to vector<256x2048xf32>
    %sub3A_168 = arith.subf %dot_general3A_163, %sub3A_167 : vector<256x2048xf32>
    %exp3A_169 = math.exp %sub3A_168 : vector<256x2048xf32>
    %reduce_sum3A_170 = arith.constant dense<0.000000e+00> : vector<256xf32>
    %reduce_sum3A_171 = vector.multi_reduction <add>, %exp3A_169, %reduce_sum3A_170 [1] : vector<256x2048xf32> to vector<256xf32>
    %broadcast_in_dim3A_172 = vector.shape_cast %reduce_sum3A_171 : vector<256xf32> to vector<256x1xf32>
    %dot_general3A_173 = arith.constant dense<0.000000e+00> : vector<256x64xf32>
    %dot_general3A_174 = tpu.matmul %exp3A_169, %get3A_161, %dot_general3A_173 {dimension_numbers = #tpu.dot_dimension_numbers<[1], [0], [0], [1], [0, 0, 1, 1], [], []>, transpose_lhs_hint = false} : vector<256x2048xf32>, vector<2048x64xf32>, vector<256x64xf32> -> vector<256x64xf32>
    %div3A_175 = vector.broadcast %broadcast_in_dim3A_172 : vector<256x1xf32> to vector<256x64xf32>
    %div3A_176 = arith.divf %dot_general3A_174, %div3A_175 : vector<256x64xf32>
    %swap3A_177 = arith.constant 0 : index
    %swap3A_178 = arith.constant 384 : index
    %swap3A_179 = vector.load %arg3[%swap3A_177, %swap3A_178] : memref<256x768xf32, #tpu.memory_space<vmem>>, vector<256x64xf32>
    tpu.vector_store %arg3[%swap3A_177, %swap3A_178], %div3A_176 {strides = array<i32>} : memref<256x768xf32, #tpu.memory_space<vmem>>, vector<256x64xf32>,
    %get3A_180 = arith.constant 0 : index
    %get3A_181 = arith.constant 448 : index
    %get3A_182 = vector.load %arg1[%get3A_180, %get3A_181] : memref<256x2304xf32, #tpu.memory_space<vmem>>, vector<256x64xf32>
    %get3A_183 = arith.constant 0 : index
    %get3A_184 = arith.constant 1216 : index
    %get3A_185 = vector.load %arg2[%get3A_183, %get3A_184] : memref<2048x2304xf32, #tpu.memory_space<vmem>>, vector<2048x64xf32>
    %get3A_186 = arith.constant 0 : index
    %get3A_187 = arith.constant 1984 : index
    %get3A_188 = vector.load %arg2[%get3A_186, %get3A_187] : memref<2048x2304xf32, #tpu.memory_space<vmem>>, vector<2048x64xf32>
    %dot_general3A_189 = arith.constant dense<0.000000e+00> : vector<256x2048xf32>
    %dot_general3A_190 = tpu.matmul %get3A_182, %get3A_185, %dot_general3A_189 {dimension_numbers = #tpu.dot_dimension_numbers<[1], [1], [0], [0], [0, 0, 1, 0], [], []>, transpose_lhs_hint = false} : vector<256x64xf32>, vector<2048x64xf32>, vector<256x2048xf32> -> vector<256x2048xf32>
    %reduce_max3A_191 = arith.constant dense<0xFF800000> : vector<256xf32>
    %reduce_max3A_192 = vector.multi_reduction <maximumf>, %dot_general3A_190, %reduce_max3A_191 [1] : vector<256x2048xf32> to vector<256xf32>
    %broadcast_in_dim3A_193 = vector.shape_cast %reduce_max3A_192 : vector<256xf32> to vector<256x1xf32>
    %sub3A_194 = vector.broadcast %broadcast_in_dim3A_193 : vector<256x1xf32> to vector<256x2048xf32>
    %sub3A_195 = arith.subf %dot_general3A_190, %sub3A_194 : vector<256x2048xf32>
    %exp3A_196 = math.exp %sub3A_195 : vector<256x2048xf32>
    %reduce_sum3A_197 = arith.constant dense<0.000000e+00> : vector<256xf32>
    %reduce_sum3A_198 = vector.multi_reduction <add>, %exp3A_196, %reduce_sum3A_197 [1] : vector<256x2048xf32> to vector<256xf32>
    %broadcast_in_dim3A_199 = vector.shape_cast %reduce_sum3A_198 : vector<256xf32> to vector<256x1xf32>
    %dot_general3A_200 = arith.constant dense<0.000000e+00> : vector<256x64xf32>
    %dot_general3A_201 = tpu.matmul %exp3A_196, %get3A_188, %dot_general3A_200 {dimension_numbers = #tpu.dot_dimension_numbers<[1], [0], [0], [1], [0, 0, 1, 1], [], []>, transpose_lhs_hint = false} : vector<256x2048xf32>, vector<2048x64xf32>, vector<256x64xf32> -> vector<256x64xf32>
    %div3A_202 = vector.broadcast %broadcast_in_dim3A_199 : vector<256x1xf32> to vector<256x64xf32>
    %div3A_203 = arith.divf %dot_general3A_201, %div3A_202 : vector<256x64xf32>
    %swap3A_204 = arith.constant 0 : index
    %swap3A_205 = arith.constant 448 : index
    %swap3A_206 = vector.load %arg3[%swap3A_204, %swap3A_205] : memref<256x768xf32, #tpu.memory_space<vmem>>, vector<256x64xf32>
    tpu.vector_store %arg3[%swap3A_204, %swap3A_205], %div3A_203 {strides = array<i32>} : memref<256x768xf32, #tpu.memory_space<vmem>>, vector<256x64xf32>,
    %get3A_207 = arith.constant 0 : index
    %get3A_208 = arith.constant 512 : index
    %get3A_209 = vector.load %arg1[%get3A_207, %get3A_208] : memref<256x2304xf32, #tpu.memory_space<vmem>>, vector<256x64xf32>
    %get3A_210 = arith.constant 0 : index
    %get3A_211 = arith.constant 1280 : index
    %get3A_212 = vector.load %arg2[%get3A_210, %get3A_211] : memref<2048x2304xf32, #tpu.memory_space<vmem>>, vector<2048x64xf32>
    %get3A_213 = arith.constant 0 : index
    %get3A_214 = arith.constant 2048 : index
    %get3A_215 = vector.load %arg2[%get3A_213, %get3A_214] : memref<2048x2304xf32, #tpu.memory_space<vmem>>, vector<2048x64xf32>
    %dot_general3A_216 = arith.constant dense<0.000000e+00> : vector<256x2048xf32>
    %dot_general3A_217 = tpu.matmul %get3A_209, %get3A_212, %dot_general3A_216 {dimension_numbers = #tpu.dot_dimension_numbers<[1], [1], [0], [0], [0, 0, 1, 0], [], []>, transpose_lhs_hint = false} : vector<256x64xf32>, vector<2048x64xf32>, vector<256x2048xf32> -> vector<256x2048xf32>
    %reduce_max3A_218 = arith.constant dense<0xFF800000> : vector<256xf32>
    %reduce_max3A_219 = vector.multi_reduction <maximumf>, %dot_general3A_217, %reduce_max3A_218 [1] : vector<256x2048xf32> to vector<256xf32>
    %broadcast_in_dim3A_220 = vector.shape_cast %reduce_max3A_219 : vector<256xf32> to vector<256x1xf32>
    %sub3A_221 = vector.broadcast %broadcast_in_dim3A_220 : vector<256x1xf32> to vector<256x2048xf32>
    %sub3A_222 = arith.subf %dot_general3A_217, %sub3A_221 : vector<256x2048xf32>
    %exp3A_223 = math.exp %sub3A_222 : vector<256x2048xf32>
    %reduce_sum3A_224 = arith.constant dense<0.000000e+00> : vector<256xf32>
    %reduce_sum3A_225 = vector.multi_reduction <add>, %exp3A_223, %reduce_sum3A_224 [1] : vector<256x2048xf32> to vector<256xf32>
    %broadcast_in_dim3A_226 = vector.shape_cast %reduce_sum3A_225 : vector<256xf32> to vector<256x1xf32>
    %dot_general3A_227 = arith.constant dense<0.000000e+00> : vector<256x64xf32>
    %dot_general3A_228 = tpu.matmul %exp3A_223, %get3A_215, %dot_general3A_227 {dimension_numbers = #tpu.dot_dimension_numbers<[1], [0], [0], [1], [0, 0, 1, 1], [], []>, transpose_lhs_hint = false} : vector<256x2048xf32>, vector<2048x64xf32>, vector<256x64xf32> -> vector<256x64xf32>
    %div3A_229 = vector.broadcast %broadcast_in_dim3A_226 : vector<256x1xf32> to vector<256x64xf32>
    %div3A_230 = arith.divf %dot_general3A_228, %div3A_229 : vector<256x64xf32>
    %swap3A_231 = arith.constant 0 : index
    %swap3A_232 = arith.constant 512 : index
    %swap3A_233 = vector.load %arg3[%swap3A_231, %swap3A_232] : memref<256x768xf32, #tpu.memory_space<vmem>>, vector<256x64xf32>
    tpu.vector_store %arg3[%swap3A_231, %swap3A_232], %div3A_230 {strides = array<i32>} : memref<256x768xf32, #tpu.memory_space<vmem>>, vector<256x64xf32>,
    %get3A_234 = arith.constant 0 : index
    %get3A_235 = arith.constant 576 : index
    %get3A_236 = vector.load %arg1[%get3A_234, %get3A_235] : memref<256x2304xf32, #tpu.memory_space<vmem>>, vector<256x64xf32>
    %get3A_237 = arith.constant 0 : index
    %get3A_238 = arith.constant 1344 : index
    %get3A_239 = vector.load %arg2[%get3A_237, %get3A_238] : memref<2048x2304xf32, #tpu.memory_space<vmem>>, vector<2048x64xf32>
    %get3A_240 = arith.constant 0 : index
    %get3A_241 = arith.constant 2112 : index
    %get3A_242 = vector.load %arg2[%get3A_240, %get3A_241] : memref<2048x2304xf32, #tpu.memory_space<vmem>>, vector<2048x64xf32>
    %dot_general3A_243 = arith.constant dense<0.000000e+00> : vector<256x2048xf32>
    %dot_general3A_244 = tpu.matmul %get3A_236, %get3A_239, %dot_general3A_243 {dimension_numbers = #tpu.dot_dimension_numbers<[1], [1], [0], [0], [0, 0, 1, 0], [], []>, transpose_lhs_hint = false} : vector<256x64xf32>, vector<2048x64xf32>, vector<256x2048xf32> -> vector<256x2048xf32>
    %reduce_max3A_245 = arith.constant dense<0xFF800000> : vector<256xf32>
    %reduce_max3A_246 = vector.multi_reduction <maximumf>, %dot_general3A_244, %reduce_max3A_245 [1] : vector<256x2048xf32> to vector<256xf32>
    %broadcast_in_dim3A_247 = vector.shape_cast %reduce_max3A_246 : vector<256xf32> to vector<256x1xf32>
    %sub3A_248 = vector.broadcast %broadcast_in_dim3A_247 : vector<256x1xf32> to vector<256x2048xf32>
    %sub3A_249 = arith.subf %dot_general3A_244, %sub3A_248 : vector<256x2048xf32>
    %exp3A_250 = math.exp %sub3A_249 : vector<256x2048xf32>
    %reduce_sum3A_251 = arith.constant dense<0.000000e+00> : vector<256xf32>
    %reduce_sum3A_252 = vector.multi_reduction <add>, %exp3A_250, %reduce_sum3A_251 [1] : vector<256x2048xf32> to vector<256xf32>
    %broadcast_in_dim3A_253 = vector.shape_cast %reduce_sum3A_252 : vector<256xf32> to vector<256x1xf32>
    %dot_general3A_254 = arith.constant dense<0.000000e+00> : vector<256x64xf32>
    %dot_general3A_255 = tpu.matmul %exp3A_250, %get3A_242, %dot_general3A_254 {dimension_numbers = #tpu.dot_dimension_numbers<[1], [0], [0], [1], [0, 0, 1, 1], [], []>, transpose_lhs_hint = false} : vector<256x2048xf32>, vector<2048x64xf32>, vector<256x64xf32> -> vector<256x64xf32>
    %div3A_256 = vector.broadcast %broadcast_in_dim3A_253 : vector<256x1xf32> to vector<256x64xf32>
    %div3A_257 = arith.divf %dot_general3A_255, %div3A_256 : vector<256x64xf32>
    %swap3A_258 = arith.constant 0 : index
    %swap3A_259 = arith.constant 576 : index
    %swap3A_260 = vector.load %arg3[%swap3A_258, %swap3A_259] : memref<256x768xf32, #tpu.memory_space<vmem>>, vector<256x64xf32>
    tpu.vector_store %arg3[%swap3A_258, %swap3A_259], %div3A_257 {strides = array<i32>} : memref<256x768xf32, #tpu.memory_space<vmem>>, vector<256x64xf32>,
    %get3A_261 = arith.constant 0 : index
    %get3A_262 = arith.constant 640 : index
    %get3A_263 = vector.load %arg1[%get3A_261, %get3A_262] : memref<256x2304xf32, #tpu.memory_space<vmem>>, vector<256x64xf32>
    %get3A_264 = arith.constant 0 : index
    %get3A_265 = arith.constant 1408 : index
    %get3A_266 = vector.load %arg2[%get3A_264, %get3A_265] : memref<2048x2304xf32, #tpu.memory_space<vmem>>, vector<2048x64xf32>
    %get3A_267 = arith.constant 0 : index
    %get3A_268 = arith.constant 2176 : index
    %get3A_269 = vector.load %arg2[%get3A_267, %get3A_268] : memref<2048x2304xf32, #tpu.memory_space<vmem>>, vector<2048x64xf32>
    %dot_general3A_270 = arith.constant dense<0.000000e+00> : vector<256x2048xf32>
    %dot_general3A_271 = tpu.matmul %get3A_263, %get3A_266, %dot_general3A_270 {dimension_numbers = #tpu.dot_dimension_numbers<[1], [1], [0], [0], [0, 0, 1, 0], [], []>, transpose_lhs_hint = false} : vector<256x64xf32>, vector<2048x64xf32>, vector<256x2048xf32> -> vector<256x2048xf32>
    %reduce_max3A_272 = arith.constant dense<0xFF800000> : vector<256xf32>
    %reduce_max3A_273 = vector.multi_reduction <maximumf>, %dot_general3A_271, %reduce_max3A_272 [1] : vector<256x2048xf32> to vector<256xf32>
    %broadcast_in_dim3A_274 = vector.shape_cast %reduce_max3A_273 : vector<256xf32> to vector<256x1xf32>
    %sub3A_275 = vector.broadcast %broadcast_in_dim3A_274 : vector<256x1xf32> to vector<256x2048xf32>
    %sub3A_276 = arith.subf %dot_general3A_271, %sub3A_275 : vector<256x2048xf32>
    %exp3A_277 = math.exp %sub3A_276 : vector<256x2048xf32>
    %reduce_sum3A_278 = arith.constant dense<0.000000e+00> : vector<256xf32>
    %reduce_sum3A_279 = vector.multi_reduction <add>, %exp3A_277, %reduce_sum3A_278 [1] : vector<256x2048xf32> to vector<256xf32>
    %broadcast_in_dim3A_280 = vector.shape_cast %reduce_sum3A_279 : vector<256xf32> to vector<256x1xf32>
    %dot_general3A_281 = arith.constant dense<0.000000e+00> : vector<256x64xf32>
    %dot_general3A_282 = tpu.matmul %exp3A_277, %get3A_269, %dot_general3A_281 {dimension_numbers = #tpu.dot_dimension_numbers<[1], [0], [0], [1], [0, 0, 1, 1], [], []>, transpose_lhs_hint = false} : vector<256x2048xf32>, vector<2048x64xf32>, vector<256x64xf32> -> vector<256x64xf32>
    %div3A_283 = vector.broadcast %broadcast_in_dim3A_280 : vector<256x1xf32> to vector<256x64xf32>
    %div3A_284 = arith.divf %dot_general3A_282, %div3A_283 : vector<256x64xf32>
    %swap3A_285 = arith.constant 0 : index
    %swap3A_286 = arith.constant 640 : index
    %swap3A_287 = vector.load %arg3[%swap3A_285, %swap3A_286] : memref<256x768xf32, #tpu.memory_space<vmem>>, vector<256x64xf32>
    tpu.vector_store %arg3[%swap3A_285, %swap3A_286], %div3A_284 {strides = array<i32>} : memref<256x768xf32, #tpu.memory_space<vmem>>, vector<256x64xf32>,
    %get3A_288 = arith.constant 0 : index
    %get3A_289 = arith.constant 704 : index
    %get3A_290 = vector.load %arg1[%get3A_288, %get3A_289] : memref<256x2304xf32, #tpu.memory_space<vmem>>, vector<256x64xf32>
    %get3A_291 = arith.constant 0 : index
    %get3A_292 = arith.constant 1472 : index
    %get3A_293 = vector.load %arg2[%get3A_291, %get3A_292] : memref<2048x2304xf32, #tpu.memory_space<vmem>>, vector<2048x64xf32>
    %get3A_294 = arith.constant 0 : index
    %get3A_295 = arith.constant 2240 : index
    %get3A_296 = vector.load %arg2[%get3A_294, %get3A_295] : memref<2048x2304xf32, #tpu.memory_space<vmem>>, vector<2048x64xf32>
    %dot_general3A_297 = arith.constant dense<0.000000e+00> : vector<256x2048xf32>
    %dot_general3A_298 = tpu.matmul %get3A_290, %get3A_293, %dot_general3A_297 {dimension_numbers = #tpu.dot_dimension_numbers<[1], [1], [0], [0], [0, 0, 1, 0], [], []>, transpose_lhs_hint = false} : vector<256x64xf32>, vector<2048x64xf32>, vector<256x2048xf32> -> vector<256x2048xf32>
    %reduce_max3A_299 = arith.constant dense<0xFF800000> : vector<256xf32>
    %reduce_max3A_300 = vector.multi_reduction <maximumf>, %dot_general3A_298, %reduce_max3A_299 [1] : vector<256x2048xf32> to vector<256xf32>
    %broadcast_in_dim3A_301 = vector.shape_cast %reduce_max3A_300 : vector<256xf32> to vector<256x1xf32>
    %sub3A_302 = vector.broadcast %broadcast_in_dim3A_301 : vector<256x1xf32> to vector<256x2048xf32>
    %sub3A_303 = arith.subf %dot_general3A_298, %sub3A_302 : vector<256x2048xf32>
    %exp3A_304 = math.exp %sub3A_303 : vector<256x2048xf32>
    %reduce_sum3A_305 = arith.constant dense<0.000000e+00> : vector<256xf32>
    %reduce_sum3A_306 = vector.multi_reduction <add>, %exp3A_304, %reduce_sum3A_305 [1] : vector<256x2048xf32> to vector<256xf32>
    %broadcast_in_dim3A_307 = vector.shape_cast %reduce_sum3A_306 : vector<256xf32> to vector<256x1xf32>
    %dot_general3A_308 = arith.constant dense<0.000000e+00> : vector<256x64xf32>
    %dot_general3A_309 = tpu.matmul %exp3A_304, %get3A_296, %dot_general3A_308 {dimension_numbers = #tpu.dot_dimension_numbers<[1], [0], [0], [1], [0, 0, 1, 1], [], []>, transpose_lhs_hint = false} : vector<256x2048xf32>, vector<2048x64xf32>, vector<256x64xf32> -> vector<256x64xf32>
    %div3A_310 = vector.broadcast %broadcast_in_dim3A_307 : vector<256x1xf32> to vector<256x64xf32>
    %div3A_311 = arith.divf %dot_general3A_309, %div3A_310 : vector<256x64xf32>
    %swap3A_312 = arith.constant 0 : index
    %swap3A_313 = arith.constant 704 : index
    %swap3A_314 = vector.load %arg3[%swap3A_312, %swap3A_313] : memref<256x768xf32, #tpu.memory_space<vmem>>, vector<256x64xf32>
    tpu.vector_store %arg3[%swap3A_312, %swap3A_313], %div3A_311 {strides = array<i32>} : memref<256x768xf32, #tpu.memory_space<vmem>>, vector<256x64xf32>,
    return
  }
  func.func @transform_0(%arg0: i32) -> (i32, i32) {
    %c0_i32 = arith.constant 0 : i32
    %c0_i32_0 = arith.constant 0 : i32
    return %arg0, %c0_i32 : i32, i32
  }
  func.func @transform_1(%arg0: i32) -> (i32, i32) {
    %c0_i32 = arith.constant 0 : i32
    %c0_i32_0 = arith.constant 0 : i32
    %c0_i32_1 = arith.constant 0 : i32
    return %c0_i32, %c0_i32_0 : i32, i32
  }
  func.func @transform_2(%arg0: i32) -> (i32, i32) {
    %c0_i32 = arith.constant 0 : i32
    %c0_i32_0 = arith.constant 0 : i32
    return %arg0, %c0_i32 : i32, i32
  }
}

module attributes {stable_mosaic.version = 14 : i64} {
  func.func @_moe_kernel(%arg0: i32, %arg1: memref<48xi32, #tpu.memory_space<smem>>, %arg2: memref<128x768xf32, #tpu.memory_space<vmem>>, %arg3: memref<1x1024x768xf32, #tpu.memory_space<vmem>>, %arg4: memref<1x1x1024xf32, #tpu.memory_space<vmem>>, %arg5: memref<1x768x1024xf32, #tpu.memory_space<vmem>>, %arg6: memref<1x1x768xf32, #tpu.memory_space<vmem>>, %arg7: memref<128x768xf32, #tpu.memory_space<vmem>>) attributes {dimension_semantics = [#tpu.dimension_semantics<arbitrary>], iteration_bounds = array<i64: 40>, scalar_prefetch = 1 : i64, scratch_operands = 0 : i64, tpu.core_type = #tpu.core_type<tc>, window_params = [{transform_indices = @transform_0, window_bounds = array<i64: 128, 768>}, {transform_indices = @transform_1, window_bounds = array<i64: 1, 1024, 768>}, {transform_indices = @transform_2, window_bounds = array<i64: 1, 1, 1024>}, {transform_indices = @transform_3, window_bounds = array<i64: 1, 768, 1024>}, {transform_indices = @transform_4, window_bounds = array<i64: 1, 1, 768>}, {transform_indices = @transform_5, window_bounds = array<i64: 128, 768>}]} {
    %get3A = arith.constant 0 : index
    %get3A_0 = arith.constant 0 : index
    %get3A_1 = vector.load %arg2[%get3A, %get3A_0] : memref<128x768xf32, #tpu.memory_space<vmem>>, vector<128x768xf32>
    %get3A_2 = arith.constant 0 : index
    %get3A_3 = arith.constant 0 : index
    %get3A_4 = arith.constant 0 : index
    %get3A_5 = vector.load %arg3[%get3A_2, %get3A_3, %get3A_4] : memref<1x1024x768xf32, #tpu.memory_space<vmem>>, vector<1x1024x768xf32>
    %get3A_6 = vector.shape_cast %get3A_5 : vector<1x1024x768xf32> to vector<1024x768xf32>
    %dot_general3A = arith.constant dense<0.000000e+00> : vector<128x1024xf32>
    %dot_general3A_7 = tpu.matmul %get3A_1, %get3A_6, %dot_general3A {dimension_numbers = #tpu.dot_dimension_numbers<[1], [1], [0], [0], [0, 0, 1, 0], [], []>, transpose_lhs_hint = false} : vector<128x768xf32>, vector<1024x768xf32>, vector<128x1024xf32> -> vector<128x1024xf32>
    %get3A_8 = arith.constant 0 : index
    %get3A_9 = arith.constant 0 : index
    %get3A_10 = arith.constant 0 : index
    %get3A_11 = vector.load %arg4[%get3A_8, %get3A_9, %get3A_10] : memref<1x1x1024xf32, #tpu.memory_space<vmem>>, vector<1x1x1024xf32>
    %get3A_12 = vector.shape_cast %get3A_11 : vector<1x1x1024xf32> to vector<1x1024xf32>
    %add3A = vector.broadcast %get3A_12 : vector<1x1024xf32> to vector<128x1024xf32>
    %add3A_13 = arith.addf %dot_general3A_7, %add3A : vector<128x1024xf32>
    %mul3A = arith.constant 5.000000e-01 : f32
    %mul3A_14 = vector.broadcast %mul3A : f32 to vector<128x1024xf32>
    %mul3A_15 = arith.mulf %mul3A_14, %add3A_13 : vector<128x1024xf32>
    %mul3A_16 = arith.constant 0.707106769 : f32
    %mul3A_17 = vector.broadcast %mul3A_16 : f32 to vector<128x1024xf32>
    %mul3A_18 = arith.mulf %add3A_13, %mul3A_17 : vector<128x1024xf32>
    %erf3A = math.erf %mul3A_18 : vector<128x1024xf32>
    %add3A_19 = arith.constant 1.000000e+00 : f32
    %add3A_20 = vector.broadcast %add3A_19 : f32 to vector<128x1024xf32>
    %add3A_21 = arith.addf %add3A_20, %erf3A : vector<128x1024xf32>
    %mul3A_22 = arith.mulf %mul3A_15, %add3A_21 : vector<128x1024xf32>
    %get3A_23 = arith.constant 0 : index
    %get3A_24 = arith.constant 0 : index
    %get3A_25 = arith.constant 0 : index
    %get3A_26 = vector.load %arg5[%get3A_23, %get3A_24, %get3A_25] : memref<1x768x1024xf32, #tpu.memory_space<vmem>>, vector<1x768x1024xf32>
    %get3A_27 = vector.shape_cast %get3A_26 : vector<1x768x1024xf32> to vector<768x1024xf32>
    %dot_general3A_28 = arith.constant dense<0.000000e+00> : vector<128x768xf32>
    %dot_general3A_29 = tpu.matmul %mul3A_22, %get3A_27, %dot_general3A_28 {dimension_numbers = #tpu.dot_dimension_numbers<[1], [1], [0], [0], [0, 0, 1, 0], [], []>, transpose_lhs_hint = false} : vector<128x1024xf32>, vector<768x1024xf32>, vector<128x768xf32> -> vector<128x768xf32>
    %get3A_30 = arith.constant 0 : index
    %get3A_31 = arith.constant 0 : index
    %get3A_32 = arith.constant 0 : index
    %get3A_33 = vector.load %arg6[%get3A_30, %get3A_31, %get3A_32] : memref<1x1x768xf32, #tpu.memory_space<vmem>>, vector<1x1x768xf32>
    %get3A_34 = vector.shape_cast %get3A_33 : vector<1x1x768xf32> to vector<1x768xf32>
    %add3A_35 = vector.broadcast %get3A_34 : vector<1x768xf32> to vector<128x768xf32>
    %add3A_36 = arith.addf %dot_general3A_29, %add3A_35 : vector<128x768xf32>
    %swap3A = arith.constant 0 : index
    %swap3A_37 = arith.constant 0 : index
    %swap3A_38 = vector.load %arg7[%swap3A, %swap3A_37] : memref<128x768xf32, #tpu.memory_space<vmem>>, vector<128x768xf32>
    tpu.vector_store %arg7[%swap3A, %swap3A_37], %add3A_36 {strides = array<i32>} : memref<128x768xf32, #tpu.memory_space<vmem>>, vector<128x768xf32>,
    return
  }
  func.func @transform_0(%arg0: i32, %arg1: memref<48xi32, #tpu.memory_space<smem>>) -> (i32, i32) {
    %c0_i32 = arith.constant 0 : i32
    %c0_i32_0 = arith.constant 0 : i32
    return %arg0, %c0_i32 : i32, i32
  }
  func.func @transform_1(%arg0: i32, %arg1: memref<48xi32, #tpu.memory_space<smem>>) -> (i32, i32, i32) {
    %get3A = arith.index_cast %arg0 : i32 to index
    %get3A_0 = memref.load %arg1[%get3A] : memref<48xi32, #tpu.memory_space<smem>>
    %c0_i32 = arith.constant 0 : i32
    %c0_i32_1 = arith.constant 0 : i32
    %c0_i32_2 = arith.constant 0 : i32
    return %get3A_0, %c0_i32, %c0_i32_1 : i32, i32, i32
  }
  func.func @transform_2(%arg0: i32, %arg1: memref<48xi32, #tpu.memory_space<smem>>) -> (i32, i32, i32) {
    %get3A = arith.index_cast %arg0 : i32 to index
    %get3A_0 = memref.load %arg1[%get3A] : memref<48xi32, #tpu.memory_space<smem>>
    %c0_i32 = arith.constant 0 : i32
    %c0_i32_1 = arith.constant 0 : i32
    %c0_i32_2 = arith.constant 0 : i32
    return %get3A_0, %c0_i32, %c0_i32_1 : i32, i32, i32
  }
  func.func @transform_3(%arg0: i32, %arg1: memref<48xi32, #tpu.memory_space<smem>>) -> (i32, i32, i32) {
    %get3A = arith.index_cast %arg0 : i32 to index
    %get3A_0 = memref.load %arg1[%get3A] : memref<48xi32, #tpu.memory_space<smem>>
    %c0_i32 = arith.constant 0 : i32
    %c0_i32_1 = arith.constant 0 : i32
    %c0_i32_2 = arith.constant 0 : i32
    return %get3A_0, %c0_i32, %c0_i32_1 : i32, i32, i32
  }
  func.func @transform_4(%arg0: i32, %arg1: memref<48xi32, #tpu.memory_space<smem>>) -> (i32, i32, i32) {
    %get3A = arith.index_cast %arg0 : i32 to index
    %get3A_0 = memref.load %arg1[%get3A] : memref<48xi32, #tpu.memory_space<smem>>
    %c0_i32 = arith.constant 0 : i32
    %c0_i32_1 = arith.constant 0 : i32
    %c0_i32_2 = arith.constant 0 : i32
    return %get3A_0, %c0_i32, %c0_i32_1 : i32, i32, i32
  }
  func.func @transform_5(%arg0: i32, %arg1: memref<48xi32, #tpu.memory_space<smem>>) -> (i32, i32) {
    %c0_i32 = arith.constant 0 : i32
    %c0_i32_0 = arith.constant 0 : i32
    return %arg0, %c0_i32 : i32, i32
  }
}

module attributes {stable_mosaic.version = 14 : i64} {
  func.func @_combine_kernel(%arg0: i32, %arg1: memref<256x1536xf32, #tpu.memory_space<vmem>>, %arg2: memref<256x2xf32, #tpu.memory_space<vmem>>, %arg3: memref<256x768xf32, #tpu.memory_space<vmem>>, %arg4: memref<1x768xf32, #tpu.memory_space<vmem>>, %arg5: memref<1x768xf32, #tpu.memory_space<vmem>>, %arg6: memref<256x768xf32, #tpu.memory_space<vmem>>) attributes {dimension_semantics = [#tpu.dimension_semantics<arbitrary>], iteration_bounds = array<i64: 8>, scalar_prefetch = 0 : i64, scratch_operands = 0 : i64, tpu.core_type = #tpu.core_type<tc>, window_params = [{transform_indices = @transform_0, window_bounds = array<i64: 256, 1536>}, {transform_indices = @transform_1, window_bounds = array<i64: 256, 2>}, {transform_indices = @transform_2, window_bounds = array<i64: 256, 768>}, {pipeline_mode = #tpu.pipeline_mode<synchronous>, transform_indices = @transform_3, window_bounds = array<i64: 1, 768>}, {pipeline_mode = #tpu.pipeline_mode<synchronous>, transform_indices = @transform_4, window_bounds = array<i64: 1, 768>}, {transform_indices = @transform_5, window_bounds = array<i64: 256, 768>}]} {
    %get3A = arith.constant 0 : index
    %get3A_0 = arith.constant 0 : index
    %get3A_1 = vector.load %arg2[%get3A, %get3A_0] : memref<256x2xf32, #tpu.memory_space<vmem>>, vector<256x2xf32>
    %slice3A = vector.extract_strided_slice %get3A_1 {offsets = [0, 0], sizes = [256, 1], strides = [1, 1]} : vector<256x2xf32> to vector<256x1xf32>
    %get3A_2 = arith.constant 0 : index
    %get3A_3 = arith.constant 0 : index
    %get3A_4 = vector.load %arg1[%get3A_2, %get3A_3] : memref<256x1536xf32, #tpu.memory_space<vmem>>, vector<256x768xf32>
    %mul3A = vector.broadcast %slice3A : vector<256x1xf32> to vector<256x768xf32>
    %mul3A_5 = arith.mulf %mul3A, %get3A_4 : vector<256x768xf32>
    %slice3A_6 = vector.extract_strided_slice %get3A_1 {offsets = [0, 1], sizes = [256, 1], strides = [1, 1]} : vector<256x2xf32> to vector<256x1xf32>
    %get3A_7 = arith.constant 0 : index
    %get3A_8 = arith.constant 768 : index
    %get3A_9 = vector.load %arg1[%get3A_7, %get3A_8] : memref<256x1536xf32, #tpu.memory_space<vmem>>, vector<256x768xf32>
    %mul3A_10 = vector.broadcast %slice3A_6 : vector<256x1xf32> to vector<256x768xf32>
    %mul3A_11 = arith.mulf %mul3A_10, %get3A_9 : vector<256x768xf32>
    %add3A = arith.addf %mul3A_5, %mul3A_11 : vector<256x768xf32>
    %get3A_12 = arith.constant 0 : index
    %get3A_13 = arith.constant 0 : index
    %get3A_14 = vector.load %arg3[%get3A_12, %get3A_13] : memref<256x768xf32, #tpu.memory_space<vmem>>, vector<256x768xf32>
    %add3A_15 = arith.addf %get3A_14, %add3A : vector<256x768xf32>
    %get3A_16 = arith.constant 0 : index
    %get3A_17 = arith.constant 0 : index
    %get3A_18 = vector.load %arg4[%get3A_16, %get3A_17] : memref<1x768xf32, #tpu.memory_space<vmem>>, vector<1x768xf32>
    %get3A_19 = arith.constant 0 : index
    %get3A_20 = arith.constant 0 : index
    %get3A_21 = vector.load %arg5[%get3A_19, %get3A_20] : memref<1x768xf32, #tpu.memory_space<vmem>>, vector<1x768xf32>
    %reduce_sum3A = arith.constant dense<0.000000e+00> : vector<256xf32>
    %reduce_sum3A_22 = vector.multi_reduction <add>, %add3A_15, %reduce_sum3A [1] : vector<256x768xf32> to vector<256xf32>
    %broadcast_in_dim3A = vector.shape_cast %reduce_sum3A_22 : vector<256xf32> to vector<256x1xf32>
    %div3A = arith.constant 7.680000e+02 : f32
    %div3A_23 = vector.broadcast %div3A : f32 to vector<256x1xf32>
    %div3A_24 = arith.divf %broadcast_in_dim3A, %div3A_23 : vector<256x1xf32>
    %sub3A = vector.broadcast %div3A_24 : vector<256x1xf32> to vector<256x768xf32>
    %sub3A_25 = arith.subf %add3A_15, %sub3A : vector<256x768xf32>
    %integer_pow3A = arith.mulf %sub3A_25, %sub3A_25 : vector<256x768xf32>
    %reduce_sum3A_26 = arith.constant dense<0.000000e+00> : vector<256xf32>
    %reduce_sum3A_27 = vector.multi_reduction <add>, %integer_pow3A, %reduce_sum3A_26 [1] : vector<256x768xf32> to vector<256xf32>
    %broadcast_in_dim3A_28 = vector.shape_cast %reduce_sum3A_27 : vector<256xf32> to vector<256x1xf32>
    %div3A_29 = arith.constant 7.680000e+02 : f32
    %div3A_30 = vector.broadcast %div3A_29 : f32 to vector<256x1xf32>
    %div3A_31 = arith.divf %broadcast_in_dim3A_28, %div3A_30 : vector<256x1xf32>
    %sub3A_32 = vector.broadcast %div3A_24 : vector<256x1xf32> to vector<256x768xf32>
    %sub3A_33 = arith.subf %add3A_15, %sub3A_32 : vector<256x768xf32>
    %add3A_34 = arith.constant 9.99999974E-6 : f32
    %add3A_35 = vector.broadcast %add3A_34 : f32 to vector<256x1xf32>
    %add3A_36 = arith.addf %div3A_31, %add3A_35 : vector<256x1xf32>
    %rsqrt3A = math.rsqrt %add3A_36 : vector<256x1xf32>
    %mul3A_37 = vector.broadcast %rsqrt3A : vector<256x1xf32> to vector<256x768xf32>
    %mul3A_38 = arith.mulf %sub3A_33, %mul3A_37 : vector<256x768xf32>
    %mul3A_39 = vector.broadcast %get3A_18 : vector<1x768xf32> to vector<256x768xf32>
    %mul3A_40 = arith.mulf %mul3A_38, %mul3A_39 : vector<256x768xf32>
    %add3A_41 = vector.broadcast %get3A_21 : vector<1x768xf32> to vector<256x768xf32>
    %add3A_42 = arith.addf %mul3A_40, %add3A_41 : vector<256x768xf32>
    %swap3A = arith.constant 0 : index
    %swap3A_43 = arith.constant 0 : index
    %swap3A_44 = vector.load %arg6[%swap3A, %swap3A_43] : memref<256x768xf32, #tpu.memory_space<vmem>>, vector<256x768xf32>
    tpu.vector_store %arg6[%swap3A, %swap3A_43], %add3A_42 {strides = array<i32>} : memref<256x768xf32, #tpu.memory_space<vmem>>, vector<256x768xf32>,
    return
  }
  func.func @transform_0(%arg0: i32) -> (i32, i32) {
    %c0_i32 = arith.constant 0 : i32
    %c0_i32_0 = arith.constant 0 : i32
    return %arg0, %c0_i32 : i32, i32
  }
  func.func @transform_1(%arg0: i32) -> (i32, i32) {
    %c0_i32 = arith.constant 0 : i32
    %c0_i32_0 = arith.constant 0 : i32
    return %arg0, %c0_i32 : i32, i32
  }
  func.func @transform_2(%arg0: i32) -> (i32, i32) {
    %c0_i32 = arith.constant 0 : i32
    %c0_i32_0 = arith.constant 0 : i32
    return %arg0, %c0_i32 : i32, i32
  }
  func.func @transform_3(%arg0: i32) -> (i32, i32) {
    %c0_i32 = arith.constant 0 : i32
    %c0_i32_0 = arith.constant 0 : i32
    %c0_i32_1 = arith.constant 0 : i32
    return %c0_i32, %c0_i32_0 : i32, i32
  }
  func.func @transform_4(%arg0: i32) -> (i32, i32) {
    %c0_i32 = arith.constant 0 : i32
    %c0_i32_0 = arith.constant 0 : i32
    %c0_i32_1 = arith.constant 0 : i32
    return %c0_i32, %c0_i32_0 : i32, i32
  }
  func.func @transform_5(%arg0: i32) -> (i32, i32) {
    %c0_i32 = arith.constant 0 : i32
    %c0_i32_0 = arith.constant 0 : i32
    return %arg0, %c0_i32 : i32, i32
  }
}

</mosaic_0001>

<sc_bundles>
// kernel: kernel.10.cloned.1.call-start
scs
__scs_entry_jumppad:
0x0: {  	(pc) =	sbr.rel $0x88, $3  }
0x1: {  	(tag) =	ssettag $0x0;
	lr =	simm.s32 $0x1  }
0x2: {  	[smem:$0x3F8F] =	sst lr;
	_ =	strace $0xD0000000  }
0x3: {  	_ = 	snop  }
0x4: {  	_ = 	snop  }
0x5: {  	_ = 	snop  }
0x6: {  	_ = 	snop  }
0x7: {  	_ = 	snop  }
__scs_overlays_trampoline_lowered:
0x8: {  	[smem:$0x3F9E] =	sst s0  }
0x9: {  	[smem:$0x3F9F] =	sst s1  }
0xa: {  	[smem:$0x3FA0] =	sst s2  }
0xb: {  	[smem:$0x3FA1] =	sst s3  }
0xc: {  	[smem:$0x3FA2] =	sst s4  }
0xd: {  	[smem:$0x3FA3] =	sst s5  }
0xe: {  	[smem:$0x3FA4] =	sst s6  }
0xf: {  	[smem:$0x3FA5] =	sst s7  }
0x10: {  	[smem:$0x3FA6] =	sst s8  }
0x11: {  	[smem:$0x3FA7] =	sst s9;
	s0 =	simm.s32 @!p0 $0x0  }
0x12: {  	s1 =	sld [smem:$0x3F8D];
	s0 =	simm.s32 @p0 $0x1  }
0x13: {  	[smem:$0x3FA8] =	sst s0;
	s0 =	simm.s32 @!p1 $0x0  }
0x14: {  	s2 =	sld [smem:$0x3F8C];
	s0 =	simm.s32 @p1 $0x1  }
0x15: {  	[smem:$0x3FA9] =	sst s0;
	s0 =	simm.s32 @!p2 $0x0  }
0x16: {  	s3 =	sld [smem:$0x3FDB];
	s0 =	simm.s32 @p2 $0x1  }
0x17: {  	s4 =	simm.s32 $0x1BF5;
	[smem:$0x3FAB] =	sst s0  }
0x18: {  	s0 =	sld [smem:$0x3F8E];
	_ =	swait.ge [sflag:s4], $0x0  }
0x19: {  	s7 =	sld [smem:$0x3F8F]  }
0x1a: {  	s8 =	sadd.s32 $0xFFFFE003, lr  }
0x1b: {  	s9 =	sadd.s32 $0xFFFFFEF7, lr;
	s5 =	simm.s32 $0xFFFFFFFF;
	p2 =	slt.u32 s8, $0xFFFFF086  }
0x1c: {  	p1 =	slt.u32 s9, $0xF7A;
	s5 =	simm.s32 @!p2 $0x0  }
0x1d: {  	s5 =	simm.s32 @p1 $0x1;
	p0 =	seq.s32 s7, s2  }
0x1e: {  	s7 =	smul.u32 @!p0 $0xF7A, s2;
	p2 =	seq.s32 @!p0 s5, $0x0  }
0x1f: {  	s9 =	smul.u32 $0xF7A, s1;
	s8 =	simm.s32 @!p0 $0x1BF5;
	p2 =	por !p2, p0  }
0x20: {  	[sflag:s8] =	ssyncset.s32 @!p0 $0xFFFFF086;
	s6 =	sadd.s32 @!p0 s3, s7;
	s7 =	simm.s32 @!p0 $0x108  }
0x21: {  	s3 =	sadd.s32 s3, s9;
	s6 =	sadd.s32 @!p0 $0x88, s6;
	s7 =	simm.s32 @p2 $0x1082  }
0x22: {  	[simem:s7], [sflag:s8] =	dma.local @!p0 [hbm:s6], $0xF7A  }
0x23: {  	s9 =	sor.u32 $0xD0000000, s2;
	s6 =	simm.s32 $0x108;
	_ =	swait.ge @!p0 [sflag:s8], $0x0  }
0x24: {  	s3 =	sadd.s32 $0x88, s3;
	s6 =	simm.s32 @!p1 $0x1082;
	[sflag:s4] =	ssyncset.s32 $0xFFFFF086  }
0x25: {  	[simem:s6], [sflag:s4] =	dma.local [hbm:s3], $0xF7A  }
0x26: {  	[smem:$0x3F8F] =	sst s1;
	(tag) =	ssettag s2;
	_ =	strace s9  }
0x27: {  	s1 =	sld [smem:$0x3F9F]  }
0x28: {  	s2 =	sld [smem:$0x3FA0]  }
0x29: {  	s4 =	sld [smem:$0x3FA2]  }
0x2a: {  	p0 =	seq.s32 s5, $0x0;
	s5 =	sld [smem:$0x3FA3]  }
0x2b: {  	s6 =	sld [smem:$0x3FA4]  }
0x2c: {  	s7 =	sld [smem:$0x3FA5]  }
0x2d: {  	s3 =	simm.s32 $0x108;
	s8 =	sld [smem:$0x3FA6]  }
0x2e: {  	s3 =	simm.s32 @!p0 $0x1082;
	s9 =	sld [smem:$0x3FA7]  }
0x2f: {  	lr =	sadd.s32 s0, s3;
	s0 =	sld [smem:$0x3F9E]  }
0x30: {  	s3 =	sld [smem:$0x3FA1]  }
0x31: {  	[smem:$0x3FAA] =	sst s10  }
0x32: {  	s10 =	sld [smem:$0x3FA8];
	_ =	sdelay $0x3  }
0x33: {  	p0 =	seq.s32 s10, $0x1;
	s10 =	sld [smem:$0x3FAA];
	_ =	sdelay $0x3  }
0x34: {  	[smem:$0x3FAA] =	sst s10  }
0x35: {  	s10 =	sld [smem:$0x3FA9];
	_ =	sdelay $0x3  }
0x36: {  	p1 =	seq.s32 s10, $0x1;
	s10 =	sld [smem:$0x3FAA];
	_ =	sdelay $0x3  }
0x37: {  	[smem:$0x3FAA] =	sst s10  }
0x38: {  	s10 =	sld [smem:$0x3FAB]  }
0x39: {  	_ = 	snop;
	(pc) =	sbr.ind lr, $3  }
0x3a: {  	_ = 	snop  }
0x3b: {  	_ = 	snop  }
0x3c: {  	p2 =	seq.s32 s10, $0x1;
	s10 =	sld [smem:$0x3FAA]  }
0x3d: {  	_ =	shalt  }
0x3e: {  	_ =	shalt  }
0x3f: {  	_ =	shalt  }
0x40: {  	_ =	shalt  }
0x41: {  	_ =	shalt  }
0x42: {  	_ =	shalt  }
0x43: {  	_ =	shalt  }
0x44: {  	_ =	shalt  }
0x45: {  	_ =	shalt  }
0x46: {  	_ =	shalt  }
0x47: {  	_ =	shalt  }
0x48: {  	_ =	shalt  }
0x49: {  	_ =	shalt  }
0x4a: {  	_ =	shalt  }
0x4b: {  	_ =	shalt  }
0x4c: {  	_ =	shalt  }
0x4d: {  	_ =	shalt  }
0x4e: {  	_ =	shalt  }
0x4f: {  	_ =	shalt  }
0x50: {  	_ =	shalt  }
0x51: {  	_ =	shalt  }
0x52: {  	_ =	shalt  }
0x53: {  	_ =	shalt  }
0x54: {  	_ =	shalt  }
0x55: {  	_ =	shalt  }
0x56: {  	_ =	shalt  }
0x57: {  	_ =	shalt  }
0x58: {  	_ =	shalt  }
0x59: {  	_ =	shalt  }
0x5a: {  	_ =	shalt  }
0x5b: {  	_ =	shalt  }
0x5c: {  	_ =	shalt  }
0x5d: {  	_ =	shalt  }
0x5e: {  	_ =	shalt  }
0x5f: {  	_ =	shalt  }
0x60: {  	_ =	shalt  }
0x61: {  	_ =	shalt  }
0x62: {  	_ =	shalt  }
0x63: {  	_ =	shalt  }
0x64: {  	_ =	shalt  }
0x65: {  	_ =	shalt  }
0x66: {  	_ =	shalt  }
0x67: {  	_ =	shalt  }
0x68: {  	_ =	shalt  }
0x69: {  	_ =	shalt  }
0x6a: {  	_ =	shalt  }
0x6b: {  	_ =	shalt  }
0x6c: {  	_ =	shalt  }
0x6d: {  	_ =	shalt  }
0x6e: {  	_ =	shalt  }
0x6f: {  	_ =	shalt  }
0x70: {  	_ =	shalt  }
0x71: {  	_ =	shalt  }
0x72: {  	_ =	shalt  }
0x73: {  	_ =	shalt  }
0x74: {  	_ =	shalt  }
0x75: {  	_ =	shalt  }
0x76: {  	_ =	shalt  }
0x77: {  	_ =	shalt  }
0x78: {  	_ =	shalt  }
0x79: {  	_ =	shalt  }
0x7a: {  	_ =	shalt  }
0x7b: {  	_ =	shalt  }
0x7c: {  	_ =	shalt  }
0x7d: {  	_ =	shalt  }
0x7e: {  	_ =	shalt  }
0x7f: {  	_ =	shalt  }
0x80: {  	_ =	shalt  }
0x81: {  	_ =	shalt  }
0x82: {  	_ =	shalt  }
0x83: {  	_ =	shalt  }
0x84: {  	_ =	shalt  }
0x85: {  	_ =	shalt  }
0x86: {  	_ =	shalt  }
0x87: {  	_ =	shalt  }
.Lfunc_end0:
.L_simem_size_0:
called_computation_lowered:
.L_overlay_start_0:
0x88: {  	s2 =	sld [smem:$0x3FD9]  }
0x89: {  	s3 =	sld [smem:$0x3FFE];
	_ =	sdelay $0x1  }
0x8a: {  	s1 =	srdreg.scid  }
0x8b: {  	s0 =	sand.u32 $0x1, s1  }
0x8c: {  	s16 =	sshll.u32 s0, $0xA;
	s2 =	sadd.s32 s3, s2  }
0x8d: {  	s2 =	sadd.s32 s2, s16  }
0x8e: {  	[smem:$0x3FB6] =	sst s2  }
0x8f: {  	_ = 	snop  }
0x90: {  	(tm) =	ssettm $0x1  }
0x91: {  	s17 =	sld [smem:$0x3FFB];
	_ =	sdelay $0x3  }
0x92: {  	_ =	strace s17  }
0x93: {  	s2 =	sld [smem:$0x3FFC];
	_ =	sdelay $0x3  }
0x94: {  	_ =	strace s2  }
0x95: {  	s2 =	sld [smem:$0x3FFD];
	_ =	sdelay $0x3  }
0x96: {  	_ =	strace s2  }
0x97: {  	_ =	strace $0x8FFFFFFF  }
0x98: {  	s18 =	sld [smem:$0x3FDB];
	_ =	sdelay $0x1  }
0x99: {  	s19 =	simm.s32 $_scs_section_size  }
0x9a: {  	s4 =	simm.s32 $_size__tile_overlayer_lowered;
	s5 =	simm.s32 $_tile_overlayer_lowered  }
0x9b: {  	s22 =	simm.s32 $0x1BFF;
	s21 =	sshll.u32 s5, $0x1;
	s2 =	sadd.s32 s19, s18  }
0x9c: {  	s6 =	simm.s32 $0x0;
	s20 =	sshll.u32 s4, $0x1;
	s4 =	sadd.s32 s21, s2  }
0x9d: {  	[timem:s6], [sflag:s22] =	dma.local [hbm:s4], s20  }
0x9e: {  	_ =	swait.ge [sflag:s22], s20  }
0x9f: {  	s3 =	ssub.s32 $0x0, s20;
	[sflag:s22] =	ssyncset.done $0x0  }
0xa0: {  	[sflag:s22] =	ssyncadd.s32 s3;
	_ =	sdelay $0x1  }
0xa1: {  	s23 =	simm.s32 $0x1B8B  }
0xa2: {  	_ =	swait.ge [sflag:s23], $0x1  }
0xa3: {  	[sflag:s23] =	ssyncset.done $0x0  }
0xa4: {  	s25 =	simm.s32 $0x1B8E;
	s24 =	sld [smem:$0x3FFE];
	[sflag:s23] =	ssyncadd.s32 $0xFFFFFFFF  }
0xa5: {  	s26 =	simm.s32 $execute0_lowered;
	[smem:$0x3FD2] =	sst s25  }
0xa6: {  	s4 =	sshll.u32 s26, $0x1;
	_ =	strace $0x80000046;
	[dreg:$0x1] =	wrdreg $0xFFFFFFFF  }
0xa7: {  	s28 =	simm.s32 $_size_execute0_lowered;
	s2 =	sadd.s32 s2, s4;
	[dreg:$0x0] =	wrdreg $0x0  }
0xa8: {  	s4 =	sshll.u32 s28, $0x1;
	[dreg:$0x2] =	wrdreg s2  }
0xa9: {  	[dreg:$0x3] =	wrdreg s4  }
0xaa: {  	[dreg:$0x4] =	wrdreg $0xC0  }
0xab: {  	_ =	task [dreg:s6], $0x5FFFF  }
0xac: {  	[dreg:$0x1] =	wrdreg $0xFFFFFFFF  }
0xad: {  	[dreg:$0x0] =	wrdreg $0x60  }
0xae: {  	[dreg:$0x2] =	wrdreg s24  }
0xaf: {  	[dreg:$0x3] =	wrdreg $0x9  }
0xb0: {  	_ =	task.clear_ibuf [dreg:s6], $0x4FFFF;
	_ =	strace $0x90000046  }
0xb1: {  	s29 =	simm.s32 $0x9;
	_ =	strace $0x80000048  }
0xb2: {  	_ =	swait.ge [sflag:s29], $0x1  }
0xb3: {  	[sflag:s29] =	ssyncadd.s32 $0xFFFFFFFF  }
0xb4: {  	_ =	strace $0x90000048  }
0xb5: {  	_ =	sfence  }
0xb6: {  	s30 =	sld [smem:$0x0];
	_ =	sdelay $0x2  }
0xb7: {  	s31 =	sshll.u32 s1, $0xD;
	s1 =	sshrl.u32 s1, $0x2  }
0xb8: {  	s3 =	sand.u32 $0x4000, s31;
	s1 =	sadd.s32 s1, s30  }
0xb9: {  	s0 =	sor.u32 s3, s0;
	s1 =	sshll.u32 s1, $0x11  }
0xba: {  	s0 =	sor.u32 s1, s0  }
0xbb: {  	s0 =	sadd.s32 $0x8F2B, s0  }
0xbc: {  	[sflag:s0] =	ssyncadd.remote.s32 $0x1  }
0xbd: {  	_ =	sfence.sel $0xFFFF  }
0xbe: {  	[dreg:$0x0] =	wrdreg $0xFFFFFFFF;
	(pc) =	sbr.abs _section_cstart, $3  }
0xbf: {  	[dreg:$0x1] =	wrdreg $0xFFFFFFFF  }
0xc0: {  	_ =	task.clear_ibuf [dreg:s6], $0x2FFFF;
	_ =	strace $0x9FFFFFFF  }
0xc1: {  	(tm) =	ssettm $0x7FFFFFFF  }
tec
execute0_lowered:
.L_overlay_start_1:
0x0: {  	(tag) =	ssettag $0x1  }
0x1: {  	s0 =	srdreg.scid  }
0x2: {  	s2 =	sand.u32 $0x1, s0;
	s0 =	stileid.u32  }
0x3: {  	s3 =	sshll.u32 s0, $0x1;
	s5 =	ssub.s32 $0x0, s2  }
0x4: {  	p0 =	sne.s32 s3, s5  }
.Ltmp0:
0x5: {  	_ = 	snop;
	(pc) =	sbr.rel @p0 .LBB2_7-.Ltmp0, $3  }
0x6: {  	_ =	sdelay $0x1  }
0x7: {  	s4 =	rddreg [dreg:$0x0]  }
0x8: {  	s1 =	rddreg [dreg:$0x1];
	_ =	strace $0x80000047  }
0x9: {  	v0 =	vimm.s32 $0xEDCBA987  }
0xa: {  	v1 =	vimm.s32 $0x65432100;
	v0 =	vunpack.c.l.s4.s8 v0  }
0xb: {  	v3 =	vimm.s32 $0xDCBA9876;
	v1 =	vunpack.c.l.s4.s8 v1  }
0xc: {  	v4 =	vimm.s32 $0x54321000;
	v5 =	vimm.s32 $0xBA987654;
	v2 =	vunpack.c.0.s8.s32 v0  }
0xd: {  	v7 =	vimm.s32 $0x32100000;
	v3 =	vunpack.c.l.s4.s8 v3;
	v1 =	vunpack.c.0.s8.s32 v1  }
0xe: {  	vm0 =	vmmov $0x3;
	v4 =	vunpack.c.l.s4.s8 v4;
	v2 =	vand.u32 $0xF, v2  }
0xf: {  	v3 =	vunpack.c.0.s8.s32 v3;
	v1 =	vcombine.low v1, v2;
	v2 =	vimm.s32 $0xE40000  }
0x10: {  	vm2 =	vcmask $0x3F30;
	v4 =	vunpack.c.0.s8.s32 v4;
	v6 =	vunpack.c.l.s2.s4 v2  }
0x11: {  	vm1 =	vmmov $0xf;
	v5 =	vunpack.c.l.s4.s8 v5;
	v3 =	vand.u32 $0xF, v3  }
0x12: {  	v3 =	vcombine.low v4, v3;
	v4 =	vunpack.c.l.s4.s8 v7;
	v6 =	vunpack.c.l.s4.s8 v6  }
0x13: {  	v8 =	vimm.s32 $0x0;
	v5 =	vunpack.c.0.s8.s32 v5;
	v7 =	vimm.s32 $0x7060504  }
0x14: {  	v2 =	vlaneseq.u32;
	v4 =	vunpack.c.0.s8.s32 v4;
	v6 =	vunpack.c.0.s8.s32 v6  }
0x15: {  	s5 =	ssub.s32 $0x2, s2;
	s2 =	sadd.s32 $0x3E00, s4;
	s3 =	sadd.s32 $0x4000, s4;
	v5 =	vand.u32 $0xF, v5;
	v7 =	vunpack.c.0.s8.s32 v7;
	v10 =	vmul.u32 $0x80, v2  }
0x16: {  	s4 =	sadd.s32 $0x4200, s4;
	s7 =	simm.s32 $0x1;
	s6 =	sshrl.u32 s5, $0x1;
	v0 =	vimm.f32 $0.0e+00;
	v4 =	vcombine.low v4, v5;
	v6 =	vand.u32 $0x3, v6  }
0x17: {  	s8 =	simm.s32 $0x1000;
	s9 =	simm.s32 $0x1080;
	s5 =	ssub.s32 s5, s6;
	v9 =	vor.u32 $0x801, v10;
	v5 =	vsel vm2, v7, v6;
	vm2 =	vmmov $0xff  }
0x18: {  	s10 =	simm.s32 $0x0;
	s6 =	simm.s32 $0x0;
	s5 =	smax.u32 s5, $0x1;
	v6 =	vimm.s32 $0xF;
	v7 =	vor.u32 $0x1, v10;
	v10 =	vor.u32 $0x1001, v10  }
.LBB2_2:
0x19: {  	[tilespmem:s6], [sflag:$0x1] =	stream.linear.gather [hbm4b:s2+s6], $0x1000, $0x38;
	[tilespmem:$0x2080] =	vst v63  }
0x1a: {  	_ =	swait.ge [sflag:s7], $0x1000  }
0x1b: {  	[sflag:s7] =	ssyncset.done $0x0  }
0x1c: {  	s11 =	simm.s32 $0x0;
	[sflag:s7] =	ssyncadd.s32 $0xFFFFF000  }
0x1d: {  	v11 =	vld [tilespmem:s11+$0x0];
	_ =	sdelay $0x2  }
0x1e: {  	s31 =	simm.s32 $0x10  }
0x1f: {  	v15 =	vld [tilespmem:s31+$0x0]  }
0x20: {  	v18 =	vimm.f32 $0.0e+00;
	vm3 =	veq.s32 v11, $0x0;
	vm4 =	veq.s32 v11, $0x1  }
0x21: {  	vm5 =	veq.s32 v11, $0x3;
	vm6 =	veq.s32 v11, $0x5;
	vm7 =	veq.s32 v11, $0x4  }
0x22: {  	v12 =	vsel vm5, $0x3F800000, v0;
	v16 =	vsel vm7, $0x3F800000, v0;
	vm5 =	veq.s32 v11, $0x6  }
0x23: {  	v13 =	vsel vm6, $0x3F800000, v0;
	vm6 =	veq.s32 v11, $0x2;
	v19 =	vsel vm3, $0x3F800000, v0  }
0x24: {  	v20 =	vsel vm4, $0x3F800000, v0;
	vm3 =	veq.s32 v15, $0x0;
	vm4 =	veq.s32 v15, $0x5  }
0x25: {  	v14 =	vadd.f32 v12, v0;
	v13 =	vadd.f32 v13, v0;
	v11 =	vsel vm5, $0x3F800000, v0  }
0x26: {  	v17 =	vsel vm6, $0x3F800000, v0;
	v12 =	vadd.f32 v16, v0;
	vm5 =	veq.s32 v15, $0x1  }
0x27: {  	s11 =	simm.s32 $0x80;
	v11 =	vadd.f32 v11, v0;
	v16 =	vadd.f32 v17, v0;
	v17 =	vimm.f32 $0.0e+00  }
.LBB2_3:
0x28: {  	s12 =	sshra.s32 s11, $0x2;
	p0 =	sne.s32 s11, $0x3FC0;
	s11 =	sadd.s32 $0x40, s11;
	vm6 =	veq.s32 v15, $0x3;
	vm7 =	veq.s32 v15, $0x4;
	v17 =	vadd.f32 v20, v17  }
0x29: {  	v21 =	vld [tilespmem:s12+$0x0];
	v20 =	vsel vm6, $0x3F800000, v0;
	v22 =	vsel vm7, $0x3F800000, v0;
	vm6 =	veq.s32 v15, $0x6  }
.Ltmp1:
0x2a: {  	v18 =	vadd.f32 v19, v18;
	v14 =	vadd.f32 v20, v14;
	v20 =	vsel vm4, $0x3F800000, v0;
	(pc) =	sbr.rel @p0 .LBB2_3-.Ltmp1, $4  }
0x2b: {  	vm4 =	veq.s32 v15, $0x2;
	v15 =	vsel vm6, $0x3F800000, v0;
	v13 =	vadd.f32 v20, v13  }
0x2c: {  	v12 =	vadd.f32 v22, v12;
	v23 =	vsel vm4, $0x3F800000, v0;
	v11 =	vadd.f32 v15, v11  }
0x2d: {  	v19 =	vsel vm3, $0x3F800000, v0;
	v20 =	vsel vm5, $0x3F800000, v0;
	v16 =	vadd.f32 v23, v16  }
0x2e: {  	vm3 =	veq.s32 v21, $0x0;
	vm5 =	veq.s32 v21, $0x1;
	vm4 =	veq.s32 v21, $0x5;
	v15 =	vmovc v21  }
0x2f: {  	v18 =	vadd.f32 v19, v18  }
0x30: {  	v17 =	vadd.f32 v20, v17;
	v19 =	vsel vm3, $0x3F800000, v0  }
0x31: {  	v20 =	vsel vm5, $0x3F800000, v0;
	v18 =	vadd.f32 v19, v18  }
0x32: {  	v17 =	vadd.f32 v20, v17  }
0x33: {  	v19 =	vperm.xlane v18, v1  }
0x34: {  	vm3 =	veq.s32 v2, $0x0;
	v20 =	vperm.xlane v17, v1  }
0x35: {  	v19 =	vsel vm3, $0x0, v19  }
0x36: {  	v18 =	vadd.f32 v19, v18;
	v19 =	vsel vm3, $0x0, v20  }
0x37: {  	v17 =	vadd.f32 v19, v17  }
0x38: {  	v19 =	vperm.xlane v18, v3  }
0x39: {  	v20 =	vperm.xlane v17, v3  }
0x3a: {  	v19 =	vsel vm0, $0x0, v19  }
0x3b: {  	v18 =	vadd.f32 v19, v18;
	v19 =	vsel vm0, $0x0, v20  }
0x3c: {  	v17 =	vadd.f32 v19, v17  }
0x3d: {  	v19 =	vperm.xlane v18, v4  }
0x3e: {  	v20 =	vperm.xlane v17, v4  }
0x3f: {  	v19 =	vsel vm1, $0x0, v19  }
0x40: {  	v18 =	vadd.f32 v19, v18;
	v19 =	vsel vm1, $0x0, v20  }
0x41: {  	vm5 =	veq.s32 v15, $0x3;
	v17 =	vadd.f32 v19, v17  }
0x42: {  	v21 =	vsel vm5, $0x3F800000, v0;
	vm5 =	veq.s32 v15, $0x2;
	v19 =	vperm.xlane v18, v5  }
0x43: {  	v22 =	vsel vm5, $0x3F800000, v0;
	v20 =	vperm.xlane v17, v5  }
0x44: {  	vm6 =	veq.s32 v15, $0x4;
	v16 =	vadd.f32 v22, v16;
	v19 =	vsel vm2, $0x0, v19  }
0x45: {  	vm5 =	veq.s32 v15, $0x6;
	v18 =	vadd.f32 v19, v18;
	v19 =	vsel vm2, $0x0, v20  }
0x46: {  	v20 =	vsel vm6, $0x3F800000, v0;
	v17 =	vadd.f32 v19, v17;
	v19 =	vperm.xlane v16, v1  }
0x47: {  	v14 =	vadd.f32 v21, v14;
	v12 =	vadd.f32 v20, v12;
	v15 =	vperm.xlane v18, v6  }
0x48: {  	v18 =	vsel vm4, $0x3F800000, v0;
	v17 =	vperm.xlane v17, v6;
	v19 =	vsel vm3, $0x0, v19  }
0x49: {  	v20 =	vperm.xlane v12, v1;
	v15 =	vtrunc.f32 v15;
	v16 =	vadd.f32 v19, v16  }
0x4a: {  	v13 =	vadd.f32 v18, v13;
	v15 =	vcvt.f32.s32 v15;
	v17 =	vtrunc.f32 v17  }
0x4b: {  	v18 =	vsel vm5, $0x3F800000, v0;
	v17 =	vcvt.f32.s32 v17;
	v19 =	vperm.xlane v16, v3  }
0x4c: {  	v18 =	vadd.f32 v18, v11;
	v11 =	vadd.s32 $0x7F, v15;
	v15 =	vperm.xlane v14, v1  }
0x4d: {  	v11 =	vand.u32 $0xFFFFFF80, v11;
	v17 =	vadd.s32 $0x7F, v17;
	v19 =	vsel vm0, $0x0, v19  }
0x4e: {  	v17 =	vand.u32 $0xFFFFFF80, v17;
	v15 =	vsel vm3, $0x0, v15;
	v16 =	vadd.f32 v19, v16  }
0x4f: {  	v19 =	vsel vm3, $0x0, v20;
	v14 =	vadd.f32 v15, v14;
	v15 =	vperm.xlane v13, v1  }
0x50: {  	v20 =	vperm.xlane v18, v1;
	vm4 =	vlt.s32 v11, v7;
	v12 =	vadd.f32 v19, v12  }
0x51: {  	v17 =	vadd.s32 v11, v17;
	v21 =	vperm.xlane v14, v3;
	v15 =	vsel vm3, $0x0, v15  }
0x52: {  	v19 =	vperm.xlane v16, v4;
	v13 =	vadd.f32 v15, v13;
	v15 =	vsel vm3, $0x0, v20  }
0x53: {  	v20 =	vsel vm0, $0x0, v21;
	v21 =	vperm.xlane v12, v3;
	v15 =	vadd.f32 v15, v18  }
0x54: {  	v18 =	vsel vm1, $0x0, v19;
	v14 =	vadd.f32 v20, v14;
	v19 =	vperm.xlane v13, v3  }
0x55: {  	v16 =	vadd.f32 v18, v16;
	v18 =	vsel vm0, $0x0, v21;
	v20 =	vperm.xlane v15, v3  }
0x56: {  	v21 =	vperm.xlane v14, v4;
	v12 =	vadd.f32 v18, v12;
	v18 =	vsel vm0, $0x0, v19  }
0x57: {  	v19 =	vperm.xlane v16, v5;
	v13 =	vadd.f32 v18, v13;
	v18 =	vsel vm0, $0x0, v20  }
0x58: {  	v20 =	vsel vm1, $0x0, v21;
	v21 =	vperm.xlane v12, v4;
	v15 =	vadd.f32 v18, v15  }
0x59: {  	v18 =	vsel vm2, $0x0, v19;
	v14 =	vadd.f32 v20, v14;
	v19 =	vperm.xlane v13, v4  }
0x5a: {  	v16 =	vadd.f32 v18, v16;
	v18 =	vsel vm1, $0x0, v21;
	v20 =	vperm.xlane v15, v4  }
0x5b: {  	v21 =	vperm.xlane v14, v5;
	v12 =	vadd.f32 v18, v12;
	v18 =	vsel vm1, $0x0, v19  }
0x5c: {  	v16 =	vperm.xlane v16, v6;
	v13 =	vadd.f32 v18, v13;
	v18 =	vsel vm1, $0x0, v20  }
0x5d: {  	v19 =	vsel vm2, $0x0, v21;
	v20 =	vperm.xlane v12, v5;
	v15 =	vadd.f32 v18, v15  }
0x5e: {  	vm5 =	vlt.s32 v17, v7;
	v14 =	vadd.f32 v19, v14;
	v18 =	vperm.xlane v13, v5  }
0x5f: {  	v16 =	vtrunc.f32 v16;
	v19 =	vsel vm2, $0x0, v20;
	v20 =	vperm.xlane v15, v5  }
0x60: {  	v14 =	vperm.xlane v14, v6;
	v12 =	vadd.f32 v19, v12;
	v18 =	vsel vm2, $0x0, v18  }
0x61: {  	v16 =	vcvt.f32.s32 v16;
	v13 =	vadd.f32 v18, v13;
	v18 =	vsel vm2, $0x0, v20  }
0x62: {  	v14 =	vtrunc.f32 v14;
	v12 =	vperm.xlane v12, v6;
	v15 =	vadd.f32 v18, v15  }
0x63: {  	v16 =	vadd.s32 $0x7F, v16;
	v14 =	vcvt.f32.s32 v14;
	v13 =	vperm.xlane v13, v6  }
0x64: {  	v16 =	vand.u32 $0xFFFFFF80, v16;
	v12 =	vtrunc.f32 v12;
	v15 =	vperm.xlane v15, v6  }
0x65: {  	v16 =	vadd.s32 v17, v16;
	v12 =	vcvt.f32.s32 v12;
	v13 =	vtrunc.f32 v13  }
0x66: {  	v14 =	vadd.s32 $0x7F, v14;
	v13 =	vcvt.f32.s32 v13;
	v15 =	vtrunc.f32 v15  }
0x67: {  	v14 =	vand.u32 $0xFFFFFF80, v14;
	v12 =	vadd.s32 $0x7F, v12;
	v15 =	vcvt.f32.s32 v15  }
0x68: {  	v18 =	vadd.s32 v16, v14;
	v12 =	vand.u32 $0xFFFFFF80, v12;
	v13 =	vadd.s32 $0x7F, v13  }
0x69: {  	v19 =	vadd.s32 v18, v12;
	v12 =	vand.u32 $0xFFFFFF80, v13;
	v13 =	vadd.s32 $0x7F, v15  }
0x6a: {  	vm6 =	vlt.s32 v16, v9;
	v21 =	vadd.s32 v19, v12;
	v12 =	vand.u32 $0xFFFFFF80, v13  }
0x6b: {  	v22 =	vadd.s32 v21, v12;
	v12 =	vsel vm5, $0x1, v8;
	vm5 =	vlt.s32 v16, v7  }
0x6c: {  	v13 =	vsel vm4, $0x1, v8;
	vm4 =	vlt.s32 v18, v7;
	v14 =	vsel vm5, $0x1, v8  }
0x6d: {  	v12 =	vadd.s32 v12, v13;
	v13 =	vsel vm4, $0x1, v8;
	vm4 =	vlt.s32 v19, v7  }
0x6e: {  	v12 =	vadd.s32 v14, v12;
	v14 =	vsel vm4, $0x1, v8;
	vm4 =	vlt.s32 v21, v7  }
0x6f: {  	v12 =	vadd.s32 v13, v12;
	v13 =	vsel vm4, $0x1, v8;
	vm4 =	vlt.s32 v22, v7  }
0x70: {  	vm5 =	vlt.s32 v17, v9;
	v12 =	vadd.s32 v14, v12;
	v14 =	vsel vm4, $0x1, v8  }
0x71: {  	vm4 =	vlt.s32 v11, v9;
	v12 =	vadd.s32 v13, v12;
	v13 =	vsel vm5, $0x1, v8  }
0x72: {  	v15 =	vsel vm4, $0x1, v8;
	vm4 =	vlt.s32 v18, v9;
	vm5 =	vlt.s32 v19, v9  }
0x73: {  	v12 =	vadd.s32 v14, v12;
	v14 =	vsel vm6, $0x1, v8;
	v13 =	vadd.s32 v13, v15  }
0x74: {  	v15 =	vsel vm4, $0x1, v8;
	v20 =	vsel vm5, $0x1, v8;
	vm4 =	vlt.s32 v21, v9  }
0x75: {  	vm5 =	vlt.s32 v22, v9;
	v13 =	vadd.s32 v14, v13;
	v14 =	vsel vm4, $0x1, v8  }
0x76: {  	vm4 =	vlt.s32 v11, v10;
	v13 =	vadd.s32 v15, v13;
	v15 =	vsel vm5, $0x1, v8  }
0x77: {  	vm5 =	vlt.s32 v17, v10;
	v13 =	vadd.s32 v20, v13;
	v20 =	vsel vm4, $0x1, v8  }
0x78: {  	v13 =	vadd.s32 v14, v13;
	v14 =	vsel vm5, $0x1, v8;
	vm5 =	vlt.s32 v16, v10  }
0x79: {  	vm4 =	vlt.s32 v18, v10;
	v23 =	vsel vm5, $0x1, v8;
	v14 =	vadd.s32 v14, v20  }
0x7a: {  	v20 =	vsel vm4, $0x1, v8;
	vm4 =	vlt.s32 v19, v10;
	v14 =	vadd.s32 v23, v14  }
0x7b: {  	v23 =	vsel vm4, $0x1, v8;
	vm4 =	vlt.s32 v21, v10;
	v14 =	vadd.s32 v20, v14  }
0x7c: {  	v20 =	vsel vm4, $0x1, v8;
	vm4 =	vlt.s32 v22, v10;
	v14 =	vadd.s32 v23, v14  }
0x7d: {  	[tilespmem:$0x1000] =	vst v12;
	v12 =	vadd.s32 v15, v13;
	v13 =	vsel vm4, $0x1, v8;
	v14 =	vadd.s32 v20, v14  }
0x7e: {  	[tilespmem:$0x1010] =	vst v12;
	v12 =	vadd.s32 v13, v14  }
0x7f: {  	s11 =	simm.s32 $0x0;
	[tilespmem:$0x1020] =	vst v12  }
0x80: {  	v14 =	vimm.f32 $0.0e+00;
	v23 =	vld [tilespmem:s11+$0x0]  }
0x81: {  	v11 =	vadd.s32 $0xFFFFFFFF, v11;
	v12 =	vadd.s32 $0xFFFFFFFF, v17;
	v17 =	vtrunc.f32 v14  }
0x82: {  	v15 =	vadd.s32 $0xFFFFFFFF, v18;
	v18 =	vadd.s32 $0xFFFFFFFF, v21;
	v20 =	vcvt.f32.s32 v17  }
0x83: {  	v13 =	vadd.s32 $0xFFFFFFFF, v16;
	v16 =	vadd.s32 $0xFFFFFFFF, v19;
	v17 =	vadd.s32 $0xFFFFFFFF, v22  }
0x84: {  	v22 =	vadd.s32 v20, v17;
	v32 =	vadd.s32 v20, v13;
	v58 =	vadd.s32 v20, v18  }
0x85: {  	vm11 =	veq.s32 v23, $0x0;
	vm7 =	veq.s32 v23, $0x1;
	vm10 =	veq.s32 v23, $0x6  }
0x86: {  	vm5 =	veq.s32 v23, $0x7;
	vm9 =	veq.s32 v23, $0x3;
	v19 =	vsel vm11, $0x3F800000, v0  }
0x87: {  	vm6 =	veq.s32 v23, $0x4;
	v21 =	vsel vm7, $0x3F800000, v0;
	v24 =	vperm.xlane v19, v1  }
0x88: {  	vm8 =	veq.s32 v23, $0x2;
	vm4 =	veq.s32 v23, $0x5;
	v25 =	vperm.xlane v21, v1  }
0x89: {  	v26 =	vsel vm10, $0x3F800000, v0;
	v28 =	vsel vm9, $0x3F800000, v0;
	v24 =	vsel vm3, $0x0, v24  }
0x8a: {  	v29 =	vsel vm8, $0x3F800000, v0;
	v19 =	vadd.f32 v24, v19;
	v24 =	vsel vm3, $0x0, v25  }
0x8b: {  	v30 =	vperm.xlane v26, v1;
	v23 =	vadd.f32 v24, v21;
	v24 =	vperm.xlane v29, v1  }
0x8c: {  	v31 =	vperm.xlane v28, v1;
	v25 =	vsel vm6, $0x3F800000, v0;
	v27 =	vperm.xlane v19, v3  }
0x8d: {  	v21 =	vadd.s32 v20, v15;
	v24 =	vsel vm3, $0x0, v24;
	v62 =	vperm.xlane v23, v3  }
0x8e: {  	v27 =	vsel vm0, $0x0, v27;
	v24 =	vadd.f32 v24, v29;
	v29 =	vsel vm4, $0x3F800000, v0  }
0x8f: {  	v19 =	vadd.f32 v27, v19;
	v27 =	vsel vm3, $0x0, v30;
	v30 =	vsel vm5, $0x3F800000, v0  }
0x90: {  	v59 =	vperm.xlane v29, v1;
	v63 =	vsel vm0, $0x0, v62;
	v26 =	vadd.f32 v27, v26  }
0x91: {  	v27 =	vsel vm3, $0x0, v31;
	v31 =	vperm.xlane v25, v1;
	v33 =	vperm.xlane v19, v4  }
0x92: {  	v35 =	vperm.xlane v24, v3;
	v27 =	vadd.f32 v27, v28;
	v55 =	vperm.xlane v26, v3  }
0x93: {  	v23 =	vadd.f32 v63, v23;
	v31 =	vsel vm3, $0x0, v31;
	v28 =	vsel vm1, $0x0, v33  }
0x94: {  	v34 =	vperm.xlane v27, v3;
	v25 =	vadd.f32 v31, v25;
	v33 =	vsel vm0, $0x0, v55  }
0x95: {  	v19 =	vadd.f32 v28, v19;
	v28 =	vperm.xlane v30, v1;
	v26 =	vadd.f32 v33, v26  }
0x96: {  	v56 =	vsel vm0, $0x0, v34;
	v33 =	vadd.s32 v20, v11;
	v34 =	vsel vm3, $0x0, v59  }
0x97: {  	v38 =	vperm.xlane v25, v3;
	v59 =	vadd.s32 v20, v12;
	v36 =	vperm.xlane v19, v5  }
0x98: {  	v28 =	vsel vm3, $0x0, v28;
	v27 =	vadd.f32 v56, v27;
	v29 =	vadd.f32 v34, v29  }
0x99: {  	v57 =	vperm.xlane v26, v4;
	v28 =	vadd.f32 v28, v30;
	v38 =	vsel vm0, $0x0, v38  }
0x9a: {  	v31 =	vsel vm2, $0x0, v36;
	v37 =	vperm.xlane v27, v4;
	v40 =	vperm.xlane v29, v3  }
0x9b: {  	v25 =	vadd.f32 v38, v25;
	v31 =	vadd.f32 v31, v19;
	v19 =	vsel vm0, $0x0, v35  }
0x9c: {  	v19 =	vadd.f32 v19, v24;
	v24 =	vsel vm1, $0x0, v57;
	v37 =	vsel vm1, $0x0, v37  }
0x9d: {  	v43 =	vsel vm0, $0x0, v40;
	v46 =	vperm.xlane v25, v4;
	v30 =	vtrunc.f32 v31  }
0x9e: {  	v24 =	vadd.f32 v24, v26;
	v27 =	vadd.f32 v37, v27;
	v31 =	vperm.xlane v31, v6  }
0x9f: {  	v37 =	vadd.f32 v43, v29;
	v26 =	vcvt.f32.s32 v30;
	v30 =	vperm.xlane v28, v3  }
0xa0: {  	v39 =	vperm.xlane v19, v4;
	v48 =	vsel vm1, $0x0, v46;
	v60 =	vperm.xlane v24, v5  }
0xa1: {  	v45 =	vperm.xlane v27, v5;
	v47 =	vperm.xlane v37, v4;
	v25 =	vadd.f32 v48, v25  }
0xa2: {  	v26 =	vadd.s32 v26, v20;
	v42 =	vsel vm1, $0x0, v39;
	v30 =	vsel vm0, $0x0, v30  }
0xa3: {  	v26 =	vadd.s32 $0xFFFFFFFF, v26;
	v61 =	vsel vm2, $0x0, v60;
	v19 =	vadd.f32 v42, v19  }
0xa4: {  	v34 =	vsel vm2, $0x0, v45;
	v28 =	vadd.f32 v30, v28;
	v30 =	vperm.xlane v23, v4  }
0xa5: {  	v36 =	vsel vm1, $0x0, v47;
	v24 =	vadd.f32 v61, v24;
	v27 =	vadd.f32 v34, v27  }
0xa6: {  	v36 =	vadd.f32 v36, v37;
	v49 =	vperm.xlane v19, v5;
	v51 =	vperm.xlane v28, v4  }
0xa7: {  	v26 =	vnsel vm11, $0x0, v26;
	v44 =	vtrunc.f32 v24;
	v50 =	vtrunc.f32 v27  }
0xa8: {  	v30 =	vsel vm1, $0x0, v30;
	v52 =	vperm.xlane v36, v5;
	v27 =	vperm.xlane v27, v6  }
0xa9: {  	v23 =	vadd.f32 v30, v23;
	v24 =	vperm.xlane v24, v6;
	v29 =	vcvt.f32.s32 v44  }
0xaa: {  	v30 =	vcvt.f32.s32 v50;
	v35 =	vsel vm2, $0x0, v49;
	v53 =	vsel vm1, $0x0, v51  }
0xab: {  	v35 =	vadd.f32 v35, v19;
	v28 =	vadd.f32 v53, v28;
	v34 =	vsel vm2, $0x0, v52  }
0xac: {  	v29 =	vadd.s32 v29, v58;
	v19 =	vadd.s32 v30, v32;
	v30 =	vperm.xlane v23, v5  }
0xad: {  	v34 =	vadd.f32 v34, v36;
	v29 =	vnsel vm10, $0x0, v29;
	v54 =	vnsel vm9, $0x0, v19  }
0xae: {  	v19 =	vperm.xlane v25, v5;
	v55 =	vtrunc.f32 v35;
	v30 =	vsel vm2, $0x0, v30  }
0xaf: {  	v57 =	vperm.xlane v35, v6;
	v60 =	vperm.xlane v28, v5;
	v30 =	vadd.f32 v30, v23  }
0xb0: {  	v56 =	vsel vm2, $0x0, v19;
	v23 =	vcvt.f32.s32 v55;
	v19 =	vadd.f32 v27, v14  }
0xb1: {  	v27 =	vadd.s32 v20, v16;
	v25 =	vadd.f32 v56, v25;
	v58 =	vtrunc.f32 v30  }
0xb2: {  	v20 =	vadd.f32 v57, v14;
	v23 =	vadd.s32 v23, v59;
	v35 =	vcvt.f32.s32 v58  }
0xb3: {  	v61 =	vtrunc.f32 v25;
	v32 =	vperm.xlane v25, v6;
	v25 =	vsel vm2, $0x0, v60  }
0xb4: {  	v23 =	vnsel vm8, $0x0, v23;
	v25 =	vadd.f32 v25, v28;
	v33 =	vadd.s32 v35, v33  }
0xb5: {  	v28 =	vtrunc.f32 v34;
	v62 =	vcvt.f32.s32 v61;
	v33 =	vnsel vm7, $0x0, v33  }
0xb6: {  	v34 =	vperm.xlane v34, v6;
	v63 =	vtrunc.f32 v25;
	v26 =	vadd.s32 v26, v33  }
0xb7: {  	v25 =	vperm.xlane v25, v6;
	v23 =	vadd.s32 v23, v26;
	v26 =	vcvt.f32.s32 v63  }
0xb8: {  	v33 =	vcvt.f32.s32 v28;
	v28 =	vadd.s32 v62, v21;
	v21 =	vadd.f32 v24, v14  }
0xb9: {  	v24 =	vnsel vm6, $0x0, v28;
	v23 =	vadd.s32 v54, v23;
	v26 =	vadd.s32 v26, v22  }
0xba: {  	v22 =	vadd.f32 v25, v14;
	v28 =	vadd.s32 v24, v23;
	v23 =	vadd.f32 v34, v14  }
0xbb: {  	s12 =	simm.s32 $0x40;
	v24 =	vimm.f32 $0.0e+00;
	v25 =	vimm.f32 $0.0e+00;
	v26 =	vnsel vm5, $0x0, v26  }
.LBB2_5:
0xbc: {  	s13 =	sshra.s32 s12, $0x2;
	p0 =	sne.s32 s12, $0x3FC0;
	s12 =	sadd.s32 $0x40, s12;
	v14 =	vadd.f32 v31, v14;
	v24 =	vadd.f32 v32, v24;
	v27 =	vadd.s32 v33, v27  }
0xbd: {  	v30 =	vperm.xlane v30, v6;
	v31 =	vld [tilespmem:s13+$0x0];
	v32 =	vtrunc.f32 v23;
	v33 =	vnsel vm4, $0x0, v27  }
0xbe: {  	v34 =	vtrunc.f32 v24;
	v27 =	vcvt.f32.s32 v32;
	v28 =	vadd.s32 v33, v28  }
0xbf: {  	v33 =	vtrunc.f32 v21;
	v32 =	vcvt.f32.s32 v34;
	v28 =	vadd.s32 v29, v28  }
0xc0: {  	v29 =	vtrunc.f32 v19;
	v34 =	vtrunc.f32 v22;
	v26 =	vadd.s32 v26, v28  }
0xc1: {  	v35 =	vtrunc.f32 v14;
	v25 =	vadd.f32 v30, v25;
	v28 =	vcvt.f32.s32 v34;
	[tilespmem:s11+$0x1080] =	vst v26;
	s11 =	smov.u32 s13  }
0xc2: {  	v30 =	vcvt.f32.s32 v33;
	vm11 =	veq.s32 v31, $0x0;
	vm7 =	veq.s32 v31, $0x1  }
0xc3: {  	v26 =	vadd.s32 v28, v17;
	v33 =	vsel vm11, $0x3F800000, v0;
	v34 =	vsel vm7, $0x3F800000, v0  }
0xc4: {  	vm10 =	veq.s32 v31, $0x6;
	vm5 =	veq.s32 v31, $0x7;
	v28 =	vperm.xlane v33, v1  }
0xc5: {  	vm9 =	veq.s32 v31, $0x3;
	vm6 =	veq.s32 v31, $0x4;
	v36 =	vperm.xlane v34, v1  }
0xc6: {  	vm8 =	veq.s32 v31, $0x2;
	v28 =	vsel vm3, $0x0, v28  }
0xc7: {  	v28 =	vadd.f32 v28, v33;
	v33 =	vsel vm3, $0x0, v36;
	v36 =	vsel vm6, $0x3F800000, v0  }
0xc8: {  	v29 =	vcvt.f32.s32 v29;
	v37 =	vsel vm9, $0x3F800000, v0;
	v38 =	vsel vm10, $0x3F800000, v0  }
0xc9: {  	v40 =	vsel vm8, $0x3F800000, v0;
	v41 =	vperm.xlane v38, v1;
	v39 =	vperm.xlane v28, v3  }
0xca: {  	v43 =	vadd.s32 v29, v13;
	vm4 =	veq.s32 v31, $0x5;
	v42 =	vperm.xlane v37, v1  }
0xcb: {  	v31 =	vadd.f32 v33, v34;
	v33 =	vperm.xlane v40, v1;
	v29 =	vsel vm0, $0x0, v39  }
0xcc: {  	v29 =	vadd.f32 v29, v28;
	v28 =	vadd.s32 v32, v15;
	v32 =	vsel vm5, $0x3F800000, v0  }
0xcd: {  	v34 =	vsel vm3, $0x0, v42;
	v33 =	vsel vm3, $0x0, v33;
	v39 =	vsel vm3, $0x0, v41  }
0xce: {  	v42 =	vperm.xlane v36, v1;
	v38 =	vadd.f32 v39, v38;
	v41 =	vperm.xlane v29, v4  }
0xcf: {  	v34 =	vadd.f32 v34, v37;
	v37 =	vsel vm4, $0x3F800000, v0;
	v33 =	vadd.f32 v33, v40  }
0xd0: {  	v40 =	vperm.xlane v38, v3;
	v39 =	vsel vm1, $0x0, v41;
	v41 =	vperm.xlane v32, v1  }
0xd1: {  	v42 =	vsel vm3, $0x0, v42;
	v29 =	vadd.f32 v39, v29;
	v39 =	vperm.xlane v33, v3  }
0xd2: {  	v35 =	vcvt.f32.s32 v35;
	v44 =	vperm.xlane v34, v3;
	v40 =	vsel vm0, $0x0, v40  }
0xd3: {  	v38 =	vadd.f32 v40, v38;
	v40 =	vsel vm3, $0x0, v41;
	v45 =	vperm.xlane v29, v5  }
0xd4: {  	v36 =	vadd.f32 v42, v36;
	v44 =	vsel vm0, $0x0, v44;
	v41 =	vtrunc.f32 v25  }
0xd5: {  	v30 =	vadd.s32 v30, v18;
	v42 =	vsel vm2, $0x0, v45;
	v45 =	vperm.xlane v38, v4  }
0xd6: {  	v32 =	vadd.f32 v40, v32;
	v42 =	vadd.f32 v42, v29;
	v29 =	vsel vm0, $0x0, v39  }
0xd7: {  	v39 =	vcvt.f32.s32 v41;
	v29 =	vadd.f32 v29, v33;
	v33 =	vsel vm1, $0x0, v45  }
0xd8: {  	v41 =	vperm.xlane v37, v1;
	v40 =	vtrunc.f32 v42;
	v33 =	vadd.f32 v33, v38  }
0xd9: {  	v34 =	vadd.f32 v44, v34;
	v38 =	vcvt.f32.s32 v40;
	v40 =	vperm.xlane v32, v3  }
0xda: {  	v39 =	vadd.s32 v39, v11;
	v41 =	vsel vm3, $0x0, v41;
	v44 =	vperm.xlane v33, v5  }
0xdb: {  	v45 =	vperm.xlane v36, v3;
	v35 =	vadd.s32 v38, v35;
	v38 =	vperm.xlane v34, v4  }
0xdc: {  	v37 =	vadd.f32 v41, v37;
	v35 =	vadd.s32 $0xFFFFFFFF, v35;
	v41 =	vsel vm2, $0x0, v44  }
0xdd: {  	v46 =	vperm.xlane v29, v4;
	v44 =	vperm.xlane v31, v3;
	v35 =	vnsel vm11, $0x0, v35  }
0xde: {  	v45 =	vsel vm0, $0x0, v45;
	v47 =	vperm.xlane v37, v3;
	v33 =	vadd.f32 v41, v33  }
0xdf: {  	v38 =	vsel vm1, $0x0, v38;
	v41 =	vsel vm0, $0x0, v44;
	v44 =	vsel vm1, $0x0, v46  }
0xe0: {  	v34 =	vadd.f32 v38, v34;
	v38 =	vsel vm0, $0x0, v47;
	v46 =	vtrunc.f32 v33  }
0xe1: {  	v36 =	vadd.f32 v45, v36;
	v37 =	vadd.f32 v38, v37;
	v38 =	vcvt.f32.s32 v46  }
0xe2: {  	v40 =	vsel vm0, $0x0, v40;
	v31 =	vadd.f32 v41, v31;
	v41 =	vperm.xlane v34, v5  }
0xe3: {  	v44 =	vadd.f32 v44, v29;
	v29 =	vperm.xlane v36, v4;
	v30 =	vadd.s32 v38, v30  }
0xe4: {  	v32 =	vadd.f32 v40, v32;
	v38 =	vsel vm2, $0x0, v41;
	v41 =	vperm.xlane v37, v4  }
0xe5: {  	v40 =	vperm.xlane v31, v4;
	v34 =	vadd.f32 v38, v34;
	v38 =	vsel vm1, $0x0, v29  }
0xe6: {  	v45 =	vperm.xlane v44, v5;
	v29 =	vnsel vm10, $0x0, v30;
	v41 =	vsel vm1, $0x0, v41  }
0xe7: {  	v30 =	vsel vm1, $0x0, v40;
	v40 =	vtrunc.f32 v34;
	v37 =	vadd.f32 v41, v37  }
0xe8: {  	v30 =	vadd.f32 v30, v31;
	v31 =	vcvt.f32.s32 v40;
	v40 =	vperm.xlane v32, v4  }
0xe9: {  	v36 =	vadd.f32 v38, v36;
	v41 =	vsel vm2, $0x0, v45;
	v38 =	vperm.xlane v37, v5  }
0xea: {  	v41 =	vadd.f32 v41, v44;
	v31 =	vadd.s32 v31, v43;
	v40 =	vsel vm1, $0x0, v40  }
0xeb: {  	v43 =	vperm.xlane v30, v5;
	v44 =	vnsel vm9, $0x0, v31;
	v31 =	vperm.xlane v36, v5  }
0xec: {  	v45 =	vtrunc.f32 v20;
	v34 =	vperm.xlane v34, v6;
	v40 =	vadd.f32 v40, v32  }
0xed: {  	v32 =	vsel vm2, $0x0, v43;
	v43 =	vtrunc.f32 v41;
	v31 =	vsel vm2, $0x0, v31  }
0xee: {  	v19 =	vadd.f32 v34, v19;
	v30 =	vadd.f32 v32, v30;
	v32 =	vcvt.f32.s32 v43  }
0xef: {  	v34 =	vcvt.f32.s32 v45;
	v41 =	vperm.xlane v41, v6;
	v36 =	vadd.f32 v31, v36  }
0xf0: {  	v27 =	vadd.s32 v27, v16;
	v31 =	vperm.xlane v42, v6;
	v42 =	vtrunc.f32 v30  }
0xf1: {  	v34 =	vadd.s32 v34, v12;
	v38 =	vsel vm2, $0x0, v38;
	v43 =	vperm.xlane v40, v5  }
0xf2: {  	v37 =	vadd.f32 v38, v37;
	v20 =	vadd.f32 v41, v20;
	v42 =	vcvt.f32.s32 v42  }
0xf3: {  	v34 =	vadd.s32 v32, v34;
	v38 =	vtrunc.f32 v36;
	v32 =	vperm.xlane v36, v6  }
0xf4: {  	v34 =	vnsel vm8, $0x0, v34;
	v36 =	vperm.xlane v33, v6;
	v33 =	vsel vm2, $0x0, v43  }
0xf5: {  	v41 =	vtrunc.f32 v37;
	v40 =	vadd.f32 v33, v40;
	v39 =	vadd.s32 v42, v39  }
0xf6: {  	v37 =	vperm.xlane v37, v6;
	v38 =	vcvt.f32.s32 v38;
	v33 =	vnsel vm7, $0x0, v39  }
.Ltmp2:
0xf7: {  	v39 =	vtrunc.f32 v40;
	v35 =	vadd.s32 v35, v33;
	v33 =	vcvt.f32.s32 v41;
	(pc) =	sbr.rel @p0 .LBB2_5-.Ltmp2, $4  }
0xf8: {  	v34 =	vadd.s32 v34, v35;
	v35 =	vcvt.f32.s32 v39;
	v39 =	vperm.xlane v40, v6  }
0xf9: {  	v21 =	vadd.f32 v36, v21;
	v28 =	vadd.s32 v38, v28;
	v34 =	vadd.s32 v44, v34  }
0xfa: {  	v28 =	vnsel vm6, $0x0, v28;
	v26 =	vadd.s32 v35, v26;
	v22 =	vadd.f32 v39, v22  }
0xfb: {  	v23 =	vadd.f32 v37, v23;
	v28 =	vadd.s32 v28, v34;
	v26 =	vnsel vm5, $0x0, v26  }
0xfc: {  	v11 =	vadd.s32 v33, v27  }
0xfd: {  	v11 =	vnsel vm4, $0x0, v11  }
0xfe: {  	v11 =	vadd.s32 v11, v28  }
0xff: {  	v11 =	vadd.s32 v29, v11  }
0x100: {  	v11 =	vadd.s32 v26, v11  }
0x101: {  	[tilespmem:s11+$0x1080] =	vst v11  }
0x102: {  	[hbm4b:s3+s6] =	stream.linear.scatter [tilespmem:s8], [sflag:$0x1], $0x80, $0x38;
	[tilespmem:$0x2080] =	vst v63  }
0x103: {  	s10 =	sadd.s32 $0x1, s10;
	_ =	swait.ge [sflag:s7], $0x80  }
0x104: {  	p0 =	sne.s32 s10, s5;
	[sflag:s7] =	ssyncset.done $0x0  }
.Ltmp3:
0x105: {  	[sflag:s7] =	ssyncadd.s32 $0xFFFFFF80;
	(pc) =	sbr.rel @p0 .LBB2_2-.Ltmp3, $4  }
0x106: {  	[hbm4b:s4+s6] =	stream.linear.scatter [tilespmem:s9], [sflag:$0x1], $0x1000, $0x38;
	[tilespmem:$0x2080] =	vst v63  }
0x107: {  	_ =	swait.ge [sflag:s7], $0x1000  }
0x108: {  	[sflag:s7] =	ssyncset.done $0x0  }
0x109: {  	[sflag:s7] =	ssyncadd.s32 $0xFFFFF000  }
.LBB2_7:
0x10a: {  	_ =	sfence.sel $0x180000  }
0x10b: {  	[bflag:$0x0] =	sbarrier.arrive $0xFFFF  }
0x10c: {  	p0 =	sne.s32 s0, $0x0;
	_ =	strace $0x90000047  }
0x10d: {  	s0 =	sadd.s32 @!p0 $0x100000, s1;
	[bflag:$0x2] =	sbarrier.arrive $0xFFFF  }
0x10e: {  	[sflag:s0] =	ssyncadd.tile.s32 @!p0 $0x1;
	_ =	shalt  }
.Lfunc_end2:
_tile_overlayer_lowered:
.L_overlay_start_2:
0x10f: {  	(tag) =	ssettag $0x2  }
0x110: {  	s0 =	rddreg [dreg:$0x0];
	s2 =	stileid.u32  }
0x111: {  	s1 =	rddreg [dreg:$0x1];
	p0 =	sne.s32 s2, $0x0  }
0x112: {  	s3 =	rddreg [dreg:$0x2];
	[bflag:$0x3] =	sbarrier.arrive $0xFFFF;
	s2 =	simm.s32 @!p0 $0x1C01  }
0x113: {  	[timem:s3], [sflag:s2] =	dma.local @!p0 [hbm:s0], s1  }
0x114: {  	s0 =	simm.s32 @!p0 $0x1  }
0x115: {  	_ =	swait.ge @!p0 [sflag:s0], s1  }
0x116: {  	s1 =	ssub.s32 @!p0 $0x0, s1;
	[sflag:s0] =	ssyncset.done @!p0 $0x0  }
0x117: {  	[sflag:s0] =	ssyncadd.s32 @!p0 s1  }
0x118: {  	[bflag:$0x3] =	sbarrier.arrive $0xFFFF  }
0x119: {  	_ =	shalt  }

// kernel: kernel.13.cloned.1.call-start
scs
__scs_entry_jumppad:
0x0: {  	(pc) =	sbr.rel $0x88, $3  }
0x1: {  	(tag) =	ssettag $0x0;
	lr =	simm.s32 $0x1  }
0x2: {  	[smem:$0x3F8F] =	sst lr;
	_ =	strace $0xD0000000  }
0x3: {  	_ = 	snop  }
0x4: {  	_ = 	snop  }
0x5: {  	_ = 	snop  }
0x6: {  	_ = 	snop  }
0x7: {  	_ = 	snop  }
__scs_overlays_trampoline_lowered:
0x8: {  	[smem:$0x3F9E] =	sst s0  }
0x9: {  	[smem:$0x3F9F] =	sst s1  }
0xa: {  	[smem:$0x3FA0] =	sst s2  }
0xb: {  	[smem:$0x3FA1] =	sst s3  }
0xc: {  	[smem:$0x3FA2] =	sst s4  }
0xd: {  	[smem:$0x3FA3] =	sst s5  }
0xe: {  	[smem:$0x3FA4] =	sst s6  }
0xf: {  	[smem:$0x3FA5] =	sst s7  }
0x10: {  	[smem:$0x3FA6] =	sst s8  }
0x11: {  	[smem:$0x3FA7] =	sst s9;
	s0 =	simm.s32 @!p0 $0x0  }
0x12: {  	s1 =	sld [smem:$0x3F8D];
	s0 =	simm.s32 @p0 $0x1  }
0x13: {  	[smem:$0x3FA8] =	sst s0;
	s0 =	simm.s32 @!p1 $0x0  }
0x14: {  	s2 =	sld [smem:$0x3F8C];
	s0 =	simm.s32 @p1 $0x1  }
0x15: {  	[smem:$0x3FA9] =	sst s0;
	s0 =	simm.s32 @!p2 $0x0  }
0x16: {  	s3 =	sld [smem:$0x3FDB];
	s0 =	simm.s32 @p2 $0x1  }
0x17: {  	s4 =	simm.s32 $0x1BF5;
	[smem:$0x3FAB] =	sst s0  }
0x18: {  	s0 =	sld [smem:$0x3F8E];
	_ =	swait.ge [sflag:s4], $0x0  }
0x19: {  	s7 =	sld [smem:$0x3F8F]  }
0x1a: {  	s8 =	sadd.s32 $0xFFFFE003, lr  }
0x1b: {  	s9 =	sadd.s32 $0xFFFFFEF7, lr;
	s5 =	simm.s32 $0xFFFFFFFF;
	p2 =	slt.u32 s8, $0xFFFFF086  }
0x1c: {  	p1 =	slt.u32 s9, $0xF7A;
	s5 =	simm.s32 @!p2 $0x0  }
0x1d: {  	s5 =	simm.s32 @p1 $0x1;
	p0 =	seq.s32 s7, s2  }
0x1e: {  	s7 =	smul.u32 @!p0 $0xF7A, s2;
	p2 =	seq.s32 @!p0 s5, $0x0  }
0x1f: {  	s9 =	smul.u32 $0xF7A, s1;
	s8 =	simm.s32 @!p0 $0x1BF5;
	p2 =	por !p2, p0  }
0x20: {  	[sflag:s8] =	ssyncset.s32 @!p0 $0xFFFFF086;
	s6 =	sadd.s32 @!p0 s3, s7;
	s7 =	simm.s32 @!p0 $0x108  }
0x21: {  	s3 =	sadd.s32 s3, s9;
	s6 =	sadd.s32 @!p0 $0x88, s6;
	s7 =	simm.s32 @p2 $0x1082  }
0x22: {  	[simem:s7], [sflag:s8] =	dma.local @!p0 [hbm:s6], $0xF7A  }
0x23: {  	s9 =	sor.u32 $0xD0000000, s2;
	s6 =	simm.s32 $0x108;
	_ =	swait.ge @!p0 [sflag:s8], $0x0  }
0x24: {  	s3 =	sadd.s32 $0x88, s3;
	s6 =	simm.s32 @!p1 $0x1082;
	[sflag:s4] =	ssyncset.s32 $0xFFFFF086  }
0x25: {  	[simem:s6], [sflag:s4] =	dma.local [hbm:s3], $0xF7A  }
0x26: {  	[smem:$0x3F8F] =	sst s1;
	(tag) =	ssettag s2;
	_ =	strace s9  }
0x27: {  	s1 =	sld [smem:$0x3F9F]  }
0x28: {  	s2 =	sld [smem:$0x3FA0]  }
0x29: {  	s4 =	sld [smem:$0x3FA2]  }
0x2a: {  	p0 =	seq.s32 s5, $0x0;
	s5 =	sld [smem:$0x3FA3]  }
0x2b: {  	s6 =	sld [smem:$0x3FA4]  }
0x2c: {  	s7 =	sld [smem:$0x3FA5]  }
0x2d: {  	s3 =	simm.s32 $0x108;
	s8 =	sld [smem:$0x3FA6]  }
0x2e: {  	s3 =	simm.s32 @!p0 $0x1082;
	s9 =	sld [smem:$0x3FA7]  }
0x2f: {  	lr =	sadd.s32 s0, s3;
	s0 =	sld [smem:$0x3F9E]  }
0x30: {  	s3 =	sld [smem:$0x3FA1]  }
0x31: {  	[smem:$0x3FAA] =	sst s10  }
0x32: {  	s10 =	sld [smem:$0x3FA8];
	_ =	sdelay $0x3  }
0x33: {  	p0 =	seq.s32 s10, $0x1;
	s10 =	sld [smem:$0x3FAA];
	_ =	sdelay $0x3  }
0x34: {  	[smem:$0x3FAA] =	sst s10  }
0x35: {  	s10 =	sld [smem:$0x3FA9];
	_ =	sdelay $0x3  }
0x36: {  	p1 =	seq.s32 s10, $0x1;
	s10 =	sld [smem:$0x3FAA];
	_ =	sdelay $0x3  }
0x37: {  	[smem:$0x3FAA] =	sst s10  }
0x38: {  	s10 =	sld [smem:$0x3FAB]  }
0x39: {  	_ = 	snop;
	(pc) =	sbr.ind lr, $3  }
0x3a: {  	_ = 	snop  }
0x3b: {  	_ = 	snop  }
0x3c: {  	p2 =	seq.s32 s10, $0x1;
	s10 =	sld [smem:$0x3FAA]  }
0x3d: {  	_ =	shalt  }
0x3e: {  	_ =	shalt  }
0x3f: {  	_ =	shalt  }
0x40: {  	_ =	shalt  }
0x41: {  	_ =	shalt  }
0x42: {  	_ =	shalt  }
0x43: {  	_ =	shalt  }
0x44: {  	_ =	shalt  }
0x45: {  	_ =	shalt  }
0x46: {  	_ =	shalt  }
0x47: {  	_ =	shalt  }
0x48: {  	_ =	shalt  }
0x49: {  	_ =	shalt  }
0x4a: {  	_ =	shalt  }
0x4b: {  	_ =	shalt  }
0x4c: {  	_ =	shalt  }
0x4d: {  	_ =	shalt  }
0x4e: {  	_ =	shalt  }
0x4f: {  	_ =	shalt  }
0x50: {  	_ =	shalt  }
0x51: {  	_ =	shalt  }
0x52: {  	_ =	shalt  }
0x53: {  	_ =	shalt  }
0x54: {  	_ =	shalt  }
0x55: {  	_ =	shalt  }
0x56: {  	_ =	shalt  }
0x57: {  	_ =	shalt  }
0x58: {  	_ =	shalt  }
0x59: {  	_ =	shalt  }
0x5a: {  	_ =	shalt  }
0x5b: {  	_ =	shalt  }
0x5c: {  	_ =	shalt  }
0x5d: {  	_ =	shalt  }
0x5e: {  	_ =	shalt  }
0x5f: {  	_ =	shalt  }
0x60: {  	_ =	shalt  }
0x61: {  	_ =	shalt  }
0x62: {  	_ =	shalt  }
0x63: {  	_ =	shalt  }
0x64: {  	_ =	shalt  }
0x65: {  	_ =	shalt  }
0x66: {  	_ =	shalt  }
0x67: {  	_ =	shalt  }
0x68: {  	_ =	shalt  }
0x69: {  	_ =	shalt  }
0x6a: {  	_ =	shalt  }
0x6b: {  	_ =	shalt  }
0x6c: {  	_ =	shalt  }
0x6d: {  	_ =	shalt  }
0x6e: {  	_ =	shalt  }
0x6f: {  	_ =	shalt  }
0x70: {  	_ =	shalt  }
0x71: {  	_ =	shalt  }
0x72: {  	_ =	shalt  }
0x73: {  	_ =	shalt  }
0x74: {  	_ =	shalt  }
0x75: {  	_ =	shalt  }
0x76: {  	_ =	shalt  }
0x77: {  	_ =	shalt  }
0x78: {  	_ =	shalt  }
0x79: {  	_ =	shalt  }
0x7a: {  	_ =	shalt  }
0x7b: {  	_ =	shalt  }
0x7c: {  	_ =	shalt  }
0x7d: {  	_ =	shalt  }
0x7e: {  	_ =	shalt  }
0x7f: {  	_ =	shalt  }
0x80: {  	_ =	shalt  }
0x81: {  	_ =	shalt  }
0x82: {  	_ =	shalt  }
0x83: {  	_ =	shalt  }
0x84: {  	_ =	shalt  }
0x85: {  	_ =	shalt  }
0x86: {  	_ =	shalt  }
0x87: {  	_ =	shalt  }
.Lfunc_end0:
.L_simem_size_0:
called_computation.1_lowered:
.L_overlay_start_0:
0x88: {  	s2 =	sld [smem:$0x3FD9]  }
0x89: {  	s3 =	sld [smem:$0x3FFE];
	_ =	sdelay $0x1  }
0x8a: {  	s1 =	srdreg.scid  }
0x8b: {  	s0 =	sand.u32 $0x1, s1  }
0x8c: {  	s17 =	sshll.u32 s0, $0xA;
	s2 =	sadd.s32 s3, s2  }
0x8d: {  	s2 =	sadd.s32 s2, s17  }
0x8e: {  	[smem:$0x3FB6] =	sst s2  }
0x8f: {  	_ = 	snop  }
0x90: {  	s2 =	sld [smem:$0x3FD0];
	(tm) =	ssettm $0x1  }
0x91: {  	s18 =	sld [smem:$0x3FFB];
	_ =	sdelay $0x3  }
0x92: {  	_ =	strace s18  }
0x93: {  	s3 =	sld [smem:$0x3FFC];
	_ =	sdelay $0x3  }
0x94: {  	_ =	strace s3  }
0x95: {  	s3 =	sld [smem:$0x3FFD];
	_ =	sdelay $0x3  }
0x96: {  	_ =	strace s3  }
0x97: {  	_ =	strace $0x8FFFFFFF  }
0x98: {  	s19 =	sld [smem:$0x3FDB];
	_ =	sdelay $0x1  }
0x99: {  	s4 =	simm.s32 $_scs_section_size  }
0x9a: {  	s5 =	simm.s32 $_size__tile_overlayer_lowered;
	s6 =	simm.s32 $_tile_overlayer_lowered  }
0x9b: {  	s22 =	simm.s32 $0x1BFF;
	s21 =	sshll.u32 s6, $0x1;
	s3 =	sadd.s32 s4, s19  }
0x9c: {  	s7 =	simm.s32 $0x0;
	s20 =	sshll.u32 s5, $0x1;
	s5 =	sadd.s32 s21, s3  }
0x9d: {  	[timem:s7], [sflag:s22] =	dma.local [hbm:s5], s20  }
0x9e: {  	_ =	swait.ge [sflag:s22], s20  }
0x9f: {  	s4 =	ssub.s32 $0x0, s20;
	[sflag:s22] =	ssyncset.done $0x0  }
0xa0: {  	[sflag:s22] =	ssyncadd.s32 s4;
	_ =	sdelay $0x1  }
0xa1: {  	s23 =	simm.s32 $0x1B8B  }
0xa2: {  	_ =	swait.ge [sflag:s23], $0x1  }
0xa3: {  	[sflag:s23] =	ssyncset.done $0x0  }
0xa4: {  	s25 =	simm.s32 $0x1B8E;
	s24 =	sld [smem:$0x3FFE];
	[sflag:s23] =	ssyncadd.s32 $0xFFFFFFFF  }
0xa5: {  	s26 =	simm.s32 $execute0_lowered;
	[smem:$0x3FD2] =	sst s25  }
0xa6: {  	s5 =	sshll.u32 s26, $0x1;
	_ =	strace $0x80000049;
	[dreg:$0x1] =	wrdreg $0xFFFFFFFF  }
0xa7: {  	s28 =	simm.s32 $_size_execute0_lowered;
	s3 =	sadd.s32 s3, s5;
	[dreg:$0x0] =	wrdreg $0x0  }
0xa8: {  	s5 =	sshll.u32 s28, $0x1;
	[dreg:$0x2] =	wrdreg s3  }
0xa9: {  	[dreg:$0x3] =	wrdreg s5  }
0xaa: {  	[dreg:$0x4] =	wrdreg $0xC0  }
0xab: {  	_ =	task [dreg:s7], $0x5FFFF  }
0xac: {  	[dreg:$0x1] =	wrdreg $0xFFFFFFFF  }
0xad: {  	[dreg:$0x0] =	wrdreg $0x60  }
0xae: {  	[dreg:$0x2] =	wrdreg s2  }
0xaf: {  	[dreg:$0x3] =	wrdreg s24  }
0xb0: {  	[dreg:$0x4] =	wrdreg $0x9  }
0xb1: {  	_ =	task.clear_ibuf [dreg:s7], $0x5FFFF;
	_ =	strace $0x90000049  }
0xb2: {  	s29 =	simm.s32 $0x9;
	_ =	strace $0x8000004B  }
0xb3: {  	_ =	swait.ge [sflag:s29], $0x1  }
0xb4: {  	[sflag:s29] =	ssyncadd.s32 $0xFFFFFFFF  }
0xb5: {  	_ =	strace $0x9000004B  }
0xb6: {  	_ =	sfence  }
0xb7: {  	s30 =	sld [smem:$0x0];
	_ =	sdelay $0x2  }
0xb8: {  	s31 =	sshll.u32 s1, $0xD;
	s1 =	sshrl.u32 s1, $0x2  }
0xb9: {  	s3 =	sand.u32 $0x4000, s31;
	s1 =	sadd.s32 s1, s30  }
0xba: {  	s0 =	sor.u32 s3, s0;
	s1 =	sshll.u32 s1, $0x11  }
0xbb: {  	s0 =	sor.u32 s1, s0  }
0xbc: {  	s0 =	sadd.s32 $0x8F2B, s0  }
0xbd: {  	[sflag:s0] =	ssyncadd.remote.s32 $0x1  }
0xbe: {  	_ =	sfence.sel $0xFFFF  }
0xbf: {  	[dreg:$0x0] =	wrdreg $0xFFFFFFFF;
	(pc) =	sbr.abs _section_cstart, $3  }
0xc0: {  	[dreg:$0x1] =	wrdreg $0xFFFFFFFF  }
0xc1: {  	_ =	task.clear_ibuf [dreg:s7], $0x2FFFF;
	_ =	strace $0x9FFFFFFF  }
0xc2: {  	(tm) =	ssettm $0x7FFFFFFF  }
0xc3: {  	_ =	shalt  }
tec
execute0_lowered:
.L_overlay_start_1:
0x0: {  	(tag) =	ssettag $0x1  }
0x1: {  	s0 =	srdreg.scid  }
0x2: {  	s2 =	rddreg [dreg:$0x0];
	s3 =	stileid.u32  }
0x3: {  	s1 =	rddreg [dreg:$0x1];
	s24 =	simm.s32 $0x0;
	s30 =	simm.s32 $0x2200  }
0x4: {  	s31 =	simm.s32 $0x2A00;
	s13 =	simm.s32 $0x4200;
	s15 =	simm.s32 $0x4A00  }
0x5: {  	s16 =	simm.s32 $0x6200;
	s11 =	simm.s32 $0x6A00;
	s17 =	simm.s32 $0x7200  }
0x6: {  	s18 =	simm.s32 $0x7A00;
	s19 =	simm.s32 $0x8200;
	s20 =	simm.s32 $0x8A00  }
0x7: {  	s21 =	simm.s32 $0x9200;
	s22 =	simm.s32 $0x9A00;
	s23 =	simm.s32 $0xA200  }
0x8: {  	s14 =	simm.s32 $0xAA00;
	s26 =	simm.s32 $0xB200;
	s0 =	sand.u32 $0x1, s0  }
0x9: {  	s4 =	sshll.u32 s3, $0x8;
	s3 =	simm.s32 $0x0;
	s8 =	sadd.s32 $0x200, s2  }
0xa: {  	s9 =	sadd.s32 $0x4500, s1;
	s10 =	sadd.s32 $0x4600, s1;
	s5 =	sshll.u32 s0, $0x7  }
0xb: {  	[smem:$0x7FF] =	sst s3;
	s0 =	ssub.s32 $0x2, s0;
	s5 =	sor.u32 s5, s4  }
0xc: {  	_ =	strace $0x8000004A;
	s7 =	sshrl.u32 s0, $0x1;
	s4 =	sshrl.u32 s5, $0x3  }
0xd: {  	s0 =	ssub.s32 s0, s7;
	s7 =	sadd.s32 $0x100, s2;
	s29 =	sor.u32 $0x40, s5  }
0xe: {  	s6 =	sadd.s32 s4, s1;
	s0 =	smax.u32 s0, $0x1;
	[dreg:$0x6] =	wrdreg s29  }
0xf: {  	v0 =	vlaneseq.u32;
	s5 =	simm.s32 $0x5200;
	s28 =	sadd.s32 $0x4200, s6;
	[dreg:$0x5] =	wrdreg s0  }
0x10: {  	vm0 =	vmmov $0xffff;
	v2 =	vshrl.u32 v0, $0x3;
	s4 =	sadd.s32 $0x4400, s1;
	s6 =	sadd.s32 $0x4208, s6;
	[dreg:$0x3] =	wrdreg s28  }
0x11: {  	v1 =	vand.u32 $0x7, v0;
	v3 =	vor.u32 $0x8, v0;
	v2 =	vmul.u32 $0x8, v2;
	s1 =	simm.s32 $0x3200;
	[dreg:$0x4] =	wrdreg s6;
	s6 =	simm.s32 $0x5A00  }
.LBB2_1:
0x12: {  	s0 =	rddreg [dreg:$0x6]  }
0x13: {  	s12 =	sadd.s32 $0xFFFFFFC0, s0  }
0x14: {  	v6 =	vor.u32 s0, v0;
	v4 =	vor.u32 s12, v0  }
0x15: {  	s25 =	simm.s32 $0x40;
	s28 =	simm.s32 $0x0;
	s12 =	smov.u32 s0;
	v5 =	vshrl.u32 v4, $0x1;
	v4 =	vshrl.u32 v6, $0x1  }
.LBB2_2:
0x16: {  	p0 =	sne.s32 s25, $0xC0  }
0x17: {  	[tilespmem:s28+$0x0] =	vst v5;
	s12 =	sadd.s32 $0x10, s12;
	s29 =	smov.u32 s25;
	s25 =	sadd.s32 $0x40, s25  }
.Ltmp0:
0x18: {  	[tilespmem:s28+$0x80] =	vst v4;
	(pc) =	sbr.rel @p0 .LBB2_2-.Ltmp0, $4  }
0x19: {  	_ = 	snop  }
0x1a: {  	s28 =	sadd.s32 $0xFFFFFFC0, s12  }
0x1b: {  	v6 =	vor.u32 s12, v0;
	v4 =	vor.u32 s28, v0  }
0x1c: {  	s28 =	sshra.s32 s29, $0x2;
	v5 =	vshrl.u32 v4, $0x1;
	v4 =	vshrl.u32 v6, $0x1  }
0x1d: {  	[tilespmem:s28+$0x0] =	vst v5  }
0x1e: {  	[tilespmem:s28+$0x80] =	vst v4;
	s12 =	rddreg [dreg:$0x3];
	s25 =	simm.s32 $0x100;
	s0 =	simm.s32 $0x5  }
0x1f: {  	[tilespmem:s25], [sflag:$0x5] =	stream.linear.gather [hbm4b:s12+s3], $0x40, $0x38;
	[tilespmem:$0x18200] =	vst v63  }
0x20: {  	_ =	swait.ge [sflag:s0], $0x40  }
0x21: {  	[sflag:s0] =	ssyncset.done $0x0  }
0x22: {  	s29 =	simm.s32 $0x180;
	s28 =	rddreg [dreg:$0x4];
	[sflag:s0] =	ssyncadd.s32 $0xFFFFFFC0  }
0x23: {  	[tilespmem:s29], [sflag:$0x5] =	stream.linear.gather [hbm4b:s28+s3], $0x40, $0x38;
	[tilespmem:$0x18200] =	vst v63  }
0x24: {  	_ =	swait.ge [sflag:s0], $0x40  }
0x25: {  	[sflag:s0] =	ssyncset.done $0x0  }
0x26: {  	[sflag:s0] =	ssyncadd.s32 $0xFFFFFFC0  }
0x27: {  	v4 =	vld [tilespmem:$0x0];
	_ =	sdelay $0x4  }
0x28: {  	v5 =	vshrl.u32 v4, $0x3  }
0x29: {  	v5 =	vmul.u32 $0x30, v5  }
0x2a: {  	v4 =	vand.u32 $0x7, v4  }
0x2b: {  	v4 =	vor.u32 v4, v5  }
0x2c: {  	v5 =	vperm.xlane v4, v1;
	_ =	sdelay $0x1  }
0x2d: {  	v5 =	vadd.s32 v2, v5;
	_ =	sdelay $0x3  }
0x2e: {  	s12 =	simm.s32 $0x200;
	v4 =	vperm.xlane v4, v3  }
0x2f: {  	[tilespmem:s12], [sflag:$0x1] =	stream.indirect_vreg.gather [hbm4b:s2+s3], $0x80, v5, vm0, $0xb8;
	[tilespmem:$0x18200] =	vst v63  }
0x30: {  	s25 =	simm.s32 $0xA00;
	v4 =	vadd.s32 v2, v4  }
0x31: {  	[tilespmem:s25], [sflag:$0x1] =	stream.indirect_vreg.gather [hbm4b:s7+s3], $0x80, v5, vm0, $0xb8;
	[tilespmem:$0x18200] =	vst v63  }
0x32: {  	s28 =	simm.s32 $0x1200  }
0x33: {  	[tilespmem:s28], [sflag:$0x1] =	stream.indirect_vreg.gather [hbm4b:s8+s3], $0x80, v5, vm0, $0xb8;
	[tilespmem:$0x18200] =	vst v63  }
0x34: {  	s29 =	simm.s32 $0x1A00  }
0x35: {  	[tilespmem:s29], [sflag:$0x1] =	stream.indirect_vreg.gather [hbm4b:s2+s3], $0x80, v4, vm0, $0xb8;
	[tilespmem:$0x18200] =	vst v63  }
0x36: {  	_ = 	snop  }
0x37: {  	[tilespmem:s30], [sflag:$0x1] =	stream.indirect_vreg.gather [hbm4b:s7+s3], $0x80, v4, vm0, $0xb8;
	[tilespmem:$0x18200] =	vst v63  }
0x38: {  	_ = 	snop  }
0x39: {  	[tilespmem:s31], [sflag:$0x1] =	stream.indirect_vreg.gather [hbm4b:s8+s3], $0x80, v4, vm0, $0xb8;
	[tilespmem:$0x18200] =	vst v63  }
0x3a: {  	v4 =	vld [tilespmem:$0x10];
	_ =	sdelay $0x4  }
0x3b: {  	v5 =	vshrl.u32 v4, $0x3  }
0x3c: {  	v5 =	vmul.u32 $0x30, v5  }
0x3d: {  	v4 =	vand.u32 $0x7, v4  }
0x3e: {  	v4 =	vor.u32 v4, v5  }
0x3f: {  	v5 =	vperm.xlane v4, v1;
	_ =	sdelay $0x1  }
0x40: {  	v5 =	vadd.s32 v2, v5;
	_ =	sdelay $0x3  }
0x41: {  	v4 =	vperm.xlane v4, v3  }
0x42: {  	[tilespmem:s1], [sflag:$0x1] =	stream.indirect_vreg.gather [hbm4b:s2+s3], $0x80, v5, vm0, $0xb8;
	[tilespmem:$0x18200] =	vst v63  }
0x43: {  	s0 =	simm.s32 $0x3A00;
	v4 =	vadd.s32 v2, v4  }
0x44: {  	[tilespmem:s0], [sflag:$0x1] =	stream.indirect_vreg.gather [hbm4b:s7+s3], $0x80, v5, vm0, $0xb8;
	[tilespmem:$0x18200] =	vst v63  }
0x45: {  	_ = 	snop  }
0x46: {  	[tilespmem:s13], [sflag:$0x1] =	stream.indirect_vreg.gather [hbm4b:s8+s3], $0x80, v5, vm0, $0xb8;
	[tilespmem:$0x18200] =	vst v63  }
0x47: {  	_ = 	snop  }
0x48: {  	[tilespmem:s15], [sflag:$0x1] =	stream.indirect_vreg.gather [hbm4b:s2+s3], $0x80, v4, vm0, $0xb8;
	[tilespmem:$0x18200] =	vst v63  }
0x49: {  	_ = 	snop  }
0x4a: {  	[tilespmem:s5], [sflag:$0x1] =	stream.indirect_vreg.gather [hbm4b:s7+s3], $0x80, v4, vm0, $0xb8;
	[tilespmem:$0x18200] =	vst v63  }
0x4b: {  	_ = 	snop  }
0x4c: {  	[tilespmem:s6], [sflag:$0x1] =	stream.indirect_vreg.gather [hbm4b:s8+s3], $0x80, v4, vm0, $0xb8;
	[tilespmem:$0x18200] =	vst v63  }
0x4d: {  	v4 =	vld [tilespmem:$0x20];
	_ =	sdelay $0x4  }
0x4e: {  	v5 =	vshrl.u32 v4, $0x3  }
0x4f: {  	v5 =	vmul.u32 $0x30, v5  }
0x50: {  	v4 =	vand.u32 $0x7, v4  }
0x51: {  	v4 =	vor.u32 v4, v5  }
0x52: {  	v5 =	vperm.xlane v4, v1;
	_ =	sdelay $0x1  }
0x53: {  	v5 =	vadd.s32 v2, v5;
	_ =	sdelay $0x3  }
0x54: {  	v4 =	vperm.xlane v4, v3  }
0x55: {  	[tilespmem:s16], [sflag:$0x1] =	stream.indirect_vreg.gather [hbm4b:s2+s3], $0x80, v5, vm0, $0xb8;
	[tilespmem:$0x18200] =	vst v63  }
0x56: {  	v4 =	vadd.s32 v2, v4  }
0x57: {  	[tilespmem:s11], [sflag:$0x1] =	stream.indirect_vreg.gather [hbm4b:s7+s3], $0x80, v5, vm0, $0xb8;
	[tilespmem:$0x18200] =	vst v63  }
0x58: {  	_ = 	snop  }
0x59: {  	[tilespmem:s17], [sflag:$0x1] =	stream.indirect_vreg.gather [hbm4b:s8+s3], $0x80, v5, vm0, $0xb8;
	[tilespmem:$0x18200] =	vst v63  }
0x5a: {  	_ = 	snop  }
0x5b: {  	[tilespmem:s18], [sflag:$0x1] =	stream.indirect_vreg.gather [hbm4b:s2+s3], $0x80, v4, vm0, $0xb8;
	[tilespmem:$0x18200] =	vst v63  }
0x5c: {  	_ = 	snop  }
0x5d: {  	[tilespmem:s19], [sflag:$0x1] =	stream.indirect_vreg.gather [hbm4b:s7+s3], $0x80, v4, vm0, $0xb8;
	[tilespmem:$0x18200] =	vst v63  }
0x5e: {  	_ = 	snop  }
0x5f: {  	[tilespmem:s20], [sflag:$0x1] =	stream.indirect_vreg.gather [hbm4b:s8+s3], $0x80, v4, vm0, $0xb8;
	[tilespmem:$0x18200] =	vst v63  }
0x60: {  	v4 =	vld [tilespmem:$0x30];
	_ =	sdelay $0x4  }
0x61: {  	v5 =	vshrl.u32 v4, $0x3  }
0x62: {  	v5 =	vmul.u32 $0x30, v5  }
0x63: {  	v4 =	vand.u32 $0x7, v4  }
0x64: {  	v4 =	vor.u32 v4, v5  }
0x65: {  	v5 =	vperm.xlane v4, v1;
	_ =	sdelay $0x1  }
0x66: {  	v5 =	vadd.s32 v2, v5;
	_ =	sdelay $0x3  }
0x67: {  	v4 =	vperm.xlane v4, v3  }
0x68: {  	[tilespmem:s21], [sflag:$0x1] =	stream.indirect_vreg.gather [hbm4b:s2+s3], $0x80, v5, vm0, $0xb8;
	[tilespmem:$0x18200] =	vst v63  }
0x69: {  	v4 =	vadd.s32 v2, v4  }
0x6a: {  	[tilespmem:s22], [sflag:$0x1] =	stream.indirect_vreg.gather [hbm4b:s7+s3], $0x80, v5, vm0, $0xb8;
	[tilespmem:$0x18200] =	vst v63  }
0x6b: {  	_ = 	snop  }
0x6c: {  	[tilespmem:s23], [sflag:$0x1] =	stream.indirect_vreg.gather [hbm4b:s8+s3], $0x80, v5, vm0, $0xb8;
	[tilespmem:$0x18200] =	vst v63  }
0x6d: {  	_ = 	snop  }
0x6e: {  	[tilespmem:s14], [sflag:$0x1] =	stream.indirect_vreg.gather [hbm4b:s2+s3], $0x80, v4, vm0, $0xb8;
	[tilespmem:$0x18200] =	vst v63  }
0x6f: {  	_ = 	snop  }
0x70: {  	[tilespmem:s26], [sflag:$0x1] =	stream.indirect_vreg.gather [hbm4b:s7+s3], $0x80, v4, vm0, $0xb8;
	[tilespmem:$0x18200] =	vst v63  }
0x71: {  	s0 =	simm.s32 $0xBA00  }
0x72: {  	[tilespmem:s0], [sflag:$0x1] =	stream.indirect_vreg.gather [hbm4b:s8+s3], $0x80, v4, vm0, $0xb8;
	[tilespmem:$0x18200] =	vst v63  }
0x73: {  	v4 =	vld [tilespmem:$0x80];
	_ =	sdelay $0x4  }
0x74: {  	v5 =	vshrl.u32 v4, $0x3  }
0x75: {  	v5 =	vmul.u32 $0x30, v5  }
0x76: {  	v4 =	vand.u32 $0x7, v4  }
0x77: {  	v4 =	vor.u32 v4, v5  }
0x78: {  	v5 =	vperm.xlane v4, v1;
	_ =	sdelay $0x1  }
0x79: {  	v5 =	vadd.s32 v2, v5;
	_ =	sdelay $0x3  }
0x7a: {  	s0 =	simm.s32 $0xC200;
	v4 =	vperm.xlane v4, v3  }
0x7b: {  	[tilespmem:s0], [sflag:$0x2] =	stream.indirect_vreg.gather [hbm4b:s2+s3], $0x80, v5, vm0, $0xb8;
	[tilespmem:$0x18200] =	vst v63  }
0x7c: {  	v4 =	vadd.s32 v2, v4;
	s0 =	simm.s32 $0xCA00  }
0x7d: {  	[tilespmem:s0], [sflag:$0x2] =	stream.indirect_vreg.gather [hbm4b:s7+s3], $0x80, v5, vm0, $0xb8;
	[tilespmem:$0x18200] =	vst v63  }
0x7e: {  	s0 =	simm.s32 $0xD200  }
0x7f: {  	[tilespmem:s0], [sflag:$0x2] =	stream.indirect_vreg.gather [hbm4b:s8+s3], $0x80, v5, vm0, $0xb8;
	[tilespmem:$0x18200] =	vst v63  }
0x80: {  	s0 =	simm.s32 $0xDA00  }
0x81: {  	[tilespmem:s0], [sflag:$0x2] =	stream.indirect_vreg.gather [hbm4b:s2+s3], $0x80, v4, vm0, $0xb8;
	[tilespmem:$0x18200] =	vst v63  }
0x82: {  	s0 =	simm.s32 $0xE200  }
0x83: {  	[tilespmem:s0], [sflag:$0x2] =	stream.indirect_vreg.gather [hbm4b:s7+s3], $0x80, v4, vm0, $0xb8;
	[tilespmem:$0x18200] =	vst v63  }
0x84: {  	s0 =	simm.s32 $0xEA00  }
0x85: {  	[tilespmem:s0], [sflag:$0x2] =	stream.indirect_vreg.gather [hbm4b:s8+s3], $0x80, v4, vm0, $0xb8;
	[tilespmem:$0x18200] =	vst v63  }
0x86: {  	v4 =	vld [tilespmem:$0x90];
	_ =	sdelay $0x4  }
0x87: {  	v5 =	vshrl.u32 v4, $0x3  }
0x88: {  	v5 =	vmul.u32 $0x30, v5  }
0x89: {  	v4 =	vand.u32 $0x7, v4  }
0x8a: {  	v4 =	vor.u32 v4, v5  }
0x8b: {  	v5 =	vperm.xlane v4, v1;
	_ =	sdelay $0x1  }
0x8c: {  	v5 =	vadd.s32 v2, v5;
	_ =	sdelay $0x3  }
0x8d: {  	s0 =	simm.s32 $0xF200;
	v4 =	vperm.xlane v4, v3  }
0x8e: {  	[tilespmem:s0], [sflag:$0x2] =	stream.indirect_vreg.gather [hbm4b:s2+s3], $0x80, v5, vm0, $0xb8;
	[tilespmem:$0x18200] =	vst v63  }
0x8f: {  	v4 =	vadd.s32 v2, v4;
	s0 =	simm.s32 $0xFA00  }
0x90: {  	[tilespmem:s0], [sflag:$0x2] =	stream.indirect_vreg.gather [hbm4b:s7+s3], $0x80, v5, vm0, $0xb8;
	[tilespmem:$0x18200] =	vst v63  }
0x91: {  	s0 =	simm.s32 $0x10200  }
0x92: {  	[tilespmem:s0], [sflag:$0x2] =	stream.indirect_vreg.gather [hbm4b:s8+s3], $0x80, v5, vm0, $0xb8;
	[tilespmem:$0x18200] =	vst v63  }
0x93: {  	s0 =	simm.s32 $0x10A00  }
0x94: {  	[tilespmem:s0], [sflag:$0x2] =	stream.indirect_vreg.gather [hbm4b:s2+s3], $0x80, v4, vm0, $0xb8;
	[tilespmem:$0x18200] =	vst v63  }
0x95: {  	s0 =	simm.s32 $0x11200  }
0x96: {  	[tilespmem:s0], [sflag:$0x2] =	stream.indirect_vreg.gather [hbm4b:s7+s3], $0x80, v4, vm0, $0xb8;
	[tilespmem:$0x18200] =	vst v63  }
0x97: {  	s0 =	simm.s32 $0x11A00  }
0x98: {  	[tilespmem:s0], [sflag:$0x2] =	stream.indirect_vreg.gather [hbm4b:s8+s3], $0x80, v4, vm0, $0xb8;
	[tilespmem:$0x18200] =	vst v63  }
0x99: {  	v4 =	vld [tilespmem:$0xA0];
	_ =	sdelay $0x4  }
0x9a: {  	v5 =	vshrl.u32 v4, $0x3  }
0x9b: {  	v5 =	vmul.u32 $0x30, v5  }
0x9c: {  	v4 =	vand.u32 $0x7, v4  }
0x9d: {  	v4 =	vor.u32 v4, v5  }
0x9e: {  	v5 =	vperm.xlane v4, v1;
	_ =	sdelay $0x1  }
0x9f: {  	v5 =	vadd.s32 v2, v5;
	_ =	sdelay $0x3  }
0xa0: {  	s0 =	simm.s32 $0x12200;
	v4 =	vperm.xlane v4, v3  }
0xa1: {  	[tilespmem:s0], [sflag:$0x2] =	stream.indirect_vreg.gather [hbm4b:s2+s3], $0x80, v5, vm0, $0xb8;
	[tilespmem:$0x18200] =	vst v63  }
0xa2: {  	v4 =	vadd.s32 v2, v4;
	s0 =	simm.s32 $0x12A00  }
0xa3: {  	[tilespmem:s0], [sflag:$0x2] =	stream.indirect_vreg.gather [hbm4b:s7+s3], $0x80, v5, vm0, $0xb8;
	[tilespmem:$0x18200] =	vst v63  }
0xa4: {  	s0 =	simm.s32 $0x13200  }
0xa5: {  	[tilespmem:s0], [sflag:$0x2] =	stream.indirect_vreg.gather [hbm4b:s8+s3], $0x80, v5, vm0, $0xb8;
	[tilespmem:$0x18200] =	vst v63  }
0xa6: {  	s0 =	simm.s32 $0x13A00  }
0xa7: {  	[tilespmem:s0], [sflag:$0x2] =	stream.indirect_vreg.gather [hbm4b:s2+s3], $0x80, v4, vm0, $0xb8;
	[tilespmem:$0x18200] =	vst v63  }
0xa8: {  	s0 =	simm.s32 $0x14200  }
0xa9: {  	[tilespmem:s0], [sflag:$0x2] =	stream.indirect_vreg.gather [hbm4b:s7+s3], $0x80, v4, vm0, $0xb8;
	[tilespmem:$0x18200] =	vst v63  }
0xaa: {  	s0 =	simm.s32 $0x14A00  }
0xab: {  	[tilespmem:s0], [sflag:$0x2] =	stream.indirect_vreg.gather [hbm4b:s8+s3], $0x80, v4, vm0, $0xb8;
	[tilespmem:$0x18200] =	vst v63  }
0xac: {  	v4 =	vld [tilespmem:$0xB0];
	_ =	sdelay $0x4  }
0xad: {  	v5 =	vshrl.u32 v4, $0x3  }
0xae: {  	v5 =	vmul.u32 $0x30, v5  }
0xaf: {  	v4 =	vand.u32 $0x7, v4  }
0xb0: {  	v4 =	vor.u32 v4, v5  }
0xb1: {  	v5 =	vperm.xlane v4, v1;
	_ =	sdelay $0x1  }
0xb2: {  	v5 =	vadd.s32 v2, v5;
	_ =	sdelay $0x3  }
0xb3: {  	s0 =	simm.s32 $0x15200;
	v4 =	vperm.xlane v4, v3  }
0xb4: {  	[tilespmem:s0], [sflag:$0x2] =	stream.indirect_vreg.gather [hbm4b:s2+s3], $0x80, v5, vm0, $0xb8;
	[tilespmem:$0x18200] =	vst v63  }
0xb5: {  	v4 =	vadd.s32 v2, v4;
	s0 =	simm.s32 $0x15A00  }
0xb6: {  	[tilespmem:s0], [sflag:$0x2] =	stream.indirect_vreg.gather [hbm4b:s7+s3], $0x80, v5, vm0, $0xb8;
	[tilespmem:$0x18200] =	vst v63  }
0xb7: {  	s0 =	simm.s32 $0x16200  }
0xb8: {  	[tilespmem:s0], [sflag:$0x2] =	stream.indirect_vreg.gather [hbm4b:s8+s3], $0x80, v5, vm0, $0xb8;
	[tilespmem:$0x18200] =	vst v63  }
0xb9: {  	s0 =	simm.s32 $0x16A00  }
0xba: {  	[tilespmem:s0], [sflag:$0x2] =	stream.indirect_vreg.gather [hbm4b:s2+s3], $0x80, v4, vm0, $0xb8;
	[tilespmem:$0x18200] =	vst v63  }
0xbb: {  	s0 =	simm.s32 $0x17200  }
0xbc: {  	[tilespmem:s0], [sflag:$0x2] =	stream.indirect_vreg.gather [hbm4b:s7+s3], $0x80, v4, vm0, $0xb8;
	[tilespmem:$0x18200] =	vst v63  }
0xbd: {  	s0 =	simm.s32 $0x17A00  }
0xbe: {  	[tilespmem:s0], [sflag:$0x2] =	stream.indirect_vreg.gather [hbm4b:s8+s3], $0x80, v4, vm0, $0xb8;
	[tilespmem:$0x18200] =	vst v63  }
0xbf: {  	s0 =	simm.s32 $0x1  }
0xc0: {  	_ =	swait.ge [sflag:s0], $0xC000  }
0xc1: {  	[sflag:s0] =	ssyncset.done $0x0  }
0xc2: {  	[sflag:s0] =	ssyncadd.s32 $0xFFFF4000  }
0xc3: {  	v4 =	vld [tilespmem:$0x100];
	_ =	sdelay $0x4  }
0xc4: {  	v5 =	vshrl.u32 v4, $0x3  }
0xc5: {  	v5 =	vmul.u32 $0x30, v5  }
0xc6: {  	v4 =	vand.u32 $0x7, v4  }
0xc7: {  	v4 =	vor.u32 v4, v5  }
0xc8: {  	v5 =	vperm.xlane v4, v1;
	_ =	sdelay $0x1  }
0xc9: {  	v5 =	vadd.s32 v2, v5;
	_ =	sdelay $0x3  }
0xca: {  	v4 =	vperm.xlane v4, v3  }
0xcb: {  	[hbm4b:s4+s3] =	stream.indirect_vreg.scatter [tilespmem:s12], [sflag:$0x3], $0x80, v5, vm0, $0xb8;
	[tilespmem:$0x18200] =	vst v63  }
0xcc: {  	v4 =	vadd.s32 v2, v4  }
0xcd: {  	[hbm4b:s9+s3] =	stream.indirect_vreg.scatter [tilespmem:s25], [sflag:$0x3], $0x80, v5, vm0, $0xb8;
	[tilespmem:$0x18200] =	vst v63  }
0xce: {  	_ = 	snop  }
0xcf: {  	[hbm4b:s10+s3] =	stream.indirect_vreg.scatter [tilespmem:s28], [sflag:$0x3], $0x80, v5, vm0, $0xb8;
	[tilespmem:$0x18200] =	vst v63  }
0xd0: {  	_ = 	snop  }
0xd1: {  	[hbm4b:s4+s3] =	stream.indirect_vreg.scatter [tilespmem:s29], [sflag:$0x3], $0x80, v4, vm0, $0xb8;
	[tilespmem:$0x18200] =	vst v63  }
0xd2: {  	_ = 	snop  }
0xd3: {  	[hbm4b:s9+s3] =	stream.indirect_vreg.scatter [tilespmem:s30], [sflag:$0x3], $0x80, v4, vm0, $0xb8;
	[tilespmem:$0x18200] =	vst v63  }
0xd4: {  	_ = 	snop  }
0xd5: {  	[hbm4b:s10+s3] =	stream.indirect_vreg.scatter [tilespmem:s31], [sflag:$0x3], $0x80, v4, vm0, $0xb8;
	[tilespmem:$0x18200] =	vst v63  }
0xd6: {  	v4 =	vld [tilespmem:$0x110];
	_ =	sdelay $0x4  }
0xd7: {  	v5 =	vshrl.u32 v4, $0x3  }
0xd8: {  	v5 =	vmul.u32 $0x30, v5  }
0xd9: {  	v4 =	vand.u32 $0x7, v4  }
0xda: {  	v4 =	vor.u32 v4, v5  }
0xdb: {  	v5 =	vperm.xlane v4, v1;
	_ =	sdelay $0x1  }
0xdc: {  	v5 =	vadd.s32 v2, v5;
	_ =	sdelay $0x3  }
0xdd: {  	v4 =	vperm.xlane v4, v3  }
0xde: {  	[hbm4b:s4+s3] =	stream.indirect_vreg.scatter [tilespmem:s1], [sflag:$0x3], $0x80, v5, vm0, $0xb8;
	[tilespmem:$0x18200] =	vst v63  }
0xdf: {  	s28 =	simm.s32 $0x3A00;
	v4 =	vadd.s32 v2, v4  }
0xe0: {  	[hbm4b:s9+s3] =	stream.indirect_vreg.scatter [tilespmem:s28], [sflag:$0x3], $0x80, v5, vm0, $0xb8;
	[tilespmem:$0x18200] =	vst v63  }
0xe1: {  	_ = 	snop  }
0xe2: {  	[hbm4b:s10+s3] =	stream.indirect_vreg.scatter [tilespmem:s13], [sflag:$0x3], $0x80, v5, vm0, $0xb8;
	[tilespmem:$0x18200] =	vst v63  }
0xe3: {  	_ = 	snop  }
0xe4: {  	[hbm4b:s4+s3] =	stream.indirect_vreg.scatter [tilespmem:s15], [sflag:$0x3], $0x80, v4, vm0, $0xb8;
	[tilespmem:$0x18200] =	vst v63  }
0xe5: {  	_ = 	snop  }
0xe6: {  	[hbm4b:s9+s3] =	stream.indirect_vreg.scatter [tilespmem:s5], [sflag:$0x3], $0x80, v4, vm0, $0xb8;
	[tilespmem:$0x18200] =	vst v63  }
0xe7: {  	_ = 	snop  }
0xe8: {  	[hbm4b:s10+s3] =	stream.indirect_vreg.scatter [tilespmem:s6], [sflag:$0x3], $0x80, v4, vm0, $0xb8;
	[tilespmem:$0x18200] =	vst v63  }
0xe9: {  	v4 =	vld [tilespmem:$0x120];
	_ =	sdelay $0x4  }
0xea: {  	v5 =	vshrl.u32 v4, $0x3  }
0xeb: {  	v5 =	vmul.u32 $0x30, v5  }
0xec: {  	v4 =	vand.u32 $0x7, v4  }
0xed: {  	v4 =	vor.u32 v4, v5  }
0xee: {  	v5 =	vperm.xlane v4, v1;
	_ =	sdelay $0x1  }
0xef: {  	v5 =	vadd.s32 v2, v5;
	_ =	sdelay $0x3  }
0xf0: {  	v4 =	vperm.xlane v4, v3  }
0xf1: {  	[hbm4b:s4+s3] =	stream.indirect_vreg.scatter [tilespmem:s16], [sflag:$0x3], $0x80, v5, vm0, $0xb8;
	[tilespmem:$0x18200] =	vst v63  }
0xf2: {  	v4 =	vadd.s32 v2, v4  }
0xf3: {  	[hbm4b:s9+s3] =	stream.indirect_vreg.scatter [tilespmem:s11], [sflag:$0x3], $0x80, v5, vm0, $0xb8;
	[tilespmem:$0x18200] =	vst v63  }
0xf4: {  	_ = 	snop  }
0xf5: {  	[hbm4b:s10+s3] =	stream.indirect_vreg.scatter [tilespmem:s17], [sflag:$0x3], $0x80, v5, vm0, $0xb8;
	[tilespmem:$0x18200] =	vst v63  }
0xf6: {  	_ = 	snop  }
0xf7: {  	[hbm4b:s4+s3] =	stream.indirect_vreg.scatter [tilespmem:s18], [sflag:$0x3], $0x80, v4, vm0, $0xb8;
	[tilespmem:$0x18200] =	vst v63  }
0xf8: {  	_ = 	snop  }
0xf9: {  	[hbm4b:s9+s3] =	stream.indirect_vreg.scatter [tilespmem:s19], [sflag:$0x3], $0x80, v4, vm0, $0xb8;
	[tilespmem:$0x18200] =	vst v63  }
0xfa: {  	_ = 	snop  }
0xfb: {  	[hbm4b:s10+s3] =	stream.indirect_vreg.scatter [tilespmem:s20], [sflag:$0x3], $0x80, v4, vm0, $0xb8;
	[tilespmem:$0x18200] =	vst v63  }
0xfc: {  	v4 =	vld [tilespmem:$0x130];
	_ =	sdelay $0x4  }
0xfd: {  	v5 =	vshrl.u32 v4, $0x3  }
0xfe: {  	v5 =	vmul.u32 $0x30, v5  }
0xff: {  	v4 =	vand.u32 $0x7, v4  }
0x100: {  	v4 =	vor.u32 v4, v5  }
0x101: {  	v5 =	vperm.xlane v4, v1;
	_ =	sdelay $0x1  }
0x102: {  	v5 =	vadd.s32 v2, v5;
	_ =	sdelay $0x3  }
0x103: {  	v4 =	vperm.xlane v4, v3  }
0x104: {  	[hbm4b:s4+s3] =	stream.indirect_vreg.scatter [tilespmem:s21], [sflag:$0x3], $0x80, v5, vm0, $0xb8;
	[tilespmem:$0x18200] =	vst v63  }
0x105: {  	v4 =	vadd.s32 v2, v4  }
0x106: {  	[hbm4b:s9+s3] =	stream.indirect_vreg.scatter [tilespmem:s22], [sflag:$0x3], $0x80, v5, vm0, $0xb8;
	[tilespmem:$0x18200] =	vst v63  }
0x107: {  	_ = 	snop  }
0x108: {  	[hbm4b:s10+s3] =	stream.indirect_vreg.scatter [tilespmem:s23], [sflag:$0x3], $0x80, v5, vm0, $0xb8;
	[tilespmem:$0x18200] =	vst v63  }
0x109: {  	_ = 	snop  }
0x10a: {  	[hbm4b:s4+s3] =	stream.indirect_vreg.scatter [tilespmem:s14], [sflag:$0x3], $0x80, v4, vm0, $0xb8;
	[tilespmem:$0x18200] =	vst v63  }
0x10b: {  	_ = 	snop  }
0x10c: {  	[hbm4b:s9+s3] =	stream.indirect_vreg.scatter [tilespmem:s26], [sflag:$0x3], $0x80, v4, vm0, $0xb8;
	[tilespmem:$0x18200] =	vst v63  }
0x10d: {  	s12 =	simm.s32 $0x2;
	s29 =	simm.s32 $0xBA00  }
0x10e: {  	[hbm4b:s10+s3] =	stream.indirect_vreg.scatter [tilespmem:s29], [sflag:$0x3], $0x80, v4, vm0, $0xb8;
	[tilespmem:$0x18200] =	vst v63  }
0x10f: {  	_ =	swait.ge [sflag:s12], $0xC000  }
0x110: {  	[sflag:s12] =	ssyncset.done $0x0  }
0x111: {  	[sflag:s12] =	ssyncadd.s32 $0xFFFF4000  }
0x112: {  	v4 =	vld [tilespmem:$0x180];
	_ =	sdelay $0x4  }
0x113: {  	v5 =	vshrl.u32 v4, $0x3  }
0x114: {  	v5 =	vmul.u32 $0x30, v5  }
0x115: {  	v4 =	vand.u32 $0x7, v4  }
0x116: {  	v4 =	vor.u32 v4, v5  }
0x117: {  	v5 =	vperm.xlane v4, v1;
	_ =	sdelay $0x1  }
0x118: {  	v5 =	vadd.s32 v2, v5;
	_ =	sdelay $0x3  }
0x119: {  	s25 =	simm.s32 $0xC200;
	v4 =	vperm.xlane v4, v3  }
0x11a: {  	[hbm4b:s4+s3] =	stream.indirect_vreg.scatter [tilespmem:s25], [sflag:$0x4], $0x80, v5, vm0, $0xb8;
	[tilespmem:$0x18200] =	vst v63  }
0x11b: {  	s28 =	simm.s32 $0xCA00;
	v4 =	vadd.s32 v2, v4  }
0x11c: {  	[hbm4b:s9+s3] =	stream.indirect_vreg.scatter [tilespmem:s28], [sflag:$0x4], $0x80, v5, vm0, $0xb8;
	[tilespmem:$0x18200] =	vst v63  }
0x11d: {  	s29 =	simm.s32 $0xD200  }
0x11e: {  	[hbm4b:s10+s3] =	stream.indirect_vreg.scatter [tilespmem:s29], [sflag:$0x4], $0x80, v5, vm0, $0xb8;
	[tilespmem:$0x18200] =	vst v63  }
0x11f: {  	s12 =	simm.s32 $0xDA00  }
0x120: {  	[hbm4b:s4+s3] =	stream.indirect_vreg.scatter [tilespmem:s12], [sflag:$0x4], $0x80, v4, vm0, $0xb8;
	[tilespmem:$0x18200] =	vst v63  }
0x121: {  	s25 =	simm.s32 $0xE200  }
0x122: {  	[hbm4b:s9+s3] =	stream.indirect_vreg.scatter [tilespmem:s25], [sflag:$0x4], $0x80, v4, vm0, $0xb8;
	[tilespmem:$0x18200] =	vst v63  }
0x123: {  	s28 =	simm.s32 $0xEA00  }
0x124: {  	[hbm4b:s10+s3] =	stream.indirect_vreg.scatter [tilespmem:s28], [sflag:$0x4], $0x80, v4, vm0, $0xb8;
	[tilespmem:$0x18200] =	vst v63  }
0x125: {  	v4 =	vld [tilespmem:$0x190];
	_ =	sdelay $0x4  }
0x126: {  	v5 =	vshrl.u32 v4, $0x3  }
0x127: {  	v5 =	vmul.u32 $0x30, v5  }
0x128: {  	v4 =	vand.u32 $0x7, v4  }
0x129: {  	v4 =	vor.u32 v4, v5  }
0x12a: {  	v5 =	vperm.xlane v4, v1;
	_ =	sdelay $0x1  }
0x12b: {  	v5 =	vadd.s32 v2, v5;
	_ =	sdelay $0x3  }
0x12c: {  	s29 =	simm.s32 $0xF200;
	v4 =	vperm.xlane v4, v3  }
0x12d: {  	[hbm4b:s4+s3] =	stream.indirect_vreg.scatter [tilespmem:s29], [sflag:$0x4], $0x80, v5, vm0, $0xb8;
	[tilespmem:$0x18200] =	vst v63  }
0x12e: {  	s12 =	simm.s32 $0xFA00;
	v4 =	vadd.s32 v2, v4  }
0x12f: {  	[hbm4b:s9+s3] =	stream.indirect_vreg.scatter [tilespmem:s12], [sflag:$0x4], $0x80, v5, vm0, $0xb8;
	[tilespmem:$0x18200] =	vst v63  }
0x130: {  	s25 =	simm.s32 $0x10200  }
0x131: {  	[hbm4b:s10+s3] =	stream.indirect_vreg.scatter [tilespmem:s25], [sflag:$0x4], $0x80, v5, vm0, $0xb8;
	[tilespmem:$0x18200] =	vst v63  }
0x132: {  	s28 =	simm.s32 $0x10A00  }
0x133: {  	[hbm4b:s4+s3] =	stream.indirect_vreg.scatter [tilespmem:s28], [sflag:$0x4], $0x80, v4, vm0, $0xb8;
	[tilespmem:$0x18200] =	vst v63  }
0x134: {  	s29 =	simm.s32 $0x11200  }
0x135: {  	[hbm4b:s9+s3] =	stream.indirect_vreg.scatter [tilespmem:s29], [sflag:$0x4], $0x80, v4, vm0, $0xb8;
	[tilespmem:$0x18200] =	vst v63  }
0x136: {  	s12 =	simm.s32 $0x11A00  }
0x137: {  	[hbm4b:s10+s3] =	stream.indirect_vreg.scatter [tilespmem:s12], [sflag:$0x4], $0x80, v4, vm0, $0xb8;
	[tilespmem:$0x18200] =	vst v63  }
0x138: {  	v4 =	vld [tilespmem:$0x1A0];
	_ =	sdelay $0x4  }
0x139: {  	v5 =	vshrl.u32 v4, $0x3  }
0x13a: {  	v5 =	vmul.u32 $0x30, v5  }
0x13b: {  	v4 =	vand.u32 $0x7, v4  }
0x13c: {  	v4 =	vor.u32 v4, v5  }
0x13d: {  	v5 =	vperm.xlane v4, v1;
	_ =	sdelay $0x1  }
0x13e: {  	v5 =	vadd.s32 v2, v5;
	_ =	sdelay $0x3  }
0x13f: {  	s25 =	simm.s32 $0x12200;
	v4 =	vperm.xlane v4, v3  }
0x140: {  	[hbm4b:s4+s3] =	stream.indirect_vreg.scatter [tilespmem:s25], [sflag:$0x4], $0x80, v5, vm0, $0xb8;
	[tilespmem:$0x18200] =	vst v63  }
0x141: {  	s28 =	simm.s32 $0x12A00;
	v4 =	vadd.s32 v2, v4  }
0x142: {  	[hbm4b:s9+s3] =	stream.indirect_vreg.scatter [tilespmem:s28], [sflag:$0x4], $0x80, v5, vm0, $0xb8;
	[tilespmem:$0x18200] =	vst v63  }
0x143: {  	s29 =	simm.s32 $0x13200  }
0x144: {  	[hbm4b:s10+s3] =	stream.indirect_vreg.scatter [tilespmem:s29], [sflag:$0x4], $0x80, v5, vm0, $0xb8;
	[tilespmem:$0x18200] =	vst v63  }
0x145: {  	s12 =	simm.s32 $0x13A00  }
0x146: {  	[hbm4b:s4+s3] =	stream.indirect_vreg.scatter [tilespmem:s12], [sflag:$0x4], $0x80, v4, vm0, $0xb8;
	[tilespmem:$0x18200] =	vst v63  }
0x147: {  	s25 =	simm.s32 $0x14200  }
0x148: {  	[hbm4b:s9+s3] =	stream.indirect_vreg.scatter [tilespmem:s25], [sflag:$0x4], $0x80, v4, vm0, $0xb8;
	[tilespmem:$0x18200] =	vst v63  }
0x149: {  	s28 =	simm.s32 $0x14A00  }
0x14a: {  	[hbm4b:s10+s3] =	stream.indirect_vreg.scatter [tilespmem:s28], [sflag:$0x4], $0x80, v4, vm0, $0xb8;
	[tilespmem:$0x18200] =	vst v63  }
0x14b: {  	v4 =	vld [tilespmem:$0x1B0];
	_ =	sdelay $0x4  }
0x14c: {  	v5 =	vshrl.u32 v4, $0x3  }
0x14d: {  	v5 =	vmul.u32 $0x30, v5  }
0x14e: {  	v4 =	vand.u32 $0x7, v4  }
0x14f: {  	v4 =	vor.u32 v4, v5  }
0x150: {  	v5 =	vperm.xlane v4, v1;
	_ =	sdelay $0x1  }
0x151: {  	v5 =	vadd.s32 v2, v5;
	_ =	sdelay $0x3  }
0x152: {  	s29 =	simm.s32 $0x15200;
	v4 =	vperm.xlane v4, v3  }
0x153: {  	[hbm4b:s4+s3] =	stream.indirect_vreg.scatter [tilespmem:s29], [sflag:$0x4], $0x80, v5, vm0, $0xb8;
	[tilespmem:$0x18200] =	vst v63  }
0x154: {  	s12 =	simm.s32 $0x15A00;
	v4 =	vadd.s32 v2, v4  }
0x155: {  	[hbm4b:s9+s3] =	stream.indirect_vreg.scatter [tilespmem:s12], [sflag:$0x4], $0x80, v5, vm0, $0xb8;
	[tilespmem:$0x18200] =	vst v63  }
0x156: {  	s25 =	simm.s32 $0x16200  }
0x157: {  	[hbm4b:s10+s3] =	stream.indirect_vreg.scatter [tilespmem:s25], [sflag:$0x4], $0x80, v5, vm0, $0xb8;
	[tilespmem:$0x18200] =	vst v63  }
0x158: {  	s28 =	simm.s32 $0x16A00  }
0x159: {  	[hbm4b:s4+s3] =	stream.indirect_vreg.scatter [tilespmem:s28], [sflag:$0x4], $0x80, v4, vm0, $0xb8;
	[tilespmem:$0x18200] =	vst v63  }
0x15a: {  	s29 =	simm.s32 $0x17200  }
0x15b: {  	[hbm4b:s9+s3] =	stream.indirect_vreg.scatter [tilespmem:s29], [sflag:$0x4], $0x80, v4, vm0, $0xb8;
	[tilespmem:$0x18200] =	vst v63  }
0x15c: {  	s12 =	simm.s32 $0x17A00;
	s25 =	simm.s32 $0x3  }
0x15d: {  	[hbm4b:s10+s3] =	stream.indirect_vreg.scatter [tilespmem:s12], [sflag:$0x4], $0x80, v4, vm0, $0xb8;
	[tilespmem:$0x18200] =	vst v63  }
0x15e: {  	_ =	swait.ge [sflag:s25], $0xC000  }
0x15f: {  	[sflag:s25] =	ssyncset.done $0x0  }
0x160: {  	s28 =	simm.s32 $0x4;
	[sflag:s25] =	ssyncadd.s32 $0xFFFF4000  }
0x161: {  	_ =	swait.ge [sflag:s28], $0xC000  }
0x162: {  	s24 =	sadd.s32 $0x1, s24;
	s29 =	rddreg [dreg:$0x5]  }
0x163: {  	p0 =	sne.s32 s24, s29  }
.Ltmp1:
0x164: {  	_ = 	snop;
	(pc) =	sbr.rel @p0 .LBB2_1-.Ltmp1, $3  }
0x165: {  	_ =	sdelay $0x1  }
0x166: {  	[sflag:s28] =	ssyncset.done $0x0  }
0x167: {  	[sflag:s28] =	ssyncadd.s32 $0xFFFF4000  }
0x168: {  	_ =	sfence.sel $0x180000  }
0x169: {  	[bflag:$0x0] =	sbarrier.arrive $0xFFFF  }
0x16a: {  	_ =	strace $0x9000004A  }
0x16b: {  	s0 =	stileid.u32;
	[bflag:$0x2] =	sbarrier.arrive $0xFFFF  }
0x16c: {  	p0 =	sne.s32 s0, $0x0;
	s0 =	rddreg [dreg:$0x2]  }
0x16d: {  	s0 =	sadd.s32 @!p0 $0x100000, s0  }
0x16e: {  	[sflag:s0] =	ssyncadd.tile.s32 @!p0 $0x1;
	_ =	shalt  }
.Lfunc_end2:
_tile_overlayer_lowered:
.L_overlay_start_2:
0x16f: {  	(tag) =	ssettag $0x2  }
0x170: {  	s0 =	rddreg [dreg:$0x0];
	s2 =	stileid.u32  }
0x171: {  	s1 =	rddreg [dreg:$0x1];
	p0 =	sne.s32 s2, $0x0  }
0x172: {  	s3 =	rddreg [dreg:$0x2];
	[bflag:$0x3] =	sbarrier.arrive $0xFFFF;
	s2 =	simm.s32 @!p0 $0x1C05  }
0x173: {  	[timem:s3], [sflag:s2] =	dma.local @!p0 [hbm:s0], s1  }
0x174: {  	s0 =	simm.s32 @!p0 $0x5  }
0x175: {  	_ =	swait.ge @!p0 [sflag:s0], s1  }
0x176: {  	s1 =	ssub.s32 @!p0 $0x0, s1;
	[sflag:s0] =	ssyncset.done @!p0 $0x0  }
0x177: {  	[sflag:s0] =	ssyncadd.s32 @!p0 s1  }
0x178: {  	[bflag:$0x3] =	sbarrier.arrive $0xFFFF  }
0x179: {  	_ =	shalt  }

// kernel: kernel.16.cloned.1.call-start
scs
__scs_entry_jumppad:
0x0: {  	(pc) =	sbr.rel $0x88, $3  }
0x1: {  	(tag) =	ssettag $0x0;
	lr =	simm.s32 $0x1  }
0x2: {  	[smem:$0x3F8F] =	sst lr;
	_ =	strace $0xD0000000  }
0x3: {  	_ = 	snop  }
0x4: {  	_ = 	snop  }
0x5: {  	_ = 	snop  }
0x6: {  	_ = 	snop  }
0x7: {  	_ = 	snop  }
__scs_overlays_trampoline_lowered:
0x8: {  	[smem:$0x3F9E] =	sst s0  }
0x9: {  	[smem:$0x3F9F] =	sst s1  }
0xa: {  	[smem:$0x3FA0] =	sst s2  }
0xb: {  	[smem:$0x3FA1] =	sst s3  }
0xc: {  	[smem:$0x3FA2] =	sst s4  }
0xd: {  	[smem:$0x3FA3] =	sst s5  }
0xe: {  	[smem:$0x3FA4] =	sst s6  }
0xf: {  	[smem:$0x3FA5] =	sst s7  }
0x10: {  	[smem:$0x3FA6] =	sst s8  }
0x11: {  	[smem:$0x3FA7] =	sst s9;
	s0 =	simm.s32 @!p0 $0x0  }
0x12: {  	s1 =	sld [smem:$0x3F8D];
	s0 =	simm.s32 @p0 $0x1  }
0x13: {  	[smem:$0x3FA8] =	sst s0;
	s0 =	simm.s32 @!p1 $0x0  }
0x14: {  	s2 =	sld [smem:$0x3F8C];
	s0 =	simm.s32 @p1 $0x1  }
0x15: {  	[smem:$0x3FA9] =	sst s0;
	s0 =	simm.s32 @!p2 $0x0  }
0x16: {  	s3 =	sld [smem:$0x3FDB];
	s0 =	simm.s32 @p2 $0x1  }
0x17: {  	s4 =	simm.s32 $0x1BF5;
	[smem:$0x3FAB] =	sst s0  }
0x18: {  	s0 =	sld [smem:$0x3F8E];
	_ =	swait.ge [sflag:s4], $0x0  }
0x19: {  	s7 =	sld [smem:$0x3F8F]  }
0x1a: {  	s8 =	sadd.s32 $0xFFFFE003, lr  }
0x1b: {  	s9 =	sadd.s32 $0xFFFFFEF7, lr;
	s5 =	simm.s32 $0xFFFFFFFF;
	p2 =	slt.u32 s8, $0xFFFFF086  }
0x1c: {  	p1 =	slt.u32 s9, $0xF7A;
	s5 =	simm.s32 @!p2 $0x0  }
0x1d: {  	s5 =	simm.s32 @p1 $0x1;
	p0 =	seq.s32 s7, s2  }
0x1e: {  	s7 =	smul.u32 @!p0 $0xF7A, s2;
	p2 =	seq.s32 @!p0 s5, $0x0  }
0x1f: {  	s9 =	smul.u32 $0xF7A, s1;
	s8 =	simm.s32 @!p0 $0x1BF5;
	p2 =	por !p2, p0  }
0x20: {  	[sflag:s8] =	ssyncset.s32 @!p0 $0xFFFFF086;
	s6 =	sadd.s32 @!p0 s3, s7;
	s7 =	simm.s32 @!p0 $0x108  }
0x21: {  	s3 =	sadd.s32 s3, s9;
	s6 =	sadd.s32 @!p0 $0x88, s6;
	s7 =	simm.s32 @p2 $0x1082  }
0x22: {  	[simem:s7], [sflag:s8] =	dma.local @!p0 [hbm:s6], $0xF7A  }
0x23: {  	s9 =	sor.u32 $0xD0000000, s2;
	s6 =	simm.s32 $0x108;
	_ =	swait.ge @!p0 [sflag:s8], $0x0  }
0x24: {  	s3 =	sadd.s32 $0x88, s3;
	s6 =	simm.s32 @!p1 $0x1082;
	[sflag:s4] =	ssyncset.s32 $0xFFFFF086  }
0x25: {  	[simem:s6], [sflag:s4] =	dma.local [hbm:s3], $0xF7A  }
0x26: {  	[smem:$0x3F8F] =	sst s1;
	(tag) =	ssettag s2;
	_ =	strace s9  }
0x27: {  	s1 =	sld [smem:$0x3F9F]  }
0x28: {  	s2 =	sld [smem:$0x3FA0]  }
0x29: {  	s4 =	sld [smem:$0x3FA2]  }
0x2a: {  	p0 =	seq.s32 s5, $0x0;
	s5 =	sld [smem:$0x3FA3]  }
0x2b: {  	s6 =	sld [smem:$0x3FA4]  }
0x2c: {  	s7 =	sld [smem:$0x3FA5]  }
0x2d: {  	s3 =	simm.s32 $0x108;
	s8 =	sld [smem:$0x3FA6]  }
0x2e: {  	s3 =	simm.s32 @!p0 $0x1082;
	s9 =	sld [smem:$0x3FA7]  }
0x2f: {  	lr =	sadd.s32 s0, s3;
	s0 =	sld [smem:$0x3F9E]  }
0x30: {  	s3 =	sld [smem:$0x3FA1]  }
0x31: {  	[smem:$0x3FAA] =	sst s10  }
0x32: {  	s10 =	sld [smem:$0x3FA8];
	_ =	sdelay $0x3  }
0x33: {  	p0 =	seq.s32 s10, $0x1;
	s10 =	sld [smem:$0x3FAA];
	_ =	sdelay $0x3  }
0x34: {  	[smem:$0x3FAA] =	sst s10  }
0x35: {  	s10 =	sld [smem:$0x3FA9];
	_ =	sdelay $0x3  }
0x36: {  	p1 =	seq.s32 s10, $0x1;
	s10 =	sld [smem:$0x3FAA];
	_ =	sdelay $0x3  }
0x37: {  	[smem:$0x3FAA] =	sst s10  }
0x38: {  	s10 =	sld [smem:$0x3FAB]  }
0x39: {  	_ = 	snop;
	(pc) =	sbr.ind lr, $3  }
0x3a: {  	_ = 	snop  }
0x3b: {  	_ = 	snop  }
0x3c: {  	p2 =	seq.s32 s10, $0x1;
	s10 =	sld [smem:$0x3FAA]  }
0x3d: {  	_ =	shalt  }
0x3e: {  	_ =	shalt  }
0x3f: {  	_ =	shalt  }
0x40: {  	_ =	shalt  }
0x41: {  	_ =	shalt  }
0x42: {  	_ =	shalt  }
0x43: {  	_ =	shalt  }
0x44: {  	_ =	shalt  }
0x45: {  	_ =	shalt  }
0x46: {  	_ =	shalt  }
0x47: {  	_ =	shalt  }
0x48: {  	_ =	shalt  }
0x49: {  	_ =	shalt  }
0x4a: {  	_ =	shalt  }
0x4b: {  	_ =	shalt  }
0x4c: {  	_ =	shalt  }
0x4d: {  	_ =	shalt  }
0x4e: {  	_ =	shalt  }
0x4f: {  	_ =	shalt  }
0x50: {  	_ =	shalt  }
0x51: {  	_ =	shalt  }
0x52: {  	_ =	shalt  }
0x53: {  	_ =	shalt  }
0x54: {  	_ =	shalt  }
0x55: {  	_ =	shalt  }
0x56: {  	_ =	shalt  }
0x57: {  	_ =	shalt  }
0x58: {  	_ =	shalt  }
0x59: {  	_ =	shalt  }
0x5a: {  	_ =	shalt  }
0x5b: {  	_ =	shalt  }
0x5c: {  	_ =	shalt  }
0x5d: {  	_ =	shalt  }
0x5e: {  	_ =	shalt  }
0x5f: {  	_ =	shalt  }
0x60: {  	_ =	shalt  }
0x61: {  	_ =	shalt  }
0x62: {  	_ =	shalt  }
0x63: {  	_ =	shalt  }
0x64: {  	_ =	shalt  }
0x65: {  	_ =	shalt  }
0x66: {  	_ =	shalt  }
0x67: {  	_ =	shalt  }
0x68: {  	_ =	shalt  }
0x69: {  	_ =	shalt  }
0x6a: {  	_ =	shalt  }
0x6b: {  	_ =	shalt  }
0x6c: {  	_ =	shalt  }
0x6d: {  	_ =	shalt  }
0x6e: {  	_ =	shalt  }
0x6f: {  	_ =	shalt  }
0x70: {  	_ =	shalt  }
0x71: {  	_ =	shalt  }
0x72: {  	_ =	shalt  }
0x73: {  	_ =	shalt  }
0x74: {  	_ =	shalt  }
0x75: {  	_ =	shalt  }
0x76: {  	_ =	shalt  }
0x77: {  	_ =	shalt  }
0x78: {  	_ =	shalt  }
0x79: {  	_ =	shalt  }
0x7a: {  	_ =	shalt  }
0x7b: {  	_ =	shalt  }
0x7c: {  	_ =	shalt  }
0x7d: {  	_ =	shalt  }
0x7e: {  	_ =	shalt  }
0x7f: {  	_ =	shalt  }
0x80: {  	_ =	shalt  }
0x81: {  	_ =	shalt  }
0x82: {  	_ =	shalt  }
0x83: {  	_ =	shalt  }
0x84: {  	_ =	shalt  }
0x85: {  	_ =	shalt  }
0x86: {  	_ =	shalt  }
0x87: {  	_ =	shalt  }
.Lfunc_end0:
.L_simem_size_0:
called_computation.2_lowered:
.L_overlay_start_0:
0x88: {  	s2 =	sld [smem:$0x3FD9]  }
0x89: {  	s3 =	sld [smem:$0x3FFE];
	_ =	sdelay $0x1  }
0x8a: {  	s1 =	srdreg.scid  }
0x8b: {  	s0 =	sand.u32 $0x1, s1  }
0x8c: {  	s16 =	sshll.u32 s0, $0xA;
	s2 =	sadd.s32 s3, s2  }
0x8d: {  	s2 =	sadd.s32 s2, s16  }
0x8e: {  	[smem:$0x3FB6] =	sst s2  }
0x8f: {  	_ = 	snop  }
0x90: {  	(tm) =	ssettm $0x1  }
0x91: {  	s17 =	sld [smem:$0x3FFB];
	_ =	sdelay $0x3  }
0x92: {  	_ =	strace s17  }
0x93: {  	s2 =	sld [smem:$0x3FFC];
	_ =	sdelay $0x3  }
0x94: {  	_ =	strace s2  }
0x95: {  	s2 =	sld [smem:$0x3FFD];
	_ =	sdelay $0x3  }
0x96: {  	_ =	strace s2  }
0x97: {  	_ =	strace $0x8FFFFFFF  }
0x98: {  	s18 =	sld [smem:$0x3FDB];
	_ =	sdelay $0x1  }
0x99: {  	s19 =	simm.s32 $_scs_section_size  }
0x9a: {  	s4 =	simm.s32 $_size__tile_overlayer_lowered;
	s5 =	simm.s32 $_tile_overlayer_lowered  }
0x9b: {  	s22 =	simm.s32 $0x1BFF;
	s21 =	sshll.u32 s5, $0x1;
	s2 =	sadd.s32 s19, s18  }
0x9c: {  	s6 =	simm.s32 $0x0;
	s20 =	sshll.u32 s4, $0x1;
	s4 =	sadd.s32 s21, s2  }
0x9d: {  	[timem:s6], [sflag:s22] =	dma.local [hbm:s4], s20  }
0x9e: {  	_ =	swait.ge [sflag:s22], s20  }
0x9f: {  	s3 =	ssub.s32 $0x0, s20;
	[sflag:s22] =	ssyncset.done $0x0  }
0xa0: {  	[sflag:s22] =	ssyncadd.s32 s3;
	_ =	sdelay $0x1  }
0xa1: {  	s23 =	simm.s32 $0x1B8B  }
0xa2: {  	_ =	swait.ge [sflag:s23], $0x1  }
0xa3: {  	[sflag:s23] =	ssyncset.done $0x0  }
0xa4: {  	s25 =	simm.s32 $0x1B8E;
	s24 =	sld [smem:$0x3FFE];
	[sflag:s23] =	ssyncadd.s32 $0xFFFFFFFF  }
0xa5: {  	s26 =	simm.s32 $execute0_lowered;
	[smem:$0x3FD2] =	sst s25  }
0xa6: {  	s4 =	sshll.u32 s26, $0x1;
	_ =	strace $0x8000004C;
	[dreg:$0x1] =	wrdreg $0xFFFFFFFF  }
0xa7: {  	s28 =	simm.s32 $_size_execute0_lowered;
	s2 =	sadd.s32 s2, s4;
	[dreg:$0x0] =	wrdreg $0x0  }
0xa8: {  	s4 =	sshll.u32 s28, $0x1;
	[dreg:$0x2] =	wrdreg s2  }
0xa9: {  	[dreg:$0x3] =	wrdreg s4  }
0xaa: {  	[dreg:$0x4] =	wrdreg $0xC0  }
0xab: {  	_ =	task [dreg:s6], $0x5FFFF  }
0xac: {  	[dreg:$0x1] =	wrdreg $0xFFFFFFFF  }
0xad: {  	[dreg:$0x0] =	wrdreg $0x60  }
0xae: {  	[dreg:$0x2] =	wrdreg s24  }
0xaf: {  	[dreg:$0x3] =	wrdreg $0x9  }
0xb0: {  	_ =	task.clear_ibuf [dreg:s6], $0x4FFFF;
	_ =	strace $0x9000004C  }
0xb1: {  	s29 =	simm.s32 $0x9;
	_ =	strace $0x8000004E  }
0xb2: {  	_ =	swait.ge [sflag:s29], $0x1  }
0xb3: {  	[sflag:s29] =	ssyncadd.s32 $0xFFFFFFFF  }
0xb4: {  	_ =	strace $0x9000004E  }
0xb5: {  	_ =	sfence  }
0xb6: {  	s30 =	sld [smem:$0x0];
	_ =	sdelay $0x2  }
0xb7: {  	s31 =	sshll.u32 s1, $0xD;
	s1 =	sshrl.u32 s1, $0x2  }
0xb8: {  	s3 =	sand.u32 $0x4000, s31;
	s1 =	sadd.s32 s1, s30  }
0xb9: {  	s0 =	sor.u32 s3, s0;
	s1 =	sshll.u32 s1, $0x11  }
0xba: {  	s0 =	sor.u32 s1, s0  }
0xbb: {  	s0 =	sadd.s32 $0x8F2B, s0  }
0xbc: {  	[sflag:s0] =	ssyncadd.remote.s32 $0x1  }
0xbd: {  	_ =	sfence.sel $0xFFFF  }
0xbe: {  	[dreg:$0x0] =	wrdreg $0xFFFFFFFF;
	(pc) =	sbr.abs _section_cstart, $3  }
0xbf: {  	[dreg:$0x1] =	wrdreg $0xFFFFFFFF  }
0xc0: {  	_ =	task.clear_ibuf [dreg:s6], $0x2FFFF;
	_ =	strace $0x9FFFFFFF  }
0xc1: {  	(tm) =	ssettm $0x7FFFFFFF  }
tec
execute0_lowered:
.L_overlay_start_1:
0x0: {  	(tag) =	ssettag $0x1  }
0x1: {  	s1 =	srdreg.scid  }
0x2: {  	s0 =	stileid.u32;
	s1 =	sand.u32 $0x1, s1  }
0x3: {  	s2 =	sshll.u32 s0, $0x5;
	s3 =	sshll.u32 s1, $0x4  }
0x4: {  	s5 =	rddreg [dreg:$0x0];
	s3 =	sor.u32 s3, s2;
	s2 =	simm.s32 $0x0  }
0x5: {  	s26 =	simm.s32 $0x880;
	[smem:$0x7FF] =	sst s2  }
0x6: {  	s0 =	simm.s32 $0x1080;
	_ =	strace $0x8000004D;
	[dreg:$0x4] =	wrdreg s26  }
0x7: {  	s6 =	simm.s32 $0x2080;
	[dreg:$0x5] =	wrdreg s0  }
0x8: {  	s7 =	simm.s32 $0x2880;
	[dreg:$0x7] =	wrdreg s6  }
0x9: {  	s8 =	simm.s32 $0x3080;
	[dreg:$0x8] =	wrdreg s7  }
0xa: {  	s9 =	simm.s32 $0x3880;
	[dreg:$0x9] =	wrdreg s8  }
0xb: {  	s10 =	simm.s32 $0x4080;
	[dreg:$0xa] =	wrdreg s9  }
0xc: {  	s11 =	simm.s32 $0x4880;
	[dreg:$0xb] =	wrdreg s10  }
0xd: {  	s12 =	simm.s32 $0x5080;
	[dreg:$0xc] =	wrdreg s11  }
0xe: {  	s13 =	simm.s32 $0x5880;
	[dreg:$0xd] =	wrdreg s12  }
0xf: {  	s14 =	simm.s32 $0x6080;
	[dreg:$0xe] =	wrdreg s13  }
0x10: {  	s15 =	simm.s32 $0x6880;
	[dreg:$0xf] =	wrdreg s14  }
0x11: {  	s16 =	simm.s32 $0x7080;
	[dreg:$0x10] =	wrdreg s15  }
0x12: {  	s17 =	simm.s32 $0x7880;
	s18 =	simm.s32 $0x8080;
	[dreg:$0x11] =	wrdreg s16  }
0x13: {  	s19 =	simm.s32 $0x8880;
	s20 =	simm.s32 $0x9080;
	[dreg:$0x12] =	wrdreg s17  }
0x14: {  	s21 =	simm.s32 $0x9880;
	s22 =	simm.s32 $0xA080;
	[dreg:$0x13] =	wrdreg s18  }
0x15: {  	s23 =	simm.s32 $0xA880;
	s24 =	simm.s32 $0xB880;
	[dreg:$0x14] =	wrdreg s19  }
0x16: {  	s28 =	simm.s32 $0x16080;
	s29 =	simm.s32 $0x16880;
	[dreg:$0x15] =	wrdreg s20  }
0x17: {  	s30 =	simm.s32 $0x17080;
	s31 =	simm.s32 $0x17880;
	[dreg:$0x16] =	wrdreg s21  }
0x18: {  	s4 =	smul.u32 $0x300, s3;
	s3 =	sadd.s32 s3, s5;
	[dreg:$0x17] =	wrdreg s22  }
0x19: {  	s1 =	ssub.s32 $0x2, s1;
	s3 =	sadd.s32 $0x4200, s3;
	[dreg:$0x18] =	wrdreg s23  }
0x1a: {  	s6 =	sshrl.u32 s1, $0x1;
	s7 =	simm.s32 $0xB080;
	[dreg:$0x1a] =	wrdreg s24  }
0x1b: {  	s8 =	simm.s32 $0x80;
	s26 =	simm.s32 $0xC880;
	s10 =	simm.s32 $0xD880  }
0x1c: {  	s11 =	simm.s32 $0xE080;
	s12 =	simm.s32 $0xE880;
	s13 =	simm.s32 $0xF080  }
0x1d: {  	s14 =	simm.s32 $0xF880;
	s15 =	simm.s32 $0x10080;
	s16 =	simm.s32 $0x10880  }
0x1e: {  	s17 =	simm.s32 $0x11080;
	s18 =	simm.s32 $0x11880;
	s19 =	simm.s32 $0x12080  }
0x1f: {  	s20 =	simm.s32 $0x12880;
	s21 =	simm.s32 $0x13080;
	s22 =	simm.s32 $0x13880  }
0x20: {  	s23 =	simm.s32 $0x14080;
	s24 =	simm.s32 $0x14880;
	[dreg:$0x2] =	wrdreg s3  }
0x21: {  	s4 =	sadd.s32 s4, s5;
	s3 =	sadd.s32 $0x4400, s5;
	[dreg:$0x19] =	wrdreg s7  }
0x22: {  	s1 =	ssub.s32 s1, s6;
	s7 =	simm.s32 $0x2;
	[dreg:$0x1c] =	wrdreg s26  }
0x23: {  	s26 =	simm.s32 $0x15880;
	s25 =	sadd.s32 $0x7C400, s4;
	s4 =	simm.s32 $0x1880  }
0x24: {  	v2 =	vlaneseq.u32;
	s6 =	smax.u32 s1, $0x1;
	s1 =	simm.s32 $0x1;
	[dreg:$0x3] =	wrdreg s25  }
0x25: {  	vm0 =	vmmov $0xffff;
	v1 =	vshrl.u32 v2, $0x3;
	[dreg:$0x6] =	wrdreg s4;
	s4 =	sadd.s32 $0x4500, s5;
	s25 =	simm.s32 $0xC080  }
0x26: {  	v0 =	vand.u32 $0x7, v2;
	v2 =	vor.u32 $0x8, v2;
	v1 =	vmul.u32 $0x8, v1;
	s5 =	sadd.s32 $0x4600, s5;
	[dreg:$0x1b] =	wrdreg s25;
	s25 =	simm.s32 $0x15080  }
.LBB2_1:
0x27: {  	s0 =	rddreg [dreg:$0x2]  }
0x28: {  	[tilespmem:s2], [sflag:$0x2] =	stream.linear.gather [hbm4b:s0+s2], $0x80, $0x38;
	[tilespmem:$0x18080] =	vst v63  }
0x29: {  	_ =	swait.ge [sflag:s7], $0x80  }
0x2a: {  	[sflag:s7] =	ssyncset.done $0x0  }
0x2b: {  	[sflag:s7] =	ssyncadd.s32 $0xFFFFFF80  }
0x2c: {  	v3 =	vld [tilespmem:$0x0];
	_ =	sdelay $0x4  }
0x2d: {  	v4 =	vshrl.u32 v3, $0x3  }
0x2e: {  	v4 =	vmul.u32 $0x30, v4  }
0x2f: {  	v3 =	vand.u32 $0x7, v3  }
0x30: {  	v3 =	vor.u32 v3, v4  }
0x31: {  	v4 =	vperm.xlane v3, v0;
	_ =	sdelay $0x1  }
0x32: {  	v4 =	vadd.s32 v1, v4;
	_ =	sdelay $0x3  }
0x33: {  	v3 =	vperm.xlane v3, v2  }
0x34: {  	[tilespmem:s8], [sflag:$0x1] =	stream.indirect_vreg.gather [hbm4b:s3+s2], $0x80, v4, vm0, $0xb8;
	[tilespmem:$0x18080] =	vst v63  }
0x35: {  	s0 =	rddreg [dreg:$0x4];
	v3 =	vadd.s32 v1, v3  }
0x36: {  	[tilespmem:s0], [sflag:$0x1] =	stream.indirect_vreg.gather [hbm4b:s4+s2], $0x80, v4, vm0, $0xb8;
	[tilespmem:$0x18080] =	vst v63  }
0x37: {  	s9 =	rddreg [dreg:$0x5]  }
0x38: {  	[tilespmem:s9], [sflag:$0x1] =	stream.indirect_vreg.gather [hbm4b:s5+s2], $0x80, v4, vm0, $0xb8;
	[tilespmem:$0x18080] =	vst v63  }
0x39: {  	s0 =	rddreg [dreg:$0x6]  }
0x3a: {  	[tilespmem:s0], [sflag:$0x1] =	stream.indirect_vreg.gather [hbm4b:s3+s2], $0x80, v3, vm0, $0xb8;
	[tilespmem:$0x18080] =	vst v63  }
0x3b: {  	s9 =	rddreg [dreg:$0x7]  }
0x3c: {  	[tilespmem:s9], [sflag:$0x1] =	stream.indirect_vreg.gather [hbm4b:s4+s2], $0x80, v3, vm0, $0xb8;
	[tilespmem:$0x18080] =	vst v63  }
0x3d: {  	s0 =	rddreg [dreg:$0x8]  }
0x3e: {  	[tilespmem:s0], [sflag:$0x1] =	stream.indirect_vreg.gather [hbm4b:s5+s2], $0x80, v3, vm0, $0xb8;
	[tilespmem:$0x18080] =	vst v63  }
0x3f: {  	v3 =	vld [tilespmem:$0x10];
	_ =	sdelay $0x4  }
0x40: {  	v57 =	vshrl.u32 v3, $0x3  }
0x41: {  	v4 =	vmul.u32 $0x30, v57  }
0x42: {  	v3 =	vand.u32 $0x7, v3  }
0x43: {  	v3 =	vor.u32 v3, v4  }
0x44: {  	v4 =	vperm.xlane v3, v0;
	_ =	sdelay $0x1  }
0x45: {  	v4 =	vadd.s32 v1, v4;
	_ =	sdelay $0x3  }
0x46: {  	s0 =	rddreg [dreg:$0x9];
	v3 =	vperm.xlane v3, v2  }
0x47: {  	[tilespmem:s0], [sflag:$0x1] =	stream.indirect_vreg.gather [hbm4b:s3+s2], $0x80, v4, vm0, $0xb8;
	[tilespmem:$0x18080] =	vst v63  }
0x48: {  	s9 =	rddreg [dreg:$0xa];
	v3 =	vadd.s32 v1, v3  }
0x49: {  	[tilespmem:s9], [sflag:$0x1] =	stream.indirect_vreg.gather [hbm4b:s4+s2], $0x80, v4, vm0, $0xb8;
	[tilespmem:$0x18080] =	vst v63  }
0x4a: {  	s0 =	rddreg [dreg:$0xb]  }
0x4b: {  	[tilespmem:s0], [sflag:$0x1] =	stream.indirect_vreg.gather [hbm4b:s5+s2], $0x80, v4, vm0, $0xb8;
	[tilespmem:$0x18080] =	vst v63  }
0x4c: {  	s9 =	rddreg [dreg:$0xc]  }
0x4d: {  	[tilespmem:s9], [sflag:$0x1] =	stream.indirect_vreg.gather [hbm4b:s3+s2], $0x80, v3, vm0, $0xb8;
	[tilespmem:$0x18080] =	vst v63  }
0x4e: {  	s0 =	rddreg [dreg:$0xd]  }
0x4f: {  	[tilespmem:s0], [sflag:$0x1] =	stream.indirect_vreg.gather [hbm4b:s4+s2], $0x80, v3, vm0, $0xb8;
	[tilespmem:$0x18080] =	vst v63  }
0x50: {  	s9 =	rddreg [dreg:$0xe]  }
0x51: {  	[tilespmem:s9], [sflag:$0x1] =	stream.indirect_vreg.gather [hbm4b:s5+s2], $0x80, v3, vm0, $0xb8;
	[tilespmem:$0x18080] =	vst v63  }
0x52: {  	v3 =	vld [tilespmem:$0x20];
	_ =	sdelay $0x4  }
0x53: {  	v58 =	vshrl.u32 v3, $0x3  }
0x54: {  	v4 =	vmul.u32 $0x30, v58  }
0x55: {  	v3 =	vand.u32 $0x7, v3  }
0x56: {  	v3 =	vor.u32 v3, v4  }
0x57: {  	v4 =	vperm.xlane v3, v0;
	_ =	sdelay $0x1  }
0x58: {  	v4 =	vadd.s32 v1, v4;
	_ =	sdelay $0x3  }
0x59: {  	s0 =	rddreg [dreg:$0xf];
	v3 =	vperm.xlane v3, v2  }
0x5a: {  	[tilespmem:s0], [sflag:$0x1] =	stream.indirect_vreg.gather [hbm4b:s3+s2], $0x80, v4, vm0, $0xb8;
	[tilespmem:$0x18080] =	vst v63  }
0x5b: {  	s9 =	rddreg [dreg:$0x10];
	v3 =	vadd.s32 v1, v3  }
0x5c: {  	[tilespmem:s9], [sflag:$0x1] =	stream.indirect_vreg.gather [hbm4b:s4+s2], $0x80, v4, vm0, $0xb8;
	[tilespmem:$0x18080] =	vst v63  }
0x5d: {  	s0 =	rddreg [dreg:$0x11]  }
0x5e: {  	[tilespmem:s0], [sflag:$0x1] =	stream.indirect_vreg.gather [hbm4b:s5+s2], $0x80, v4, vm0, $0xb8;
	[tilespmem:$0x18080] =	vst v63  }
0x5f: {  	s9 =	rddreg [dreg:$0x12]  }
0x60: {  	[tilespmem:s9], [sflag:$0x1] =	stream.indirect_vreg.gather [hbm4b:s3+s2], $0x80, v3, vm0, $0xb8;
	[tilespmem:$0x18080] =	vst v63  }
0x61: {  	s0 =	rddreg [dreg:$0x13]  }
0x62: {  	[tilespmem:s0], [sflag:$0x1] =	stream.indirect_vreg.gather [hbm4b:s4+s2], $0x80, v3, vm0, $0xb8;
	[tilespmem:$0x18080] =	vst v63  }
0x63: {  	s9 =	rddreg [dreg:$0x14]  }
0x64: {  	[tilespmem:s9], [sflag:$0x1] =	stream.indirect_vreg.gather [hbm4b:s5+s2], $0x80, v3, vm0, $0xb8;
	[tilespmem:$0x18080] =	vst v63  }
0x65: {  	v3 =	vld [tilespmem:$0x30];
	_ =	sdelay $0x4  }
0x66: {  	v59 =	vshrl.u32 v3, $0x3  }
0x67: {  	v4 =	vmul.u32 $0x30, v59  }
0x68: {  	v3 =	vand.u32 $0x7, v3  }
0x69: {  	v3 =	vor.u32 v3, v4  }
0x6a: {  	v4 =	vperm.xlane v3, v0;
	_ =	sdelay $0x1  }
0x6b: {  	v4 =	vadd.s32 v1, v4;
	_ =	sdelay $0x3  }
0x6c: {  	s0 =	rddreg [dreg:$0x15];
	v3 =	vperm.xlane v3, v2  }
0x6d: {  	[tilespmem:s0], [sflag:$0x1] =	stream.indirect_vreg.gather [hbm4b:s3+s2], $0x80, v4, vm0, $0xb8;
	[tilespmem:$0x18080] =	vst v63  }
0x6e: {  	s9 =	rddreg [dreg:$0x16];
	v3 =	vadd.s32 v1, v3  }
0x6f: {  	[tilespmem:s9], [sflag:$0x1] =	stream.indirect_vreg.gather [hbm4b:s4+s2], $0x80, v4, vm0, $0xb8;
	[tilespmem:$0x18080] =	vst v63  }
0x70: {  	s0 =	rddreg [dreg:$0x17]  }
0x71: {  	[tilespmem:s0], [sflag:$0x1] =	stream.indirect_vreg.gather [hbm4b:s5+s2], $0x80, v4, vm0, $0xb8;
	[tilespmem:$0x18080] =	vst v63  }
0x72: {  	s9 =	rddreg [dreg:$0x18]  }
0x73: {  	[tilespmem:s9], [sflag:$0x1] =	stream.indirect_vreg.gather [hbm4b:s3+s2], $0x80, v3, vm0, $0xb8;
	[tilespmem:$0x18080] =	vst v63  }
0x74: {  	s0 =	rddreg [dreg:$0x19]  }
0x75: {  	[tilespmem:s0], [sflag:$0x1] =	stream.indirect_vreg.gather [hbm4b:s4+s2], $0x80, v3, vm0, $0xb8;
	[tilespmem:$0x18080] =	vst v63  }
0x76: {  	s9 =	rddreg [dreg:$0x1a]  }
0x77: {  	[tilespmem:s9], [sflag:$0x1] =	stream.indirect_vreg.gather [hbm4b:s5+s2], $0x80, v3, vm0, $0xb8;
	[tilespmem:$0x18080] =	vst v63  }
0x78: {  	v3 =	vld [tilespmem:$0x40];
	_ =	sdelay $0x4  }
0x79: {  	v60 =	vshrl.u32 v3, $0x3  }
0x7a: {  	v4 =	vmul.u32 $0x30, v60  }
0x7b: {  	v3 =	vand.u32 $0x7, v3  }
0x7c: {  	v3 =	vor.u32 v3, v4  }
0x7d: {  	v4 =	vperm.xlane v3, v0;
	_ =	sdelay $0x1  }
0x7e: {  	v4 =	vadd.s32 v1, v4;
	_ =	sdelay $0x3  }
0x7f: {  	s0 =	rddreg [dreg:$0x1b];
	v3 =	vperm.xlane v3, v2  }
0x80: {  	[tilespmem:s0], [sflag:$0x1] =	stream.indirect_vreg.gather [hbm4b:s3+s2], $0x80, v4, vm0, $0xb8;
	[tilespmem:$0x18080] =	vst v63  }
0x81: {  	s9 =	rddreg [dreg:$0x1c];
	v3 =	vadd.s32 v1, v3  }
0x82: {  	[tilespmem:s9], [sflag:$0x1] =	stream.indirect_vreg.gather [hbm4b:s4+s2], $0x80, v4, vm0, $0xb8;
	[tilespmem:$0x18080] =	vst v63  }
0x83: {  	s9 =	simm.s32 $0xD080  }
0x84: {  	[tilespmem:s9], [sflag:$0x1] =	stream.indirect_vreg.gather [hbm4b:s5+s2], $0x80, v4, vm0, $0xb8;
	[tilespmem:$0x18080] =	vst v63  }
0x85: {  	_ = 	snop  }
0x86: {  	[tilespmem:s10], [sflag:$0x1] =	stream.indirect_vreg.gather [hbm4b:s3+s2], $0x80, v3, vm0, $0xb8;
	[tilespmem:$0x18080] =	vst v63  }
0x87: {  	_ = 	snop  }
0x88: {  	[tilespmem:s11], [sflag:$0x1] =	stream.indirect_vreg.gather [hbm4b:s4+s2], $0x80, v3, vm0, $0xb8;
	[tilespmem:$0x18080] =	vst v63  }
0x89: {  	_ = 	snop  }
0x8a: {  	[tilespmem:s12], [sflag:$0x1] =	stream.indirect_vreg.gather [hbm4b:s5+s2], $0x80, v3, vm0, $0xb8;
	[tilespmem:$0x18080] =	vst v63  }
0x8b: {  	v3 =	vld [tilespmem:$0x50];
	_ =	sdelay $0x4  }
0x8c: {  	v61 =	vshrl.u32 v3, $0x3  }
0x8d: {  	v4 =	vmul.u32 $0x30, v61  }
0x8e: {  	v3 =	vand.u32 $0x7, v3  }
0x8f: {  	v3 =	vor.u32 v3, v4  }
0x90: {  	v4 =	vperm.xlane v3, v0;
	_ =	sdelay $0x1  }
0x91: {  	v4 =	vadd.s32 v1, v4;
	_ =	sdelay $0x3  }
0x92: {  	v3 =	vperm.xlane v3, v2  }
0x93: {  	[tilespmem:s13], [sflag:$0x1] =	stream.indirect_vreg.gather [hbm4b:s3+s2], $0x80, v4, vm0, $0xb8;
	[tilespmem:$0x18080] =	vst v63  }
0x94: {  	v3 =	vadd.s32 v1, v3  }
0x95: {  	[tilespmem:s14], [sflag:$0x1] =	stream.indirect_vreg.gather [hbm4b:s4+s2], $0x80, v4, vm0, $0xb8;
	[tilespmem:$0x18080] =	vst v63  }
0x96: {  	_ = 	snop  }
0x97: {  	[tilespmem:s15], [sflag:$0x1] =	stream.indirect_vreg.gather [hbm4b:s5+s2], $0x80, v4, vm0, $0xb8;
	[tilespmem:$0x18080] =	vst v63  }
0x98: {  	_ = 	snop  }
0x99: {  	[tilespmem:s16], [sflag:$0x1] =	stream.indirect_vreg.gather [hbm4b:s3+s2], $0x80, v3, vm0, $0xb8;
	[tilespmem:$0x18080] =	vst v63  }
0x9a: {  	_ = 	snop  }
0x9b: {  	[tilespmem:s17], [sflag:$0x1] =	stream.indirect_vreg.gather [hbm4b:s4+s2], $0x80, v3, vm0, $0xb8;
	[tilespmem:$0x18080] =	vst v63  }
0x9c: {  	_ = 	snop  }
0x9d: {  	[tilespmem:s18], [sflag:$0x1] =	stream.indirect_vreg.gather [hbm4b:s5+s2], $0x80, v3, vm0, $0xb8;
	[tilespmem:$0x18080] =	vst v63  }
0x9e: {  	v3 =	vld [tilespmem:$0x60];
	_ =	sdelay $0x4  }
0x9f: {  	v62 =	vshrl.u32 v3, $0x3  }
0xa0: {  	v4 =	vmul.u32 $0x30, v62  }
0xa1: {  	v3 =	vand.u32 $0x7, v3  }
0xa2: {  	v3 =	vor.u32 v3, v4  }
0xa3: {  	v4 =	vperm.xlane v3, v0;
	_ =	sdelay $0x1  }
0xa4: {  	v4 =	vadd.s32 v1, v4;
	_ =	sdelay $0x3  }
0xa5: {  	v3 =	vperm.xlane v3, v2  }
0xa6: {  	[tilespmem:s19], [sflag:$0x1] =	stream.indirect_vreg.gather [hbm4b:s3+s2], $0x80, v4, vm0, $0xb8;
	[tilespmem:$0x18080] =	vst v63  }
0xa7: {  	v3 =	vadd.s32 v1, v3  }
0xa8: {  	[tilespmem:s20], [sflag:$0x1] =	stream.indirect_vreg.gather [hbm4b:s4+s2], $0x80, v4, vm0, $0xb8;
	[tilespmem:$0x18080] =	vst v63  }
0xa9: {  	_ = 	snop  }
0xaa: {  	[tilespmem:s21], [sflag:$0x1] =	stream.indirect_vreg.gather [hbm4b:s5+s2], $0x80, v4, vm0, $0xb8;
	[tilespmem:$0x18080] =	vst v63  }
0xab: {  	_ = 	snop  }
0xac: {  	[tilespmem:s22], [sflag:$0x1] =	stream.indirect_vreg.gather [hbm4b:s3+s2], $0x80, v3, vm0, $0xb8;
	[tilespmem:$0x18080] =	vst v63  }
0xad: {  	_ = 	snop  }
0xae: {  	[tilespmem:s23], [sflag:$0x1] =	stream.indirect_vreg.gather [hbm4b:s4+s2], $0x80, v3, vm0, $0xb8;
	[tilespmem:$0x18080] =	vst v63  }
0xaf: {  	_ = 	snop  }
0xb0: {  	[tilespmem:s24], [sflag:$0x1] =	stream.indirect_vreg.gather [hbm4b:s5+s2], $0x80, v3, vm0, $0xb8;
	[tilespmem:$0x18080] =	vst v63  }
0xb1: {  	v3 =	vld [tilespmem:$0x70];
	_ =	sdelay $0x4  }
0xb2: {  	v63 =	vshrl.u32 v3, $0x3  }
0xb3: {  	v4 =	vmul.u32 $0x30, v63  }
0xb4: {  	v3 =	vand.u32 $0x7, v3  }
0xb5: {  	v3 =	vor.u32 v3, v4  }
0xb6: {  	v4 =	vperm.xlane v3, v0;
	_ =	sdelay $0x1  }
0xb7: {  	v4 =	vadd.s32 v1, v4;
	_ =	sdelay $0x3  }
0xb8: {  	v3 =	vperm.xlane v3, v2  }
0xb9: {  	[tilespmem:s25], [sflag:$0x1] =	stream.indirect_vreg.gather [hbm4b:s3+s2], $0x80, v4, vm0, $0xb8;
	[tilespmem:$0x18080] =	vst v63  }
0xba: {  	v3 =	vadd.s32 v1, v3  }
0xbb: {  	[tilespmem:s26], [sflag:$0x1] =	stream.indirect_vreg.gather [hbm4b:s4+s2], $0x80, v4, vm0, $0xb8;
	[tilespmem:$0x18080] =	vst v63  }
0xbc: {  	_ = 	snop  }
0xbd: {  	[tilespmem:s28], [sflag:$0x1] =	stream.indirect_vreg.gather [hbm4b:s5+s2], $0x80, v4, vm0, $0xb8;
	[tilespmem:$0x18080] =	vst v63  }
0xbe: {  	_ = 	snop  }
0xbf: {  	[tilespmem:s29], [sflag:$0x1] =	stream.indirect_vreg.gather [hbm4b:s3+s2], $0x80, v3, vm0, $0xb8;
	[tilespmem:$0x18080] =	vst v63  }
0xc0: {  	_ = 	snop  }
0xc1: {  	[tilespmem:s30], [sflag:$0x1] =	stream.indirect_vreg.gather [hbm4b:s4+s2], $0x80, v3, vm0, $0xb8;
	[tilespmem:$0x18080] =	vst v63  }
0xc2: {  	_ = 	snop  }
0xc3: {  	[tilespmem:s31], [sflag:$0x1] =	stream.indirect_vreg.gather [hbm4b:s5+s2], $0x80, v3, vm0, $0xb8;
	[tilespmem:$0x18080] =	vst v63  }
0xc4: {  	_ =	swait.ge [sflag:s1], $0x18000  }
0xc5: {  	p0 =	sne.s32 s6, $0x1;
	[sflag:s1] =	ssyncset.done $0x0  }
.Ltmp0:
0xc6: {  	s9 =	rddreg [dreg:$0x3];
	[sflag:s1] =	ssyncadd.s32 $0xFFFE8000;
	(pc) =	sbr.rel @p0 .LBB2_1-.Ltmp0, $4  }
0xc7: {  	[hbm4b:s9+s2] =	stream.linear.scatter [tilespmem:s8], [sflag:$0x2], $0x18000, $0x38;
	[tilespmem:$0x18080] =	vst v63  }
0xc8: {  	_ =	swait.ge [sflag:s7], $0x18000  }
0xc9: {  	[sflag:s7] =	ssyncset.done $0x0  }
0xca: {  	s6 =	sadd.s32 $0xFFFFFFFF, s6;
	[sflag:s7] =	ssyncadd.s32 $0xFFFE8000  }
0xcb: {  	_ =	sfence.sel $0x180000  }
0xcc: {  	[bflag:$0x0] =	sbarrier.arrive $0xFFFF  }
0xcd: {  	_ =	strace $0x9000004D  }
0xce: {  	s0 =	stileid.u32;
	[bflag:$0x2] =	sbarrier.arrive $0xFFFF  }
0xcf: {  	p0 =	sne.s32 s0, $0x0;
	s0 =	rddreg [dreg:$0x1]  }
0xd0: {  	s0 =	sadd.s32 @!p0 $0x100000, s0  }
0xd1: {  	[sflag:s0] =	ssyncadd.tile.s32 @!p0 $0x1;
	_ =	shalt  }
.Lfunc_end2:
_tile_overlayer_lowered:
.L_overlay_start_2:
0xd2: {  	(tag) =	ssettag $0x2  }
0xd3: {  	s0 =	rddreg [dreg:$0x0];
	s2 =	stileid.u32  }
0xd4: {  	s1 =	rddreg [dreg:$0x1];
	p0 =	sne.s32 s2, $0x0  }
0xd5: {  	s3 =	rddreg [dreg:$0x2];
	[bflag:$0x3] =	sbarrier.arrive $0xFFFF;
	s2 =	simm.s32 @!p0 $0x1C02  }
0xd6: {  	[timem:s3], [sflag:s2] =	dma.local @!p0 [hbm:s0], s1  }
0xd7: {  	s0 =	simm.s32 @!p0 $0x2  }
0xd8: {  	_ =	swait.ge @!p0 [sflag:s0], s1  }
0xd9: {  	s1 =	ssub.s32 @!p0 $0x0, s1;
	[sflag:s0] =	ssyncset.done @!p0 $0x0  }
0xda: {  	[sflag:s0] =	ssyncadd.s32 @!p0 s1  }
0xdb: {  	[bflag:$0x3] =	sbarrier.arrive $0xFFFF  }
0xdc: {  	_ =	shalt  }

</sc_bundles>
